<compile_context>
chip_gen: v7x
topology: tpu7x:2x2x1
jax: 0.10.2.dev20260603
libtpu: 0.0.44.dev20260713+nightly
codegen_flags: <defaults>
</compile_context>

<pallas_src>
import functools

import numpy as np

import jax
import jax.numpy as jnp
from jax import lax
from jax.experimental import pallas as pl
from jax.experimental.pallas import tpu as pltpu
from jax.experimental.pallas import tpu_sc as plsc

N, C, HW = 16, 8, 256 * 256
M = N * C * HW
L = N * HW
NCORES, NSUB, LN = 2, 16, 16
NW = NCORES * NSUB
SLABS_PER_TILE = 4
CH = 8192
CROWS = CH // 256
CPS = HW // CH
NCHUNK = SLABS_PER_TILE * CPS
NB1, NB2, NB3 = 2048, 2048, 256
U = 8
IMIN = np.int32(-(2 ** 31))
IMAX = np.int32(2 ** 31 - 1)

_mesh = plsc.VectorSubcoreMesh(core_axis_name="c", subcore_axis_name="s")


def _zero_1d(ref, n):
    z = jnp.zeros((LN,), jnp.int32)

    def body(j, _):
        for u in range(U):
            ref[pl.ds((j * U + u) * LN, LN)] = z
        return 0

    lax.fori_loop(0, n // (LN * U), body, 0)


def _merge_lanes(hist, hsum, nb):
    def col(j, _):
        v = hist[pl.ds(j * LN, LN)]
        for l in range(1, LN):
            v = v + hist[pl.ds(l * nb + j * LN, LN)]
        hsum[pl.ds(j * LN, LN)] = v
        return 0

    lax.fori_loop(0, nb // LN, col, 0)


def _accum_1d(dst, src, nb):
    def col(j, acc):
        v = dst[pl.ds(j * LN, LN)] + src[pl.ds(j * LN, LN)]
        dst[pl.ds(j * LN, LN)] = v
        return acc + v

    tot = lax.fori_loop(0, nb // LN, col, jnp.zeros((LN,), jnp.int32))
    return jnp.sum(tot)


def _scan_threshold(hsum, nb, target):
    iota = lax.iota(jnp.int32, LN)

    def blk(j, carry):
        found, bsel, csel, run = carry
        v = hsum[pl.ds(j * LN, LN)]
        pref = plsc.cumsum(v)
        cvec = pref + run
        m = cvec >= target
        mi = m.astype(jnp.int32)
        blockhit = jnp.max(mi)
        lane = jnp.min(jnp.where(m, iota, jnp.int32(LN)))
        cblk = jnp.min(jnp.where(m, cvec, IMAX))
        take = (found == 0) & (blockhit == 1)
        bsel = jnp.where(take, j * LN + lane, bsel)
        csel = jnp.where(take, cblk, csel)
        found = jnp.maximum(found, blockhit)
        run = run + jnp.sum(v)
        return found, bsel, csel, run

    found, bsel, csel, _ = lax.fori_loop(
        0, nb // LN, blk,
        (jnp.int32(0), jnp.int32(-1), jnp.int32(0), jnp.int32(0)))
    return bsel, csel


def _chunk_base(g, st, t):
    slab = st * SLABS_PER_TILE + t // CPS
    return (slab * C + g) * HW + (t % CPS) * CH


@functools.partial(
    pl.kernel,
    out_type=[jax.ShapeDtypeStruct((M,), jnp.float32),
              jax.ShapeDtypeStruct((M,), jnp.int32)],
    mesh=_mesh,
    compiler_params=pltpu.CompilerParams(needs_layout_passes=False,
                                         use_tc_tiling_on_sc=True),
    scratch_types=[pltpu.VMEM((CROWS, 256), jnp.float32),
                   pltpu.VMEM((CROWS, 256), jnp.float32),
                   pltpu.VMEM((CROWS, 256), jnp.int32),
                   pltpu.VMEM((CROWS, 256), jnp.int32),
                   pltpu.VMEM((CH,), jnp.int32),
                   pltpu.VMEM((CH,), jnp.int32),
                   pltpu.VMEM((CH,), jnp.float32),
                   pltpu.VMEM((CH,), jnp.float32),
                   pltpu.VMEM((LN * NB1,), jnp.int32),
                   pltpu.VMEM((NB1,), jnp.int32),
                   pltpu.VMEM((NB1,), jnp.int32),
                   pltpu.VMEM((LN,), jnp.int32),
                   pltpu.VMEM_SHARED((NSUB * NB1,), jnp.int32),
                   pltpu.VMEM_SHARED((NSUB * LN,), jnp.int32),
                   pltpu.SemaphoreType.DMA,
                   pltpu.SemaphoreType.DMA,
                   pltpu.SemaphoreType.DMA,
                   pltpu.SemaphoreType.DMA,
                   pltpu.SemaphoreType.DMA,
                   pltpu.SemaphoreType.DMA],
)
def _fused(loss_hbm, tm_hbm, out_hbm, kaug_hbm,
           lbuf0, lbuf1, mbuf0, mbuf1, kbuf0, kbuf1,
           plsc_obuf0, plsc_obuf1,
           hist, hsum, tmp, cnt, sh_hist, sh_cnt,
           sa0, sa1, sb0, sb1, sc0, sc1):
    ci = lax.axis_index("c")
    si = lax.axis_index("s")
    g = ci * 4 + si // 4
    st = si % 4
    qrow = (si // 4) * 4
    lanes = lax.iota(jnp.int32, LN)
    ones = jnp.ones((LN,), jnp.int32)
    zeros = jnp.zeros((LN,), jnp.int32)

    lbufs, mbufs, kbufs = (lbuf0, lbuf1), (mbuf0, mbuf1), (kbuf0, kbuf1)
    sas, sbs, scs = (sa0, sa1), (sb0, sb1), (sc0, sc1)

    def _plane_row(t):
        slab = st * SLABS_PER_TILE + t // CPS
        return slab * C + g, (t % CPS) * CROWS

    def a_start_in(t, s):
        p, r = _plane_row(t)
        pltpu.async_copy(loss_hbm.at[p, pl.ds(r, CROWS), :], lbufs[s], sas[s])
        pltpu.async_copy(tm_hbm.at[p, pl.ds(r, CROWS), :], mbufs[s], sbs[s])

    def a_wait_in(t, s):
        p, r = _plane_row(t)
        pltpu.make_async_copy(loss_hbm.at[p, pl.ds(r, CROWS), :], lbufs[s],
                              sas[s]).wait()
        pltpu.make_async_copy(tm_hbm.at[p, pl.ds(r, CROWS), :], mbufs[s],
                              sbs[s]).wait()

    def a_start_out(t, s):
        base = _chunk_base(g, st, t)
        pltpu.async_copy(kbufs[s], kaug_hbm.at[pl.ds(base, CH)], scs[s])

    def a_wait_out(t, s):
        base = _chunk_base(g, st, t)
        pltpu.make_async_copy(kbufs[s], kaug_hbm.at[pl.ds(base, CH)],
                              scs[s]).wait()

    a_start_in(0, 0)
    a_start_in(1, 1)
    _zero_1d(hist, LN * NB1)
    cnt[...] = zeros
    lanebase1 = lanes * NB1

    def a_pair(i2, _):
        for s in range(2):
            t = 2 * i2 + s
            a_wait_in(t, s)

            @pl.when(t >= 2)
            def _():
                a_wait_out(t - 2, s)

            lbuf, mbuf, kbuf = lbufs[s], mbufs[s], kbufs[s]

            @plsc.parallel_loop(0, CH // LN, 1, unroll=U,
                                carry=jnp.zeros((LN,), jnp.int32))
            def csum(i, acc):
                off = i * LN
                row = i // 16
                col = (i % 16) * LN
                lv = lbuf[row, pl.ds(col, LN)]
                tm = mbuf[row, pl.ds(col, LN)]
                masked = jnp.where(tm == 0, lv, jnp.float32(0.0))
                key = lax.bitcast_convert_type(masked, jnp.int32)
                kbuf[pl.ds(off, LN)] = jnp.where(tm == 1, IMIN, key)
                bin1 = lax.shift_right_logical(key, 19)
                plsc.addupdate_scatter(hist.at[:], [lanebase1 + bin1], ones,
                                       mask=key != 0)
                return acc + tm

            cnt[...] = cnt[...] + csum
            a_start_out(t, s)

            @pl.when(t + 2 < NCHUNK)
            def _():
                a_start_in(t + 2, s)
        return 0

    lax.fori_loop(0, NCHUNK // 2, a_pair, 0)
    a_wait_out(NCHUNK - 2, 0)
    a_wait_out(NCHUNK - 1, 1)

    _merge_lanes(hist, hsum, NB1)
    pltpu.sync_copy(hsum, sh_hist.at[pl.ds(si * NB1, NB1)])
    pltpu.sync_copy(cnt, sh_cnt.at[pl.ds(si * LN, LN)])
    plsc.subcore_barrier()

    def k_start_in(t, s):
        base = _chunk_base(g, st, t)
        pltpu.async_copy(kaug_hbm.at[pl.ds(base, CH)], kbufs[s], sas[s])

    def k_wait_in(t, s):
        base = _chunk_base(g, st, t)
        pltpu.make_async_copy(kaug_hbm.at[pl.ds(base, CH)], kbufs[s],
                              sas[s]).wait()

    def k_stream(vec_fn):
        def pair(i2, _):
            for s in range(2):
                t = 2 * i2 + s
                k_wait_in(t, s)

                @plsc.parallel_loop(0, CH // LN, 1, unroll=U)
                def _vec(i):
                    vec_fn(kbufs[s], i * LN)

                @pl.when(t + 2 < NCHUNK)
                def _():
                    k_start_in(t + 2, s)
            return 0

        lax.fori_loop(0, NCHUNK // 2, pair, 0)

    k_start_in(0, 0)
    k_start_in(1, 1)

    pltpu.sync_copy(sh_hist.at[pl.ds(qrow * NB1, NB1)], hsum)
    total = jnp.int32(0)
    for r in range(1, 4):
        pltpu.sync_copy(sh_hist.at[pl.ds((qrow + r) * NB1, NB1)], tmp)
        total = _accum_1d(hsum, tmp, NB1)
    pltpu.sync_copy(sh_cnt.at[pl.ds(qrow * LN, 4 * LN)],
                    hist.at[pl.ds(0, 4 * LN)])
    cntpos = jnp.sum(hist[pl.ds(0, LN)] + hist[pl.ds(LN, LN)]
                     + hist[pl.ds(2 * LN, LN)] + hist[pl.ds(3 * LN, LN)])
    k = jnp.minimum(jnp.maximum(cntpos, 1), total)
    target = total - k + 1
    b1, cb1 = _scan_threshold(hsum, NB1, target)
    r1 = k - (total - cb1)
    valid = (total > 0).astype(jnp.int32)
    plsc.subcore_barrier()

    _zero_1d(hist, LN * NB2)
    b1v = jnp.full((LN,), b1, jnp.int32)
    lanebase2 = lanes * NB2

    def c_vec(kbuf, off):
        kaug = kbuf[pl.ds(off, LN)]
        m = (lax.shift_right_logical(kaug, 19) == b1v) & (kaug != 0)
        bin2 = lax.shift_right_logical(kaug, 8) & jnp.int32(0x7FF)
        plsc.addupdate_scatter(hist.at[:], [lanebase2 + bin2], ones, mask=m)

    k_stream(c_vec)

    _merge_lanes(hist, hsum, NB2)
    pltpu.sync_copy(hsum, sh_hist.at[pl.ds(si * NB1, NB2)])
    plsc.subcore_barrier()

    k_start_in(0, 0)
    k_start_in(1, 1)

    pltpu.sync_copy(sh_hist.at[pl.ds(qrow * NB1, NB2)], hsum)
    total2 = jnp.int32(0)
    for r in range(1, 4):
        pltpu.sync_copy(sh_hist.at[pl.ds((qrow + r) * NB1, NB2)], tmp)
        total2 = _accum_1d(hsum, tmp, NB2)
    target2 = total2 - r1 + 1
    b2, cb2 = _scan_threshold(hsum, NB2, target2)
    r2 = r1 - (total2 - cb2)
    b12 = lax.shift_left(b1, 11) | b2
    plsc.subcore_barrier()

    _zero_1d(hist, LN * NB3)
    b12v = jnp.full((LN,), b12, jnp.int32)
    lanebase3 = lanes * NB3

    def e_vec(kbuf, off):
        kaug = kbuf[pl.ds(off, LN)]
        m = (lax.shift_right_logical(kaug, 8) == b12v) & (kaug != 0)
        bin3 = kaug & jnp.int32(0xFF)
        plsc.addupdate_scatter(hist.at[:], [lanebase3 + bin3], ones, mask=m)

    k_stream(e_vec)

    _merge_lanes(hist, hsum, NB3)
    pltpu.sync_copy(hsum.at[pl.ds(0, NB3)], sh_hist.at[pl.ds(si * NB1, NB3)])
    plsc.subcore_barrier()

    k_start_in(0, 0)
    k_start_in(1, 1)

    pltpu.sync_copy(sh_hist.at[pl.ds(qrow * NB1, NB3)], hsum.at[pl.ds(0, NB3)])
    total3 = jnp.int32(0)
    for r in range(1, 4):
        pltpu.sync_copy(sh_hist.at[pl.ds((qrow + r) * NB1, NB3)],
                        tmp.at[pl.ds(0, NB3)])
        total3 = _accum_1d(hsum, tmp, NB3)
    target3 = total3 - r2 + 1
    b3, _cb3 = _scan_threshold(hsum, NB3, target3)
    t_key = lax.shift_left(b12, 8) | b3
    t_key = jnp.where(valid == 1, t_key, jnp.int32(2 ** 30))
    txor = jnp.full((LN,), t_key ^ IMIN, jnp.int32)

    obufs = (plsc_obuf0, plsc_obuf1)

    def g_start_out(t, s):
        base = _chunk_base(g, st, t)
        pltpu.async_copy(obufs[s], out_hbm.at[pl.ds(base, CH)], sbs[s])

    def g_wait_out(t, s):
        base = _chunk_base(g, st, t)
        pltpu.make_async_copy(obufs[s], out_hbm.at[pl.ds(base, CH)],
                              sbs[s]).wait()

    def g_pair(i2, _):
        for s in range(2):
            t = 2 * i2 + s
            k_wait_in(t, s)

            @pl.when(t >= 2)
            def _():
                g_wait_out(t - 2, s)

            kbuf, obuf = kbufs[s], obufs[s]

            @plsc.parallel_loop(0, CH // LN, 1, unroll=U)
            def _vec(i):
                off = i * LN
                kaug = kbuf[pl.ds(off, LN)]
                sel = (kaug ^ IMIN) >= txor
                obuf[pl.ds(off, LN)] = jnp.where(sel, jnp.float32(1.0),
                                                 jnp.float32(0.0))

            g_start_out(t, s)

            @pl.when(t + 2 < NCHUNK)
            def _():
                k_start_in(t + 2, s)
        return 0

    lax.fori_loop(0, NCHUNK // 2, g_pair, 0)
    g_wait_out(NCHUNK - 2, 0)
    g_wait_out(NCHUNK - 1, 1)


def kernel(loss, type_mask):
    lf = loss.reshape(N * C, 256, 256)
    tf = type_mask.reshape(N * C, 256, 256)
    out, _ = _fused(lf, tf)
    return out.reshape(loss.shape)

# --- scband reference (transcript-rebuilt; emitter-appended) ---
"""Pipeline reference for scband-loss-hard-negative-mining-15719580303995 (READ-ONLY COPY).

The authoritative reference and input builder live on the scoring server;
editing this copy changes nothing except your own understanding.
"""

import jax, jax.numpy as jnp
import numpy as np

N, C, H, W = 16, 8, 256, 256
KEEP_POS = True
NEG_RATIO = 0.5
HARD_RATIO = 1.0
IGNORE_LARGEST_N = 0


def setup_inputs(seed: int = 0):
    key = jax.random.key(seed)
    k1, k2 = jax.random.split(key)
    loss = jax.random.uniform(k1, (N, C, H, W), dtype=jnp.float32)
    type_mask = jax.random.randint(k2, (N, C, H, W), 0, 2, dtype=jnp.int32)
    return {"loss": loss, "type_mask": type_mask}


def _forward(loss, type_mask):
    n, c = loss.shape[:2]
    group_num = c  # per_channel=True
    # keep_pos=True: all positives kept up-front
    out_mask = (type_mask == 1).astype(jnp.int32)
    lv = loss.reshape(n, c, -1)
    tm = type_mask.reshape(n, c, -1)
    # keep_pos=True -> zero-out non-negative-sample losses
    lv = lv * (tm == 0).astype(lv.dtype)
    lv = lv - (tm == -1).astype(lv.dtype)
    lg = jnp.transpose(lv, (1, 0, 2)).reshape(group_num, -1)
    tmg = jnp.transpose(tm, (1, 0, 2)).reshape(group_num, -1)
    numel = loss.size
    idx = jnp.arange(numel, dtype=jnp.int32).reshape(n, c, -1)
    idxg = jnp.transpose(idx, (1, 0, 2)).reshape(group_num, -1)
    L = lg.shape[1]
    count = jnp.sum(tmg == 1, axis=1)  # positives per group (keep_pos)
    ignore_count = jnp.sum(lg <= 0, axis=1)
    order = jnp.argsort(-lg, axis=1)  # descending sort of group losses
    total_count = jnp.maximum(L - IGNORE_LARGEST_N - ignore_count, 0)
    total_remain = (count / (1.0 - NEG_RATIO)).astype(count.dtype) - count
    # min_keep_num / max_keep_num <= 0 -> skipped
    total_remain = jnp.maximum(total_remain, 1)
    total_remain = jnp.minimum(total_remain, total_count)
    total_remain = jnp.maximum(total_remain, 0)
    hard_remain = (HARD_RATIO * total_remain).astype(total_remain.dtype)
    hard_remain = jnp.maximum(hard_remain, 0)
    # hard_ratio == 1.0 -> normal_remain == 0, no random sampling branch
    sorted_idx = jnp.take_along_axis(idxg, order, axis=1)
    pos = jnp.arange(L, dtype=jnp.int32)
    sel = (pos[None, :] >= IGNORE_LARGEST_N) & (pos[None, :] < IGNORE_LARGEST_N + hard_remain[:, None])
    out_flat = out_mask.reshape(-1)
    # sorted_idx is a permutation of all flat indices; scatter-max marks kept entries
    out_flat = out_flat.at[sorted_idx.reshape(-1)].max(sel.reshape(-1).astype(jnp.int32))
    return out_flat.reshape(loss.shape).astype(jnp.float32)


def reference(loss, type_mask):
    return _forward(loss, type_mask)

if __name__ == "__main__":
    import jax
    _d = setup_inputs()
    print(jax.jit(kernel)(*tuple(_d.values())))

</pallas_src>

<mosaic_0001>
#map = affine_map<(d0, d1) -> (0, 0, 0)>
#map1 = affine_map<(d0, d1) -> (0)>
module attributes {stable_mosaic.version = 14 : i64} {
  func.func @_fused(%arg0: i32, %arg1: i32, %arg2: memref<128x256x256xf32, #tpu.memory_space<hbm>>, %arg3: memref<128x256x256xi32, #tpu.memory_space<hbm>>, %arg4: memref<8388608xf32, #tpu.memory_space<hbm>>, %arg5: memref<8388608xi32, #tpu.memory_space<hbm>>, %arg6: memref<32x256xf32, #tpu.memory_space<vmem>>, %arg7: memref<32x256xf32, #tpu.memory_space<vmem>>, %arg8: memref<32x256xi32, #tpu.memory_space<vmem>>, %arg9: memref<32x256xi32, #tpu.memory_space<vmem>>, %arg10: memref<8192xi32, #tpu.memory_space<vmem>>, %arg11: memref<8192xi32, #tpu.memory_space<vmem>>, %arg12: memref<8192xf32, #tpu.memory_space<vmem>>, %arg13: memref<8192xf32, #tpu.memory_space<vmem>>, %arg14: memref<32768xi32, #tpu.memory_space<vmem>>, %arg15: memref<2048xi32, #tpu.memory_space<vmem>>, %arg16: memref<2048xi32, #tpu.memory_space<vmem>>, %arg17: memref<16xi32, #tpu.memory_space<vmem>>, %arg18: memref<32768xi32, #tpu.memory_space<vmem_shared>>, %arg19: memref<256xi32, #tpu.memory_space<vmem_shared>>, %arg20: memref<!tpu.dma_semaphore, #tpu.memory_space<semaphore_mem>>, %arg21: memref<!tpu.dma_semaphore, #tpu.memory_space<semaphore_mem>>, %arg22: memref<!tpu.dma_semaphore, #tpu.memory_space<semaphore_mem>>, %arg23: memref<!tpu.dma_semaphore, #tpu.memory_space<semaphore_mem>>, %arg24: memref<!tpu.dma_semaphore, #tpu.memory_space<semaphore_mem>>, %arg25: memref<!tpu.dma_semaphore, #tpu.memory_space<semaphore_mem>>) attributes {dimension_semantics = [#tpu.dimension_semantics<core_parallel>, #tpu.dimension_semantics<subcore_parallel>], iteration_bounds = array<i64: 2, 16>, scalar_prefetch = 0 : i64, scratch_operands = 20 : i64, tpu.core_type = #tpu.core_type<sc_vector_subcore>, window_params = [{transform_indices = #map}, {transform_indices = #map}, {transform_indices = #map1}, {transform_indices = #map1}]} {
    %mul3A = arith.constant 4 : i32
    %mul3A_0 = arith.muli %arg0, %mul3A : i32
    %jit3A = arith.constant 4 : i32
    %div3A = arith.divsi %arg1, %jit3A : i32
    %sign3A = arith.constant 0 : i32
    %sign3A_1 = arith.cmpi sgt, %arg1, %sign3A : i32
    %sign3A_2 = arith.extui %sign3A_1 : i1 to i32
    %sign3A_3 = arith.constant 0 : i32
    %sign3A_4 = arith.cmpi slt, %arg1, %sign3A_3 : i32
    %sign3A_5 = arith.extui %sign3A_4 : i1 to i32
    %sign3A_6 = arith.subi %sign3A_2, %sign3A_5 : i32
    %sign3A_7 = arith.constant 0 : i32
    %sign3A_8 = arith.cmpi sgt, %jit3A, %sign3A_7 : i32
    %sign3A_9 = arith.extui %sign3A_8 : i1 to i32
    %sign3A_10 = arith.constant 0 : i32
    %sign3A_11 = arith.cmpi slt, %jit3A, %sign3A_10 : i32
    %sign3A_12 = arith.extui %sign3A_11 : i1 to i32
    %sign3A_13 = arith.subi %sign3A_9, %sign3A_12 : i32
    %ne3A = arith.cmpi ne, %sign3A_6, %sign3A_13 : i32
    %rem3A = arith.remsi %arg1, %jit3A : i32
    %ne3A_14 = arith.constant 0 : i32
    %ne3A_15 = arith.cmpi ne, %rem3A, %ne3A_14 : i32
    %and3A = arith.andi %ne3A, %ne3A_15 : i1
    %sub3A = arith.constant 1 : i32
    %sub3A_16 = arith.subi %div3A, %sub3A : i32
    %select_n3A = arith.select %and3A, %sub3A_16, %div3A : i32
    %add3A = arith.addi %mul3A_0, %select_n3A : i32
    %jit3A_17 = arith.constant 4 : i32
    %eq3A = arith.constant 0 : i32
    %eq3A_18 = arith.cmpi eq, %jit3A_17, %eq3A : i32
    %jit3A_19 = arith.constant 1 : i32
    %select_n3A_20 = arith.select %eq3A_18, %jit3A_19, %jit3A_17 : i32
    %rem3A_21 = arith.remsi %arg1, %select_n3A_20 : i32
    %ne3A_22 = arith.constant 0 : i32
    %ne3A_23 = arith.cmpi ne, %rem3A_21, %ne3A_22 : i32
    %lt3A = arith.constant 0 : i32
    %lt3A_24 = arith.cmpi slt, %rem3A_21, %lt3A : i32
    %lt3A_25 = arith.constant 0 : i32
    %lt3A_26 = arith.cmpi slt, %select_n3A_20, %lt3A_25 : i32
    %ne3A_27 = arith.xori %lt3A_24, %lt3A_26 : i1
    %and3A_28 = arith.andi %ne3A_27, %ne3A_23 : i1
    %add3A_29 = arith.addi %rem3A_21, %select_n3A_20 : i32
    %select_n3A_30 = arith.select %and3A_28, %add3A_29, %rem3A_21 : i32
    %jit3A_31 = arith.constant 4 : i32
    %div3A_32 = arith.divsi %arg1, %jit3A_31 : i32
    %sign3A_33 = arith.constant 0 : i32
    %sign3A_34 = arith.cmpi sgt, %arg1, %sign3A_33 : i32
    %sign3A_35 = arith.extui %sign3A_34 : i1 to i32
    %sign3A_36 = arith.constant 0 : i32
    %sign3A_37 = arith.cmpi slt, %arg1, %sign3A_36 : i32
    %sign3A_38 = arith.extui %sign3A_37 : i1 to i32
    %sign3A_39 = arith.subi %sign3A_35, %sign3A_38 : i32
    %sign3A_40 = arith.constant 0 : i32
    %sign3A_41 = arith.cmpi sgt, %jit3A_31, %sign3A_40 : i32
    %sign3A_42 = arith.extui %sign3A_41 : i1 to i32
    %sign3A_43 = arith.constant 0 : i32
    %sign3A_44 = arith.cmpi slt, %jit3A_31, %sign3A_43 : i32
    %sign3A_45 = arith.extui %sign3A_44 : i1 to i32
    %sign3A_46 = arith.subi %sign3A_42, %sign3A_45 : i32
    %ne3A_47 = arith.cmpi ne, %sign3A_39, %sign3A_46 : i32
    %rem3A_48 = arith.remsi %arg1, %jit3A_31 : i32
    %ne3A_49 = arith.constant 0 : i32
    %ne3A_50 = arith.cmpi ne, %rem3A_48, %ne3A_49 : i32
    %and3A_51 = arith.andi %ne3A_47, %ne3A_50 : i1
    %sub3A_52 = arith.constant 1 : i32
    %sub3A_53 = arith.subi %div3A_32, %sub3A_52 : i32
    %select_n3A_54 = arith.select %and3A_51, %sub3A_53, %div3A_32 : i32
    %mul3A_55 = arith.constant 4 : i32
    %mul3A_56 = arith.muli %select_n3A_54, %mul3A_55 : i32
    %iota3A = tpu.iota {dimensions = array<i32: 0>} : vector<16xi32>
    %broadcast_in_dim3A = arith.constant 1 : i32
    %broadcast_in_dim3A_57 = vector.broadcast %broadcast_in_dim3A : i32 to vector<16xi32>
    %broadcast_in_dim3A_58 = arith.constant 0 : i32
    %broadcast_in_dim3A_59 = vector.broadcast %broadcast_in_dim3A_58 : i32 to vector<16xi32>
    %mul3A_60 = arith.constant 4 : i32
    %mul3A_61 = arith.muli %select_n3A_30, %mul3A_60 : i32
    %add3A_62 = arith.constant 0 : i32
    %add3A_63 = arith.addi %mul3A_61, %add3A_62 : i32
    %mul3A_64 = arith.constant 8 : i32
    %mul3A_65 = arith.muli %add3A_63, %mul3A_64 : i32
    %add3A_66 = arith.addi %mul3A_65, %add3A : i32
    %dma_start3A = arith.constant 0 : i32
    %dma_start3A_67 = arith.constant 0 : i32
    %dma_start3A_68 = tpu.memref_slice %arg2[%add3A_66, %dma_start3A, %dma_start3A_67] : memref<128x256x256xf32, #tpu.memory_space<hbm>> -> memref<1x32x256xf32, #tpu.memory_space<hbm>>
    %dma_start3A_69 = tpu.memref_squeeze %dma_start3A_68 : memref<1x32x256xf32, #tpu.memory_space<hbm>> -> memref<32x256xf32, #tpu.memory_space<hbm>>
    %dma_start3A_70 = arith.constant 0 : i32
    %dma_start3A_71 = arith.constant 0 : i32
    %dma_start3A_72 = tpu.memref_slice %arg2[%add3A_66, %dma_start3A_70, %dma_start3A_71] : memref<128x256x256xf32, #tpu.memory_space<hbm>> -> memref<1x32x256xf32, #tpu.memory_space<hbm>>
    %dma_start3A_73 = tpu.memref_squeeze %dma_start3A_72 : memref<1x32x256xf32, #tpu.memory_space<hbm>> -> memref<32x256xf32, #tpu.memory_space<hbm>>
    tpu.enqueue_dma source(%dma_start3A_73 : memref<32x256xf32, #tpu.memory_space<hbm>>) target(%arg6 : memref<32x256xf32, #tpu.memory_space<vmem>>) target_semaphore(%arg20 : memref<!tpu.dma_semaphore, #tpu.memory_space<semaphore_mem>>)
    %dma_start3A_74 = arith.constant 0 : i32
    %dma_start3A_75 = arith.constant 0 : i32
    %dma_start3A_76 = tpu.memref_slice %arg3[%add3A_66, %dma_start3A_74, %dma_start3A_75] : memref<128x256x256xi32, #tpu.memory_space<hbm>> -> memref<1x32x256xi32, #tpu.memory_space<hbm>>
    %dma_start3A_77 = tpu.memref_squeeze %dma_start3A_76 : memref<1x32x256xi32, #tpu.memory_space<hbm>> -> memref<32x256xi32, #tpu.memory_space<hbm>>
    %dma_start3A_78 = arith.constant 0 : i32
    %dma_start3A_79 = arith.constant 0 : i32
    %dma_start3A_80 = tpu.memref_slice %arg3[%add3A_66, %dma_start3A_78, %dma_start3A_79] : memref<128x256x256xi32, #tpu.memory_space<hbm>> -> memref<1x32x256xi32, #tpu.memory_space<hbm>>
    %dma_start3A_81 = tpu.memref_squeeze %dma_start3A_80 : memref<1x32x256xi32, #tpu.memory_space<hbm>> -> memref<32x256xi32, #tpu.memory_space<hbm>>
    tpu.enqueue_dma source(%dma_start3A_81 : memref<32x256xi32, #tpu.memory_space<hbm>>) target(%arg8 : memref<32x256xi32, #tpu.memory_space<vmem>>) target_semaphore(%arg22 : memref<!tpu.dma_semaphore, #tpu.memory_space<semaphore_mem>>)
    %mul3A_82 = arith.constant 4 : i32
    %mul3A_83 = arith.muli %select_n3A_30, %mul3A_82 : i32
    %add3A_84 = arith.constant 0 : i32
    %add3A_85 = arith.addi %mul3A_83, %add3A_84 : i32
    %mul3A_86 = arith.constant 8 : i32
    %mul3A_87 = arith.muli %add3A_85, %mul3A_86 : i32
    %add3A_88 = arith.addi %mul3A_87, %add3A : i32
    %dma_start3A_89 = arith.constant 32 : i32
    %dma_start3A_90 = arith.constant 0 : i32
    %dma_start3A_91 = tpu.memref_slice %arg2[%add3A_88, %dma_start3A_89, %dma_start3A_90] : memref<128x256x256xf32, #tpu.memory_space<hbm>> -> memref<1x32x256xf32, #tpu.memory_space<hbm>>
    %dma_start3A_92 = tpu.memref_squeeze %dma_start3A_91 : memref<1x32x256xf32, #tpu.memory_space<hbm>> -> memref<32x256xf32, #tpu.memory_space<hbm>>
    %dma_start3A_93 = arith.constant 32 : i32
    %dma_start3A_94 = arith.constant 0 : i32
    %dma_start3A_95 = tpu.memref_slice %arg2[%add3A_88, %dma_start3A_93, %dma_start3A_94] : memref<128x256x256xf32, #tpu.memory_space<hbm>> -> memref<1x32x256xf32, #tpu.memory_space<hbm>>
    %dma_start3A_96 = tpu.memref_squeeze %dma_start3A_95 : memref<1x32x256xf32, #tpu.memory_space<hbm>> -> memref<32x256xf32, #tpu.memory_space<hbm>>
    tpu.enqueue_dma source(%dma_start3A_96 : memref<32x256xf32, #tpu.memory_space<hbm>>) target(%arg7 : memref<32x256xf32, #tpu.memory_space<vmem>>) target_semaphore(%arg21 : memref<!tpu.dma_semaphore, #tpu.memory_space<semaphore_mem>>)
    %dma_start3A_97 = arith.constant 32 : i32
    %dma_start3A_98 = arith.constant 0 : i32
    %dma_start3A_99 = tpu.memref_slice %arg3[%add3A_88, %dma_start3A_97, %dma_start3A_98] : memref<128x256x256xi32, #tpu.memory_space<hbm>> -> memref<1x32x256xi32, #tpu.memory_space<hbm>>
    %dma_start3A_100 = tpu.memref_squeeze %dma_start3A_99 : memref<1x32x256xi32, #tpu.memory_space<hbm>> -> memref<32x256xi32, #tpu.memory_space<hbm>>
    %dma_start3A_101 = arith.constant 32 : i32
    %dma_start3A_102 = arith.constant 0 : i32
    %dma_start3A_103 = tpu.memref_slice %arg3[%add3A_88, %dma_start3A_101, %dma_start3A_102] : memref<128x256x256xi32, #tpu.memory_space<hbm>> -> memref<1x32x256xi32, #tpu.memory_space<hbm>>
    %dma_start3A_104 = tpu.memref_squeeze %dma_start3A_103 : memref<1x32x256xi32, #tpu.memory_space<hbm>> -> memref<32x256xi32, #tpu.memory_space<hbm>>
    tpu.enqueue_dma source(%dma_start3A_104 : memref<32x256xi32, #tpu.memory_space<hbm>>) target(%arg9 : memref<32x256xi32, #tpu.memory_space<vmem>>) target_semaphore(%arg23 : memref<!tpu.dma_semaphore, #tpu.memory_space<semaphore_mem>>)
    %broadcast_in_dim3A_105 = arith.constant 0 : i32
    %broadcast_in_dim3A_106 = vector.broadcast %broadcast_in_dim3A_105 : i32 to vector<16xi32>
    %scan3A = arith.constant 0 : i32
    %scan3A_107 = arith.constant 0 : i32
    %scan3A_108 = arith.constant 256 : i32
    %scan3A_109 = arith.addi %scan3A_107, %scan3A_108 : i32
    %scan3A_110 = arith.constant 1 : i32
    %scan3A_111 = scf.for %scan3A_556 = %scan3A_107 to %scan3A_109 step %scan3A_110 iter_args(%scan3A_557 = %scan3A) -> (i32)  : i32 {
      %mul3A_558 = arith.constant 8 : i32
      %mul3A_559 = arith.muli %scan3A_556, %mul3A_558 : i32
      %add3A_560 = arith.constant 0 : i32
      %add3A_561 = arith.addi %mul3A_559, %add3A_560 : i32
      %mul3A_562 = arith.constant 16 : i32
      %mul3A_563 = arith.muli %add3A_561, %mul3A_562 : i32
      %swap3A_564 = arith.index_cast %mul3A_563 : i32 to index
      %swap3A_565 = tpu.vector_load %arg14[%swap3A_564] {strides = array<i32>} : memref<32768xi32, #tpu.memory_space<vmem>>, vector<16xi32>,
      tpu.vector_store %arg14[%swap3A_564], %broadcast_in_dim3A_106 {strides = array<i32>} : memref<32768xi32, #tpu.memory_space<vmem>>, vector<16xi32>,
      %mul3A_566 = arith.constant 8 : i32
      %mul3A_567 = arith.muli %scan3A_556, %mul3A_566 : i32
      %add3A_568 = arith.constant 1 : i32
      %add3A_569 = arith.addi %mul3A_567, %add3A_568 : i32
      %mul3A_570 = arith.constant 16 : i32
      %mul3A_571 = arith.muli %add3A_569, %mul3A_570 : i32
      %swap3A_572 = arith.index_cast %mul3A_571 : i32 to index
      %swap3A_573 = tpu.vector_load %arg14[%swap3A_572] {strides = array<i32>} : memref<32768xi32, #tpu.memory_space<vmem>>, vector<16xi32>,
      tpu.vector_store %arg14[%swap3A_572], %broadcast_in_dim3A_106 {strides = array<i32>} : memref<32768xi32, #tpu.memory_space<vmem>>, vector<16xi32>,
      %mul3A_574 = arith.constant 8 : i32
      %mul3A_575 = arith.muli %scan3A_556, %mul3A_574 : i32
      %add3A_576 = arith.constant 2 : i32
      %add3A_577 = arith.addi %mul3A_575, %add3A_576 : i32
      %mul3A_578 = arith.constant 16 : i32
      %mul3A_579 = arith.muli %add3A_577, %mul3A_578 : i32
      %swap3A_580 = arith.index_cast %mul3A_579 : i32 to index
      %swap3A_581 = tpu.vector_load %arg14[%swap3A_580] {strides = array<i32>} : memref<32768xi32, #tpu.memory_space<vmem>>, vector<16xi32>,
      tpu.vector_store %arg14[%swap3A_580], %broadcast_in_dim3A_106 {strides = array<i32>} : memref<32768xi32, #tpu.memory_space<vmem>>, vector<16xi32>,
      %mul3A_582 = arith.constant 8 : i32
      %mul3A_583 = arith.muli %scan3A_556, %mul3A_582 : i32
      %add3A_584 = arith.constant 3 : i32
      %add3A_585 = arith.addi %mul3A_583, %add3A_584 : i32
      %mul3A_586 = arith.constant 16 : i32
      %mul3A_587 = arith.muli %add3A_585, %mul3A_586 : i32
      %swap3A_588 = arith.index_cast %mul3A_587 : i32 to index
      %swap3A_589 = tpu.vector_load %arg14[%swap3A_588] {strides = array<i32>} : memref<32768xi32, #tpu.memory_space<vmem>>, vector<16xi32>,
      tpu.vector_store %arg14[%swap3A_588], %broadcast_in_dim3A_106 {strides = array<i32>} : memref<32768xi32, #tpu.memory_space<vmem>>, vector<16xi32>,
      %mul3A_590 = arith.constant 8 : i32
      %mul3A_591 = arith.muli %scan3A_556, %mul3A_590 : i32
      %add3A_592 = arith.constant 4 : i32
      %add3A_593 = arith.addi %mul3A_591, %add3A_592 : i32
      %mul3A_594 = arith.constant 16 : i32
      %mul3A_595 = arith.muli %add3A_593, %mul3A_594 : i32
      %swap3A_596 = arith.index_cast %mul3A_595 : i32 to index
      %swap3A_597 = tpu.vector_load %arg14[%swap3A_596] {strides = array<i32>} : memref<32768xi32, #tpu.memory_space<vmem>>, vector<16xi32>,
      tpu.vector_store %arg14[%swap3A_596], %broadcast_in_dim3A_106 {strides = array<i32>} : memref<32768xi32, #tpu.memory_space<vmem>>, vector<16xi32>,
      %mul3A_598 = arith.constant 8 : i32
      %mul3A_599 = arith.muli %scan3A_556, %mul3A_598 : i32
      %add3A_600 = arith.constant 5 : i32
      %add3A_601 = arith.addi %mul3A_599, %add3A_600 : i32
      %mul3A_602 = arith.constant 16 : i32
      %mul3A_603 = arith.muli %add3A_601, %mul3A_602 : i32
      %swap3A_604 = arith.index_cast %mul3A_603 : i32 to index
      %swap3A_605 = tpu.vector_load %arg14[%swap3A_604] {strides = array<i32>} : memref<32768xi32, #tpu.memory_space<vmem>>, vector<16xi32>,
      tpu.vector_store %arg14[%swap3A_604], %broadcast_in_dim3A_106 {strides = array<i32>} : memref<32768xi32, #tpu.memory_space<vmem>>, vector<16xi32>,
      %mul3A_606 = arith.constant 8 : i32
      %mul3A_607 = arith.muli %scan3A_556, %mul3A_606 : i32
      %add3A_608 = arith.constant 6 : i32
      %add3A_609 = arith.addi %mul3A_607, %add3A_608 : i32
      %mul3A_610 = arith.constant 16 : i32
      %mul3A_611 = arith.muli %add3A_609, %mul3A_610 : i32
      %swap3A_612 = arith.index_cast %mul3A_611 : i32 to index
      %swap3A_613 = tpu.vector_load %arg14[%swap3A_612] {strides = array<i32>} : memref<32768xi32, #tpu.memory_space<vmem>>, vector<16xi32>,
      tpu.vector_store %arg14[%swap3A_612], %broadcast_in_dim3A_106 {strides = array<i32>} : memref<32768xi32, #tpu.memory_space<vmem>>, vector<16xi32>,
      %mul3A_614 = arith.constant 8 : i32
      %mul3A_615 = arith.muli %scan3A_556, %mul3A_614 : i32
      %add3A_616 = arith.constant 7 : i32
      %add3A_617 = arith.addi %mul3A_615, %add3A_616 : i32
      %mul3A_618 = arith.constant 16 : i32
      %mul3A_619 = arith.muli %add3A_617, %mul3A_618 : i32
      %swap3A_620 = arith.index_cast %mul3A_619 : i32 to index
      %swap3A_621 = tpu.vector_load %arg14[%swap3A_620] {strides = array<i32>} : memref<32768xi32, #tpu.memory_space<vmem>>, vector<16xi32>,
      tpu.vector_store %arg14[%swap3A_620], %broadcast_in_dim3A_106 {strides = array<i32>} : memref<32768xi32, #tpu.memory_space<vmem>>, vector<16xi32>,
      %scan3A_622 = arith.constant 0 : i32
      scf.yield %scan3A_622 : i32
    }
    %scan3A_112 = arith.constant 256 : i32
    %swap3A = arith.constant 0 : index
    %swap3A_113 = tpu.vector_load %arg17[%swap3A] {strides = array<i32>} : memref<16xi32, #tpu.memory_space<vmem>>, vector<16xi32>,
    tpu.vector_store %arg17[%swap3A], %broadcast_in_dim3A_59 {strides = array<i32>} : memref<16xi32, #tpu.memory_space<vmem>>, vector<16xi32>,
    %mul3A_114 = arith.constant 2048 : i32
    %mul3A_115 = vector.broadcast %mul3A_114 : i32 to vector<16xi32>
    %mul3A_116 = arith.muli %iota3A, %mul3A_115 : vector<16xi32>
    %scan3A_117 = arith.constant 0 : i32
    %scan3A_118 = arith.constant 0 : i32
    %scan3A_119 = arith.constant 16 : i32
    %scan3A_120 = arith.addi %scan3A_118, %scan3A_119 : i32
    %scan3A_121 = arith.constant 1 : i32
    %scan3A_122 = scf.for %scan3A_556 = %scan3A_118 to %scan3A_120 step %scan3A_121 iter_args(%scan3A_557 = %scan3A_117) -> (i32)  : i32 {
      %mul3A_558 = arith.constant 2 : i32
      %mul3A_559 = arith.muli %mul3A_558, %scan3A_556 : i32
      %add3A_560 = arith.constant 0 : i32
      %add3A_561 = arith.addi %mul3A_559, %add3A_560 : i32
      %mul3A_562 = arith.constant 4 : i32
      %mul3A_563 = arith.muli %select_n3A_30, %mul3A_562 : i32
      %jit3A_564 = arith.constant 8 : i32
      %div3A_565 = arith.divsi %add3A_561, %jit3A_564 : i32
      %sign3A_566 = arith.constant 0 : i32
      %sign3A_567 = arith.cmpi sgt, %add3A_561, %sign3A_566 : i32
      %sign3A_568 = arith.extui %sign3A_567 : i1 to i32
      %sign3A_569 = arith.constant 0 : i32
      %sign3A_570 = arith.cmpi slt, %add3A_561, %sign3A_569 : i32
      %sign3A_571 = arith.extui %sign3A_570 : i1 to i32
      %sign3A_572 = arith.subi %sign3A_568, %sign3A_571 : i32
      %sign3A_573 = arith.constant 0 : i32
      %sign3A_574 = arith.cmpi sgt, %jit3A_564, %sign3A_573 : i32
      %sign3A_575 = arith.extui %sign3A_574 : i1 to i32
      %sign3A_576 = arith.constant 0 : i32
      %sign3A_577 = arith.cmpi slt, %jit3A_564, %sign3A_576 : i32
      %sign3A_578 = arith.extui %sign3A_577 : i1 to i32
      %sign3A_579 = arith.subi %sign3A_575, %sign3A_578 : i32
      %ne3A_580 = arith.cmpi ne, %sign3A_572, %sign3A_579 : i32
      %rem3A_581 = arith.remsi %add3A_561, %jit3A_564 : i32
      %ne3A_582 = arith.constant 0 : i32
      %ne3A_583 = arith.cmpi ne, %rem3A_581, %ne3A_582 : i32
      %and3A_584 = arith.andi %ne3A_580, %ne3A_583 : i1
      %sub3A_585 = arith.constant 1 : i32
      %sub3A_586 = arith.subi %div3A_565, %sub3A_585 : i32
      %select_n3A_587 = arith.select %and3A_584, %sub3A_586, %div3A_565 : i32
      %add3A_588 = arith.addi %mul3A_563, %select_n3A_587 : i32
      %mul3A_589 = arith.constant 8 : i32
      %mul3A_590 = arith.muli %add3A_588, %mul3A_589 : i32
      %add3A_591 = arith.addi %mul3A_590, %add3A : i32
      %jit3A_592 = arith.constant 8 : i32
      %eq3A_593 = arith.constant 0 : i32
      %eq3A_594 = arith.cmpi eq, %jit3A_592, %eq3A_593 : i32
      %jit3A_595 = arith.constant 1 : i32
      %select_n3A_596 = arith.select %eq3A_594, %jit3A_595, %jit3A_592 : i32
      %rem3A_597 = arith.remsi %add3A_561, %select_n3A_596 : i32
      %ne3A_598 = arith.constant 0 : i32
      %ne3A_599 = arith.cmpi ne, %rem3A_597, %ne3A_598 : i32
      %lt3A_600 = arith.constant 0 : i32
      %lt3A_601 = arith.cmpi slt, %rem3A_597, %lt3A_600 : i32
      %lt3A_602 = arith.constant 0 : i32
      %lt3A_603 = arith.cmpi slt, %select_n3A_596, %lt3A_602 : i32
      %ne3A_604 = arith.xori %lt3A_601, %lt3A_603 : i1
      %and3A_605 = arith.andi %ne3A_604, %ne3A_599 : i1
      %add3A_606 = arith.addi %rem3A_597, %select_n3A_596 : i32
      %select_n3A_607 = arith.select %and3A_605, %add3A_606, %rem3A_597 : i32
      %mul3A_608 = arith.constant 32 : i32
      %mul3A_609 = arith.muli %select_n3A_607, %mul3A_608 : i32
      %dma_wait3A_610 = arith.constant 0 : i32
      %dma_wait3A_611 = tpu.memref_slice %arg2[%add3A_591, %mul3A_609, %dma_wait3A_610] : memref<128x256x256xf32, #tpu.memory_space<hbm>> -> memref<1x32x256xf32, #tpu.memory_space<hbm>>
      %dma_wait3A_612 = tpu.memref_squeeze %dma_wait3A_611 : memref<1x32x256xf32, #tpu.memory_space<hbm>> -> memref<32x256xf32, #tpu.memory_space<hbm>>
      %dma_wait3A_613 = arith.constant 0 : i32
      %dma_wait3A_614 = tpu.memref_slice %arg2[%add3A_591, %mul3A_609, %dma_wait3A_613] : memref<128x256x256xf32, #tpu.memory_space<hbm>> -> memref<1x32x256xf32, #tpu.memory_space<hbm>>
      %dma_wait3A_615 = tpu.memref_squeeze %dma_wait3A_614 : memref<1x32x256xf32, #tpu.memory_space<hbm>> -> memref<32x256xf32, #tpu.memory_space<hbm>>
      tpu.wait_dma2 semaphore(%arg20 : memref<!tpu.dma_semaphore, #tpu.memory_space<semaphore_mem>>) src(%dma_wait3A_615 : memref<32x256xf32, #tpu.memory_space<hbm>>) dst(%arg6 : memref<32x256xf32, #tpu.memory_space<vmem>>)
      %dma_wait3A_616 = arith.constant 0 : i32
      %dma_wait3A_617 = tpu.memref_slice %arg3[%add3A_591, %mul3A_609, %dma_wait3A_616] : memref<128x256x256xi32, #tpu.memory_space<hbm>> -> memref<1x32x256xi32, #tpu.memory_space<hbm>>
      %dma_wait3A_618 = tpu.memref_squeeze %dma_wait3A_617 : memref<1x32x256xi32, #tpu.memory_space<hbm>> -> memref<32x256xi32, #tpu.memory_space<hbm>>
      %dma_wait3A_619 = arith.constant 0 : i32
      %dma_wait3A_620 = tpu.memref_slice %arg3[%add3A_591, %mul3A_609, %dma_wait3A_619] : memref<128x256x256xi32, #tpu.memory_space<hbm>> -> memref<1x32x256xi32, #tpu.memory_space<hbm>>
      %dma_wait3A_621 = tpu.memref_squeeze %dma_wait3A_620 : memref<1x32x256xi32, #tpu.memory_space<hbm>> -> memref<32x256xi32, #tpu.memory_space<hbm>>
      tpu.wait_dma2 semaphore(%arg22 : memref<!tpu.dma_semaphore, #tpu.memory_space<semaphore_mem>>) src(%dma_wait3A_621 : memref<32x256xi32, #tpu.memory_space<hbm>>) dst(%arg8 : memref<32x256xi32, #tpu.memory_space<vmem>>)
      %ge3A = arith.constant 2 : i32
      %ge3A_622 = arith.cmpi sge, %add3A_561, %ge3A : i32
      %convert_element_type3A_623 = arith.extui %ge3A_622 : i1 to i32
      %cond3A = arith.constant 0 : i32
      %cond3A_624 = arith.cmpi ne, %convert_element_type3A_623, %cond3A : i32
      scf.if %cond3A_624 {
        %sub3A_836 = arith.constant 2 : i32
        %sub3A_837 = arith.subi %add3A_561, %sub3A_836 : i32
        %mul3A_838 = arith.constant 4 : i32
        %mul3A_839 = arith.muli %select_n3A_30, %mul3A_838 : i32
        %jit3A_840 = arith.constant 8 : i32
        %div3A_841 = arith.divsi %sub3A_837, %jit3A_840 : i32
        %sign3A_842 = arith.constant 0 : i32
        %sign3A_843 = arith.cmpi sgt, %sub3A_837, %sign3A_842 : i32
        %sign3A_844 = arith.extui %sign3A_843 : i1 to i32
        %sign3A_845 = arith.constant 0 : i32
        %sign3A_846 = arith.cmpi slt, %sub3A_837, %sign3A_845 : i32
        %sign3A_847 = arith.extui %sign3A_846 : i1 to i32
        %sign3A_848 = arith.subi %sign3A_844, %sign3A_847 : i32
        %sign3A_849 = arith.constant 0 : i32
        %sign3A_850 = arith.cmpi sgt, %jit3A_840, %sign3A_849 : i32
        %sign3A_851 = arith.extui %sign3A_850 : i1 to i32
        %sign3A_852 = arith.constant 0 : i32
        %sign3A_853 = arith.cmpi slt, %jit3A_840, %sign3A_852 : i32
        %sign3A_854 = arith.extui %sign3A_853 : i1 to i32
        %sign3A_855 = arith.subi %sign3A_851, %sign3A_854 : i32
        %ne3A_856 = arith.cmpi ne, %sign3A_848, %sign3A_855 : i32
        %rem3A_857 = arith.remsi %sub3A_837, %jit3A_840 : i32
        %ne3A_858 = arith.constant 0 : i32
        %ne3A_859 = arith.cmpi ne, %rem3A_857, %ne3A_858 : i32
        %and3A_860 = arith.andi %ne3A_856, %ne3A_859 : i1
        %sub3A_861 = arith.constant 1 : i32
        %sub3A_862 = arith.subi %div3A_841, %sub3A_861 : i32
        %select_n3A_863 = arith.select %and3A_860, %sub3A_862, %div3A_841 : i32
        %add3A_864 = arith.addi %mul3A_839, %select_n3A_863 : i32
        %mul3A_865 = arith.constant 8 : i32
        %mul3A_866 = arith.muli %add3A_864, %mul3A_865 : i32
        %add3A_867 = arith.addi %mul3A_866, %add3A : i32
        %mul3A_868 = arith.constant 65536 : i32
        %mul3A_869 = arith.muli %add3A_867, %mul3A_868 : i32
        %jit3A_870 = arith.constant 8 : i32
        %eq3A_871 = arith.constant 0 : i32
        %eq3A_872 = arith.cmpi eq, %jit3A_870, %eq3A_871 : i32
        %jit3A_873 = arith.constant 1 : i32
        %select_n3A_874 = arith.select %eq3A_872, %jit3A_873, %jit3A_870 : i32
        %rem3A_875 = arith.remsi %sub3A_837, %select_n3A_874 : i32
        %ne3A_876 = arith.constant 0 : i32
        %ne3A_877 = arith.cmpi ne, %rem3A_875, %ne3A_876 : i32
        %lt3A_878 = arith.constant 0 : i32
        %lt3A_879 = arith.cmpi slt, %rem3A_875, %lt3A_878 : i32
        %lt3A_880 = arith.constant 0 : i32
        %lt3A_881 = arith.cmpi slt, %select_n3A_874, %lt3A_880 : i32
        %ne3A_882 = arith.xori %lt3A_879, %lt3A_881 : i1
        %and3A_883 = arith.andi %ne3A_882, %ne3A_877 : i1
        %add3A_884 = arith.addi %rem3A_875, %select_n3A_874 : i32
        %select_n3A_885 = arith.select %and3A_883, %add3A_884, %rem3A_875 : i32
        %mul3A_886 = arith.constant 8192 : i32
        %mul3A_887 = arith.muli %select_n3A_885, %mul3A_886 : i32
        %add3A_888 = arith.addi %mul3A_869, %mul3A_887 : i32
        %dma_wait3A_889 = tpu.memref_slice %arg5[%add3A_888] : memref<8388608xi32, #tpu.memory_space<hbm>> -> memref<8192xi32, #tpu.memory_space<hbm>>
        %dma_wait3A_890 = tpu.memref_slice %arg5[%add3A_888] : memref<8388608xi32, #tpu.memory_space<hbm>> -> memref<8192xi32, #tpu.memory_space<hbm>>
        tpu.wait_dma2 semaphore(%arg24 : memref<!tpu.dma_semaphore, #tpu.memory_space<semaphore_mem>>) src(%arg10 : memref<8192xi32, #tpu.memory_space<vmem>>) dst(%dma_wait3A_890 : memref<8192xi32, #tpu.memory_space<hbm>>)
      } else {
      }
      %broadcast_in_dim3A_625 = arith.constant 0 : i32
      %broadcast_in_dim3A_626 = vector.broadcast %broadcast_in_dim3A_625 : i32 to vector<16xi32>
      %parallel_loop3A = arith.constant 0 : i32
      %parallel_loop3A_627 = arith.constant 512 : i32
      %parallel_loop3A_628 = arith.constant 1 : i32
      %parallel_loop3A_629 = scf.for %parallel_loop3A_836 = %parallel_loop3A to %parallel_loop3A_627 step %parallel_loop3A_628 iter_args(%parallel_loop3A_837 = %broadcast_in_dim3A_626) -> (vector<16xi32>)  : i32 {
        %parallel_loop3A_838 = arith.constant 16 : i32
        %parallel_loop3A_839 = arith.muli %parallel_loop3A_836, %parallel_loop3A_838 : i32
        %parallel_loop3A_840 = arith.constant 16 : i32
        %parallel_loop3A_841 = arith.divsi %parallel_loop3A_836, %parallel_loop3A_840 : i32
        %parallel_loop3A_842 = arith.constant 0 : i32
        %parallel_loop3A_843 = arith.cmpi sgt, %parallel_loop3A_836, %parallel_loop3A_842 : i32
        %parallel_loop3A_844 = arith.extui %parallel_loop3A_843 : i1 to i32
        %parallel_loop3A_845 = arith.constant 0 : i32
        %parallel_loop3A_846 = arith.cmpi slt, %parallel_loop3A_836, %parallel_loop3A_845 : i32
        %parallel_loop3A_847 = arith.extui %parallel_loop3A_846 : i1 to i32
        %parallel_loop3A_848 = arith.subi %parallel_loop3A_844, %parallel_loop3A_847 : i32
        %parallel_loop3A_849 = arith.constant 0 : i32
        %parallel_loop3A_850 = arith.cmpi sgt, %parallel_loop3A_840, %parallel_loop3A_849 : i32
        %parallel_loop3A_851 = arith.extui %parallel_loop3A_850 : i1 to i32
        %parallel_loop3A_852 = arith.constant 0 : i32
        %parallel_loop3A_853 = arith.cmpi slt, %parallel_loop3A_840, %parallel_loop3A_852 : i32
        %parallel_loop3A_854 = arith.extui %parallel_loop3A_853 : i1 to i32
        %parallel_loop3A_855 = arith.subi %parallel_loop3A_851, %parallel_loop3A_854 : i32
        %parallel_loop3A_856 = arith.cmpi ne, %parallel_loop3A_848, %parallel_loop3A_855 : i32
        %parallel_loop3A_857 = arith.remsi %parallel_loop3A_836, %parallel_loop3A_840 : i32
        %parallel_loop3A_858 = arith.constant 0 : i32
        %parallel_loop3A_859 = arith.cmpi ne, %parallel_loop3A_857, %parallel_loop3A_858 : i32
        %parallel_loop3A_860 = arith.andi %parallel_loop3A_856, %parallel_loop3A_859 : i1
        %parallel_loop3A_861 = arith.constant 1 : i32
        %parallel_loop3A_862 = arith.subi %parallel_loop3A_841, %parallel_loop3A_861 : i32
        %parallel_loop3A_863 = arith.select %parallel_loop3A_860, %parallel_loop3A_862, %parallel_loop3A_841 : i32
        %parallel_loop3A_864 = arith.constant 16 : i32
        %parallel_loop3A_865 = arith.constant 0 : i32
        %parallel_loop3A_866 = arith.cmpi eq, %parallel_loop3A_864, %parallel_loop3A_865 : i32
        %parallel_loop3A_867 = arith.constant 1 : i32
        %parallel_loop3A_868 = arith.select %parallel_loop3A_866, %parallel_loop3A_867, %parallel_loop3A_864 : i32
        %parallel_loop3A_869 = arith.remsi %parallel_loop3A_836, %parallel_loop3A_868 : i32
        %parallel_loop3A_870 = arith.constant 0 : i32
        %parallel_loop3A_871 = arith.cmpi ne, %parallel_loop3A_869, %parallel_loop3A_870 : i32
        %parallel_loop3A_872 = arith.constant 0 : i32
        %parallel_loop3A_873 = arith.cmpi slt, %parallel_loop3A_869, %parallel_loop3A_872 : i32
        %parallel_loop3A_874 = arith.constant 0 : i32
        %parallel_loop3A_875 = arith.cmpi slt, %parallel_loop3A_868, %parallel_loop3A_874 : i32
        %parallel_loop3A_876 = arith.xori %parallel_loop3A_873, %parallel_loop3A_875 : i1
        %parallel_loop3A_877 = arith.andi %parallel_loop3A_876, %parallel_loop3A_871 : i1
        %parallel_loop3A_878 = arith.addi %parallel_loop3A_869, %parallel_loop3A_868 : i32
        %parallel_loop3A_879 = arith.select %parallel_loop3A_877, %parallel_loop3A_878, %parallel_loop3A_869 : i32
        %parallel_loop3A_880 = arith.constant 16 : i32
        %parallel_loop3A_881 = arith.muli %parallel_loop3A_879, %parallel_loop3A_880 : i32
        %parallel_loop3A_882 = arith.index_cast %parallel_loop3A_863 : i32 to index
        %parallel_loop3A_883 = arith.index_cast %parallel_loop3A_881 : i32 to index
        %parallel_loop3A_884 = tpu.vector_load %arg6[%parallel_loop3A_882, %parallel_loop3A_883] {strides = array<i32>} : memref<32x256xf32, #tpu.memory_space<vmem>>, vector<16xf32>,
        %parallel_loop3A_885 = arith.index_cast %parallel_loop3A_863 : i32 to index
        %parallel_loop3A_886 = arith.index_cast %parallel_loop3A_881 : i32 to index
        %parallel_loop3A_887 = tpu.vector_load %arg8[%parallel_loop3A_885, %parallel_loop3A_886] {strides = array<i32>} : memref<32x256xi32, #tpu.memory_space<vmem>>, vector<16xi32>,
        %parallel_loop3A_888 = arith.constant 0 : i32
        %parallel_loop3A_889 = vector.broadcast %parallel_loop3A_888 : i32 to vector<16xi32>
        %parallel_loop3A_890 = arith.cmpi eq, %parallel_loop3A_887, %parallel_loop3A_889 : vector<16xi32>
        %parallel_loop3A_891 = arith.constant 0.000000e+00 : f32
        %parallel_loop3A_892 = vector.broadcast %parallel_loop3A_891 : f32 to vector<16xf32>
        %parallel_loop3A_893 = arith.select %parallel_loop3A_890, %parallel_loop3A_884, %parallel_loop3A_892 : vector<16xi1>, vector<16xf32>
        %parallel_loop3A_894 = tpu.bitcast %parallel_loop3A_893 : vector<16xf32> -> vector<16xi32>
        %parallel_loop3A_895 = arith.constant 1 : i32
        %parallel_loop3A_896 = vector.broadcast %parallel_loop3A_895 : i32 to vector<16xi32>
        %parallel_loop3A_897 = arith.cmpi eq, %parallel_loop3A_887, %parallel_loop3A_896 : vector<16xi32>
        %parallel_loop3A_898 = arith.constant -2147483648 : i32
        %parallel_loop3A_899 = vector.broadcast %parallel_loop3A_898 : i32 to vector<16xi32>
        %parallel_loop3A_900 = arith.select %parallel_loop3A_897, %parallel_loop3A_899, %parallel_loop3A_894 : vector<16xi1>, vector<16xi32>
        %parallel_loop3A_901 = arith.index_cast %parallel_loop3A_839 : i32 to index
        %parallel_loop3A_902 = tpu.vector_load %arg10[%parallel_loop3A_901] {strides = array<i32>} : memref<8192xi32, #tpu.memory_space<vmem>>, vector<16xi32>,
        tpu.vector_store %arg10[%parallel_loop3A_901], %parallel_loop3A_900 {strides = array<i32>} : memref<8192xi32, #tpu.memory_space<vmem>>, vector<16xi32>,
        %parallel_loop3A_903 = arith.constant 19 : i32
        %parallel_loop3A_904 = vector.broadcast %parallel_loop3A_903 : i32 to vector<16xi32>
        %parallel_loop3A_905 = arith.shrui %parallel_loop3A_894, %parallel_loop3A_904 : vector<16xi32>
        %parallel_loop3A_906 = arith.addi %mul3A_116, %parallel_loop3A_905 : vector<16xi32>
        %parallel_loop3A_907 = arith.constant 0 : i32
        %parallel_loop3A_908 = vector.broadcast %parallel_loop3A_907 : i32 to vector<16xi32>
        %parallel_loop3A_909 = arith.cmpi ne, %parallel_loop3A_894, %parallel_loop3A_908 : vector<16xi32>
        %parallel_loop3A_910 = arith.constant 0 : i32
        %parallel_loop3A_911 = tpu.memref_slice %arg14[%parallel_loop3A_910] : memref<32768xi32, #tpu.memory_space<vmem>> -> memref<32768xi32, #tpu.memory_space<vmem>>
        tpu.vector_store_idx %parallel_loop3A_911[%parallel_loop3A_906], %broadcast_in_dim3A_57 masked %parallel_loop3A_909 {add = true} : memref<32768xi32, #tpu.memory_space<vmem>>[vector<16xi32>], vector<16xi32>, vector<16xi1>
        %parallel_loop3A_912 = arith.addi %parallel_loop3A_837, %parallel_loop3A_887 : vector<16xi32>
        scf.yield %parallel_loop3A_912 : vector<16xi32>
      } {sc.loop_unroll_factor = 8 : i64, sc.parallel_access}
      %get3A_630 = arith.constant 0 : index
      %get3A_631 = tpu.vector_load %arg17[%get3A_630] {strides = array<i32>} : memref<16xi32, #tpu.memory_space<vmem>>, vector<16xi32>,
      %add3A_632 = arith.addi %get3A_631, %parallel_loop3A_629 : vector<16xi32>
      %swap3A_633 = arith.constant 0 : index
      %swap3A_634 = tpu.vector_load %arg17[%swap3A_633] {strides = array<i32>} : memref<16xi32, #tpu.memory_space<vmem>>, vector<16xi32>,
      tpu.vector_store %arg17[%swap3A_633], %add3A_632 {strides = array<i32>} : memref<16xi32, #tpu.memory_space<vmem>>, vector<16xi32>,
      %mul3A_635 = arith.constant 4 : i32
      %mul3A_636 = arith.muli %select_n3A_30, %mul3A_635 : i32
      %jit3A_637 = arith.constant 8 : i32
      %div3A_638 = arith.divsi %add3A_561, %jit3A_637 : i32
      %sign3A_639 = arith.constant 0 : i32
      %sign3A_640 = arith.cmpi sgt, %add3A_561, %sign3A_639 : i32
      %sign3A_641 = arith.extui %sign3A_640 : i1 to i32
      %sign3A_642 = arith.constant 0 : i32
      %sign3A_643 = arith.cmpi slt, %add3A_561, %sign3A_642 : i32
      %sign3A_644 = arith.extui %sign3A_643 : i1 to i32
      %sign3A_645 = arith.subi %sign3A_641, %sign3A_644 : i32
      %sign3A_646 = arith.constant 0 : i32
      %sign3A_647 = arith.cmpi sgt, %jit3A_637, %sign3A_646 : i32
      %sign3A_648 = arith.extui %sign3A_647 : i1 to i32
      %sign3A_649 = arith.constant 0 : i32
      %sign3A_650 = arith.cmpi slt, %jit3A_637, %sign3A_649 : i32
      %sign3A_651 = arith.extui %sign3A_650 : i1 to i32
      %sign3A_652 = arith.subi %sign3A_648, %sign3A_651 : i32
      %ne3A_653 = arith.cmpi ne, %sign3A_645, %sign3A_652 : i32
      %rem3A_654 = arith.remsi %add3A_561, %jit3A_637 : i32
      %ne3A_655 = arith.constant 0 : i32
      %ne3A_656 = arith.cmpi ne, %rem3A_654, %ne3A_655 : i32
      %and3A_657 = arith.andi %ne3A_653, %ne3A_656 : i1
      %sub3A_658 = arith.constant 1 : i32
      %sub3A_659 = arith.subi %div3A_638, %sub3A_658 : i32
      %select_n3A_660 = arith.select %and3A_657, %sub3A_659, %div3A_638 : i32
      %add3A_661 = arith.addi %mul3A_636, %select_n3A_660 : i32
      %mul3A_662 = arith.constant 8 : i32
      %mul3A_663 = arith.muli %add3A_661, %mul3A_662 : i32
      %add3A_664 = arith.addi %mul3A_663, %add3A : i32
      %mul3A_665 = arith.constant 65536 : i32
      %mul3A_666 = arith.muli %add3A_664, %mul3A_665 : i32
      %jit3A_667 = arith.constant 8 : i32
      %eq3A_668 = arith.constant 0 : i32
      %eq3A_669 = arith.cmpi eq, %jit3A_667, %eq3A_668 : i32
      %jit3A_670 = arith.constant 1 : i32
      %select_n3A_671 = arith.select %eq3A_669, %jit3A_670, %jit3A_667 : i32
      %rem3A_672 = arith.remsi %add3A_561, %select_n3A_671 : i32
      %ne3A_673 = arith.constant 0 : i32
      %ne3A_674 = arith.cmpi ne, %rem3A_672, %ne3A_673 : i32
      %lt3A_675 = arith.constant 0 : i32
      %lt3A_676 = arith.cmpi slt, %rem3A_672, %lt3A_675 : i32
      %lt3A_677 = arith.constant 0 : i32
      %lt3A_678 = arith.cmpi slt, %select_n3A_671, %lt3A_677 : i32
      %ne3A_679 = arith.xori %lt3A_676, %lt3A_678 : i1
      %and3A_680 = arith.andi %ne3A_679, %ne3A_674 : i1
      %add3A_681 = arith.addi %rem3A_672, %select_n3A_671 : i32
      %select_n3A_682 = arith.select %and3A_680, %add3A_681, %rem3A_672 : i32
      %mul3A_683 = arith.constant 8192 : i32
      %mul3A_684 = arith.muli %select_n3A_682, %mul3A_683 : i32
      %add3A_685 = arith.addi %mul3A_666, %mul3A_684 : i32
      %dma_start3A_686 = tpu.memref_slice %arg5[%add3A_685] : memref<8388608xi32, #tpu.memory_space<hbm>> -> memref<8192xi32, #tpu.memory_space<hbm>>
      %dma_start3A_687 = tpu.memref_slice %arg5[%add3A_685] : memref<8388608xi32, #tpu.memory_space<hbm>> -> memref<8192xi32, #tpu.memory_space<hbm>>
      tpu.enqueue_dma source(%arg10 : memref<8192xi32, #tpu.memory_space<vmem>>) target(%dma_start3A_687 : memref<8192xi32, #tpu.memory_space<hbm>>) target_semaphore(%arg24 : memref<!tpu.dma_semaphore, #tpu.memory_space<semaphore_mem>>)
      %add3A_688 = arith.constant 2 : i32
      %add3A_689 = arith.addi %add3A_561, %add3A_688 : i32
      %lt3A_690 = arith.constant 32 : i32
      %lt3A_691 = arith.cmpi slt, %add3A_689, %lt3A_690 : i32
      %convert_element_type3A_692 = arith.extui %lt3A_691 : i1 to i32
      %cond3A_693 = arith.constant 0 : i32
      %cond3A_694 = arith.cmpi ne, %convert_element_type3A_692, %cond3A_693 : i32
      scf.if %cond3A_694 {
        %add3A_836 = arith.constant 2 : i32
        %add3A_837 = arith.addi %add3A_561, %add3A_836 : i32
        %mul3A_838 = arith.constant 4 : i32
        %mul3A_839 = arith.muli %select_n3A_30, %mul3A_838 : i32
        %jit3A_840 = arith.constant 8 : i32
        %div3A_841 = arith.divsi %add3A_837, %jit3A_840 : i32
        %sign3A_842 = arith.constant 0 : i32
        %sign3A_843 = arith.cmpi sgt, %add3A_837, %sign3A_842 : i32
        %sign3A_844 = arith.extui %sign3A_843 : i1 to i32
        %sign3A_845 = arith.constant 0 : i32
        %sign3A_846 = arith.cmpi slt, %add3A_837, %sign3A_845 : i32
        %sign3A_847 = arith.extui %sign3A_846 : i1 to i32
        %sign3A_848 = arith.subi %sign3A_844, %sign3A_847 : i32
        %sign3A_849 = arith.constant 0 : i32
        %sign3A_850 = arith.cmpi sgt, %jit3A_840, %sign3A_849 : i32
        %sign3A_851 = arith.extui %sign3A_850 : i1 to i32
        %sign3A_852 = arith.constant 0 : i32
        %sign3A_853 = arith.cmpi slt, %jit3A_840, %sign3A_852 : i32
        %sign3A_854 = arith.extui %sign3A_853 : i1 to i32
        %sign3A_855 = arith.subi %sign3A_851, %sign3A_854 : i32
        %ne3A_856 = arith.cmpi ne, %sign3A_848, %sign3A_855 : i32
        %rem3A_857 = arith.remsi %add3A_837, %jit3A_840 : i32
        %ne3A_858 = arith.constant 0 : i32
        %ne3A_859 = arith.cmpi ne, %rem3A_857, %ne3A_858 : i32
        %and3A_860 = arith.andi %ne3A_856, %ne3A_859 : i1
        %sub3A_861 = arith.constant 1 : i32
        %sub3A_862 = arith.subi %div3A_841, %sub3A_861 : i32
        %select_n3A_863 = arith.select %and3A_860, %sub3A_862, %div3A_841 : i32
        %add3A_864 = arith.addi %mul3A_839, %select_n3A_863 : i32
        %mul3A_865 = arith.constant 8 : i32
        %mul3A_866 = arith.muli %add3A_864, %mul3A_865 : i32
        %add3A_867 = arith.addi %mul3A_866, %add3A : i32
        %jit3A_868 = arith.constant 8 : i32
        %eq3A_869 = arith.constant 0 : i32
        %eq3A_870 = arith.cmpi eq, %jit3A_868, %eq3A_869 : i32
        %jit3A_871 = arith.constant 1 : i32
        %select_n3A_872 = arith.select %eq3A_870, %jit3A_871, %jit3A_868 : i32
        %rem3A_873 = arith.remsi %add3A_837, %select_n3A_872 : i32
        %ne3A_874 = arith.constant 0 : i32
        %ne3A_875 = arith.cmpi ne, %rem3A_873, %ne3A_874 : i32
        %lt3A_876 = arith.constant 0 : i32
        %lt3A_877 = arith.cmpi slt, %rem3A_873, %lt3A_876 : i32
        %lt3A_878 = arith.constant 0 : i32
        %lt3A_879 = arith.cmpi slt, %select_n3A_872, %lt3A_878 : i32
        %ne3A_880 = arith.xori %lt3A_877, %lt3A_879 : i1
        %and3A_881 = arith.andi %ne3A_880, %ne3A_875 : i1
        %add3A_882 = arith.addi %rem3A_873, %select_n3A_872 : i32
        %select_n3A_883 = arith.select %and3A_881, %add3A_882, %rem3A_873 : i32
        %mul3A_884 = arith.constant 32 : i32
        %mul3A_885 = arith.muli %select_n3A_883, %mul3A_884 : i32
        %dma_start3A_886 = arith.constant 0 : i32
        %dma_start3A_887 = tpu.memref_slice %arg2[%add3A_867, %mul3A_885, %dma_start3A_886] : memref<128x256x256xf32, #tpu.memory_space<hbm>> -> memref<1x32x256xf32, #tpu.memory_space<hbm>>
        %dma_start3A_888 = tpu.memref_squeeze %dma_start3A_887 : memref<1x32x256xf32, #tpu.memory_space<hbm>> -> memref<32x256xf32, #tpu.memory_space<hbm>>
        %dma_start3A_889 = arith.constant 0 : i32
        %dma_start3A_890 = tpu.memref_slice %arg2[%add3A_867, %mul3A_885, %dma_start3A_889] : memref<128x256x256xf32, #tpu.memory_space<hbm>> -> memref<1x32x256xf32, #tpu.memory_space<hbm>>
        %dma_start3A_891 = tpu.memref_squeeze %dma_start3A_890 : memref<1x32x256xf32, #tpu.memory_space<hbm>> -> memref<32x256xf32, #tpu.memory_space<hbm>>
        tpu.enqueue_dma source(%dma_start3A_891 : memref<32x256xf32, #tpu.memory_space<hbm>>) target(%arg6 : memref<32x256xf32, #tpu.memory_space<vmem>>) target_semaphore(%arg20 : memref<!tpu.dma_semaphore, #tpu.memory_space<semaphore_mem>>)
        %dma_start3A_892 = arith.constant 0 : i32
        %dma_start3A_893 = tpu.memref_slice %arg3[%add3A_867, %mul3A_885, %dma_start3A_892] : memref<128x256x256xi32, #tpu.memory_space<hbm>> -> memref<1x32x256xi32, #tpu.memory_space<hbm>>
        %dma_start3A_894 = tpu.memref_squeeze %dma_start3A_893 : memref<1x32x256xi32, #tpu.memory_space<hbm>> -> memref<32x256xi32, #tpu.memory_space<hbm>>
        %dma_start3A_895 = arith.constant 0 : i32
        %dma_start3A_896 = tpu.memref_slice %arg3[%add3A_867, %mul3A_885, %dma_start3A_895] : memref<128x256x256xi32, #tpu.memory_space<hbm>> -> memref<1x32x256xi32, #tpu.memory_space<hbm>>
        %dma_start3A_897 = tpu.memref_squeeze %dma_start3A_896 : memref<1x32x256xi32, #tpu.memory_space<hbm>> -> memref<32x256xi32, #tpu.memory_space<hbm>>
        tpu.enqueue_dma source(%dma_start3A_897 : memref<32x256xi32, #tpu.memory_space<hbm>>) target(%arg8 : memref<32x256xi32, #tpu.memory_space<vmem>>) target_semaphore(%arg22 : memref<!tpu.dma_semaphore, #tpu.memory_space<semaphore_mem>>)
      } else {
      }
      %mul3A_695 = arith.constant 2 : i32
      %mul3A_696 = arith.muli %mul3A_695, %scan3A_556 : i32
      %add3A_697 = arith.constant 1 : i32
      %add3A_698 = arith.addi %mul3A_696, %add3A_697 : i32
      %mul3A_699 = arith.constant 4 : i32
      %mul3A_700 = arith.muli %select_n3A_30, %mul3A_699 : i32
      %jit3A_701 = arith.constant 8 : i32
      %div3A_702 = arith.divsi %add3A_698, %jit3A_701 : i32
      %sign3A_703 = arith.constant 0 : i32
      %sign3A_704 = arith.cmpi sgt, %add3A_698, %sign3A_703 : i32
      %sign3A_705 = arith.extui %sign3A_704 : i1 to i32
      %sign3A_706 = arith.constant 0 : i32
      %sign3A_707 = arith.cmpi slt, %add3A_698, %sign3A_706 : i32
      %sign3A_708 = arith.extui %sign3A_707 : i1 to i32
      %sign3A_709 = arith.subi %sign3A_705, %sign3A_708 : i32
      %sign3A_710 = arith.constant 0 : i32
      %sign3A_711 = arith.cmpi sgt, %jit3A_701, %sign3A_710 : i32
      %sign3A_712 = arith.extui %sign3A_711 : i1 to i32
      %sign3A_713 = arith.constant 0 : i32
      %sign3A_714 = arith.cmpi slt, %jit3A_701, %sign3A_713 : i32
      %sign3A_715 = arith.extui %sign3A_714 : i1 to i32
      %sign3A_716 = arith.subi %sign3A_712, %sign3A_715 : i32
      %ne3A_717 = arith.cmpi ne, %sign3A_709, %sign3A_716 : i32
      %rem3A_718 = arith.remsi %add3A_698, %jit3A_701 : i32
      %ne3A_719 = arith.constant 0 : i32
      %ne3A_720 = arith.cmpi ne, %rem3A_718, %ne3A_719 : i32
      %and3A_721 = arith.andi %ne3A_717, %ne3A_720 : i1
      %sub3A_722 = arith.constant 1 : i32
      %sub3A_723 = arith.subi %div3A_702, %sub3A_722 : i32
      %select_n3A_724 = arith.select %and3A_721, %sub3A_723, %div3A_702 : i32
      %add3A_725 = arith.addi %mul3A_700, %select_n3A_724 : i32
      %mul3A_726 = arith.constant 8 : i32
      %mul3A_727 = arith.muli %add3A_725, %mul3A_726 : i32
      %add3A_728 = arith.addi %mul3A_727, %add3A : i32
      %jit3A_729 = arith.constant 8 : i32
      %eq3A_730 = arith.constant 0 : i32
      %eq3A_731 = arith.cmpi eq, %jit3A_729, %eq3A_730 : i32
      %jit3A_732 = arith.constant 1 : i32
      %select_n3A_733 = arith.select %eq3A_731, %jit3A_732, %jit3A_729 : i32
      %rem3A_734 = arith.remsi %add3A_698, %select_n3A_733 : i32
      %ne3A_735 = arith.constant 0 : i32
      %ne3A_736 = arith.cmpi ne, %rem3A_734, %ne3A_735 : i32
      %lt3A_737 = arith.constant 0 : i32
      %lt3A_738 = arith.cmpi slt, %rem3A_734, %lt3A_737 : i32
      %lt3A_739 = arith.constant 0 : i32
      %lt3A_740 = arith.cmpi slt, %select_n3A_733, %lt3A_739 : i32
      %ne3A_741 = arith.xori %lt3A_738, %lt3A_740 : i1
      %and3A_742 = arith.andi %ne3A_741, %ne3A_736 : i1
      %add3A_743 = arith.addi %rem3A_734, %select_n3A_733 : i32
      %select_n3A_744 = arith.select %and3A_742, %add3A_743, %rem3A_734 : i32
      %mul3A_745 = arith.constant 32 : i32
      %mul3A_746 = arith.muli %select_n3A_744, %mul3A_745 : i32
      %dma_wait3A_747 = arith.constant 0 : i32
      %dma_wait3A_748 = tpu.memref_slice %arg2[%add3A_728, %mul3A_746, %dma_wait3A_747] : memref<128x256x256xf32, #tpu.memory_space<hbm>> -> memref<1x32x256xf32, #tpu.memory_space<hbm>>
      %dma_wait3A_749 = tpu.memref_squeeze %dma_wait3A_748 : memref<1x32x256xf32, #tpu.memory_space<hbm>> -> memref<32x256xf32, #tpu.memory_space<hbm>>
      %dma_wait3A_750 = arith.constant 0 : i32
      %dma_wait3A_751 = tpu.memref_slice %arg2[%add3A_728, %mul3A_746, %dma_wait3A_750] : memref<128x256x256xf32, #tpu.memory_space<hbm>> -> memref<1x32x256xf32, #tpu.memory_space<hbm>>
      %dma_wait3A_752 = tpu.memref_squeeze %dma_wait3A_751 : memref<1x32x256xf32, #tpu.memory_space<hbm>> -> memref<32x256xf32, #tpu.memory_space<hbm>>
      tpu.wait_dma2 semaphore(%arg21 : memref<!tpu.dma_semaphore, #tpu.memory_space<semaphore_mem>>) src(%dma_wait3A_752 : memref<32x256xf32, #tpu.memory_space<hbm>>) dst(%arg7 : memref<32x256xf32, #tpu.memory_space<vmem>>)
      %dma_wait3A_753 = arith.constant 0 : i32
      %dma_wait3A_754 = tpu.memref_slice %arg3[%add3A_728, %mul3A_746, %dma_wait3A_753] : memref<128x256x256xi32, #tpu.memory_space<hbm>> -> memref<1x32x256xi32, #tpu.memory_space<hbm>>
      %dma_wait3A_755 = tpu.memref_squeeze %dma_wait3A_754 : memref<1x32x256xi32, #tpu.memory_space<hbm>> -> memref<32x256xi32, #tpu.memory_space<hbm>>
      %dma_wait3A_756 = arith.constant 0 : i32
      %dma_wait3A_757 = tpu.memref_slice %arg3[%add3A_728, %mul3A_746, %dma_wait3A_756] : memref<128x256x256xi32, #tpu.memory_space<hbm>> -> memref<1x32x256xi32, #tpu.memory_space<hbm>>
      %dma_wait3A_758 = tpu.memref_squeeze %dma_wait3A_757 : memref<1x32x256xi32, #tpu.memory_space<hbm>> -> memref<32x256xi32, #tpu.memory_space<hbm>>
      tpu.wait_dma2 semaphore(%arg23 : memref<!tpu.dma_semaphore, #tpu.memory_space<semaphore_mem>>) src(%dma_wait3A_758 : memref<32x256xi32, #tpu.memory_space<hbm>>) dst(%arg9 : memref<32x256xi32, #tpu.memory_space<vmem>>)
      %ge3A_759 = arith.constant 2 : i32
      %ge3A_760 = arith.cmpi sge, %add3A_698, %ge3A_759 : i32
      %convert_element_type3A_761 = arith.extui %ge3A_760 : i1 to i32
      %cond3A_762 = arith.constant 0 : i32
      %cond3A_763 = arith.cmpi ne, %convert_element_type3A_761, %cond3A_762 : i32
      scf.if %cond3A_763 {
        %sub3A_836 = arith.constant 2 : i32
        %sub3A_837 = arith.subi %add3A_698, %sub3A_836 : i32
        %mul3A_838 = arith.constant 4 : i32
        %mul3A_839 = arith.muli %select_n3A_30, %mul3A_838 : i32
        %jit3A_840 = arith.constant 8 : i32
        %div3A_841 = arith.divsi %sub3A_837, %jit3A_840 : i32
        %sign3A_842 = arith.constant 0 : i32
        %sign3A_843 = arith.cmpi sgt, %sub3A_837, %sign3A_842 : i32
        %sign3A_844 = arith.extui %sign3A_843 : i1 to i32
        %sign3A_845 = arith.constant 0 : i32
        %sign3A_846 = arith.cmpi slt, %sub3A_837, %sign3A_845 : i32
        %sign3A_847 = arith.extui %sign3A_846 : i1 to i32
        %sign3A_848 = arith.subi %sign3A_844, %sign3A_847 : i32
        %sign3A_849 = arith.constant 0 : i32
        %sign3A_850 = arith.cmpi sgt, %jit3A_840, %sign3A_849 : i32
        %sign3A_851 = arith.extui %sign3A_850 : i1 to i32
        %sign3A_852 = arith.constant 0 : i32
        %sign3A_853 = arith.cmpi slt, %jit3A_840, %sign3A_852 : i32
        %sign3A_854 = arith.extui %sign3A_853 : i1 to i32
        %sign3A_855 = arith.subi %sign3A_851, %sign3A_854 : i32
        %ne3A_856 = arith.cmpi ne, %sign3A_848, %sign3A_855 : i32
        %rem3A_857 = arith.remsi %sub3A_837, %jit3A_840 : i32
        %ne3A_858 = arith.constant 0 : i32
        %ne3A_859 = arith.cmpi ne, %rem3A_857, %ne3A_858 : i32
        %and3A_860 = arith.andi %ne3A_856, %ne3A_859 : i1
        %sub3A_861 = arith.constant 1 : i32
        %sub3A_862 = arith.subi %div3A_841, %sub3A_861 : i32
        %select_n3A_863 = arith.select %and3A_860, %sub3A_862, %div3A_841 : i32
        %add3A_864 = arith.addi %mul3A_839, %select_n3A_863 : i32
        %mul3A_865 = arith.constant 8 : i32
        %mul3A_866 = arith.muli %add3A_864, %mul3A_865 : i32
        %add3A_867 = arith.addi %mul3A_866, %add3A : i32
        %mul3A_868 = arith.constant 65536 : i32
        %mul3A_869 = arith.muli %add3A_867, %mul3A_868 : i32
        %jit3A_870 = arith.constant 8 : i32
        %eq3A_871 = arith.constant 0 : i32
        %eq3A_872 = arith.cmpi eq, %jit3A_870, %eq3A_871 : i32
        %jit3A_873 = arith.constant 1 : i32
        %select_n3A_874 = arith.select %eq3A_872, %jit3A_873, %jit3A_870 : i32
        %rem3A_875 = arith.remsi %sub3A_837, %select_n3A_874 : i32
        %ne3A_876 = arith.constant 0 : i32
        %ne3A_877 = arith.cmpi ne, %rem3A_875, %ne3A_876 : i32
        %lt3A_878 = arith.constant 0 : i32
        %lt3A_879 = arith.cmpi slt, %rem3A_875, %lt3A_878 : i32
        %lt3A_880 = arith.constant 0 : i32
        %lt3A_881 = arith.cmpi slt, %select_n3A_874, %lt3A_880 : i32
        %ne3A_882 = arith.xori %lt3A_879, %lt3A_881 : i1
        %and3A_883 = arith.andi %ne3A_882, %ne3A_877 : i1
        %add3A_884 = arith.addi %rem3A_875, %select_n3A_874 : i32
        %select_n3A_885 = arith.select %and3A_883, %add3A_884, %rem3A_875 : i32
        %mul3A_886 = arith.constant 8192 : i32
        %mul3A_887 = arith.muli %select_n3A_885, %mul3A_886 : i32
        %add3A_888 = arith.addi %mul3A_869, %mul3A_887 : i32
        %dma_wait3A_889 = tpu.memref_slice %arg5[%add3A_888] : memref<8388608xi32, #tpu.memory_space<hbm>> -> memref<8192xi32, #tpu.memory_space<hbm>>
        %dma_wait3A_890 = tpu.memref_slice %arg5[%add3A_888] : memref<8388608xi32, #tpu.memory_space<hbm>> -> memref<8192xi32, #tpu.memory_space<hbm>>
        tpu.wait_dma2 semaphore(%arg25 : memref<!tpu.dma_semaphore, #tpu.memory_space<semaphore_mem>>) src(%arg11 : memref<8192xi32, #tpu.memory_space<vmem>>) dst(%dma_wait3A_890 : memref<8192xi32, #tpu.memory_space<hbm>>)
      } else {
      }
      %broadcast_in_dim3A_764 = arith.constant 0 : i32
      %broadcast_in_dim3A_765 = vector.broadcast %broadcast_in_dim3A_764 : i32 to vector<16xi32>
      %parallel_loop3A_766 = arith.constant 0 : i32
      %parallel_loop3A_767 = arith.constant 512 : i32
      %parallel_loop3A_768 = arith.constant 1 : i32
      %parallel_loop3A_769 = scf.for %parallel_loop3A_836 = %parallel_loop3A_766 to %parallel_loop3A_767 step %parallel_loop3A_768 iter_args(%parallel_loop3A_837 = %broadcast_in_dim3A_765) -> (vector<16xi32>)  : i32 {
        %parallel_loop3A_838 = arith.constant 16 : i32
        %parallel_loop3A_839 = arith.muli %parallel_loop3A_836, %parallel_loop3A_838 : i32
        %parallel_loop3A_840 = arith.constant 16 : i32
        %parallel_loop3A_841 = arith.divsi %parallel_loop3A_836, %parallel_loop3A_840 : i32
        %parallel_loop3A_842 = arith.constant 0 : i32
        %parallel_loop3A_843 = arith.cmpi sgt, %parallel_loop3A_836, %parallel_loop3A_842 : i32
        %parallel_loop3A_844 = arith.extui %parallel_loop3A_843 : i1 to i32
        %parallel_loop3A_845 = arith.constant 0 : i32
        %parallel_loop3A_846 = arith.cmpi slt, %parallel_loop3A_836, %parallel_loop3A_845 : i32
        %parallel_loop3A_847 = arith.extui %parallel_loop3A_846 : i1 to i32
        %parallel_loop3A_848 = arith.subi %parallel_loop3A_844, %parallel_loop3A_847 : i32
        %parallel_loop3A_849 = arith.constant 0 : i32
        %parallel_loop3A_850 = arith.cmpi sgt, %parallel_loop3A_840, %parallel_loop3A_849 : i32
        %parallel_loop3A_851 = arith.extui %parallel_loop3A_850 : i1 to i32
        %parallel_loop3A_852 = arith.constant 0 : i32
        %parallel_loop3A_853 = arith.cmpi slt, %parallel_loop3A_840, %parallel_loop3A_852 : i32
        %parallel_loop3A_854 = arith.extui %parallel_loop3A_853 : i1 to i32
        %parallel_loop3A_855 = arith.subi %parallel_loop3A_851, %parallel_loop3A_854 : i32
        %parallel_loop3A_856 = arith.cmpi ne, %parallel_loop3A_848, %parallel_loop3A_855 : i32
        %parallel_loop3A_857 = arith.remsi %parallel_loop3A_836, %parallel_loop3A_840 : i32
        %parallel_loop3A_858 = arith.constant 0 : i32
        %parallel_loop3A_859 = arith.cmpi ne, %parallel_loop3A_857, %parallel_loop3A_858 : i32
        %parallel_loop3A_860 = arith.andi %parallel_loop3A_856, %parallel_loop3A_859 : i1
        %parallel_loop3A_861 = arith.constant 1 : i32
        %parallel_loop3A_862 = arith.subi %parallel_loop3A_841, %parallel_loop3A_861 : i32
        %parallel_loop3A_863 = arith.select %parallel_loop3A_860, %parallel_loop3A_862, %parallel_loop3A_841 : i32
        %parallel_loop3A_864 = arith.constant 16 : i32
        %parallel_loop3A_865 = arith.constant 0 : i32
        %parallel_loop3A_866 = arith.cmpi eq, %parallel_loop3A_864, %parallel_loop3A_865 : i32
        %parallel_loop3A_867 = arith.constant 1 : i32
        %parallel_loop3A_868 = arith.select %parallel_loop3A_866, %parallel_loop3A_867, %parallel_loop3A_864 : i32
        %parallel_loop3A_869 = arith.remsi %parallel_loop3A_836, %parallel_loop3A_868 : i32
        %parallel_loop3A_870 = arith.constant 0 : i32
        %parallel_loop3A_871 = arith.cmpi ne, %parallel_loop3A_869, %parallel_loop3A_870 : i32
        %parallel_loop3A_872 = arith.constant 0 : i32
        %parallel_loop3A_873 = arith.cmpi slt, %parallel_loop3A_869, %parallel_loop3A_872 : i32
        %parallel_loop3A_874 = arith.constant 0 : i32
        %parallel_loop3A_875 = arith.cmpi slt, %parallel_loop3A_868, %parallel_loop3A_874 : i32
        %parallel_loop3A_876 = arith.xori %parallel_loop3A_873, %parallel_loop3A_875 : i1
        %parallel_loop3A_877 = arith.andi %parallel_loop3A_876, %parallel_loop3A_871 : i1
        %parallel_loop3A_878 = arith.addi %parallel_loop3A_869, %parallel_loop3A_868 : i32
        %parallel_loop3A_879 = arith.select %parallel_loop3A_877, %parallel_loop3A_878, %parallel_loop3A_869 : i32
        %parallel_loop3A_880 = arith.constant 16 : i32
        %parallel_loop3A_881 = arith.muli %parallel_loop3A_879, %parallel_loop3A_880 : i32
        %parallel_loop3A_882 = arith.index_cast %parallel_loop3A_863 : i32 to index
        %parallel_loop3A_883 = arith.index_cast %parallel_loop3A_881 : i32 to index
        %parallel_loop3A_884 = tpu.vector_load %arg7[%parallel_loop3A_882, %parallel_loop3A_883] {strides = array<i32>} : memref<32x256xf32, #tpu.memory_space<vmem>>, vector<16xf32>,
        %parallel_loop3A_885 = arith.index_cast %parallel_loop3A_863 : i32 to index
        %parallel_loop3A_886 = arith.index_cast %parallel_loop3A_881 : i32 to index
        %parallel_loop3A_887 = tpu.vector_load %arg9[%parallel_loop3A_885, %parallel_loop3A_886] {strides = array<i32>} : memref<32x256xi32, #tpu.memory_space<vmem>>, vector<16xi32>,
        %parallel_loop3A_888 = arith.constant 0 : i32
        %parallel_loop3A_889 = vector.broadcast %parallel_loop3A_888 : i32 to vector<16xi32>
        %parallel_loop3A_890 = arith.cmpi eq, %parallel_loop3A_887, %parallel_loop3A_889 : vector<16xi32>
        %parallel_loop3A_891 = arith.constant 0.000000e+00 : f32
        %parallel_loop3A_892 = vector.broadcast %parallel_loop3A_891 : f32 to vector<16xf32>
        %parallel_loop3A_893 = arith.select %parallel_loop3A_890, %parallel_loop3A_884, %parallel_loop3A_892 : vector<16xi1>, vector<16xf32>
        %parallel_loop3A_894 = tpu.bitcast %parallel_loop3A_893 : vector<16xf32> -> vector<16xi32>
        %parallel_loop3A_895 = arith.constant 1 : i32
        %parallel_loop3A_896 = vector.broadcast %parallel_loop3A_895 : i32 to vector<16xi32>
        %parallel_loop3A_897 = arith.cmpi eq, %parallel_loop3A_887, %parallel_loop3A_896 : vector<16xi32>
        %parallel_loop3A_898 = arith.constant -2147483648 : i32
        %parallel_loop3A_899 = vector.broadcast %parallel_loop3A_898 : i32 to vector<16xi32>
        %parallel_loop3A_900 = arith.select %parallel_loop3A_897, %parallel_loop3A_899, %parallel_loop3A_894 : vector<16xi1>, vector<16xi32>
        %parallel_loop3A_901 = arith.index_cast %parallel_loop3A_839 : i32 to index
        %parallel_loop3A_902 = tpu.vector_load %arg11[%parallel_loop3A_901] {strides = array<i32>} : memref<8192xi32, #tpu.memory_space<vmem>>, vector<16xi32>,
        tpu.vector_store %arg11[%parallel_loop3A_901], %parallel_loop3A_900 {strides = array<i32>} : memref<8192xi32, #tpu.memory_space<vmem>>, vector<16xi32>,
        %parallel_loop3A_903 = arith.constant 19 : i32
        %parallel_loop3A_904 = vector.broadcast %parallel_loop3A_903 : i32 to vector<16xi32>
        %parallel_loop3A_905 = arith.shrui %parallel_loop3A_894, %parallel_loop3A_904 : vector<16xi32>
        %parallel_loop3A_906 = arith.addi %mul3A_116, %parallel_loop3A_905 : vector<16xi32>
        %parallel_loop3A_907 = arith.constant 0 : i32
        %parallel_loop3A_908 = vector.broadcast %parallel_loop3A_907 : i32 to vector<16xi32>
        %parallel_loop3A_909 = arith.cmpi ne, %parallel_loop3A_894, %parallel_loop3A_908 : vector<16xi32>
        %parallel_loop3A_910 = arith.constant 0 : i32
        %parallel_loop3A_911 = tpu.memref_slice %arg14[%parallel_loop3A_910] : memref<32768xi32, #tpu.memory_space<vmem>> -> memref<32768xi32, #tpu.memory_space<vmem>>
        tpu.vector_store_idx %parallel_loop3A_911[%parallel_loop3A_906], %broadcast_in_dim3A_57 masked %parallel_loop3A_909 {add = true} : memref<32768xi32, #tpu.memory_space<vmem>>[vector<16xi32>], vector<16xi32>, vector<16xi1>
        %parallel_loop3A_912 = arith.addi %parallel_loop3A_837, %parallel_loop3A_887 : vector<16xi32>
        scf.yield %parallel_loop3A_912 : vector<16xi32>
      } {sc.loop_unroll_factor = 8 : i64, sc.parallel_access}
      %get3A_770 = arith.constant 0 : index
      %get3A_771 = tpu.vector_load %arg17[%get3A_770] {strides = array<i32>} : memref<16xi32, #tpu.memory_space<vmem>>, vector<16xi32>,
      %add3A_772 = arith.addi %get3A_771, %parallel_loop3A_769 : vector<16xi32>
      %swap3A_773 = arith.constant 0 : index
      %swap3A_774 = tpu.vector_load %arg17[%swap3A_773] {strides = array<i32>} : memref<16xi32, #tpu.memory_space<vmem>>, vector<16xi32>,
      tpu.vector_store %arg17[%swap3A_773], %add3A_772 {strides = array<i32>} : memref<16xi32, #tpu.memory_space<vmem>>, vector<16xi32>,
      %mul3A_775 = arith.constant 4 : i32
      %mul3A_776 = arith.muli %select_n3A_30, %mul3A_775 : i32
      %jit3A_777 = arith.constant 8 : i32
      %div3A_778 = arith.divsi %add3A_698, %jit3A_777 : i32
      %sign3A_779 = arith.constant 0 : i32
      %sign3A_780 = arith.cmpi sgt, %add3A_698, %sign3A_779 : i32
      %sign3A_781 = arith.extui %sign3A_780 : i1 to i32
      %sign3A_782 = arith.constant 0 : i32
      %sign3A_783 = arith.cmpi slt, %add3A_698, %sign3A_782 : i32
      %sign3A_784 = arith.extui %sign3A_783 : i1 to i32
      %sign3A_785 = arith.subi %sign3A_781, %sign3A_784 : i32
      %sign3A_786 = arith.constant 0 : i32
      %sign3A_787 = arith.cmpi sgt, %jit3A_777, %sign3A_786 : i32
      %sign3A_788 = arith.extui %sign3A_787 : i1 to i32
      %sign3A_789 = arith.constant 0 : i32
      %sign3A_790 = arith.cmpi slt, %jit3A_777, %sign3A_789 : i32
      %sign3A_791 = arith.extui %sign3A_790 : i1 to i32
      %sign3A_792 = arith.subi %sign3A_788, %sign3A_791 : i32
      %ne3A_793 = arith.cmpi ne, %sign3A_785, %sign3A_792 : i32
      %rem3A_794 = arith.remsi %add3A_698, %jit3A_777 : i32
      %ne3A_795 = arith.constant 0 : i32
      %ne3A_796 = arith.cmpi ne, %rem3A_794, %ne3A_795 : i32
      %and3A_797 = arith.andi %ne3A_793, %ne3A_796 : i1
      %sub3A_798 = arith.constant 1 : i32
      %sub3A_799 = arith.subi %div3A_778, %sub3A_798 : i32
      %select_n3A_800 = arith.select %and3A_797, %sub3A_799, %div3A_778 : i32
      %add3A_801 = arith.addi %mul3A_776, %select_n3A_800 : i32
      %mul3A_802 = arith.constant 8 : i32
      %mul3A_803 = arith.muli %add3A_801, %mul3A_802 : i32
      %add3A_804 = arith.addi %mul3A_803, %add3A : i32
      %mul3A_805 = arith.constant 65536 : i32
      %mul3A_806 = arith.muli %add3A_804, %mul3A_805 : i32
      %jit3A_807 = arith.constant 8 : i32
      %eq3A_808 = arith.constant 0 : i32
      %eq3A_809 = arith.cmpi eq, %jit3A_807, %eq3A_808 : i32
      %jit3A_810 = arith.constant 1 : i32
      %select_n3A_811 = arith.select %eq3A_809, %jit3A_810, %jit3A_807 : i32
      %rem3A_812 = arith.remsi %add3A_698, %select_n3A_811 : i32
      %ne3A_813 = arith.constant 0 : i32
      %ne3A_814 = arith.cmpi ne, %rem3A_812, %ne3A_813 : i32
      %lt3A_815 = arith.constant 0 : i32
      %lt3A_816 = arith.cmpi slt, %rem3A_812, %lt3A_815 : i32
      %lt3A_817 = arith.constant 0 : i32
      %lt3A_818 = arith.cmpi slt, %select_n3A_811, %lt3A_817 : i32
      %ne3A_819 = arith.xori %lt3A_816, %lt3A_818 : i1
      %and3A_820 = arith.andi %ne3A_819, %ne3A_814 : i1
      %add3A_821 = arith.addi %rem3A_812, %select_n3A_811 : i32
      %select_n3A_822 = arith.select %and3A_820, %add3A_821, %rem3A_812 : i32
      %mul3A_823 = arith.constant 8192 : i32
      %mul3A_824 = arith.muli %select_n3A_822, %mul3A_823 : i32
      %add3A_825 = arith.addi %mul3A_806, %mul3A_824 : i32
      %dma_start3A_826 = tpu.memref_slice %arg5[%add3A_825] : memref<8388608xi32, #tpu.memory_space<hbm>> -> memref<8192xi32, #tpu.memory_space<hbm>>
      %dma_start3A_827 = tpu.memref_slice %arg5[%add3A_825] : memref<8388608xi32, #tpu.memory_space<hbm>> -> memref<8192xi32, #tpu.memory_space<hbm>>
      tpu.enqueue_dma source(%arg11 : memref<8192xi32, #tpu.memory_space<vmem>>) target(%dma_start3A_827 : memref<8192xi32, #tpu.memory_space<hbm>>) target_semaphore(%arg25 : memref<!tpu.dma_semaphore, #tpu.memory_space<semaphore_mem>>)
      %add3A_828 = arith.constant 2 : i32
      %add3A_829 = arith.addi %add3A_698, %add3A_828 : i32
      %lt3A_830 = arith.constant 32 : i32
      %lt3A_831 = arith.cmpi slt, %add3A_829, %lt3A_830 : i32
      %convert_element_type3A_832 = arith.extui %lt3A_831 : i1 to i32
      %cond3A_833 = arith.constant 0 : i32
      %cond3A_834 = arith.cmpi ne, %convert_element_type3A_832, %cond3A_833 : i32
      scf.if %cond3A_834 {
        %add3A_836 = arith.constant 2 : i32
        %add3A_837 = arith.addi %add3A_698, %add3A_836 : i32
        %mul3A_838 = arith.constant 4 : i32
        %mul3A_839 = arith.muli %select_n3A_30, %mul3A_838 : i32
        %jit3A_840 = arith.constant 8 : i32
        %div3A_841 = arith.divsi %add3A_837, %jit3A_840 : i32
        %sign3A_842 = arith.constant 0 : i32
        %sign3A_843 = arith.cmpi sgt, %add3A_837, %sign3A_842 : i32
        %sign3A_844 = arith.extui %sign3A_843 : i1 to i32
        %sign3A_845 = arith.constant 0 : i32
        %sign3A_846 = arith.cmpi slt, %add3A_837, %sign3A_845 : i32
        %sign3A_847 = arith.extui %sign3A_846 : i1 to i32
        %sign3A_848 = arith.subi %sign3A_844, %sign3A_847 : i32
        %sign3A_849 = arith.constant 0 : i32
        %sign3A_850 = arith.cmpi sgt, %jit3A_840, %sign3A_849 : i32
        %sign3A_851 = arith.extui %sign3A_850 : i1 to i32
        %sign3A_852 = arith.constant 0 : i32
        %sign3A_853 = arith.cmpi slt, %jit3A_840, %sign3A_852 : i32
        %sign3A_854 = arith.extui %sign3A_853 : i1 to i32
        %sign3A_855 = arith.subi %sign3A_851, %sign3A_854 : i32
        %ne3A_856 = arith.cmpi ne, %sign3A_848, %sign3A_855 : i32
        %rem3A_857 = arith.remsi %add3A_837, %jit3A_840 : i32
        %ne3A_858 = arith.constant 0 : i32
        %ne3A_859 = arith.cmpi ne, %rem3A_857, %ne3A_858 : i32
        %and3A_860 = arith.andi %ne3A_856, %ne3A_859 : i1
        %sub3A_861 = arith.constant 1 : i32
        %sub3A_862 = arith.subi %div3A_841, %sub3A_861 : i32
        %select_n3A_863 = arith.select %and3A_860, %sub3A_862, %div3A_841 : i32
        %add3A_864 = arith.addi %mul3A_839, %select_n3A_863 : i32
        %mul3A_865 = arith.constant 8 : i32
        %mul3A_866 = arith.muli %add3A_864, %mul3A_865 : i32
        %add3A_867 = arith.addi %mul3A_866, %add3A : i32
        %jit3A_868 = arith.constant 8 : i32
        %eq3A_869 = arith.constant 0 : i32
        %eq3A_870 = arith.cmpi eq, %jit3A_868, %eq3A_869 : i32
        %jit3A_871 = arith.constant 1 : i32
        %select_n3A_872 = arith.select %eq3A_870, %jit3A_871, %jit3A_868 : i32
        %rem3A_873 = arith.remsi %add3A_837, %select_n3A_872 : i32
        %ne3A_874 = arith.constant 0 : i32
        %ne3A_875 = arith.cmpi ne, %rem3A_873, %ne3A_874 : i32
        %lt3A_876 = arith.constant 0 : i32
        %lt3A_877 = arith.cmpi slt, %rem3A_873, %lt3A_876 : i32
        %lt3A_878 = arith.constant 0 : i32
        %lt3A_879 = arith.cmpi slt, %select_n3A_872, %lt3A_878 : i32
        %ne3A_880 = arith.xori %lt3A_877, %lt3A_879 : i1
        %and3A_881 = arith.andi %ne3A_880, %ne3A_875 : i1
        %add3A_882 = arith.addi %rem3A_873, %select_n3A_872 : i32
        %select_n3A_883 = arith.select %and3A_881, %add3A_882, %rem3A_873 : i32
        %mul3A_884 = arith.constant 32 : i32
        %mul3A_885 = arith.muli %select_n3A_883, %mul3A_884 : i32
        %dma_start3A_886 = arith.constant 0 : i32
        %dma_start3A_887 = tpu.memref_slice %arg2[%add3A_867, %mul3A_885, %dma_start3A_886] : memref<128x256x256xf32, #tpu.memory_space<hbm>> -> memref<1x32x256xf32, #tpu.memory_space<hbm>>
        %dma_start3A_888 = tpu.memref_squeeze %dma_start3A_887 : memref<1x32x256xf32, #tpu.memory_space<hbm>> -> memref<32x256xf32, #tpu.memory_space<hbm>>
        %dma_start3A_889 = arith.constant 0 : i32
        %dma_start3A_890 = tpu.memref_slice %arg2[%add3A_867, %mul3A_885, %dma_start3A_889] : memref<128x256x256xf32, #tpu.memory_space<hbm>> -> memref<1x32x256xf32, #tpu.memory_space<hbm>>
        %dma_start3A_891 = tpu.memref_squeeze %dma_start3A_890 : memref<1x32x256xf32, #tpu.memory_space<hbm>> -> memref<32x256xf32, #tpu.memory_space<hbm>>
        tpu.enqueue_dma source(%dma_start3A_891 : memref<32x256xf32, #tpu.memory_space<hbm>>) target(%arg7 : memref<32x256xf32, #tpu.memory_space<vmem>>) target_semaphore(%arg21 : memref<!tpu.dma_semaphore, #tpu.memory_space<semaphore_mem>>)
        %dma_start3A_892 = arith.constant 0 : i32
        %dma_start3A_893 = tpu.memref_slice %arg3[%add3A_867, %mul3A_885, %dma_start3A_892] : memref<128x256x256xi32, #tpu.memory_space<hbm>> -> memref<1x32x256xi32, #tpu.memory_space<hbm>>
        %dma_start3A_894 = tpu.memref_squeeze %dma_start3A_893 : memref<1x32x256xi32, #tpu.memory_space<hbm>> -> memref<32x256xi32, #tpu.memory_space<hbm>>
        %dma_start3A_895 = arith.constant 0 : i32
        %dma_start3A_896 = tpu.memref_slice %arg3[%add3A_867, %mul3A_885, %dma_start3A_895] : memref<128x256x256xi32, #tpu.memory_space<hbm>> -> memref<1x32x256xi32, #tpu.memory_space<hbm>>
        %dma_start3A_897 = tpu.memref_squeeze %dma_start3A_896 : memref<1x32x256xi32, #tpu.memory_space<hbm>> -> memref<32x256xi32, #tpu.memory_space<hbm>>
        tpu.enqueue_dma source(%dma_start3A_897 : memref<32x256xi32, #tpu.memory_space<hbm>>) target(%arg9 : memref<32x256xi32, #tpu.memory_space<vmem>>) target_semaphore(%arg23 : memref<!tpu.dma_semaphore, #tpu.memory_space<semaphore_mem>>)
      } else {
      }
      %scan3A_835 = arith.constant 0 : i32
      scf.yield %scan3A_835 : i32
    }
    %scan3A_123 = arith.constant 16 : i32
    %mul3A_124 = arith.constant 4 : i32
    %mul3A_125 = arith.muli %select_n3A_30, %mul3A_124 : i32
    %add3A_126 = arith.constant 3 : i32
    %add3A_127 = arith.addi %mul3A_125, %add3A_126 : i32
    %mul3A_128 = arith.constant 8 : i32
    %mul3A_129 = arith.muli %add3A_127, %mul3A_128 : i32
    %add3A_130 = arith.addi %mul3A_129, %add3A : i32
    %mul3A_131 = arith.constant 65536 : i32
    %mul3A_132 = arith.muli %add3A_130, %mul3A_131 : i32
    %add3A_133 = arith.constant 49152 : i32
    %add3A_134 = arith.addi %mul3A_132, %add3A_133 : i32
    %dma_wait3A = tpu.memref_slice %arg5[%add3A_134] : memref<8388608xi32, #tpu.memory_space<hbm>> -> memref<8192xi32, #tpu.memory_space<hbm>>
    %dma_wait3A_135 = tpu.memref_slice %arg5[%add3A_134] : memref<8388608xi32, #tpu.memory_space<hbm>> -> memref<8192xi32, #tpu.memory_space<hbm>>
    tpu.wait_dma2 semaphore(%arg24 : memref<!tpu.dma_semaphore, #tpu.memory_space<semaphore_mem>>) src(%arg10 : memref<8192xi32, #tpu.memory_space<vmem>>) dst(%dma_wait3A_135 : memref<8192xi32, #tpu.memory_space<hbm>>)
    %mul3A_136 = arith.constant 4 : i32
    %mul3A_137 = arith.muli %select_n3A_30, %mul3A_136 : i32
    %add3A_138 = arith.constant 3 : i32
    %add3A_139 = arith.addi %mul3A_137, %add3A_138 : i32
    %mul3A_140 = arith.constant 8 : i32
    %mul3A_141 = arith.muli %add3A_139, %mul3A_140 : i32
    %add3A_142 = arith.addi %mul3A_141, %add3A : i32
    %mul3A_143 = arith.constant 65536 : i32
    %mul3A_144 = arith.muli %add3A_142, %mul3A_143 : i32
    %add3A_145 = arith.constant 57344 : i32
    %add3A_146 = arith.addi %mul3A_144, %add3A_145 : i32
    %dma_wait3A_147 = tpu.memref_slice %arg5[%add3A_146] : memref<8388608xi32, #tpu.memory_space<hbm>> -> memref<8192xi32, #tpu.memory_space<hbm>>
    %dma_wait3A_148 = tpu.memref_slice %arg5[%add3A_146] : memref<8388608xi32, #tpu.memory_space<hbm>> -> memref<8192xi32, #tpu.memory_space<hbm>>
    tpu.wait_dma2 semaphore(%arg25 : memref<!tpu.dma_semaphore, #tpu.memory_space<semaphore_mem>>) src(%arg11 : memref<8192xi32, #tpu.memory_space<vmem>>) dst(%dma_wait3A_148 : memref<8192xi32, #tpu.memory_space<hbm>>)
    %scan3A_149 = arith.constant 0 : i32
    %scan3A_150 = arith.constant 0 : i32
    %scan3A_151 = arith.constant 128 : i32
    %scan3A_152 = arith.addi %scan3A_150, %scan3A_151 : i32
    %scan3A_153 = arith.constant 1 : i32
    %scan3A_154 = scf.for %scan3A_556 = %scan3A_150 to %scan3A_152 step %scan3A_153 iter_args(%scan3A_557 = %scan3A_149) -> (i32)  : i32 {
      %mul3A_558 = arith.constant 16 : i32
      %mul3A_559 = arith.muli %scan3A_556, %mul3A_558 : i32
      %get3A_560 = arith.index_cast %mul3A_559 : i32 to index
      %get3A_561 = tpu.vector_load %arg14[%get3A_560] {strides = array<i32>} : memref<32768xi32, #tpu.memory_space<vmem>>, vector<16xi32>,
      %mul3A_562 = arith.constant 16 : i32
      %mul3A_563 = arith.muli %scan3A_556, %mul3A_562 : i32
      %add3A_564 = arith.constant 2048 : i32
      %add3A_565 = arith.addi %add3A_564, %mul3A_563 : i32
      %get3A_566 = arith.index_cast %add3A_565 : i32 to index
      %get3A_567 = tpu.vector_load %arg14[%get3A_566] {strides = array<i32>} : memref<32768xi32, #tpu.memory_space<vmem>>, vector<16xi32>,
      %add3A_568 = arith.addi %get3A_561, %get3A_567 : vector<16xi32>
      %mul3A_569 = arith.constant 16 : i32
      %mul3A_570 = arith.muli %scan3A_556, %mul3A_569 : i32
      %add3A_571 = arith.constant 4096 : i32
      %add3A_572 = arith.addi %add3A_571, %mul3A_570 : i32
      %get3A_573 = arith.index_cast %add3A_572 : i32 to index
      %get3A_574 = tpu.vector_load %arg14[%get3A_573] {strides = array<i32>} : memref<32768xi32, #tpu.memory_space<vmem>>, vector<16xi32>,
      %add3A_575 = arith.addi %add3A_568, %get3A_574 : vector<16xi32>
      %mul3A_576 = arith.constant 16 : i32
      %mul3A_577 = arith.muli %scan3A_556, %mul3A_576 : i32
      %add3A_578 = arith.constant 6144 : i32
      %add3A_579 = arith.addi %add3A_578, %mul3A_577 : i32
      %get3A_580 = arith.index_cast %add3A_579 : i32 to index
      %get3A_581 = tpu.vector_load %arg14[%get3A_580] {strides = array<i32>} : memref<32768xi32, #tpu.memory_space<vmem>>, vector<16xi32>,
      %add3A_582 = arith.addi %add3A_575, %get3A_581 : vector<16xi32>
      %mul3A_583 = arith.constant 16 : i32
      %mul3A_584 = arith.muli %scan3A_556, %mul3A_583 : i32
      %add3A_585 = arith.constant 8192 : i32
      %add3A_586 = arith.addi %add3A_585, %mul3A_584 : i32
      %get3A_587 = arith.index_cast %add3A_586 : i32 to index
      %get3A_588 = tpu.vector_load %arg14[%get3A_587] {strides = array<i32>} : memref<32768xi32, #tpu.memory_space<vmem>>, vector<16xi32>,
      %add3A_589 = arith.addi %add3A_582, %get3A_588 : vector<16xi32>
      %mul3A_590 = arith.constant 16 : i32
      %mul3A_591 = arith.muli %scan3A_556, %mul3A_590 : i32
      %add3A_592 = arith.constant 10240 : i32
      %add3A_593 = arith.addi %add3A_592, %mul3A_591 : i32
      %get3A_594 = arith.index_cast %add3A_593 : i32 to index
      %get3A_595 = tpu.vector_load %arg14[%get3A_594] {strides = array<i32>} : memref<32768xi32, #tpu.memory_space<vmem>>, vector<16xi32>,
      %add3A_596 = arith.addi %add3A_589, %get3A_595 : vector<16xi32>
      %mul3A_597 = arith.constant 16 : i32
      %mul3A_598 = arith.muli %scan3A_556, %mul3A_597 : i32
      %add3A_599 = arith.constant 12288 : i32
      %add3A_600 = arith.addi %add3A_599, %mul3A_598 : i32
      %get3A_601 = arith.index_cast %add3A_600 : i32 to index
      %get3A_602 = tpu.vector_load %arg14[%get3A_601] {strides = array<i32>} : memref<32768xi32, #tpu.memory_space<vmem>>, vector<16xi32>,
      %add3A_603 = arith.addi %add3A_596, %get3A_602 : vector<16xi32>
      %mul3A_604 = arith.constant 16 : i32
      %mul3A_605 = arith.muli %scan3A_556, %mul3A_604 : i32
      %add3A_606 = arith.constant 14336 : i32
      %add3A_607 = arith.addi %add3A_606, %mul3A_605 : i32
      %get3A_608 = arith.index_cast %add3A_607 : i32 to index
      %get3A_609 = tpu.vector_load %arg14[%get3A_608] {strides = array<i32>} : memref<32768xi32, #tpu.memory_space<vmem>>, vector<16xi32>,
      %add3A_610 = arith.addi %add3A_603, %get3A_609 : vector<16xi32>
      %mul3A_611 = arith.constant 16 : i32
      %mul3A_612 = arith.muli %scan3A_556, %mul3A_611 : i32
      %add3A_613 = arith.constant 16384 : i32
      %add3A_614 = arith.addi %add3A_613, %mul3A_612 : i32
      %get3A_615 = arith.index_cast %add3A_614 : i32 to index
      %get3A_616 = tpu.vector_load %arg14[%get3A_615] {strides = array<i32>} : memref<32768xi32, #tpu.memory_space<vmem>>, vector<16xi32>,
      %add3A_617 = arith.addi %add3A_610, %get3A_616 : vector<16xi32>
      %mul3A_618 = arith.constant 16 : i32
      %mul3A_619 = arith.muli %scan3A_556, %mul3A_618 : i32
      %add3A_620 = arith.constant 18432 : i32
      %add3A_621 = arith.addi %add3A_620, %mul3A_619 : i32
      %get3A_622 = arith.index_cast %add3A_621 : i32 to index
      %get3A_623 = tpu.vector_load %arg14[%get3A_622] {strides = array<i32>} : memref<32768xi32, #tpu.memory_space<vmem>>, vector<16xi32>,
      %add3A_624 = arith.addi %add3A_617, %get3A_623 : vector<16xi32>
      %mul3A_625 = arith.constant 16 : i32
      %mul3A_626 = arith.muli %scan3A_556, %mul3A_625 : i32
      %add3A_627 = arith.constant 20480 : i32
      %add3A_628 = arith.addi %add3A_627, %mul3A_626 : i32
      %get3A_629 = arith.index_cast %add3A_628 : i32 to index
      %get3A_630 = tpu.vector_load %arg14[%get3A_629] {strides = array<i32>} : memref<32768xi32, #tpu.memory_space<vmem>>, vector<16xi32>,
      %add3A_631 = arith.addi %add3A_624, %get3A_630 : vector<16xi32>
      %mul3A_632 = arith.constant 16 : i32
      %mul3A_633 = arith.muli %scan3A_556, %mul3A_632 : i32
      %add3A_634 = arith.constant 22528 : i32
      %add3A_635 = arith.addi %add3A_634, %mul3A_633 : i32
      %get3A_636 = arith.index_cast %add3A_635 : i32 to index
      %get3A_637 = tpu.vector_load %arg14[%get3A_636] {strides = array<i32>} : memref<32768xi32, #tpu.memory_space<vmem>>, vector<16xi32>,
      %add3A_638 = arith.addi %add3A_631, %get3A_637 : vector<16xi32>
      %mul3A_639 = arith.constant 16 : i32
      %mul3A_640 = arith.muli %scan3A_556, %mul3A_639 : i32
      %add3A_641 = arith.constant 24576 : i32
      %add3A_642 = arith.addi %add3A_641, %mul3A_640 : i32
      %get3A_643 = arith.index_cast %add3A_642 : i32 to index
      %get3A_644 = tpu.vector_load %arg14[%get3A_643] {strides = array<i32>} : memref<32768xi32, #tpu.memory_space<vmem>>, vector<16xi32>,
      %add3A_645 = arith.addi %add3A_638, %get3A_644 : vector<16xi32>
      %mul3A_646 = arith.constant 16 : i32
      %mul3A_647 = arith.muli %scan3A_556, %mul3A_646 : i32
      %add3A_648 = arith.constant 26624 : i32
      %add3A_649 = arith.addi %add3A_648, %mul3A_647 : i32
      %get3A_650 = arith.index_cast %add3A_649 : i32 to index
      %get3A_651 = tpu.vector_load %arg14[%get3A_650] {strides = array<i32>} : memref<32768xi32, #tpu.memory_space<vmem>>, vector<16xi32>,
      %add3A_652 = arith.addi %add3A_645, %get3A_651 : vector<16xi32>
      %mul3A_653 = arith.constant 16 : i32
      %mul3A_654 = arith.muli %scan3A_556, %mul3A_653 : i32
      %add3A_655 = arith.constant 28672 : i32
      %add3A_656 = arith.addi %add3A_655, %mul3A_654 : i32
      %get3A_657 = arith.index_cast %add3A_656 : i32 to index
      %get3A_658 = tpu.vector_load %arg14[%get3A_657] {strides = array<i32>} : memref<32768xi32, #tpu.memory_space<vmem>>, vector<16xi32>,
      %add3A_659 = arith.addi %add3A_652, %get3A_658 : vector<16xi32>
      %mul3A_660 = arith.constant 16 : i32
      %mul3A_661 = arith.muli %scan3A_556, %mul3A_660 : i32
      %add3A_662 = arith.constant 30720 : i32
      %add3A_663 = arith.addi %add3A_662, %mul3A_661 : i32
      %get3A_664 = arith.index_cast %add3A_663 : i32 to index
      %get3A_665 = tpu.vector_load %arg14[%get3A_664] {strides = array<i32>} : memref<32768xi32, #tpu.memory_space<vmem>>, vector<16xi32>,
      %add3A_666 = arith.addi %add3A_659, %get3A_665 : vector<16xi32>
      %mul3A_667 = arith.constant 16 : i32
      %mul3A_668 = arith.muli %scan3A_556, %mul3A_667 : i32
      %swap3A_669 = arith.index_cast %mul3A_668 : i32 to index
      %swap3A_670 = tpu.vector_load %arg15[%swap3A_669] {strides = array<i32>} : memref<2048xi32, #tpu.memory_space<vmem>>, vector<16xi32>,
      tpu.vector_store %arg15[%swap3A_669], %add3A_666 {strides = array<i32>} : memref<2048xi32, #tpu.memory_space<vmem>>, vector<16xi32>,
      %scan3A_671 = arith.constant 0 : i32
      scf.yield %scan3A_671 : i32
    }
    %scan3A_155 = arith.constant 128 : i32
    %mul3A_156 = arith.constant 2048 : i32
    %mul3A_157 = arith.muli %arg1, %mul3A_156 : i32
    "tpu.region"() ({
      %run_scoped3A = tpu.sem_alloc : memref<!tpu.dma_semaphore, #tpu.memory_space<semaphore_mem>>
      %dma_start3A_556 = tpu.memref_slice %arg18[%mul3A_157] : memref<32768xi32, #tpu.memory_space<vmem_shared>> -> memref<2048xi32, #tpu.memory_space<vmem_shared>>
      %dma_start3A_557 = tpu.memref_slice %arg18[%mul3A_157] : memref<32768xi32, #tpu.memory_space<vmem_shared>> -> memref<2048xi32, #tpu.memory_space<vmem_shared>>
      tpu.enqueue_dma source(%arg15 : memref<2048xi32, #tpu.memory_space<vmem>>) target(%dma_start3A_557 : memref<2048xi32, #tpu.memory_space<vmem_shared>>) target_semaphore(%run_scoped3A : memref<!tpu.dma_semaphore, #tpu.memory_space<semaphore_mem>>)
      %dma_wait3A_558 = tpu.memref_slice %arg18[%mul3A_157] : memref<32768xi32, #tpu.memory_space<vmem_shared>> -> memref<2048xi32, #tpu.memory_space<vmem_shared>>
      %dma_wait3A_559 = tpu.memref_slice %arg18[%mul3A_157] : memref<32768xi32, #tpu.memory_space<vmem_shared>> -> memref<2048xi32, #tpu.memory_space<vmem_shared>>
      tpu.wait_dma2 semaphore(%run_scoped3A : memref<!tpu.dma_semaphore, #tpu.memory_space<semaphore_mem>>) src(%arg15 : memref<2048xi32, #tpu.memory_space<vmem>>) dst(%dma_wait3A_559 : memref<2048xi32, #tpu.memory_space<vmem_shared>>)
      tpu.yield
    }) : () -> ()
    %mul3A_158 = arith.constant 16 : i32
    %mul3A_159 = arith.muli %arg1, %mul3A_158 : i32
    "tpu.region"() ({
      %run_scoped3A = tpu.sem_alloc : memref<!tpu.dma_semaphore, #tpu.memory_space<semaphore_mem>>
      %dma_start3A_556 = tpu.memref_slice %arg19[%mul3A_159] : memref<256xi32, #tpu.memory_space<vmem_shared>> -> memref<16xi32, #tpu.memory_space<vmem_shared>>
      %dma_start3A_557 = tpu.memref_slice %arg19[%mul3A_159] : memref<256xi32, #tpu.memory_space<vmem_shared>> -> memref<16xi32, #tpu.memory_space<vmem_shared>>
      tpu.enqueue_dma source(%arg17 : memref<16xi32, #tpu.memory_space<vmem>>) target(%dma_start3A_557 : memref<16xi32, #tpu.memory_space<vmem_shared>>) target_semaphore(%run_scoped3A : memref<!tpu.dma_semaphore, #tpu.memory_space<semaphore_mem>>)
      %dma_wait3A_558 = tpu.memref_slice %arg19[%mul3A_159] : memref<256xi32, #tpu.memory_space<vmem_shared>> -> memref<16xi32, #tpu.memory_space<vmem_shared>>
      %dma_wait3A_559 = tpu.memref_slice %arg19[%mul3A_159] : memref<256xi32, #tpu.memory_space<vmem_shared>> -> memref<16xi32, #tpu.memory_space<vmem_shared>>
      tpu.wait_dma2 semaphore(%run_scoped3A : memref<!tpu.dma_semaphore, #tpu.memory_space<semaphore_mem>>) src(%arg17 : memref<16xi32, #tpu.memory_space<vmem>>) dst(%dma_wait3A_559 : memref<16xi32, #tpu.memory_space<vmem_shared>>)
      tpu.yield
    }) : () -> ()
    %barrier3A = arith.constant 0 : index
    tpu.barrier barrier_id(%barrier3A)
    %mul3A_160 = arith.constant 4 : i32
    %mul3A_161 = arith.muli %select_n3A_30, %mul3A_160 : i32
    %add3A_162 = arith.constant 0 : i32
    %add3A_163 = arith.addi %mul3A_161, %add3A_162 : i32
    %mul3A_164 = arith.constant 8 : i32
    %mul3A_165 = arith.muli %add3A_163, %mul3A_164 : i32
    %add3A_166 = arith.addi %mul3A_165, %add3A : i32
    %mul3A_167 = arith.constant 65536 : i32
    %mul3A_168 = arith.muli %add3A_166, %mul3A_167 : i32
    %add3A_169 = arith.constant 0 : i32
    %add3A_170 = arith.addi %mul3A_168, %add3A_169 : i32
    %dma_start3A_171 = tpu.memref_slice %arg5[%add3A_170] : memref<8388608xi32, #tpu.memory_space<hbm>> -> memref<8192xi32, #tpu.memory_space<hbm>>
    %dma_start3A_172 = tpu.memref_slice %arg5[%add3A_170] : memref<8388608xi32, #tpu.memory_space<hbm>> -> memref<8192xi32, #tpu.memory_space<hbm>>
    tpu.enqueue_dma source(%dma_start3A_172 : memref<8192xi32, #tpu.memory_space<hbm>>) target(%arg10 : memref<8192xi32, #tpu.memory_space<vmem>>) target_semaphore(%arg20 : memref<!tpu.dma_semaphore, #tpu.memory_space<semaphore_mem>>)
    %mul3A_173 = arith.constant 4 : i32
    %mul3A_174 = arith.muli %select_n3A_30, %mul3A_173 : i32
    %add3A_175 = arith.constant 0 : i32
    %add3A_176 = arith.addi %mul3A_174, %add3A_175 : i32
    %mul3A_177 = arith.constant 8 : i32
    %mul3A_178 = arith.muli %add3A_176, %mul3A_177 : i32
    %add3A_179 = arith.addi %mul3A_178, %add3A : i32
    %mul3A_180 = arith.constant 65536 : i32
    %mul3A_181 = arith.muli %add3A_179, %mul3A_180 : i32
    %add3A_182 = arith.constant 8192 : i32
    %add3A_183 = arith.addi %mul3A_181, %add3A_182 : i32
    %dma_start3A_184 = tpu.memref_slice %arg5[%add3A_183] : memref<8388608xi32, #tpu.memory_space<hbm>> -> memref<8192xi32, #tpu.memory_space<hbm>>
    %dma_start3A_185 = tpu.memref_slice %arg5[%add3A_183] : memref<8388608xi32, #tpu.memory_space<hbm>> -> memref<8192xi32, #tpu.memory_space<hbm>>
    tpu.enqueue_dma source(%dma_start3A_185 : memref<8192xi32, #tpu.memory_space<hbm>>) target(%arg11 : memref<8192xi32, #tpu.memory_space<vmem>>) target_semaphore(%arg21 : memref<!tpu.dma_semaphore, #tpu.memory_space<semaphore_mem>>)
    %mul3A_186 = arith.constant 2048 : i32
    %mul3A_187 = arith.muli %mul3A_56, %mul3A_186 : i32
    "tpu.region"() ({
      %run_scoped3A = tpu.sem_alloc : memref<!tpu.dma_semaphore, #tpu.memory_space<semaphore_mem>>
      %dma_start3A_556 = tpu.memref_slice %arg18[%mul3A_187] : memref<32768xi32, #tpu.memory_space<vmem_shared>> -> memref<2048xi32, #tpu.memory_space<vmem_shared>>
      %dma_start3A_557 = tpu.memref_slice %arg18[%mul3A_187] : memref<32768xi32, #tpu.memory_space<vmem_shared>> -> memref<2048xi32, #tpu.memory_space<vmem_shared>>
      tpu.enqueue_dma source(%dma_start3A_557 : memref<2048xi32, #tpu.memory_space<vmem_shared>>) target(%arg15 : memref<2048xi32, #tpu.memory_space<vmem>>) target_semaphore(%run_scoped3A : memref<!tpu.dma_semaphore, #tpu.memory_space<semaphore_mem>>)
      %dma_wait3A_558 = tpu.memref_slice %arg18[%mul3A_187] : memref<32768xi32, #tpu.memory_space<vmem_shared>> -> memref<2048xi32, #tpu.memory_space<vmem_shared>>
      %dma_wait3A_559 = tpu.memref_slice %arg18[%mul3A_187] : memref<32768xi32, #tpu.memory_space<vmem_shared>> -> memref<2048xi32, #tpu.memory_space<vmem_shared>>
      tpu.wait_dma2 semaphore(%run_scoped3A : memref<!tpu.dma_semaphore, #tpu.memory_space<semaphore_mem>>) src(%dma_wait3A_559 : memref<2048xi32, #tpu.memory_space<vmem_shared>>) dst(%arg15 : memref<2048xi32, #tpu.memory_space<vmem>>)
      tpu.yield
    }) : () -> ()
    %add3A_188 = arith.constant 1 : i32
    %add3A_189 = arith.addi %mul3A_56, %add3A_188 : i32
    %mul3A_190 = arith.constant 2048 : i32
    %mul3A_191 = arith.muli %add3A_189, %mul3A_190 : i32
    "tpu.region"() ({
      %run_scoped3A = tpu.sem_alloc : memref<!tpu.dma_semaphore, #tpu.memory_space<semaphore_mem>>
      %dma_start3A_556 = tpu.memref_slice %arg18[%mul3A_191] : memref<32768xi32, #tpu.memory_space<vmem_shared>> -> memref<2048xi32, #tpu.memory_space<vmem_shared>>
      %dma_start3A_557 = tpu.memref_slice %arg18[%mul3A_191] : memref<32768xi32, #tpu.memory_space<vmem_shared>> -> memref<2048xi32, #tpu.memory_space<vmem_shared>>
      tpu.enqueue_dma source(%dma_start3A_557 : memref<2048xi32, #tpu.memory_space<vmem_shared>>) target(%arg16 : memref<2048xi32, #tpu.memory_space<vmem>>) target_semaphore(%run_scoped3A : memref<!tpu.dma_semaphore, #tpu.memory_space<semaphore_mem>>)
      %dma_wait3A_558 = tpu.memref_slice %arg18[%mul3A_191] : memref<32768xi32, #tpu.memory_space<vmem_shared>> -> memref<2048xi32, #tpu.memory_space<vmem_shared>>
      %dma_wait3A_559 = tpu.memref_slice %arg18[%mul3A_191] : memref<32768xi32, #tpu.memory_space<vmem_shared>> -> memref<2048xi32, #tpu.memory_space<vmem_shared>>
      tpu.wait_dma2 semaphore(%run_scoped3A : memref<!tpu.dma_semaphore, #tpu.memory_space<semaphore_mem>>) src(%dma_wait3A_559 : memref<2048xi32, #tpu.memory_space<vmem_shared>>) dst(%arg16 : memref<2048xi32, #tpu.memory_space<vmem>>)
      tpu.yield
    }) : () -> ()
    %broadcast_in_dim3A_192 = arith.constant 0 : i32
    %broadcast_in_dim3A_193 = vector.broadcast %broadcast_in_dim3A_192 : i32 to vector<16xi32>
    %scan3A_194 = arith.constant 0 : i32
    %scan3A_195 = arith.constant 128 : i32
    %scan3A_196 = arith.addi %scan3A_194, %scan3A_195 : i32
    %scan3A_197 = arith.constant 1 : i32
    %scan3A_198 = scf.for %scan3A_556 = %scan3A_194 to %scan3A_196 step %scan3A_197 iter_args(%scan3A_557 = %broadcast_in_dim3A_193) -> (vector<16xi32>)  : i32 {
      %mul3A_558 = arith.constant 16 : i32
      %mul3A_559 = arith.muli %scan3A_556, %mul3A_558 : i32
      %get3A_560 = arith.index_cast %mul3A_559 : i32 to index
      %get3A_561 = tpu.vector_load %arg15[%get3A_560] {strides = array<i32>} : memref<2048xi32, #tpu.memory_space<vmem>>, vector<16xi32>,
      %mul3A_562 = arith.constant 16 : i32
      %mul3A_563 = arith.muli %scan3A_556, %mul3A_562 : i32
      %get3A_564 = arith.index_cast %mul3A_563 : i32 to index
      %get3A_565 = tpu.vector_load %arg16[%get3A_564] {strides = array<i32>} : memref<2048xi32, #tpu.memory_space<vmem>>, vector<16xi32>,
      %add3A_566 = arith.addi %get3A_561, %get3A_565 : vector<16xi32>
      %mul3A_567 = arith.constant 16 : i32
      %mul3A_568 = arith.muli %scan3A_556, %mul3A_567 : i32
      %swap3A_569 = arith.index_cast %mul3A_568 : i32 to index
      %swap3A_570 = tpu.vector_load %arg15[%swap3A_569] {strides = array<i32>} : memref<2048xi32, #tpu.memory_space<vmem>>, vector<16xi32>,
      tpu.vector_store %arg15[%swap3A_569], %add3A_566 {strides = array<i32>} : memref<2048xi32, #tpu.memory_space<vmem>>, vector<16xi32>,
      %add3A_571 = arith.addi %scan3A_557, %add3A_566 : vector<16xi32>
      scf.yield %add3A_571 : vector<16xi32>
    }
    %scan3A_199 = arith.constant 128 : i32
    %reduce_sum3A = arith.constant true
    %reduce_sum3A_200 = vector.broadcast %reduce_sum3A : i1 to vector<16xi1>
    %reduce_sum3A_201 = tpu.scan <sum>, %scan3A_198 masked %reduce_sum3A_200 : vector<16xi32>, vector<16xi1> -> vector<16xi32>
    %reduce_sum3A_202 = vector.extract %reduce_sum3A_201[15] : i32 from vector<16xi32>
    %add3A_203 = arith.constant 2 : i32
    %add3A_204 = arith.addi %mul3A_56, %add3A_203 : i32
    %mul3A_205 = arith.constant 2048 : i32
    %mul3A_206 = arith.muli %add3A_204, %mul3A_205 : i32
    "tpu.region"() ({
      %run_scoped3A = tpu.sem_alloc : memref<!tpu.dma_semaphore, #tpu.memory_space<semaphore_mem>>
      %dma_start3A_556 = tpu.memref_slice %arg18[%mul3A_206] : memref<32768xi32, #tpu.memory_space<vmem_shared>> -> memref<2048xi32, #tpu.memory_space<vmem_shared>>
      %dma_start3A_557 = tpu.memref_slice %arg18[%mul3A_206] : memref<32768xi32, #tpu.memory_space<vmem_shared>> -> memref<2048xi32, #tpu.memory_space<vmem_shared>>
      tpu.enqueue_dma source(%dma_start3A_557 : memref<2048xi32, #tpu.memory_space<vmem_shared>>) target(%arg16 : memref<2048xi32, #tpu.memory_space<vmem>>) target_semaphore(%run_scoped3A : memref<!tpu.dma_semaphore, #tpu.memory_space<semaphore_mem>>)
      %dma_wait3A_558 = tpu.memref_slice %arg18[%mul3A_206] : memref<32768xi32, #tpu.memory_space<vmem_shared>> -> memref<2048xi32, #tpu.memory_space<vmem_shared>>
      %dma_wait3A_559 = tpu.memref_slice %arg18[%mul3A_206] : memref<32768xi32, #tpu.memory_space<vmem_shared>> -> memref<2048xi32, #tpu.memory_space<vmem_shared>>
      tpu.wait_dma2 semaphore(%run_scoped3A : memref<!tpu.dma_semaphore, #tpu.memory_space<semaphore_mem>>) src(%dma_wait3A_559 : memref<2048xi32, #tpu.memory_space<vmem_shared>>) dst(%arg16 : memref<2048xi32, #tpu.memory_space<vmem>>)
      tpu.yield
    }) : () -> ()
    %broadcast_in_dim3A_207 = arith.constant 0 : i32
    %broadcast_in_dim3A_208 = vector.broadcast %broadcast_in_dim3A_207 : i32 to vector<16xi32>
    %scan3A_209 = arith.constant 0 : i32
    %scan3A_210 = arith.constant 128 : i32
    %scan3A_211 = arith.addi %scan3A_209, %scan3A_210 : i32
    %scan3A_212 = arith.constant 1 : i32
    %scan3A_213 = scf.for %scan3A_556 = %scan3A_209 to %scan3A_211 step %scan3A_212 iter_args(%scan3A_557 = %broadcast_in_dim3A_208) -> (vector<16xi32>)  : i32 {
      %mul3A_558 = arith.constant 16 : i32
      %mul3A_559 = arith.muli %scan3A_556, %mul3A_558 : i32
      %get3A_560 = arith.index_cast %mul3A_559 : i32 to index
      %get3A_561 = tpu.vector_load %arg15[%get3A_560] {strides = array<i32>} : memref<2048xi32, #tpu.memory_space<vmem>>, vector<16xi32>,
      %mul3A_562 = arith.constant 16 : i32
      %mul3A_563 = arith.muli %scan3A_556, %mul3A_562 : i32
      %get3A_564 = arith.index_cast %mul3A_563 : i32 to index
      %get3A_565 = tpu.vector_load %arg16[%get3A_564] {strides = array<i32>} : memref<2048xi32, #tpu.memory_space<vmem>>, vector<16xi32>,
      %add3A_566 = arith.addi %get3A_561, %get3A_565 : vector<16xi32>
      %mul3A_567 = arith.constant 16 : i32
      %mul3A_568 = arith.muli %scan3A_556, %mul3A_567 : i32
      %swap3A_569 = arith.index_cast %mul3A_568 : i32 to index
      %swap3A_570 = tpu.vector_load %arg15[%swap3A_569] {strides = array<i32>} : memref<2048xi32, #tpu.memory_space<vmem>>, vector<16xi32>,
      tpu.vector_store %arg15[%swap3A_569], %add3A_566 {strides = array<i32>} : memref<2048xi32, #tpu.memory_space<vmem>>, vector<16xi32>,
      %add3A_571 = arith.addi %scan3A_557, %add3A_566 : vector<16xi32>
      scf.yield %add3A_571 : vector<16xi32>
    }
    %scan3A_214 = arith.constant 128 : i32
    %reduce_sum3A_215 = arith.constant true
    %reduce_sum3A_216 = vector.broadcast %reduce_sum3A_215 : i1 to vector<16xi1>
    %reduce_sum3A_217 = tpu.scan <sum>, %scan3A_213 masked %reduce_sum3A_216 : vector<16xi32>, vector<16xi1> -> vector<16xi32>
    %reduce_sum3A_218 = vector.extract %reduce_sum3A_217[15] : i32 from vector<16xi32>
    %add3A_219 = arith.constant 3 : i32
    %add3A_220 = arith.addi %mul3A_56, %add3A_219 : i32
    %mul3A_221 = arith.constant 2048 : i32
    %mul3A_222 = arith.muli %add3A_220, %mul3A_221 : i32
    "tpu.region"() ({
      %run_scoped3A = tpu.sem_alloc : memref<!tpu.dma_semaphore, #tpu.memory_space<semaphore_mem>>
      %dma_start3A_556 = tpu.memref_slice %arg18[%mul3A_222] : memref<32768xi32, #tpu.memory_space<vmem_shared>> -> memref<2048xi32, #tpu.memory_space<vmem_shared>>
      %dma_start3A_557 = tpu.memref_slice %arg18[%mul3A_222] : memref<32768xi32, #tpu.memory_space<vmem_shared>> -> memref<2048xi32, #tpu.memory_space<vmem_shared>>
      tpu.enqueue_dma source(%dma_start3A_557 : memref<2048xi32, #tpu.memory_space<vmem_shared>>) target(%arg16 : memref<2048xi32, #tpu.memory_space<vmem>>) target_semaphore(%run_scoped3A : memref<!tpu.dma_semaphore, #tpu.memory_space<semaphore_mem>>)
      %dma_wait3A_558 = tpu.memref_slice %arg18[%mul3A_222] : memref<32768xi32, #tpu.memory_space<vmem_shared>> -> memref<2048xi32, #tpu.memory_space<vmem_shared>>
      %dma_wait3A_559 = tpu.memref_slice %arg18[%mul3A_222] : memref<32768xi32, #tpu.memory_space<vmem_shared>> -> memref<2048xi32, #tpu.memory_space<vmem_shared>>
      tpu.wait_dma2 semaphore(%run_scoped3A : memref<!tpu.dma_semaphore, #tpu.memory_space<semaphore_mem>>) src(%dma_wait3A_559 : memref<2048xi32, #tpu.memory_space<vmem_shared>>) dst(%arg16 : memref<2048xi32, #tpu.memory_space<vmem>>)
      tpu.yield
    }) : () -> ()
    %broadcast_in_dim3A_223 = arith.constant 0 : i32
    %broadcast_in_dim3A_224 = vector.broadcast %broadcast_in_dim3A_223 : i32 to vector<16xi32>
    %scan3A_225 = arith.constant 0 : i32
    %scan3A_226 = arith.constant 128 : i32
    %scan3A_227 = arith.addi %scan3A_225, %scan3A_226 : i32
    %scan3A_228 = arith.constant 1 : i32
    %scan3A_229 = scf.for %scan3A_556 = %scan3A_225 to %scan3A_227 step %scan3A_228 iter_args(%scan3A_557 = %broadcast_in_dim3A_224) -> (vector<16xi32>)  : i32 {
      %mul3A_558 = arith.constant 16 : i32
      %mul3A_559 = arith.muli %scan3A_556, %mul3A_558 : i32
      %get3A_560 = arith.index_cast %mul3A_559 : i32 to index
      %get3A_561 = tpu.vector_load %arg15[%get3A_560] {strides = array<i32>} : memref<2048xi32, #tpu.memory_space<vmem>>, vector<16xi32>,
      %mul3A_562 = arith.constant 16 : i32
      %mul3A_563 = arith.muli %scan3A_556, %mul3A_562 : i32
      %get3A_564 = arith.index_cast %mul3A_563 : i32 to index
      %get3A_565 = tpu.vector_load %arg16[%get3A_564] {strides = array<i32>} : memref<2048xi32, #tpu.memory_space<vmem>>, vector<16xi32>,
      %add3A_566 = arith.addi %get3A_561, %get3A_565 : vector<16xi32>
      %mul3A_567 = arith.constant 16 : i32
      %mul3A_568 = arith.muli %scan3A_556, %mul3A_567 : i32
      %swap3A_569 = arith.index_cast %mul3A_568 : i32 to index
      %swap3A_570 = tpu.vector_load %arg15[%swap3A_569] {strides = array<i32>} : memref<2048xi32, #tpu.memory_space<vmem>>, vector<16xi32>,
      tpu.vector_store %arg15[%swap3A_569], %add3A_566 {strides = array<i32>} : memref<2048xi32, #tpu.memory_space<vmem>>, vector<16xi32>,
      %add3A_571 = arith.addi %scan3A_557, %add3A_566 : vector<16xi32>
      scf.yield %add3A_571 : vector<16xi32>
    }
    %scan3A_230 = arith.constant 128 : i32
    %reduce_sum3A_231 = arith.constant true
    %reduce_sum3A_232 = vector.broadcast %reduce_sum3A_231 : i1 to vector<16xi1>
    %reduce_sum3A_233 = tpu.scan <sum>, %scan3A_229 masked %reduce_sum3A_232 : vector<16xi32>, vector<16xi1> -> vector<16xi32>
    %reduce_sum3A_234 = vector.extract %reduce_sum3A_233[15] : i32 from vector<16xi32>
    %mul3A_235 = arith.constant 16 : i32
    %mul3A_236 = arith.muli %mul3A_56, %mul3A_235 : i32
    "tpu.region"() ({
      %run_scoped3A = tpu.sem_alloc : memref<!tpu.dma_semaphore, #tpu.memory_space<semaphore_mem>>
      %dma_start3A_556 = arith.constant 0 : i32
      %dma_start3A_557 = tpu.memref_slice %arg14[%dma_start3A_556] : memref<32768xi32, #tpu.memory_space<vmem>> -> memref<64xi32, #tpu.memory_space<vmem>>
      %dma_start3A_558 = tpu.memref_slice %arg19[%mul3A_236] : memref<256xi32, #tpu.memory_space<vmem_shared>> -> memref<64xi32, #tpu.memory_space<vmem_shared>>
      %dma_start3A_559 = arith.constant 0 : i32
      %dma_start3A_560 = tpu.memref_slice %arg14[%dma_start3A_559] : memref<32768xi32, #tpu.memory_space<vmem>> -> memref<64xi32, #tpu.memory_space<vmem>>
      %dma_start3A_561 = tpu.memref_slice %arg19[%mul3A_236] : memref<256xi32, #tpu.memory_space<vmem_shared>> -> memref<64xi32, #tpu.memory_space<vmem_shared>>
      tpu.enqueue_dma source(%dma_start3A_561 : memref<64xi32, #tpu.memory_space<vmem_shared>>) target(%dma_start3A_560 : memref<64xi32, #tpu.memory_space<vmem>>) target_semaphore(%run_scoped3A : memref<!tpu.dma_semaphore, #tpu.memory_space<semaphore_mem>>)
      %dma_wait3A_562 = arith.constant 0 : i32
      %dma_wait3A_563 = tpu.memref_slice %arg14[%dma_wait3A_562] : memref<32768xi32, #tpu.memory_space<vmem>> -> memref<64xi32, #tpu.memory_space<vmem>>
      %dma_wait3A_564 = tpu.memref_slice %arg19[%mul3A_236] : memref<256xi32, #tpu.memory_space<vmem_shared>> -> memref<64xi32, #tpu.memory_space<vmem_shared>>
      %dma_wait3A_565 = arith.constant 0 : i32
      %dma_wait3A_566 = tpu.memref_slice %arg14[%dma_wait3A_565] : memref<32768xi32, #tpu.memory_space<vmem>> -> memref<64xi32, #tpu.memory_space<vmem>>
      %dma_wait3A_567 = tpu.memref_slice %arg19[%mul3A_236] : memref<256xi32, #tpu.memory_space<vmem_shared>> -> memref<64xi32, #tpu.memory_space<vmem_shared>>
      tpu.wait_dma2 semaphore(%run_scoped3A : memref<!tpu.dma_semaphore, #tpu.memory_space<semaphore_mem>>) src(%dma_wait3A_567 : memref<64xi32, #tpu.memory_space<vmem_shared>>) dst(%dma_wait3A_566 : memref<64xi32, #tpu.memory_space<vmem>>)
      tpu.yield
    }) : () -> ()
    %get3A = arith.constant 0 : index
    %get3A_237 = tpu.vector_load %arg14[%get3A] {strides = array<i32>} : memref<32768xi32, #tpu.memory_space<vmem>>, vector<16xi32>,
    %get3A_238 = arith.constant 16 : index
    %get3A_239 = tpu.vector_load %arg14[%get3A_238] {strides = array<i32>} : memref<32768xi32, #tpu.memory_space<vmem>>, vector<16xi32>,
    %add3A_240 = arith.addi %get3A_237, %get3A_239 : vector<16xi32>
    %get3A_241 = arith.constant 32 : index
    %get3A_242 = tpu.vector_load %arg14[%get3A_241] {strides = array<i32>} : memref<32768xi32, #tpu.memory_space<vmem>>, vector<16xi32>,
    %add3A_243 = arith.addi %add3A_240, %get3A_242 : vector<16xi32>
    %get3A_244 = arith.constant 48 : index
    %get3A_245 = tpu.vector_load %arg14[%get3A_244] {strides = array<i32>} : memref<32768xi32, #tpu.memory_space<vmem>>, vector<16xi32>,
    %add3A_246 = arith.addi %add3A_243, %get3A_245 : vector<16xi32>
    %reduce_sum3A_247 = arith.constant true
    %reduce_sum3A_248 = vector.broadcast %reduce_sum3A_247 : i1 to vector<16xi1>
    %reduce_sum3A_249 = tpu.scan <sum>, %add3A_246 masked %reduce_sum3A_248 : vector<16xi32>, vector<16xi1> -> vector<16xi32>
    %reduce_sum3A_250 = vector.extract %reduce_sum3A_249[15] : i32 from vector<16xi32>
    %max3A = arith.constant 1 : i32
    %max3A_251 = arith.maxsi %reduce_sum3A_250, %max3A : i32
    %min3A = arith.minsi %max3A_251, %reduce_sum3A_234 : i32
    %sub3A_252 = arith.subi %reduce_sum3A_234, %min3A : i32
    %add3A_253 = arith.constant 1 : i32
    %add3A_254 = arith.addi %sub3A_252, %add3A_253 : i32
    %iota3A_255 = tpu.iota {dimensions = array<i32: 0>} : vector<16xi32>
    %scan3A_256 = arith.constant 0 : i32
    %scan3A_257 = arith.constant -1 : i32
    %scan3A_258 = arith.constant 0 : i32
    %scan3A_259 = arith.constant 0 : i32
    %scan3A_260 = arith.constant 0 : i32
    %scan3A_261 = arith.constant 128 : i32
    %scan3A_262 = arith.addi %scan3A_260, %scan3A_261 : i32
    %scan3A_263 = arith.constant 1 : i32
    %scan3A_264:4 = scf.for %scan3A_556 = %scan3A_260 to %scan3A_262 step %scan3A_263 iter_args(%scan3A_557 = %scan3A_256, %scan3A_558 = %scan3A_257, %scan3A_559 = %scan3A_258, %scan3A_560 = %scan3A_259) -> (i32, i32, i32, i32)  : i32 {
      %mul3A_561 = arith.constant 16 : i32
      %mul3A_562 = arith.muli %scan3A_556, %mul3A_561 : i32
      %get3A_563 = arith.index_cast %mul3A_562 : i32 to index
      %get3A_564 = tpu.vector_load %arg15[%get3A_563] {strides = array<i32>} : memref<2048xi32, #tpu.memory_space<vmem>>, vector<16xi32>,
      %broadcast_in_dim3A_565 = arith.constant true
      %broadcast_in_dim3A_566 = vector.broadcast %broadcast_in_dim3A_565 : i1 to vector<16xi1>
      %masked_cumsum3A = tpu.scan <sum>, %get3A_564 masked %broadcast_in_dim3A_566 : vector<16xi32>, vector<16xi1> -> vector<16xi32>
      %add3A_567 = vector.broadcast %scan3A_560 : i32 to vector<16xi32>
      %add3A_568 = arith.addi %masked_cumsum3A, %add3A_567 : vector<16xi32>
      %ge3A = vector.broadcast %add3A_254 : i32 to vector<16xi32>
      %ge3A_569 = arith.cmpi sge, %add3A_568, %ge3A : vector<16xi32>
      %convert_element_type3A_570 = arith.extui %ge3A_569 : vector<16xi1> to vector<16xi32>
      %reduce_max3A = arith.constant true
      %reduce_max3A_571 = vector.broadcast %reduce_max3A : i1 to vector<16xi1>
      %reduce_max3A_572 = arith.constant -2147483648 : i32
      %reduce_max3A_573 = vector.broadcast %reduce_max3A_572 : i32 to vector<16xi32>
      %reduce_max3A_574 = arith.xori %convert_element_type3A_570, %reduce_max3A_573 : vector<16xi32>
      %reduce_max3A_575 = tpu.scan <max>, %reduce_max3A_574 masked %reduce_max3A_571 : vector<16xi32>, vector<16xi1> -> vector<16xi32>
      %reduce_max3A_576 = arith.xori %reduce_max3A_575, %reduce_max3A_573 : vector<16xi32>
      %reduce_max3A_577 = vector.extract %reduce_max3A_576[15] : i32 from vector<16xi32>
      %jit3A_578 = arith.constant 16 : i32
      %broadcast_in_dim3A_579 = vector.broadcast %jit3A_578 : i32 to vector<16xi32>
      %select_n3A_580 = arith.select %ge3A_569, %iota3A_255, %broadcast_in_dim3A_579 : vector<16xi1>, vector<16xi32>
      %reduce_min3A = arith.constant true
      %reduce_min3A_581 = vector.broadcast %reduce_min3A : i1 to vector<16xi1>
      %reduce_min3A_582 = arith.constant -2147483648 : i32
      %reduce_min3A_583 = vector.broadcast %reduce_min3A_582 : i32 to vector<16xi32>
      %reduce_min3A_584 = arith.xori %select_n3A_580, %reduce_min3A_583 : vector<16xi32>
      %reduce_min3A_585 = tpu.scan <min>, %reduce_min3A_584 masked %reduce_min3A_581 : vector<16xi32>, vector<16xi1> -> vector<16xi32>
      %reduce_min3A_586 = arith.xori %reduce_min3A_585, %reduce_min3A_583 : vector<16xi32>
      %reduce_min3A_587 = vector.extract %reduce_min3A_586[15] : i32 from vector<16xi32>
      %jit3A_588 = arith.constant 2147483647 : i32
      %broadcast_in_dim3A_589 = vector.broadcast %jit3A_588 : i32 to vector<16xi32>
      %select_n3A_590 = arith.select %ge3A_569, %add3A_568, %broadcast_in_dim3A_589 : vector<16xi1>, vector<16xi32>
      %reduce_min3A_591 = arith.constant true
      %reduce_min3A_592 = vector.broadcast %reduce_min3A_591 : i1 to vector<16xi1>
      %reduce_min3A_593 = arith.constant -2147483648 : i32
      %reduce_min3A_594 = vector.broadcast %reduce_min3A_593 : i32 to vector<16xi32>
      %reduce_min3A_595 = arith.xori %select_n3A_590, %reduce_min3A_594 : vector<16xi32>
      %reduce_min3A_596 = tpu.scan <min>, %reduce_min3A_595 masked %reduce_min3A_592 : vector<16xi32>, vector<16xi1> -> vector<16xi32>
      %reduce_min3A_597 = arith.xori %reduce_min3A_596, %reduce_min3A_594 : vector<16xi32>
      %reduce_min3A_598 = vector.extract %reduce_min3A_597[15] : i32 from vector<16xi32>
      %eq3A_599 = arith.constant 0 : i32
      %eq3A_600 = arith.cmpi eq, %scan3A_557, %eq3A_599 : i32
      %eq3A_601 = arith.constant 1 : i32
      %eq3A_602 = arith.cmpi eq, %reduce_max3A_577, %eq3A_601 : i32
      %and3A_603 = arith.andi %eq3A_600, %eq3A_602 : i1
      %mul3A_604 = arith.constant 16 : i32
      %mul3A_605 = arith.muli %scan3A_556, %mul3A_604 : i32
      %add3A_606 = arith.addi %mul3A_605, %reduce_min3A_587 : i32
      %select_n3A_607 = arith.select %and3A_603, %add3A_606, %scan3A_558 : i32
      %select_n3A_608 = arith.select %and3A_603, %reduce_min3A_598, %scan3A_559 : i32
      %max3A_609 = arith.maxsi %scan3A_557, %reduce_max3A_577 : i32
      %reduce_sum3A_610 = arith.constant true
      %reduce_sum3A_611 = vector.broadcast %reduce_sum3A_610 : i1 to vector<16xi1>
      %reduce_sum3A_612 = tpu.scan <sum>, %get3A_564 masked %reduce_sum3A_611 : vector<16xi32>, vector<16xi1> -> vector<16xi32>
      %reduce_sum3A_613 = vector.extract %reduce_sum3A_612[15] : i32 from vector<16xi32>
      %add3A_614 = arith.addi %scan3A_560, %reduce_sum3A_613 : i32
      scf.yield %max3A_609, %select_n3A_607, %select_n3A_608, %add3A_614 : i32, i32, i32, i32
    }
    %scan3A_265 = arith.constant 128 : i32
    %sub3A_266 = arith.subi %reduce_sum3A_234, %scan3A_264#2 : i32
    %sub3A_267 = arith.subi %min3A, %sub3A_266 : i32
    %gt3A = arith.constant 0 : i32
    %gt3A_268 = arith.cmpi sgt, %reduce_sum3A_234, %gt3A : i32
    %convert_element_type3A = arith.extui %gt3A_268 : i1 to i32
    %barrier3A_269 = arith.constant 0 : index
    tpu.barrier barrier_id(%barrier3A_269)
    %broadcast_in_dim3A_270 = arith.constant 0 : i32
    %broadcast_in_dim3A_271 = vector.broadcast %broadcast_in_dim3A_270 : i32 to vector<16xi32>
    %scan3A_272 = arith.constant 0 : i32
    %scan3A_273 = arith.constant 0 : i32
    %scan3A_274 = arith.constant 256 : i32
    %scan3A_275 = arith.addi %scan3A_273, %scan3A_274 : i32
    %scan3A_276 = arith.constant 1 : i32
    %scan3A_277 = scf.for %scan3A_556 = %scan3A_273 to %scan3A_275 step %scan3A_276 iter_args(%scan3A_557 = %scan3A_272) -> (i32)  : i32 {
      %mul3A_558 = arith.constant 8 : i32
      %mul3A_559 = arith.muli %scan3A_556, %mul3A_558 : i32
      %add3A_560 = arith.constant 0 : i32
      %add3A_561 = arith.addi %mul3A_559, %add3A_560 : i32
      %mul3A_562 = arith.constant 16 : i32
      %mul3A_563 = arith.muli %add3A_561, %mul3A_562 : i32
      %swap3A_564 = arith.index_cast %mul3A_563 : i32 to index
      %swap3A_565 = tpu.vector_load %arg14[%swap3A_564] {strides = array<i32>} : memref<32768xi32, #tpu.memory_space<vmem>>, vector<16xi32>,
      tpu.vector_store %arg14[%swap3A_564], %broadcast_in_dim3A_271 {strides = array<i32>} : memref<32768xi32, #tpu.memory_space<vmem>>, vector<16xi32>,
      %mul3A_566 = arith.constant 8 : i32
      %mul3A_567 = arith.muli %scan3A_556, %mul3A_566 : i32
      %add3A_568 = arith.constant 1 : i32
      %add3A_569 = arith.addi %mul3A_567, %add3A_568 : i32
      %mul3A_570 = arith.constant 16 : i32
      %mul3A_571 = arith.muli %add3A_569, %mul3A_570 : i32
      %swap3A_572 = arith.index_cast %mul3A_571 : i32 to index
      %swap3A_573 = tpu.vector_load %arg14[%swap3A_572] {strides = array<i32>} : memref<32768xi32, #tpu.memory_space<vmem>>, vector<16xi32>,
      tpu.vector_store %arg14[%swap3A_572], %broadcast_in_dim3A_271 {strides = array<i32>} : memref<32768xi32, #tpu.memory_space<vmem>>, vector<16xi32>,
      %mul3A_574 = arith.constant 8 : i32
      %mul3A_575 = arith.muli %scan3A_556, %mul3A_574 : i32
      %add3A_576 = arith.constant 2 : i32
      %add3A_577 = arith.addi %mul3A_575, %add3A_576 : i32
      %mul3A_578 = arith.constant 16 : i32
      %mul3A_579 = arith.muli %add3A_577, %mul3A_578 : i32
      %swap3A_580 = arith.index_cast %mul3A_579 : i32 to index
      %swap3A_581 = tpu.vector_load %arg14[%swap3A_580] {strides = array<i32>} : memref<32768xi32, #tpu.memory_space<vmem>>, vector<16xi32>,
      tpu.vector_store %arg14[%swap3A_580], %broadcast_in_dim3A_271 {strides = array<i32>} : memref<32768xi32, #tpu.memory_space<vmem>>, vector<16xi32>,
      %mul3A_582 = arith.constant 8 : i32
      %mul3A_583 = arith.muli %scan3A_556, %mul3A_582 : i32
      %add3A_584 = arith.constant 3 : i32
      %add3A_585 = arith.addi %mul3A_583, %add3A_584 : i32
      %mul3A_586 = arith.constant 16 : i32
      %mul3A_587 = arith.muli %add3A_585, %mul3A_586 : i32
      %swap3A_588 = arith.index_cast %mul3A_587 : i32 to index
      %swap3A_589 = tpu.vector_load %arg14[%swap3A_588] {strides = array<i32>} : memref<32768xi32, #tpu.memory_space<vmem>>, vector<16xi32>,
      tpu.vector_store %arg14[%swap3A_588], %broadcast_in_dim3A_271 {strides = array<i32>} : memref<32768xi32, #tpu.memory_space<vmem>>, vector<16xi32>,
      %mul3A_590 = arith.constant 8 : i32
      %mul3A_591 = arith.muli %scan3A_556, %mul3A_590 : i32
      %add3A_592 = arith.constant 4 : i32
      %add3A_593 = arith.addi %mul3A_591, %add3A_592 : i32
      %mul3A_594 = arith.constant 16 : i32
      %mul3A_595 = arith.muli %add3A_593, %mul3A_594 : i32
      %swap3A_596 = arith.index_cast %mul3A_595 : i32 to index
      %swap3A_597 = tpu.vector_load %arg14[%swap3A_596] {strides = array<i32>} : memref<32768xi32, #tpu.memory_space<vmem>>, vector<16xi32>,
      tpu.vector_store %arg14[%swap3A_596], %broadcast_in_dim3A_271 {strides = array<i32>} : memref<32768xi32, #tpu.memory_space<vmem>>, vector<16xi32>,
      %mul3A_598 = arith.constant 8 : i32
      %mul3A_599 = arith.muli %scan3A_556, %mul3A_598 : i32
      %add3A_600 = arith.constant 5 : i32
      %add3A_601 = arith.addi %mul3A_599, %add3A_600 : i32
      %mul3A_602 = arith.constant 16 : i32
      %mul3A_603 = arith.muli %add3A_601, %mul3A_602 : i32
      %swap3A_604 = arith.index_cast %mul3A_603 : i32 to index
      %swap3A_605 = tpu.vector_load %arg14[%swap3A_604] {strides = array<i32>} : memref<32768xi32, #tpu.memory_space<vmem>>, vector<16xi32>,
      tpu.vector_store %arg14[%swap3A_604], %broadcast_in_dim3A_271 {strides = array<i32>} : memref<32768xi32, #tpu.memory_space<vmem>>, vector<16xi32>,
      %mul3A_606 = arith.constant 8 : i32
      %mul3A_607 = arith.muli %scan3A_556, %mul3A_606 : i32
      %add3A_608 = arith.constant 6 : i32
      %add3A_609 = arith.addi %mul3A_607, %add3A_608 : i32
      %mul3A_610 = arith.constant 16 : i32
      %mul3A_611 = arith.muli %add3A_609, %mul3A_610 : i32
      %swap3A_612 = arith.index_cast %mul3A_611 : i32 to index
      %swap3A_613 = tpu.vector_load %arg14[%swap3A_612] {strides = array<i32>} : memref<32768xi32, #tpu.memory_space<vmem>>, vector<16xi32>,
      tpu.vector_store %arg14[%swap3A_612], %broadcast_in_dim3A_271 {strides = array<i32>} : memref<32768xi32, #tpu.memory_space<vmem>>, vector<16xi32>,
      %mul3A_614 = arith.constant 8 : i32
      %mul3A_615 = arith.muli %scan3A_556, %mul3A_614 : i32
      %add3A_616 = arith.constant 7 : i32
      %add3A_617 = arith.addi %mul3A_615, %add3A_616 : i32
      %mul3A_618 = arith.constant 16 : i32
      %mul3A_619 = arith.muli %add3A_617, %mul3A_618 : i32
      %swap3A_620 = arith.index_cast %mul3A_619 : i32 to index
      %swap3A_621 = tpu.vector_load %arg14[%swap3A_620] {strides = array<i32>} : memref<32768xi32, #tpu.memory_space<vmem>>, vector<16xi32>,
      tpu.vector_store %arg14[%swap3A_620], %broadcast_in_dim3A_271 {strides = array<i32>} : memref<32768xi32, #tpu.memory_space<vmem>>, vector<16xi32>,
      %scan3A_622 = arith.constant 0 : i32
      scf.yield %scan3A_622 : i32
    }
    %scan3A_278 = arith.constant 256 : i32
    %broadcast_in_dim3A_279 = vector.broadcast %scan3A_264#1 : i32 to vector<16xi32>
    %mul3A_280 = arith.constant 2048 : i32
    %mul3A_281 = vector.broadcast %mul3A_280 : i32 to vector<16xi32>
    %mul3A_282 = arith.muli %iota3A, %mul3A_281 : vector<16xi32>
    %scan3A_283 = arith.constant 0 : i32
    %scan3A_284 = arith.constant 0 : i32
    %scan3A_285 = arith.constant 16 : i32
    %scan3A_286 = arith.addi %scan3A_284, %scan3A_285 : i32
    %scan3A_287 = arith.constant 1 : i32
    %scan3A_288 = scf.for %scan3A_556 = %scan3A_284 to %scan3A_286 step %scan3A_287 iter_args(%scan3A_557 = %scan3A_283) -> (i32)  : i32 {
      %mul3A_558 = arith.constant 2 : i32
      %mul3A_559 = arith.muli %mul3A_558, %scan3A_556 : i32
      %add3A_560 = arith.constant 0 : i32
      %add3A_561 = arith.addi %mul3A_559, %add3A_560 : i32
      %mul3A_562 = arith.constant 4 : i32
      %mul3A_563 = arith.muli %select_n3A_30, %mul3A_562 : i32
      %jit3A_564 = arith.constant 8 : i32
      %div3A_565 = arith.divsi %add3A_561, %jit3A_564 : i32
      %sign3A_566 = arith.constant 0 : i32
      %sign3A_567 = arith.cmpi sgt, %add3A_561, %sign3A_566 : i32
      %sign3A_568 = arith.extui %sign3A_567 : i1 to i32
      %sign3A_569 = arith.constant 0 : i32
      %sign3A_570 = arith.cmpi slt, %add3A_561, %sign3A_569 : i32
      %sign3A_571 = arith.extui %sign3A_570 : i1 to i32
      %sign3A_572 = arith.subi %sign3A_568, %sign3A_571 : i32
      %sign3A_573 = arith.constant 0 : i32
      %sign3A_574 = arith.cmpi sgt, %jit3A_564, %sign3A_573 : i32
      %sign3A_575 = arith.extui %sign3A_574 : i1 to i32
      %sign3A_576 = arith.constant 0 : i32
      %sign3A_577 = arith.cmpi slt, %jit3A_564, %sign3A_576 : i32
      %sign3A_578 = arith.extui %sign3A_577 : i1 to i32
      %sign3A_579 = arith.subi %sign3A_575, %sign3A_578 : i32
      %ne3A_580 = arith.cmpi ne, %sign3A_572, %sign3A_579 : i32
      %rem3A_581 = arith.remsi %add3A_561, %jit3A_564 : i32
      %ne3A_582 = arith.constant 0 : i32
      %ne3A_583 = arith.cmpi ne, %rem3A_581, %ne3A_582 : i32
      %and3A_584 = arith.andi %ne3A_580, %ne3A_583 : i1
      %sub3A_585 = arith.constant 1 : i32
      %sub3A_586 = arith.subi %div3A_565, %sub3A_585 : i32
      %select_n3A_587 = arith.select %and3A_584, %sub3A_586, %div3A_565 : i32
      %add3A_588 = arith.addi %mul3A_563, %select_n3A_587 : i32
      %mul3A_589 = arith.constant 8 : i32
      %mul3A_590 = arith.muli %add3A_588, %mul3A_589 : i32
      %add3A_591 = arith.addi %mul3A_590, %add3A : i32
      %mul3A_592 = arith.constant 65536 : i32
      %mul3A_593 = arith.muli %add3A_591, %mul3A_592 : i32
      %jit3A_594 = arith.constant 8 : i32
      %eq3A_595 = arith.constant 0 : i32
      %eq3A_596 = arith.cmpi eq, %jit3A_594, %eq3A_595 : i32
      %jit3A_597 = arith.constant 1 : i32
      %select_n3A_598 = arith.select %eq3A_596, %jit3A_597, %jit3A_594 : i32
      %rem3A_599 = arith.remsi %add3A_561, %select_n3A_598 : i32
      %ne3A_600 = arith.constant 0 : i32
      %ne3A_601 = arith.cmpi ne, %rem3A_599, %ne3A_600 : i32
      %lt3A_602 = arith.constant 0 : i32
      %lt3A_603 = arith.cmpi slt, %rem3A_599, %lt3A_602 : i32
      %lt3A_604 = arith.constant 0 : i32
      %lt3A_605 = arith.cmpi slt, %select_n3A_598, %lt3A_604 : i32
      %ne3A_606 = arith.xori %lt3A_603, %lt3A_605 : i1
      %and3A_607 = arith.andi %ne3A_606, %ne3A_601 : i1
      %add3A_608 = arith.addi %rem3A_599, %select_n3A_598 : i32
      %select_n3A_609 = arith.select %and3A_607, %add3A_608, %rem3A_599 : i32
      %mul3A_610 = arith.constant 8192 : i32
      %mul3A_611 = arith.muli %select_n3A_609, %mul3A_610 : i32
      %add3A_612 = arith.addi %mul3A_593, %mul3A_611 : i32
      %dma_wait3A_613 = tpu.memref_slice %arg5[%add3A_612] : memref<8388608xi32, #tpu.memory_space<hbm>> -> memref<8192xi32, #tpu.memory_space<hbm>>
      %dma_wait3A_614 = tpu.memref_slice %arg5[%add3A_612] : memref<8388608xi32, #tpu.memory_space<hbm>> -> memref<8192xi32, #tpu.memory_space<hbm>>
      tpu.wait_dma2 semaphore(%arg20 : memref<!tpu.dma_semaphore, #tpu.memory_space<semaphore_mem>>) src(%dma_wait3A_614 : memref<8192xi32, #tpu.memory_space<hbm>>) dst(%arg10 : memref<8192xi32, #tpu.memory_space<vmem>>)
      %parallel_loop3A = arith.constant 0 : i32
      %parallel_loop3A_615 = arith.constant 512 : i32
      %parallel_loop3A_616 = arith.constant 1 : i32
      scf.for %parallel_loop3A_691 = %parallel_loop3A to %parallel_loop3A_615 step %parallel_loop3A_616  : i32 {
        %parallel_loop3A_692 = arith.constant 16 : i32
        %parallel_loop3A_693 = arith.muli %parallel_loop3A_691, %parallel_loop3A_692 : i32
        %parallel_loop3A_694 = arith.index_cast %parallel_loop3A_693 : i32 to index
        %parallel_loop3A_695 = tpu.vector_load %arg10[%parallel_loop3A_694] {strides = array<i32>} : memref<8192xi32, #tpu.memory_space<vmem>>, vector<16xi32>,
        %parallel_loop3A_696 = arith.constant 19 : i32
        %parallel_loop3A_697 = vector.broadcast %parallel_loop3A_696 : i32 to vector<16xi32>
        %parallel_loop3A_698 = arith.shrui %parallel_loop3A_695, %parallel_loop3A_697 : vector<16xi32>
        %parallel_loop3A_699 = arith.cmpi eq, %parallel_loop3A_698, %broadcast_in_dim3A_279 : vector<16xi32>
        %parallel_loop3A_700 = arith.constant 0 : i32
        %parallel_loop3A_701 = vector.broadcast %parallel_loop3A_700 : i32 to vector<16xi32>
        %parallel_loop3A_702 = arith.cmpi ne, %parallel_loop3A_695, %parallel_loop3A_701 : vector<16xi32>
        %parallel_loop3A_703 = arith.andi %parallel_loop3A_699, %parallel_loop3A_702 : vector<16xi1>
        %parallel_loop3A_704 = arith.constant 8 : i32
        %parallel_loop3A_705 = vector.broadcast %parallel_loop3A_704 : i32 to vector<16xi32>
        %parallel_loop3A_706 = arith.shrui %parallel_loop3A_695, %parallel_loop3A_705 : vector<16xi32>
        %parallel_loop3A_707 = arith.constant 2047 : i32
        %parallel_loop3A_708 = vector.broadcast %parallel_loop3A_707 : i32 to vector<16xi32>
        %parallel_loop3A_709 = arith.andi %parallel_loop3A_706, %parallel_loop3A_708 : vector<16xi32>
        %parallel_loop3A_710 = arith.addi %mul3A_282, %parallel_loop3A_709 : vector<16xi32>
        %parallel_loop3A_711 = arith.constant 0 : i32
        %parallel_loop3A_712 = tpu.memref_slice %arg14[%parallel_loop3A_711] : memref<32768xi32, #tpu.memory_space<vmem>> -> memref<32768xi32, #tpu.memory_space<vmem>>
        tpu.vector_store_idx %parallel_loop3A_712[%parallel_loop3A_710], %broadcast_in_dim3A_57 masked %parallel_loop3A_703 {add = true} : memref<32768xi32, #tpu.memory_space<vmem>>[vector<16xi32>], vector<16xi32>, vector<16xi1>
      } {sc.loop_unroll_factor = 8 : i64, sc.parallel_access}
      %add3A_617 = arith.constant 2 : i32
      %add3A_618 = arith.addi %add3A_561, %add3A_617 : i32
      %lt3A_619 = arith.constant 32 : i32
      %lt3A_620 = arith.cmpi slt, %add3A_618, %lt3A_619 : i32
      %convert_element_type3A_621 = arith.extui %lt3A_620 : i1 to i32
      %cond3A = arith.constant 0 : i32
      %cond3A_622 = arith.cmpi ne, %convert_element_type3A_621, %cond3A : i32
      scf.if %cond3A_622 {
        %add3A_691 = arith.constant 2 : i32
        %add3A_692 = arith.addi %add3A_561, %add3A_691 : i32
        %mul3A_693 = arith.constant 4 : i32
        %mul3A_694 = arith.muli %select_n3A_30, %mul3A_693 : i32
        %jit3A_695 = arith.constant 8 : i32
        %div3A_696 = arith.divsi %add3A_692, %jit3A_695 : i32
        %sign3A_697 = arith.constant 0 : i32
        %sign3A_698 = arith.cmpi sgt, %add3A_692, %sign3A_697 : i32
        %sign3A_699 = arith.extui %sign3A_698 : i1 to i32
        %sign3A_700 = arith.constant 0 : i32
        %sign3A_701 = arith.cmpi slt, %add3A_692, %sign3A_700 : i32
        %sign3A_702 = arith.extui %sign3A_701 : i1 to i32
        %sign3A_703 = arith.subi %sign3A_699, %sign3A_702 : i32
        %sign3A_704 = arith.constant 0 : i32
        %sign3A_705 = arith.cmpi sgt, %jit3A_695, %sign3A_704 : i32
        %sign3A_706 = arith.extui %sign3A_705 : i1 to i32
        %sign3A_707 = arith.constant 0 : i32
        %sign3A_708 = arith.cmpi slt, %jit3A_695, %sign3A_707 : i32
        %sign3A_709 = arith.extui %sign3A_708 : i1 to i32
        %sign3A_710 = arith.subi %sign3A_706, %sign3A_709 : i32
        %ne3A_711 = arith.cmpi ne, %sign3A_703, %sign3A_710 : i32
        %rem3A_712 = arith.remsi %add3A_692, %jit3A_695 : i32
        %ne3A_713 = arith.constant 0 : i32
        %ne3A_714 = arith.cmpi ne, %rem3A_712, %ne3A_713 : i32
        %and3A_715 = arith.andi %ne3A_711, %ne3A_714 : i1
        %sub3A_716 = arith.constant 1 : i32
        %sub3A_717 = arith.subi %div3A_696, %sub3A_716 : i32
        %select_n3A_718 = arith.select %and3A_715, %sub3A_717, %div3A_696 : i32
        %add3A_719 = arith.addi %mul3A_694, %select_n3A_718 : i32
        %mul3A_720 = arith.constant 8 : i32
        %mul3A_721 = arith.muli %add3A_719, %mul3A_720 : i32
        %add3A_722 = arith.addi %mul3A_721, %add3A : i32
        %mul3A_723 = arith.constant 65536 : i32
        %mul3A_724 = arith.muli %add3A_722, %mul3A_723 : i32
        %jit3A_725 = arith.constant 8 : i32
        %eq3A_726 = arith.constant 0 : i32
        %eq3A_727 = arith.cmpi eq, %jit3A_725, %eq3A_726 : i32
        %jit3A_728 = arith.constant 1 : i32
        %select_n3A_729 = arith.select %eq3A_727, %jit3A_728, %jit3A_725 : i32
        %rem3A_730 = arith.remsi %add3A_692, %select_n3A_729 : i32
        %ne3A_731 = arith.constant 0 : i32
        %ne3A_732 = arith.cmpi ne, %rem3A_730, %ne3A_731 : i32
        %lt3A_733 = arith.constant 0 : i32
        %lt3A_734 = arith.cmpi slt, %rem3A_730, %lt3A_733 : i32
        %lt3A_735 = arith.constant 0 : i32
        %lt3A_736 = arith.cmpi slt, %select_n3A_729, %lt3A_735 : i32
        %ne3A_737 = arith.xori %lt3A_734, %lt3A_736 : i1
        %and3A_738 = arith.andi %ne3A_737, %ne3A_732 : i1
        %add3A_739 = arith.addi %rem3A_730, %select_n3A_729 : i32
        %select_n3A_740 = arith.select %and3A_738, %add3A_739, %rem3A_730 : i32
        %mul3A_741 = arith.constant 8192 : i32
        %mul3A_742 = arith.muli %select_n3A_740, %mul3A_741 : i32
        %add3A_743 = arith.addi %mul3A_724, %mul3A_742 : i32
        %dma_start3A_744 = tpu.memref_slice %arg5[%add3A_743] : memref<8388608xi32, #tpu.memory_space<hbm>> -> memref<8192xi32, #tpu.memory_space<hbm>>
        %dma_start3A_745 = tpu.memref_slice %arg5[%add3A_743] : memref<8388608xi32, #tpu.memory_space<hbm>> -> memref<8192xi32, #tpu.memory_space<hbm>>
        tpu.enqueue_dma source(%dma_start3A_745 : memref<8192xi32, #tpu.memory_space<hbm>>) target(%arg10 : memref<8192xi32, #tpu.memory_space<vmem>>) target_semaphore(%arg20 : memref<!tpu.dma_semaphore, #tpu.memory_space<semaphore_mem>>)
      } else {
      }
      %mul3A_623 = arith.constant 2 : i32
      %mul3A_624 = arith.muli %mul3A_623, %scan3A_556 : i32
      %add3A_625 = arith.constant 1 : i32
      %add3A_626 = arith.addi %mul3A_624, %add3A_625 : i32
      %mul3A_627 = arith.constant 4 : i32
      %mul3A_628 = arith.muli %select_n3A_30, %mul3A_627 : i32
      %jit3A_629 = arith.constant 8 : i32
      %div3A_630 = arith.divsi %add3A_626, %jit3A_629 : i32
      %sign3A_631 = arith.constant 0 : i32
      %sign3A_632 = arith.cmpi sgt, %add3A_626, %sign3A_631 : i32
      %sign3A_633 = arith.extui %sign3A_632 : i1 to i32
      %sign3A_634 = arith.constant 0 : i32
      %sign3A_635 = arith.cmpi slt, %add3A_626, %sign3A_634 : i32
      %sign3A_636 = arith.extui %sign3A_635 : i1 to i32
      %sign3A_637 = arith.subi %sign3A_633, %sign3A_636 : i32
      %sign3A_638 = arith.constant 0 : i32
      %sign3A_639 = arith.cmpi sgt, %jit3A_629, %sign3A_638 : i32
      %sign3A_640 = arith.extui %sign3A_639 : i1 to i32
      %sign3A_641 = arith.constant 0 : i32
      %sign3A_642 = arith.cmpi slt, %jit3A_629, %sign3A_641 : i32
      %sign3A_643 = arith.extui %sign3A_642 : i1 to i32
      %sign3A_644 = arith.subi %sign3A_640, %sign3A_643 : i32
      %ne3A_645 = arith.cmpi ne, %sign3A_637, %sign3A_644 : i32
      %rem3A_646 = arith.remsi %add3A_626, %jit3A_629 : i32
      %ne3A_647 = arith.constant 0 : i32
      %ne3A_648 = arith.cmpi ne, %rem3A_646, %ne3A_647 : i32
      %and3A_649 = arith.andi %ne3A_645, %ne3A_648 : i1
      %sub3A_650 = arith.constant 1 : i32
      %sub3A_651 = arith.subi %div3A_630, %sub3A_650 : i32
      %select_n3A_652 = arith.select %and3A_649, %sub3A_651, %div3A_630 : i32
      %add3A_653 = arith.addi %mul3A_628, %select_n3A_652 : i32
      %mul3A_654 = arith.constant 8 : i32
      %mul3A_655 = arith.muli %add3A_653, %mul3A_654 : i32
      %add3A_656 = arith.addi %mul3A_655, %add3A : i32
      %mul3A_657 = arith.constant 65536 : i32
      %mul3A_658 = arith.muli %add3A_656, %mul3A_657 : i32
      %jit3A_659 = arith.constant 8 : i32
      %eq3A_660 = arith.constant 0 : i32
      %eq3A_661 = arith.cmpi eq, %jit3A_659, %eq3A_660 : i32
      %jit3A_662 = arith.constant 1 : i32
      %select_n3A_663 = arith.select %eq3A_661, %jit3A_662, %jit3A_659 : i32
      %rem3A_664 = arith.remsi %add3A_626, %select_n3A_663 : i32
      %ne3A_665 = arith.constant 0 : i32
      %ne3A_666 = arith.cmpi ne, %rem3A_664, %ne3A_665 : i32
      %lt3A_667 = arith.constant 0 : i32
      %lt3A_668 = arith.cmpi slt, %rem3A_664, %lt3A_667 : i32
      %lt3A_669 = arith.constant 0 : i32
      %lt3A_670 = arith.cmpi slt, %select_n3A_663, %lt3A_669 : i32
      %ne3A_671 = arith.xori %lt3A_668, %lt3A_670 : i1
      %and3A_672 = arith.andi %ne3A_671, %ne3A_666 : i1
      %add3A_673 = arith.addi %rem3A_664, %select_n3A_663 : i32
      %select_n3A_674 = arith.select %and3A_672, %add3A_673, %rem3A_664 : i32
      %mul3A_675 = arith.constant 8192 : i32
      %mul3A_676 = arith.muli %select_n3A_674, %mul3A_675 : i32
      %add3A_677 = arith.addi %mul3A_658, %mul3A_676 : i32
      %dma_wait3A_678 = tpu.memref_slice %arg5[%add3A_677] : memref<8388608xi32, #tpu.memory_space<hbm>> -> memref<8192xi32, #tpu.memory_space<hbm>>
      %dma_wait3A_679 = tpu.memref_slice %arg5[%add3A_677] : memref<8388608xi32, #tpu.memory_space<hbm>> -> memref<8192xi32, #tpu.memory_space<hbm>>
      tpu.wait_dma2 semaphore(%arg21 : memref<!tpu.dma_semaphore, #tpu.memory_space<semaphore_mem>>) src(%dma_wait3A_679 : memref<8192xi32, #tpu.memory_space<hbm>>) dst(%arg11 : memref<8192xi32, #tpu.memory_space<vmem>>)
      %parallel_loop3A_680 = arith.constant 0 : i32
      %parallel_loop3A_681 = arith.constant 512 : i32
      %parallel_loop3A_682 = arith.constant 1 : i32
      scf.for %parallel_loop3A_691 = %parallel_loop3A_680 to %parallel_loop3A_681 step %parallel_loop3A_682  : i32 {
        %parallel_loop3A_692 = arith.constant 16 : i32
        %parallel_loop3A_693 = arith.muli %parallel_loop3A_691, %parallel_loop3A_692 : i32
        %parallel_loop3A_694 = arith.index_cast %parallel_loop3A_693 : i32 to index
        %parallel_loop3A_695 = tpu.vector_load %arg11[%parallel_loop3A_694] {strides = array<i32>} : memref<8192xi32, #tpu.memory_space<vmem>>, vector<16xi32>,
        %parallel_loop3A_696 = arith.constant 19 : i32
        %parallel_loop3A_697 = vector.broadcast %parallel_loop3A_696 : i32 to vector<16xi32>
        %parallel_loop3A_698 = arith.shrui %parallel_loop3A_695, %parallel_loop3A_697 : vector<16xi32>
        %parallel_loop3A_699 = arith.cmpi eq, %parallel_loop3A_698, %broadcast_in_dim3A_279 : vector<16xi32>
        %parallel_loop3A_700 = arith.constant 0 : i32
        %parallel_loop3A_701 = vector.broadcast %parallel_loop3A_700 : i32 to vector<16xi32>
        %parallel_loop3A_702 = arith.cmpi ne, %parallel_loop3A_695, %parallel_loop3A_701 : vector<16xi32>
        %parallel_loop3A_703 = arith.andi %parallel_loop3A_699, %parallel_loop3A_702 : vector<16xi1>
        %parallel_loop3A_704 = arith.constant 8 : i32
        %parallel_loop3A_705 = vector.broadcast %parallel_loop3A_704 : i32 to vector<16xi32>
        %parallel_loop3A_706 = arith.shrui %parallel_loop3A_695, %parallel_loop3A_705 : vector<16xi32>
        %parallel_loop3A_707 = arith.constant 2047 : i32
        %parallel_loop3A_708 = vector.broadcast %parallel_loop3A_707 : i32 to vector<16xi32>
        %parallel_loop3A_709 = arith.andi %parallel_loop3A_706, %parallel_loop3A_708 : vector<16xi32>
        %parallel_loop3A_710 = arith.addi %mul3A_282, %parallel_loop3A_709 : vector<16xi32>
        %parallel_loop3A_711 = arith.constant 0 : i32
        %parallel_loop3A_712 = tpu.memref_slice %arg14[%parallel_loop3A_711] : memref<32768xi32, #tpu.memory_space<vmem>> -> memref<32768xi32, #tpu.memory_space<vmem>>
        tpu.vector_store_idx %parallel_loop3A_712[%parallel_loop3A_710], %broadcast_in_dim3A_57 masked %parallel_loop3A_703 {add = true} : memref<32768xi32, #tpu.memory_space<vmem>>[vector<16xi32>], vector<16xi32>, vector<16xi1>
      } {sc.loop_unroll_factor = 8 : i64, sc.parallel_access}
      %add3A_683 = arith.constant 2 : i32
      %add3A_684 = arith.addi %add3A_626, %add3A_683 : i32
      %lt3A_685 = arith.constant 32 : i32
      %lt3A_686 = arith.cmpi slt, %add3A_684, %lt3A_685 : i32
      %convert_element_type3A_687 = arith.extui %lt3A_686 : i1 to i32
      %cond3A_688 = arith.constant 0 : i32
      %cond3A_689 = arith.cmpi ne, %convert_element_type3A_687, %cond3A_688 : i32
      scf.if %cond3A_689 {
        %add3A_691 = arith.constant 2 : i32
        %add3A_692 = arith.addi %add3A_626, %add3A_691 : i32
        %mul3A_693 = arith.constant 4 : i32
        %mul3A_694 = arith.muli %select_n3A_30, %mul3A_693 : i32
        %jit3A_695 = arith.constant 8 : i32
        %div3A_696 = arith.divsi %add3A_692, %jit3A_695 : i32
        %sign3A_697 = arith.constant 0 : i32
        %sign3A_698 = arith.cmpi sgt, %add3A_692, %sign3A_697 : i32
        %sign3A_699 = arith.extui %sign3A_698 : i1 to i32
        %sign3A_700 = arith.constant 0 : i32
        %sign3A_701 = arith.cmpi slt, %add3A_692, %sign3A_700 : i32
        %sign3A_702 = arith.extui %sign3A_701 : i1 to i32
        %sign3A_703 = arith.subi %sign3A_699, %sign3A_702 : i32
        %sign3A_704 = arith.constant 0 : i32
        %sign3A_705 = arith.cmpi sgt, %jit3A_695, %sign3A_704 : i32
        %sign3A_706 = arith.extui %sign3A_705 : i1 to i32
        %sign3A_707 = arith.constant 0 : i32
        %sign3A_708 = arith.cmpi slt, %jit3A_695, %sign3A_707 : i32
        %sign3A_709 = arith.extui %sign3A_708 : i1 to i32
        %sign3A_710 = arith.subi %sign3A_706, %sign3A_709 : i32
        %ne3A_711 = arith.cmpi ne, %sign3A_703, %sign3A_710 : i32
        %rem3A_712 = arith.remsi %add3A_692, %jit3A_695 : i32
        %ne3A_713 = arith.constant 0 : i32
        %ne3A_714 = arith.cmpi ne, %rem3A_712, %ne3A_713 : i32
        %and3A_715 = arith.andi %ne3A_711, %ne3A_714 : i1
        %sub3A_716 = arith.constant 1 : i32
        %sub3A_717 = arith.subi %div3A_696, %sub3A_716 : i32
        %select_n3A_718 = arith.select %and3A_715, %sub3A_717, %div3A_696 : i32
        %add3A_719 = arith.addi %mul3A_694, %select_n3A_718 : i32
        %mul3A_720 = arith.constant 8 : i32
        %mul3A_721 = arith.muli %add3A_719, %mul3A_720 : i32
        %add3A_722 = arith.addi %mul3A_721, %add3A : i32
        %mul3A_723 = arith.constant 65536 : i32
        %mul3A_724 = arith.muli %add3A_722, %mul3A_723 : i32
        %jit3A_725 = arith.constant 8 : i32
        %eq3A_726 = arith.constant 0 : i32
        %eq3A_727 = arith.cmpi eq, %jit3A_725, %eq3A_726 : i32
        %jit3A_728 = arith.constant 1 : i32
        %select_n3A_729 = arith.select %eq3A_727, %jit3A_728, %jit3A_725 : i32
        %rem3A_730 = arith.remsi %add3A_692, %select_n3A_729 : i32
        %ne3A_731 = arith.constant 0 : i32
        %ne3A_732 = arith.cmpi ne, %rem3A_730, %ne3A_731 : i32
        %lt3A_733 = arith.constant 0 : i32
        %lt3A_734 = arith.cmpi slt, %rem3A_730, %lt3A_733 : i32
        %lt3A_735 = arith.constant 0 : i32
        %lt3A_736 = arith.cmpi slt, %select_n3A_729, %lt3A_735 : i32
        %ne3A_737 = arith.xori %lt3A_734, %lt3A_736 : i1
        %and3A_738 = arith.andi %ne3A_737, %ne3A_732 : i1
        %add3A_739 = arith.addi %rem3A_730, %select_n3A_729 : i32
        %select_n3A_740 = arith.select %and3A_738, %add3A_739, %rem3A_730 : i32
        %mul3A_741 = arith.constant 8192 : i32
        %mul3A_742 = arith.muli %select_n3A_740, %mul3A_741 : i32
        %add3A_743 = arith.addi %mul3A_724, %mul3A_742 : i32
        %dma_start3A_744 = tpu.memref_slice %arg5[%add3A_743] : memref<8388608xi32, #tpu.memory_space<hbm>> -> memref<8192xi32, #tpu.memory_space<hbm>>
        %dma_start3A_745 = tpu.memref_slice %arg5[%add3A_743] : memref<8388608xi32, #tpu.memory_space<hbm>> -> memref<8192xi32, #tpu.memory_space<hbm>>
        tpu.enqueue_dma source(%dma_start3A_745 : memref<8192xi32, #tpu.memory_space<hbm>>) target(%arg11 : memref<8192xi32, #tpu.memory_space<vmem>>) target_semaphore(%arg21 : memref<!tpu.dma_semaphore, #tpu.memory_space<semaphore_mem>>)
      } else {
      }
      %scan3A_690 = arith.constant 0 : i32
      scf.yield %scan3A_690 : i32
    }
    %scan3A_289 = arith.constant 16 : i32
    %scan3A_290 = arith.constant 0 : i32
    %scan3A_291 = arith.constant 0 : i32
    %scan3A_292 = arith.constant 128 : i32
    %scan3A_293 = arith.addi %scan3A_291, %scan3A_292 : i32
    %scan3A_294 = arith.constant 1 : i32
    %scan3A_295 = scf.for %scan3A_556 = %scan3A_291 to %scan3A_293 step %scan3A_294 iter_args(%scan3A_557 = %scan3A_290) -> (i32)  : i32 {
      %mul3A_558 = arith.constant 16 : i32
      %mul3A_559 = arith.muli %scan3A_556, %mul3A_558 : i32
      %get3A_560 = arith.index_cast %mul3A_559 : i32 to index
      %get3A_561 = tpu.vector_load %arg14[%get3A_560] {strides = array<i32>} : memref<32768xi32, #tpu.memory_space<vmem>>, vector<16xi32>,
      %mul3A_562 = arith.constant 16 : i32
      %mul3A_563 = arith.muli %scan3A_556, %mul3A_562 : i32
      %add3A_564 = arith.constant 2048 : i32
      %add3A_565 = arith.addi %add3A_564, %mul3A_563 : i32
      %get3A_566 = arith.index_cast %add3A_565 : i32 to index
      %get3A_567 = tpu.vector_load %arg14[%get3A_566] {strides = array<i32>} : memref<32768xi32, #tpu.memory_space<vmem>>, vector<16xi32>,
      %add3A_568 = arith.addi %get3A_561, %get3A_567 : vector<16xi32>
      %mul3A_569 = arith.constant 16 : i32
      %mul3A_570 = arith.muli %scan3A_556, %mul3A_569 : i32
      %add3A_571 = arith.constant 4096 : i32
      %add3A_572 = arith.addi %add3A_571, %mul3A_570 : i32
      %get3A_573 = arith.index_cast %add3A_572 : i32 to index
      %get3A_574 = tpu.vector_load %arg14[%get3A_573] {strides = array<i32>} : memref<32768xi32, #tpu.memory_space<vmem>>, vector<16xi32>,
      %add3A_575 = arith.addi %add3A_568, %get3A_574 : vector<16xi32>
      %mul3A_576 = arith.constant 16 : i32
      %mul3A_577 = arith.muli %scan3A_556, %mul3A_576 : i32
      %add3A_578 = arith.constant 6144 : i32
      %add3A_579 = arith.addi %add3A_578, %mul3A_577 : i32
      %get3A_580 = arith.index_cast %add3A_579 : i32 to index
      %get3A_581 = tpu.vector_load %arg14[%get3A_580] {strides = array<i32>} : memref<32768xi32, #tpu.memory_space<vmem>>, vector<16xi32>,
      %add3A_582 = arith.addi %add3A_575, %get3A_581 : vector<16xi32>
      %mul3A_583 = arith.constant 16 : i32
      %mul3A_584 = arith.muli %scan3A_556, %mul3A_583 : i32
      %add3A_585 = arith.constant 8192 : i32
      %add3A_586 = arith.addi %add3A_585, %mul3A_584 : i32
      %get3A_587 = arith.index_cast %add3A_586 : i32 to index
      %get3A_588 = tpu.vector_load %arg14[%get3A_587] {strides = array<i32>} : memref<32768xi32, #tpu.memory_space<vmem>>, vector<16xi32>,
      %add3A_589 = arith.addi %add3A_582, %get3A_588 : vector<16xi32>
      %mul3A_590 = arith.constant 16 : i32
      %mul3A_591 = arith.muli %scan3A_556, %mul3A_590 : i32
      %add3A_592 = arith.constant 10240 : i32
      %add3A_593 = arith.addi %add3A_592, %mul3A_591 : i32
      %get3A_594 = arith.index_cast %add3A_593 : i32 to index
      %get3A_595 = tpu.vector_load %arg14[%get3A_594] {strides = array<i32>} : memref<32768xi32, #tpu.memory_space<vmem>>, vector<16xi32>,
      %add3A_596 = arith.addi %add3A_589, %get3A_595 : vector<16xi32>
      %mul3A_597 = arith.constant 16 : i32
      %mul3A_598 = arith.muli %scan3A_556, %mul3A_597 : i32
      %add3A_599 = arith.constant 12288 : i32
      %add3A_600 = arith.addi %add3A_599, %mul3A_598 : i32
      %get3A_601 = arith.index_cast %add3A_600 : i32 to index
      %get3A_602 = tpu.vector_load %arg14[%get3A_601] {strides = array<i32>} : memref<32768xi32, #tpu.memory_space<vmem>>, vector<16xi32>,
      %add3A_603 = arith.addi %add3A_596, %get3A_602 : vector<16xi32>
      %mul3A_604 = arith.constant 16 : i32
      %mul3A_605 = arith.muli %scan3A_556, %mul3A_604 : i32
      %add3A_606 = arith.constant 14336 : i32
      %add3A_607 = arith.addi %add3A_606, %mul3A_605 : i32
      %get3A_608 = arith.index_cast %add3A_607 : i32 to index
      %get3A_609 = tpu.vector_load %arg14[%get3A_608] {strides = array<i32>} : memref<32768xi32, #tpu.memory_space<vmem>>, vector<16xi32>,
      %add3A_610 = arith.addi %add3A_603, %get3A_609 : vector<16xi32>
      %mul3A_611 = arith.constant 16 : i32
      %mul3A_612 = arith.muli %scan3A_556, %mul3A_611 : i32
      %add3A_613 = arith.constant 16384 : i32
      %add3A_614 = arith.addi %add3A_613, %mul3A_612 : i32
      %get3A_615 = arith.index_cast %add3A_614 : i32 to index
      %get3A_616 = tpu.vector_load %arg14[%get3A_615] {strides = array<i32>} : memref<32768xi32, #tpu.memory_space<vmem>>, vector<16xi32>,
      %add3A_617 = arith.addi %add3A_610, %get3A_616 : vector<16xi32>
      %mul3A_618 = arith.constant 16 : i32
      %mul3A_619 = arith.muli %scan3A_556, %mul3A_618 : i32
      %add3A_620 = arith.constant 18432 : i32
      %add3A_621 = arith.addi %add3A_620, %mul3A_619 : i32
      %get3A_622 = arith.index_cast %add3A_621 : i32 to index
      %get3A_623 = tpu.vector_load %arg14[%get3A_622] {strides = array<i32>} : memref<32768xi32, #tpu.memory_space<vmem>>, vector<16xi32>,
      %add3A_624 = arith.addi %add3A_617, %get3A_623 : vector<16xi32>
      %mul3A_625 = arith.constant 16 : i32
      %mul3A_626 = arith.muli %scan3A_556, %mul3A_625 : i32
      %add3A_627 = arith.constant 20480 : i32
      %add3A_628 = arith.addi %add3A_627, %mul3A_626 : i32
      %get3A_629 = arith.index_cast %add3A_628 : i32 to index
      %get3A_630 = tpu.vector_load %arg14[%get3A_629] {strides = array<i32>} : memref<32768xi32, #tpu.memory_space<vmem>>, vector<16xi32>,
      %add3A_631 = arith.addi %add3A_624, %get3A_630 : vector<16xi32>
      %mul3A_632 = arith.constant 16 : i32
      %mul3A_633 = arith.muli %scan3A_556, %mul3A_632 : i32
      %add3A_634 = arith.constant 22528 : i32
      %add3A_635 = arith.addi %add3A_634, %mul3A_633 : i32
      %get3A_636 = arith.index_cast %add3A_635 : i32 to index
      %get3A_637 = tpu.vector_load %arg14[%get3A_636] {strides = array<i32>} : memref<32768xi32, #tpu.memory_space<vmem>>, vector<16xi32>,
      %add3A_638 = arith.addi %add3A_631, %get3A_637 : vector<16xi32>
      %mul3A_639 = arith.constant 16 : i32
      %mul3A_640 = arith.muli %scan3A_556, %mul3A_639 : i32
      %add3A_641 = arith.constant 24576 : i32
      %add3A_642 = arith.addi %add3A_641, %mul3A_640 : i32
      %get3A_643 = arith.index_cast %add3A_642 : i32 to index
      %get3A_644 = tpu.vector_load %arg14[%get3A_643] {strides = array<i32>} : memref<32768xi32, #tpu.memory_space<vmem>>, vector<16xi32>,
      %add3A_645 = arith.addi %add3A_638, %get3A_644 : vector<16xi32>
      %mul3A_646 = arith.constant 16 : i32
      %mul3A_647 = arith.muli %scan3A_556, %mul3A_646 : i32
      %add3A_648 = arith.constant 26624 : i32
      %add3A_649 = arith.addi %add3A_648, %mul3A_647 : i32
      %get3A_650 = arith.index_cast %add3A_649 : i32 to index
      %get3A_651 = tpu.vector_load %arg14[%get3A_650] {strides = array<i32>} : memref<32768xi32, #tpu.memory_space<vmem>>, vector<16xi32>,
      %add3A_652 = arith.addi %add3A_645, %get3A_651 : vector<16xi32>
      %mul3A_653 = arith.constant 16 : i32
      %mul3A_654 = arith.muli %scan3A_556, %mul3A_653 : i32
      %add3A_655 = arith.constant 28672 : i32
      %add3A_656 = arith.addi %add3A_655, %mul3A_654 : i32
      %get3A_657 = arith.index_cast %add3A_656 : i32 to index
      %get3A_658 = tpu.vector_load %arg14[%get3A_657] {strides = array<i32>} : memref<32768xi32, #tpu.memory_space<vmem>>, vector<16xi32>,
      %add3A_659 = arith.addi %add3A_652, %get3A_658 : vector<16xi32>
      %mul3A_660 = arith.constant 16 : i32
      %mul3A_661 = arith.muli %scan3A_556, %mul3A_660 : i32
      %add3A_662 = arith.constant 30720 : i32
      %add3A_663 = arith.addi %add3A_662, %mul3A_661 : i32
      %get3A_664 = arith.index_cast %add3A_663 : i32 to index
      %get3A_665 = tpu.vector_load %arg14[%get3A_664] {strides = array<i32>} : memref<32768xi32, #tpu.memory_space<vmem>>, vector<16xi32>,
      %add3A_666 = arith.addi %add3A_659, %get3A_665 : vector<16xi32>
      %mul3A_667 = arith.constant 16 : i32
      %mul3A_668 = arith.muli %scan3A_556, %mul3A_667 : i32
      %swap3A_669 = arith.index_cast %mul3A_668 : i32 to index
      %swap3A_670 = tpu.vector_load %arg15[%swap3A_669] {strides = array<i32>} : memref<2048xi32, #tpu.memory_space<vmem>>, vector<16xi32>,
      tpu.vector_store %arg15[%swap3A_669], %add3A_666 {strides = array<i32>} : memref<2048xi32, #tpu.memory_space<vmem>>, vector<16xi32>,
      %scan3A_671 = arith.constant 0 : i32
      scf.yield %scan3A_671 : i32
    }
    %scan3A_296 = arith.constant 128 : i32
    %mul3A_297 = arith.constant 2048 : i32
    %mul3A_298 = arith.muli %arg1, %mul3A_297 : i32
    "tpu.region"() ({
      %run_scoped3A = tpu.sem_alloc : memref<!tpu.dma_semaphore, #tpu.memory_space<semaphore_mem>>
      %dma_start3A_556 = tpu.memref_slice %arg18[%mul3A_298] : memref<32768xi32, #tpu.memory_space<vmem_shared>> -> memref<2048xi32, #tpu.memory_space<vmem_shared>>
      %dma_start3A_557 = tpu.memref_slice %arg18[%mul3A_298] : memref<32768xi32, #tpu.memory_space<vmem_shared>> -> memref<2048xi32, #tpu.memory_space<vmem_shared>>
      tpu.enqueue_dma source(%arg15 : memref<2048xi32, #tpu.memory_space<vmem>>) target(%dma_start3A_557 : memref<2048xi32, #tpu.memory_space<vmem_shared>>) target_semaphore(%run_scoped3A : memref<!tpu.dma_semaphore, #tpu.memory_space<semaphore_mem>>)
      %dma_wait3A_558 = tpu.memref_slice %arg18[%mul3A_298] : memref<32768xi32, #tpu.memory_space<vmem_shared>> -> memref<2048xi32, #tpu.memory_space<vmem_shared>>
      %dma_wait3A_559 = tpu.memref_slice %arg18[%mul3A_298] : memref<32768xi32, #tpu.memory_space<vmem_shared>> -> memref<2048xi32, #tpu.memory_space<vmem_shared>>
      tpu.wait_dma2 semaphore(%run_scoped3A : memref<!tpu.dma_semaphore, #tpu.memory_space<semaphore_mem>>) src(%arg15 : memref<2048xi32, #tpu.memory_space<vmem>>) dst(%dma_wait3A_559 : memref<2048xi32, #tpu.memory_space<vmem_shared>>)
      tpu.yield
    }) : () -> ()
    %barrier3A_299 = arith.constant 0 : index
    tpu.barrier barrier_id(%barrier3A_299)
    %mul3A_300 = arith.constant 4 : i32
    %mul3A_301 = arith.muli %select_n3A_30, %mul3A_300 : i32
    %add3A_302 = arith.constant 0 : i32
    %add3A_303 = arith.addi %mul3A_301, %add3A_302 : i32
    %mul3A_304 = arith.constant 8 : i32
    %mul3A_305 = arith.muli %add3A_303, %mul3A_304 : i32
    %add3A_306 = arith.addi %mul3A_305, %add3A : i32
    %mul3A_307 = arith.constant 65536 : i32
    %mul3A_308 = arith.muli %add3A_306, %mul3A_307 : i32
    %add3A_309 = arith.constant 0 : i32
    %add3A_310 = arith.addi %mul3A_308, %add3A_309 : i32
    %dma_start3A_311 = tpu.memref_slice %arg5[%add3A_310] : memref<8388608xi32, #tpu.memory_space<hbm>> -> memref<8192xi32, #tpu.memory_space<hbm>>
    %dma_start3A_312 = tpu.memref_slice %arg5[%add3A_310] : memref<8388608xi32, #tpu.memory_space<hbm>> -> memref<8192xi32, #tpu.memory_space<hbm>>
    tpu.enqueue_dma source(%dma_start3A_312 : memref<8192xi32, #tpu.memory_space<hbm>>) target(%arg10 : memref<8192xi32, #tpu.memory_space<vmem>>) target_semaphore(%arg20 : memref<!tpu.dma_semaphore, #tpu.memory_space<semaphore_mem>>)
    %mul3A_313 = arith.constant 4 : i32
    %mul3A_314 = arith.muli %select_n3A_30, %mul3A_313 : i32
    %add3A_315 = arith.constant 0 : i32
    %add3A_316 = arith.addi %mul3A_314, %add3A_315 : i32
    %mul3A_317 = arith.constant 8 : i32
    %mul3A_318 = arith.muli %add3A_316, %mul3A_317 : i32
    %add3A_319 = arith.addi %mul3A_318, %add3A : i32
    %mul3A_320 = arith.constant 65536 : i32
    %mul3A_321 = arith.muli %add3A_319, %mul3A_320 : i32
    %add3A_322 = arith.constant 8192 : i32
    %add3A_323 = arith.addi %mul3A_321, %add3A_322 : i32
    %dma_start3A_324 = tpu.memref_slice %arg5[%add3A_323] : memref<8388608xi32, #tpu.memory_space<hbm>> -> memref<8192xi32, #tpu.memory_space<hbm>>
    %dma_start3A_325 = tpu.memref_slice %arg5[%add3A_323] : memref<8388608xi32, #tpu.memory_space<hbm>> -> memref<8192xi32, #tpu.memory_space<hbm>>
    tpu.enqueue_dma source(%dma_start3A_325 : memref<8192xi32, #tpu.memory_space<hbm>>) target(%arg11 : memref<8192xi32, #tpu.memory_space<vmem>>) target_semaphore(%arg21 : memref<!tpu.dma_semaphore, #tpu.memory_space<semaphore_mem>>)
    %mul3A_326 = arith.constant 2048 : i32
    %mul3A_327 = arith.muli %mul3A_56, %mul3A_326 : i32
    "tpu.region"() ({
      %run_scoped3A = tpu.sem_alloc : memref<!tpu.dma_semaphore, #tpu.memory_space<semaphore_mem>>
      %dma_start3A_556 = tpu.memref_slice %arg18[%mul3A_327] : memref<32768xi32, #tpu.memory_space<vmem_shared>> -> memref<2048xi32, #tpu.memory_space<vmem_shared>>
      %dma_start3A_557 = tpu.memref_slice %arg18[%mul3A_327] : memref<32768xi32, #tpu.memory_space<vmem_shared>> -> memref<2048xi32, #tpu.memory_space<vmem_shared>>
      tpu.enqueue_dma source(%dma_start3A_557 : memref<2048xi32, #tpu.memory_space<vmem_shared>>) target(%arg15 : memref<2048xi32, #tpu.memory_space<vmem>>) target_semaphore(%run_scoped3A : memref<!tpu.dma_semaphore, #tpu.memory_space<semaphore_mem>>)
      %dma_wait3A_558 = tpu.memref_slice %arg18[%mul3A_327] : memref<32768xi32, #tpu.memory_space<vmem_shared>> -> memref<2048xi32, #tpu.memory_space<vmem_shared>>
      %dma_wait3A_559 = tpu.memref_slice %arg18[%mul3A_327] : memref<32768xi32, #tpu.memory_space<vmem_shared>> -> memref<2048xi32, #tpu.memory_space<vmem_shared>>
      tpu.wait_dma2 semaphore(%run_scoped3A : memref<!tpu.dma_semaphore, #tpu.memory_space<semaphore_mem>>) src(%dma_wait3A_559 : memref<2048xi32, #tpu.memory_space<vmem_shared>>) dst(%arg15 : memref<2048xi32, #tpu.memory_space<vmem>>)
      tpu.yield
    }) : () -> ()
    %add3A_328 = arith.constant 1 : i32
    %add3A_329 = arith.addi %mul3A_56, %add3A_328 : i32
    %mul3A_330 = arith.constant 2048 : i32
    %mul3A_331 = arith.muli %add3A_329, %mul3A_330 : i32
    "tpu.region"() ({
      %run_scoped3A = tpu.sem_alloc : memref<!tpu.dma_semaphore, #tpu.memory_space<semaphore_mem>>
      %dma_start3A_556 = tpu.memref_slice %arg18[%mul3A_331] : memref<32768xi32, #tpu.memory_space<vmem_shared>> -> memref<2048xi32, #tpu.memory_space<vmem_shared>>
      %dma_start3A_557 = tpu.memref_slice %arg18[%mul3A_331] : memref<32768xi32, #tpu.memory_space<vmem_shared>> -> memref<2048xi32, #tpu.memory_space<vmem_shared>>
      tpu.enqueue_dma source(%dma_start3A_557 : memref<2048xi32, #tpu.memory_space<vmem_shared>>) target(%arg16 : memref<2048xi32, #tpu.memory_space<vmem>>) target_semaphore(%run_scoped3A : memref<!tpu.dma_semaphore, #tpu.memory_space<semaphore_mem>>)
      %dma_wait3A_558 = tpu.memref_slice %arg18[%mul3A_331] : memref<32768xi32, #tpu.memory_space<vmem_shared>> -> memref<2048xi32, #tpu.memory_space<vmem_shared>>
      %dma_wait3A_559 = tpu.memref_slice %arg18[%mul3A_331] : memref<32768xi32, #tpu.memory_space<vmem_shared>> -> memref<2048xi32, #tpu.memory_space<vmem_shared>>
      tpu.wait_dma2 semaphore(%run_scoped3A : memref<!tpu.dma_semaphore, #tpu.memory_space<semaphore_mem>>) src(%dma_wait3A_559 : memref<2048xi32, #tpu.memory_space<vmem_shared>>) dst(%arg16 : memref<2048xi32, #tpu.memory_space<vmem>>)
      tpu.yield
    }) : () -> ()
    %broadcast_in_dim3A_332 = arith.constant 0 : i32
    %broadcast_in_dim3A_333 = vector.broadcast %broadcast_in_dim3A_332 : i32 to vector<16xi32>
    %scan3A_334 = arith.constant 0 : i32
    %scan3A_335 = arith.constant 128 : i32
    %scan3A_336 = arith.addi %scan3A_334, %scan3A_335 : i32
    %scan3A_337 = arith.constant 1 : i32
    %scan3A_338 = scf.for %scan3A_556 = %scan3A_334 to %scan3A_336 step %scan3A_337 iter_args(%scan3A_557 = %broadcast_in_dim3A_333) -> (vector<16xi32>)  : i32 {
      %mul3A_558 = arith.constant 16 : i32
      %mul3A_559 = arith.muli %scan3A_556, %mul3A_558 : i32
      %get3A_560 = arith.index_cast %mul3A_559 : i32 to index
      %get3A_561 = tpu.vector_load %arg15[%get3A_560] {strides = array<i32>} : memref<2048xi32, #tpu.memory_space<vmem>>, vector<16xi32>,
      %mul3A_562 = arith.constant 16 : i32
      %mul3A_563 = arith.muli %scan3A_556, %mul3A_562 : i32
      %get3A_564 = arith.index_cast %mul3A_563 : i32 to index
      %get3A_565 = tpu.vector_load %arg16[%get3A_564] {strides = array<i32>} : memref<2048xi32, #tpu.memory_space<vmem>>, vector<16xi32>,
      %add3A_566 = arith.addi %get3A_561, %get3A_565 : vector<16xi32>
      %mul3A_567 = arith.constant 16 : i32
      %mul3A_568 = arith.muli %scan3A_556, %mul3A_567 : i32
      %swap3A_569 = arith.index_cast %mul3A_568 : i32 to index
      %swap3A_570 = tpu.vector_load %arg15[%swap3A_569] {strides = array<i32>} : memref<2048xi32, #tpu.memory_space<vmem>>, vector<16xi32>,
      tpu.vector_store %arg15[%swap3A_569], %add3A_566 {strides = array<i32>} : memref<2048xi32, #tpu.memory_space<vmem>>, vector<16xi32>,
      %add3A_571 = arith.addi %scan3A_557, %add3A_566 : vector<16xi32>
      scf.yield %add3A_571 : vector<16xi32>
    }
    %scan3A_339 = arith.constant 128 : i32
    %reduce_sum3A_340 = arith.constant true
    %reduce_sum3A_341 = vector.broadcast %reduce_sum3A_340 : i1 to vector<16xi1>
    %reduce_sum3A_342 = tpu.scan <sum>, %scan3A_338 masked %reduce_sum3A_341 : vector<16xi32>, vector<16xi1> -> vector<16xi32>
    %reduce_sum3A_343 = vector.extract %reduce_sum3A_342[15] : i32 from vector<16xi32>
    %add3A_344 = arith.constant 2 : i32
    %add3A_345 = arith.addi %mul3A_56, %add3A_344 : i32
    %mul3A_346 = arith.constant 2048 : i32
    %mul3A_347 = arith.muli %add3A_345, %mul3A_346 : i32
    "tpu.region"() ({
      %run_scoped3A = tpu.sem_alloc : memref<!tpu.dma_semaphore, #tpu.memory_space<semaphore_mem>>
      %dma_start3A_556 = tpu.memref_slice %arg18[%mul3A_347] : memref<32768xi32, #tpu.memory_space<vmem_shared>> -> memref<2048xi32, #tpu.memory_space<vmem_shared>>
      %dma_start3A_557 = tpu.memref_slice %arg18[%mul3A_347] : memref<32768xi32, #tpu.memory_space<vmem_shared>> -> memref<2048xi32, #tpu.memory_space<vmem_shared>>
      tpu.enqueue_dma source(%dma_start3A_557 : memref<2048xi32, #tpu.memory_space<vmem_shared>>) target(%arg16 : memref<2048xi32, #tpu.memory_space<vmem>>) target_semaphore(%run_scoped3A : memref<!tpu.dma_semaphore, #tpu.memory_space<semaphore_mem>>)
      %dma_wait3A_558 = tpu.memref_slice %arg18[%mul3A_347] : memref<32768xi32, #tpu.memory_space<vmem_shared>> -> memref<2048xi32, #tpu.memory_space<vmem_shared>>
      %dma_wait3A_559 = tpu.memref_slice %arg18[%mul3A_347] : memref<32768xi32, #tpu.memory_space<vmem_shared>> -> memref<2048xi32, #tpu.memory_space<vmem_shared>>
      tpu.wait_dma2 semaphore(%run_scoped3A : memref<!tpu.dma_semaphore, #tpu.memory_space<semaphore_mem>>) src(%dma_wait3A_559 : memref<2048xi32, #tpu.memory_space<vmem_shared>>) dst(%arg16 : memref<2048xi32, #tpu.memory_space<vmem>>)
      tpu.yield
    }) : () -> ()
    %broadcast_in_dim3A_348 = arith.constant 0 : i32
    %broadcast_in_dim3A_349 = vector.broadcast %broadcast_in_dim3A_348 : i32 to vector<16xi32>
    %scan3A_350 = arith.constant 0 : i32
    %scan3A_351 = arith.constant 128 : i32
    %scan3A_352 = arith.addi %scan3A_350, %scan3A_351 : i32
    %scan3A_353 = arith.constant 1 : i32
    %scan3A_354 = scf.for %scan3A_556 = %scan3A_350 to %scan3A_352 step %scan3A_353 iter_args(%scan3A_557 = %broadcast_in_dim3A_349) -> (vector<16xi32>)  : i32 {
      %mul3A_558 = arith.constant 16 : i32
      %mul3A_559 = arith.muli %scan3A_556, %mul3A_558 : i32
      %get3A_560 = arith.index_cast %mul3A_559 : i32 to index
      %get3A_561 = tpu.vector_load %arg15[%get3A_560] {strides = array<i32>} : memref<2048xi32, #tpu.memory_space<vmem>>, vector<16xi32>,
      %mul3A_562 = arith.constant 16 : i32
      %mul3A_563 = arith.muli %scan3A_556, %mul3A_562 : i32
      %get3A_564 = arith.index_cast %mul3A_563 : i32 to index
      %get3A_565 = tpu.vector_load %arg16[%get3A_564] {strides = array<i32>} : memref<2048xi32, #tpu.memory_space<vmem>>, vector<16xi32>,
      %add3A_566 = arith.addi %get3A_561, %get3A_565 : vector<16xi32>
      %mul3A_567 = arith.constant 16 : i32
      %mul3A_568 = arith.muli %scan3A_556, %mul3A_567 : i32
      %swap3A_569 = arith.index_cast %mul3A_568 : i32 to index
      %swap3A_570 = tpu.vector_load %arg15[%swap3A_569] {strides = array<i32>} : memref<2048xi32, #tpu.memory_space<vmem>>, vector<16xi32>,
      tpu.vector_store %arg15[%swap3A_569], %add3A_566 {strides = array<i32>} : memref<2048xi32, #tpu.memory_space<vmem>>, vector<16xi32>,
      %add3A_571 = arith.addi %scan3A_557, %add3A_566 : vector<16xi32>
      scf.yield %add3A_571 : vector<16xi32>
    }
    %scan3A_355 = arith.constant 128 : i32
    %reduce_sum3A_356 = arith.constant true
    %reduce_sum3A_357 = vector.broadcast %reduce_sum3A_356 : i1 to vector<16xi1>
    %reduce_sum3A_358 = tpu.scan <sum>, %scan3A_354 masked %reduce_sum3A_357 : vector<16xi32>, vector<16xi1> -> vector<16xi32>
    %reduce_sum3A_359 = vector.extract %reduce_sum3A_358[15] : i32 from vector<16xi32>
    %add3A_360 = arith.constant 3 : i32
    %add3A_361 = arith.addi %mul3A_56, %add3A_360 : i32
    %mul3A_362 = arith.constant 2048 : i32
    %mul3A_363 = arith.muli %add3A_361, %mul3A_362 : i32
    "tpu.region"() ({
      %run_scoped3A = tpu.sem_alloc : memref<!tpu.dma_semaphore, #tpu.memory_space<semaphore_mem>>
      %dma_start3A_556 = tpu.memref_slice %arg18[%mul3A_363] : memref<32768xi32, #tpu.memory_space<vmem_shared>> -> memref<2048xi32, #tpu.memory_space<vmem_shared>>
      %dma_start3A_557 = tpu.memref_slice %arg18[%mul3A_363] : memref<32768xi32, #tpu.memory_space<vmem_shared>> -> memref<2048xi32, #tpu.memory_space<vmem_shared>>
      tpu.enqueue_dma source(%dma_start3A_557 : memref<2048xi32, #tpu.memory_space<vmem_shared>>) target(%arg16 : memref<2048xi32, #tpu.memory_space<vmem>>) target_semaphore(%run_scoped3A : memref<!tpu.dma_semaphore, #tpu.memory_space<semaphore_mem>>)
      %dma_wait3A_558 = tpu.memref_slice %arg18[%mul3A_363] : memref<32768xi32, #tpu.memory_space<vmem_shared>> -> memref<2048xi32, #tpu.memory_space<vmem_shared>>
      %dma_wait3A_559 = tpu.memref_slice %arg18[%mul3A_363] : memref<32768xi32, #tpu.memory_space<vmem_shared>> -> memref<2048xi32, #tpu.memory_space<vmem_shared>>
      tpu.wait_dma2 semaphore(%run_scoped3A : memref<!tpu.dma_semaphore, #tpu.memory_space<semaphore_mem>>) src(%dma_wait3A_559 : memref<2048xi32, #tpu.memory_space<vmem_shared>>) dst(%arg16 : memref<2048xi32, #tpu.memory_space<vmem>>)
      tpu.yield
    }) : () -> ()
    %broadcast_in_dim3A_364 = arith.constant 0 : i32
    %broadcast_in_dim3A_365 = vector.broadcast %broadcast_in_dim3A_364 : i32 to vector<16xi32>
    %scan3A_366 = arith.constant 0 : i32
    %scan3A_367 = arith.constant 128 : i32
    %scan3A_368 = arith.addi %scan3A_366, %scan3A_367 : i32
    %scan3A_369 = arith.constant 1 : i32
    %scan3A_370 = scf.for %scan3A_556 = %scan3A_366 to %scan3A_368 step %scan3A_369 iter_args(%scan3A_557 = %broadcast_in_dim3A_365) -> (vector<16xi32>)  : i32 {
      %mul3A_558 = arith.constant 16 : i32
      %mul3A_559 = arith.muli %scan3A_556, %mul3A_558 : i32
      %get3A_560 = arith.index_cast %mul3A_559 : i32 to index
      %get3A_561 = tpu.vector_load %arg15[%get3A_560] {strides = array<i32>} : memref<2048xi32, #tpu.memory_space<vmem>>, vector<16xi32>,
      %mul3A_562 = arith.constant 16 : i32
      %mul3A_563 = arith.muli %scan3A_556, %mul3A_562 : i32
      %get3A_564 = arith.index_cast %mul3A_563 : i32 to index
      %get3A_565 = tpu.vector_load %arg16[%get3A_564] {strides = array<i32>} : memref<2048xi32, #tpu.memory_space<vmem>>, vector<16xi32>,
      %add3A_566 = arith.addi %get3A_561, %get3A_565 : vector<16xi32>
      %mul3A_567 = arith.constant 16 : i32
      %mul3A_568 = arith.muli %scan3A_556, %mul3A_567 : i32
      %swap3A_569 = arith.index_cast %mul3A_568 : i32 to index
      %swap3A_570 = tpu.vector_load %arg15[%swap3A_569] {strides = array<i32>} : memref<2048xi32, #tpu.memory_space<vmem>>, vector<16xi32>,
      tpu.vector_store %arg15[%swap3A_569], %add3A_566 {strides = array<i32>} : memref<2048xi32, #tpu.memory_space<vmem>>, vector<16xi32>,
      %add3A_571 = arith.addi %scan3A_557, %add3A_566 : vector<16xi32>
      scf.yield %add3A_571 : vector<16xi32>
    }
    %scan3A_371 = arith.constant 128 : i32
    %reduce_sum3A_372 = arith.constant true
    %reduce_sum3A_373 = vector.broadcast %reduce_sum3A_372 : i1 to vector<16xi1>
    %reduce_sum3A_374 = tpu.scan <sum>, %scan3A_370 masked %reduce_sum3A_373 : vector<16xi32>, vector<16xi1> -> vector<16xi32>
    %reduce_sum3A_375 = vector.extract %reduce_sum3A_374[15] : i32 from vector<16xi32>
    %sub3A_376 = arith.subi %reduce_sum3A_375, %sub3A_267 : i32
    %add3A_377 = arith.constant 1 : i32
    %add3A_378 = arith.addi %sub3A_376, %add3A_377 : i32
    %iota3A_379 = tpu.iota {dimensions = array<i32: 0>} : vector<16xi32>
    %scan3A_380 = arith.constant 0 : i32
    %scan3A_381 = arith.constant -1 : i32
    %scan3A_382 = arith.constant 0 : i32
    %scan3A_383 = arith.constant 0 : i32
    %scan3A_384 = arith.constant 0 : i32
    %scan3A_385 = arith.constant 128 : i32
    %scan3A_386 = arith.addi %scan3A_384, %scan3A_385 : i32
    %scan3A_387 = arith.constant 1 : i32
    %scan3A_388:4 = scf.for %scan3A_556 = %scan3A_384 to %scan3A_386 step %scan3A_387 iter_args(%scan3A_557 = %scan3A_380, %scan3A_558 = %scan3A_381, %scan3A_559 = %scan3A_382, %scan3A_560 = %scan3A_383) -> (i32, i32, i32, i32)  : i32 {
      %mul3A_561 = arith.constant 16 : i32
      %mul3A_562 = arith.muli %scan3A_556, %mul3A_561 : i32
      %get3A_563 = arith.index_cast %mul3A_562 : i32 to index
      %get3A_564 = tpu.vector_load %arg15[%get3A_563] {strides = array<i32>} : memref<2048xi32, #tpu.memory_space<vmem>>, vector<16xi32>,
      %broadcast_in_dim3A_565 = arith.constant true
      %broadcast_in_dim3A_566 = vector.broadcast %broadcast_in_dim3A_565 : i1 to vector<16xi1>
      %masked_cumsum3A = tpu.scan <sum>, %get3A_564 masked %broadcast_in_dim3A_566 : vector<16xi32>, vector<16xi1> -> vector<16xi32>
      %add3A_567 = vector.broadcast %scan3A_560 : i32 to vector<16xi32>
      %add3A_568 = arith.addi %masked_cumsum3A, %add3A_567 : vector<16xi32>
      %ge3A = vector.broadcast %add3A_378 : i32 to vector<16xi32>
      %ge3A_569 = arith.cmpi sge, %add3A_568, %ge3A : vector<16xi32>
      %convert_element_type3A_570 = arith.extui %ge3A_569 : vector<16xi1> to vector<16xi32>
      %reduce_max3A = arith.constant true
      %reduce_max3A_571 = vector.broadcast %reduce_max3A : i1 to vector<16xi1>
      %reduce_max3A_572 = arith.constant -2147483648 : i32
      %reduce_max3A_573 = vector.broadcast %reduce_max3A_572 : i32 to vector<16xi32>
      %reduce_max3A_574 = arith.xori %convert_element_type3A_570, %reduce_max3A_573 : vector<16xi32>
      %reduce_max3A_575 = tpu.scan <max>, %reduce_max3A_574 masked %reduce_max3A_571 : vector<16xi32>, vector<16xi1> -> vector<16xi32>
      %reduce_max3A_576 = arith.xori %reduce_max3A_575, %reduce_max3A_573 : vector<16xi32>
      %reduce_max3A_577 = vector.extract %reduce_max3A_576[15] : i32 from vector<16xi32>
      %jit3A_578 = arith.constant 16 : i32
      %broadcast_in_dim3A_579 = vector.broadcast %jit3A_578 : i32 to vector<16xi32>
      %select_n3A_580 = arith.select %ge3A_569, %iota3A_379, %broadcast_in_dim3A_579 : vector<16xi1>, vector<16xi32>
      %reduce_min3A = arith.constant true
      %reduce_min3A_581 = vector.broadcast %reduce_min3A : i1 to vector<16xi1>
      %reduce_min3A_582 = arith.constant -2147483648 : i32
      %reduce_min3A_583 = vector.broadcast %reduce_min3A_582 : i32 to vector<16xi32>
      %reduce_min3A_584 = arith.xori %select_n3A_580, %reduce_min3A_583 : vector<16xi32>
      %reduce_min3A_585 = tpu.scan <min>, %reduce_min3A_584 masked %reduce_min3A_581 : vector<16xi32>, vector<16xi1> -> vector<16xi32>
      %reduce_min3A_586 = arith.xori %reduce_min3A_585, %reduce_min3A_583 : vector<16xi32>
      %reduce_min3A_587 = vector.extract %reduce_min3A_586[15] : i32 from vector<16xi32>
      %jit3A_588 = arith.constant 2147483647 : i32
      %broadcast_in_dim3A_589 = vector.broadcast %jit3A_588 : i32 to vector<16xi32>
      %select_n3A_590 = arith.select %ge3A_569, %add3A_568, %broadcast_in_dim3A_589 : vector<16xi1>, vector<16xi32>
      %reduce_min3A_591 = arith.constant true
      %reduce_min3A_592 = vector.broadcast %reduce_min3A_591 : i1 to vector<16xi1>
      %reduce_min3A_593 = arith.constant -2147483648 : i32
      %reduce_min3A_594 = vector.broadcast %reduce_min3A_593 : i32 to vector<16xi32>
      %reduce_min3A_595 = arith.xori %select_n3A_590, %reduce_min3A_594 : vector<16xi32>
      %reduce_min3A_596 = tpu.scan <min>, %reduce_min3A_595 masked %reduce_min3A_592 : vector<16xi32>, vector<16xi1> -> vector<16xi32>
      %reduce_min3A_597 = arith.xori %reduce_min3A_596, %reduce_min3A_594 : vector<16xi32>
      %reduce_min3A_598 = vector.extract %reduce_min3A_597[15] : i32 from vector<16xi32>
      %eq3A_599 = arith.constant 0 : i32
      %eq3A_600 = arith.cmpi eq, %scan3A_557, %eq3A_599 : i32
      %eq3A_601 = arith.constant 1 : i32
      %eq3A_602 = arith.cmpi eq, %reduce_max3A_577, %eq3A_601 : i32
      %and3A_603 = arith.andi %eq3A_600, %eq3A_602 : i1
      %mul3A_604 = arith.constant 16 : i32
      %mul3A_605 = arith.muli %scan3A_556, %mul3A_604 : i32
      %add3A_606 = arith.addi %mul3A_605, %reduce_min3A_587 : i32
      %select_n3A_607 = arith.select %and3A_603, %add3A_606, %scan3A_558 : i32
      %select_n3A_608 = arith.select %and3A_603, %reduce_min3A_598, %scan3A_559 : i32
      %max3A_609 = arith.maxsi %scan3A_557, %reduce_max3A_577 : i32
      %reduce_sum3A_610 = arith.constant true
      %reduce_sum3A_611 = vector.broadcast %reduce_sum3A_610 : i1 to vector<16xi1>
      %reduce_sum3A_612 = tpu.scan <sum>, %get3A_564 masked %reduce_sum3A_611 : vector<16xi32>, vector<16xi1> -> vector<16xi32>
      %reduce_sum3A_613 = vector.extract %reduce_sum3A_612[15] : i32 from vector<16xi32>
      %add3A_614 = arith.addi %scan3A_560, %reduce_sum3A_613 : i32
      scf.yield %max3A_609, %select_n3A_607, %select_n3A_608, %add3A_614 : i32, i32, i32, i32
    }
    %scan3A_389 = arith.constant 128 : i32
    %sub3A_390 = arith.subi %reduce_sum3A_375, %scan3A_388#2 : i32
    %sub3A_391 = arith.subi %sub3A_267, %sub3A_390 : i32
    %shift_left3A = arith.constant 11 : i32
    %shift_left3A_392 = arith.shli %scan3A_264#1, %shift_left3A : i32
    %or3A = arith.ori %shift_left3A_392, %scan3A_388#1 : i32
    %barrier3A_393 = arith.constant 0 : index
    tpu.barrier barrier_id(%barrier3A_393)
    %broadcast_in_dim3A_394 = arith.constant 0 : i32
    %broadcast_in_dim3A_395 = vector.broadcast %broadcast_in_dim3A_394 : i32 to vector<16xi32>
    %scan3A_396 = arith.constant 0 : i32
    %scan3A_397 = arith.constant 0 : i32
    %scan3A_398 = arith.constant 32 : i32
    %scan3A_399 = arith.addi %scan3A_397, %scan3A_398 : i32
    %scan3A_400 = arith.constant 1 : i32
    %scan3A_401 = scf.for %scan3A_556 = %scan3A_397 to %scan3A_399 step %scan3A_400 iter_args(%scan3A_557 = %scan3A_396) -> (i32)  : i32 {
      %mul3A_558 = arith.constant 8 : i32
      %mul3A_559 = arith.muli %scan3A_556, %mul3A_558 : i32
      %add3A_560 = arith.constant 0 : i32
      %add3A_561 = arith.addi %mul3A_559, %add3A_560 : i32
      %mul3A_562 = arith.constant 16 : i32
      %mul3A_563 = arith.muli %add3A_561, %mul3A_562 : i32
      %swap3A_564 = arith.index_cast %mul3A_563 : i32 to index
      %swap3A_565 = tpu.vector_load %arg14[%swap3A_564] {strides = array<i32>} : memref<32768xi32, #tpu.memory_space<vmem>>, vector<16xi32>,
      tpu.vector_store %arg14[%swap3A_564], %broadcast_in_dim3A_395 {strides = array<i32>} : memref<32768xi32, #tpu.memory_space<vmem>>, vector<16xi32>,
      %mul3A_566 = arith.constant 8 : i32
      %mul3A_567 = arith.muli %scan3A_556, %mul3A_566 : i32
      %add3A_568 = arith.constant 1 : i32
      %add3A_569 = arith.addi %mul3A_567, %add3A_568 : i32
      %mul3A_570 = arith.constant 16 : i32
      %mul3A_571 = arith.muli %add3A_569, %mul3A_570 : i32
      %swap3A_572 = arith.index_cast %mul3A_571 : i32 to index
      %swap3A_573 = tpu.vector_load %arg14[%swap3A_572] {strides = array<i32>} : memref<32768xi32, #tpu.memory_space<vmem>>, vector<16xi32>,
      tpu.vector_store %arg14[%swap3A_572], %broadcast_in_dim3A_395 {strides = array<i32>} : memref<32768xi32, #tpu.memory_space<vmem>>, vector<16xi32>,
      %mul3A_574 = arith.constant 8 : i32
      %mul3A_575 = arith.muli %scan3A_556, %mul3A_574 : i32
      %add3A_576 = arith.constant 2 : i32
      %add3A_577 = arith.addi %mul3A_575, %add3A_576 : i32
      %mul3A_578 = arith.constant 16 : i32
      %mul3A_579 = arith.muli %add3A_577, %mul3A_578 : i32
      %swap3A_580 = arith.index_cast %mul3A_579 : i32 to index
      %swap3A_581 = tpu.vector_load %arg14[%swap3A_580] {strides = array<i32>} : memref<32768xi32, #tpu.memory_space<vmem>>, vector<16xi32>,
      tpu.vector_store %arg14[%swap3A_580], %broadcast_in_dim3A_395 {strides = array<i32>} : memref<32768xi32, #tpu.memory_space<vmem>>, vector<16xi32>,
      %mul3A_582 = arith.constant 8 : i32
      %mul3A_583 = arith.muli %scan3A_556, %mul3A_582 : i32
      %add3A_584 = arith.constant 3 : i32
      %add3A_585 = arith.addi %mul3A_583, %add3A_584 : i32
      %mul3A_586 = arith.constant 16 : i32
      %mul3A_587 = arith.muli %add3A_585, %mul3A_586 : i32
      %swap3A_588 = arith.index_cast %mul3A_587 : i32 to index
      %swap3A_589 = tpu.vector_load %arg14[%swap3A_588] {strides = array<i32>} : memref<32768xi32, #tpu.memory_space<vmem>>, vector<16xi32>,
      tpu.vector_store %arg14[%swap3A_588], %broadcast_in_dim3A_395 {strides = array<i32>} : memref<32768xi32, #tpu.memory_space<vmem>>, vector<16xi32>,
      %mul3A_590 = arith.constant 8 : i32
      %mul3A_591 = arith.muli %scan3A_556, %mul3A_590 : i32
      %add3A_592 = arith.constant 4 : i32
      %add3A_593 = arith.addi %mul3A_591, %add3A_592 : i32
      %mul3A_594 = arith.constant 16 : i32
      %mul3A_595 = arith.muli %add3A_593, %mul3A_594 : i32
      %swap3A_596 = arith.index_cast %mul3A_595 : i32 to index
      %swap3A_597 = tpu.vector_load %arg14[%swap3A_596] {strides = array<i32>} : memref<32768xi32, #tpu.memory_space<vmem>>, vector<16xi32>,
      tpu.vector_store %arg14[%swap3A_596], %broadcast_in_dim3A_395 {strides = array<i32>} : memref<32768xi32, #tpu.memory_space<vmem>>, vector<16xi32>,
      %mul3A_598 = arith.constant 8 : i32
      %mul3A_599 = arith.muli %scan3A_556, %mul3A_598 : i32
      %add3A_600 = arith.constant 5 : i32
      %add3A_601 = arith.addi %mul3A_599, %add3A_600 : i32
      %mul3A_602 = arith.constant 16 : i32
      %mul3A_603 = arith.muli %add3A_601, %mul3A_602 : i32
      %swap3A_604 = arith.index_cast %mul3A_603 : i32 to index
      %swap3A_605 = tpu.vector_load %arg14[%swap3A_604] {strides = array<i32>} : memref<32768xi32, #tpu.memory_space<vmem>>, vector<16xi32>,
      tpu.vector_store %arg14[%swap3A_604], %broadcast_in_dim3A_395 {strides = array<i32>} : memref<32768xi32, #tpu.memory_space<vmem>>, vector<16xi32>,
      %mul3A_606 = arith.constant 8 : i32
      %mul3A_607 = arith.muli %scan3A_556, %mul3A_606 : i32
      %add3A_608 = arith.constant 6 : i32
      %add3A_609 = arith.addi %mul3A_607, %add3A_608 : i32
      %mul3A_610 = arith.constant 16 : i32
      %mul3A_611 = arith.muli %add3A_609, %mul3A_610 : i32
      %swap3A_612 = arith.index_cast %mul3A_611 : i32 to index
      %swap3A_613 = tpu.vector_load %arg14[%swap3A_612] {strides = array<i32>} : memref<32768xi32, #tpu.memory_space<vmem>>, vector<16xi32>,
      tpu.vector_store %arg14[%swap3A_612], %broadcast_in_dim3A_395 {strides = array<i32>} : memref<32768xi32, #tpu.memory_space<vmem>>, vector<16xi32>,
      %mul3A_614 = arith.constant 8 : i32
      %mul3A_615 = arith.muli %scan3A_556, %mul3A_614 : i32
      %add3A_616 = arith.constant 7 : i32
      %add3A_617 = arith.addi %mul3A_615, %add3A_616 : i32
      %mul3A_618 = arith.constant 16 : i32
      %mul3A_619 = arith.muli %add3A_617, %mul3A_618 : i32
      %swap3A_620 = arith.index_cast %mul3A_619 : i32 to index
      %swap3A_621 = tpu.vector_load %arg14[%swap3A_620] {strides = array<i32>} : memref<32768xi32, #tpu.memory_space<vmem>>, vector<16xi32>,
      tpu.vector_store %arg14[%swap3A_620], %broadcast_in_dim3A_395 {strides = array<i32>} : memref<32768xi32, #tpu.memory_space<vmem>>, vector<16xi32>,
      %scan3A_622 = arith.constant 0 : i32
      scf.yield %scan3A_622 : i32
    }
    %scan3A_402 = arith.constant 32 : i32
    %broadcast_in_dim3A_403 = vector.broadcast %or3A : i32 to vector<16xi32>
    %mul3A_404 = arith.constant 256 : i32
    %mul3A_405 = vector.broadcast %mul3A_404 : i32 to vector<16xi32>
    %mul3A_406 = arith.muli %iota3A, %mul3A_405 : vector<16xi32>
    %scan3A_407 = arith.constant 0 : i32
    %scan3A_408 = arith.constant 0 : i32
    %scan3A_409 = arith.constant 16 : i32
    %scan3A_410 = arith.addi %scan3A_408, %scan3A_409 : i32
    %scan3A_411 = arith.constant 1 : i32
    %scan3A_412 = scf.for %scan3A_556 = %scan3A_408 to %scan3A_410 step %scan3A_411 iter_args(%scan3A_557 = %scan3A_407) -> (i32)  : i32 {
      %mul3A_558 = arith.constant 2 : i32
      %mul3A_559 = arith.muli %mul3A_558, %scan3A_556 : i32
      %add3A_560 = arith.constant 0 : i32
      %add3A_561 = arith.addi %mul3A_559, %add3A_560 : i32
      %mul3A_562 = arith.constant 4 : i32
      %mul3A_563 = arith.muli %select_n3A_30, %mul3A_562 : i32
      %jit3A_564 = arith.constant 8 : i32
      %div3A_565 = arith.divsi %add3A_561, %jit3A_564 : i32
      %sign3A_566 = arith.constant 0 : i32
      %sign3A_567 = arith.cmpi sgt, %add3A_561, %sign3A_566 : i32
      %sign3A_568 = arith.extui %sign3A_567 : i1 to i32
      %sign3A_569 = arith.constant 0 : i32
      %sign3A_570 = arith.cmpi slt, %add3A_561, %sign3A_569 : i32
      %sign3A_571 = arith.extui %sign3A_570 : i1 to i32
      %sign3A_572 = arith.subi %sign3A_568, %sign3A_571 : i32
      %sign3A_573 = arith.constant 0 : i32
      %sign3A_574 = arith.cmpi sgt, %jit3A_564, %sign3A_573 : i32
      %sign3A_575 = arith.extui %sign3A_574 : i1 to i32
      %sign3A_576 = arith.constant 0 : i32
      %sign3A_577 = arith.cmpi slt, %jit3A_564, %sign3A_576 : i32
      %sign3A_578 = arith.extui %sign3A_577 : i1 to i32
      %sign3A_579 = arith.subi %sign3A_575, %sign3A_578 : i32
      %ne3A_580 = arith.cmpi ne, %sign3A_572, %sign3A_579 : i32
      %rem3A_581 = arith.remsi %add3A_561, %jit3A_564 : i32
      %ne3A_582 = arith.constant 0 : i32
      %ne3A_583 = arith.cmpi ne, %rem3A_581, %ne3A_582 : i32
      %and3A_584 = arith.andi %ne3A_580, %ne3A_583 : i1
      %sub3A_585 = arith.constant 1 : i32
      %sub3A_586 = arith.subi %div3A_565, %sub3A_585 : i32
      %select_n3A_587 = arith.select %and3A_584, %sub3A_586, %div3A_565 : i32
      %add3A_588 = arith.addi %mul3A_563, %select_n3A_587 : i32
      %mul3A_589 = arith.constant 8 : i32
      %mul3A_590 = arith.muli %add3A_588, %mul3A_589 : i32
      %add3A_591 = arith.addi %mul3A_590, %add3A : i32
      %mul3A_592 = arith.constant 65536 : i32
      %mul3A_593 = arith.muli %add3A_591, %mul3A_592 : i32
      %jit3A_594 = arith.constant 8 : i32
      %eq3A_595 = arith.constant 0 : i32
      %eq3A_596 = arith.cmpi eq, %jit3A_594, %eq3A_595 : i32
      %jit3A_597 = arith.constant 1 : i32
      %select_n3A_598 = arith.select %eq3A_596, %jit3A_597, %jit3A_594 : i32
      %rem3A_599 = arith.remsi %add3A_561, %select_n3A_598 : i32
      %ne3A_600 = arith.constant 0 : i32
      %ne3A_601 = arith.cmpi ne, %rem3A_599, %ne3A_600 : i32
      %lt3A_602 = arith.constant 0 : i32
      %lt3A_603 = arith.cmpi slt, %rem3A_599, %lt3A_602 : i32
      %lt3A_604 = arith.constant 0 : i32
      %lt3A_605 = arith.cmpi slt, %select_n3A_598, %lt3A_604 : i32
      %ne3A_606 = arith.xori %lt3A_603, %lt3A_605 : i1
      %and3A_607 = arith.andi %ne3A_606, %ne3A_601 : i1
      %add3A_608 = arith.addi %rem3A_599, %select_n3A_598 : i32
      %select_n3A_609 = arith.select %and3A_607, %add3A_608, %rem3A_599 : i32
      %mul3A_610 = arith.constant 8192 : i32
      %mul3A_611 = arith.muli %select_n3A_609, %mul3A_610 : i32
      %add3A_612 = arith.addi %mul3A_593, %mul3A_611 : i32
      %dma_wait3A_613 = tpu.memref_slice %arg5[%add3A_612] : memref<8388608xi32, #tpu.memory_space<hbm>> -> memref<8192xi32, #tpu.memory_space<hbm>>
      %dma_wait3A_614 = tpu.memref_slice %arg5[%add3A_612] : memref<8388608xi32, #tpu.memory_space<hbm>> -> memref<8192xi32, #tpu.memory_space<hbm>>
      tpu.wait_dma2 semaphore(%arg20 : memref<!tpu.dma_semaphore, #tpu.memory_space<semaphore_mem>>) src(%dma_wait3A_614 : memref<8192xi32, #tpu.memory_space<hbm>>) dst(%arg10 : memref<8192xi32, #tpu.memory_space<vmem>>)
      %parallel_loop3A = arith.constant 0 : i32
      %parallel_loop3A_615 = arith.constant 512 : i32
      %parallel_loop3A_616 = arith.constant 1 : i32
      scf.for %parallel_loop3A_691 = %parallel_loop3A to %parallel_loop3A_615 step %parallel_loop3A_616  : i32 {
        %parallel_loop3A_692 = arith.constant 16 : i32
        %parallel_loop3A_693 = arith.muli %parallel_loop3A_691, %parallel_loop3A_692 : i32
        %parallel_loop3A_694 = arith.index_cast %parallel_loop3A_693 : i32 to index
        %parallel_loop3A_695 = tpu.vector_load %arg10[%parallel_loop3A_694] {strides = array<i32>} : memref<8192xi32, #tpu.memory_space<vmem>>, vector<16xi32>,
        %parallel_loop3A_696 = arith.constant 8 : i32
        %parallel_loop3A_697 = vector.broadcast %parallel_loop3A_696 : i32 to vector<16xi32>
        %parallel_loop3A_698 = arith.shrui %parallel_loop3A_695, %parallel_loop3A_697 : vector<16xi32>
        %parallel_loop3A_699 = arith.cmpi eq, %parallel_loop3A_698, %broadcast_in_dim3A_403 : vector<16xi32>
        %parallel_loop3A_700 = arith.constant 0 : i32
        %parallel_loop3A_701 = vector.broadcast %parallel_loop3A_700 : i32 to vector<16xi32>
        %parallel_loop3A_702 = arith.cmpi ne, %parallel_loop3A_695, %parallel_loop3A_701 : vector<16xi32>
        %parallel_loop3A_703 = arith.andi %parallel_loop3A_699, %parallel_loop3A_702 : vector<16xi1>
        %parallel_loop3A_704 = arith.constant 255 : i32
        %parallel_loop3A_705 = vector.broadcast %parallel_loop3A_704 : i32 to vector<16xi32>
        %parallel_loop3A_706 = arith.andi %parallel_loop3A_695, %parallel_loop3A_705 : vector<16xi32>
        %parallel_loop3A_707 = arith.addi %mul3A_406, %parallel_loop3A_706 : vector<16xi32>
        %parallel_loop3A_708 = arith.constant 0 : i32
        %parallel_loop3A_709 = tpu.memref_slice %arg14[%parallel_loop3A_708] : memref<32768xi32, #tpu.memory_space<vmem>> -> memref<32768xi32, #tpu.memory_space<vmem>>
        tpu.vector_store_idx %parallel_loop3A_709[%parallel_loop3A_707], %broadcast_in_dim3A_57 masked %parallel_loop3A_703 {add = true} : memref<32768xi32, #tpu.memory_space<vmem>>[vector<16xi32>], vector<16xi32>, vector<16xi1>
      } {sc.loop_unroll_factor = 8 : i64, sc.parallel_access}
      %add3A_617 = arith.constant 2 : i32
      %add3A_618 = arith.addi %add3A_561, %add3A_617 : i32
      %lt3A_619 = arith.constant 32 : i32
      %lt3A_620 = arith.cmpi slt, %add3A_618, %lt3A_619 : i32
      %convert_element_type3A_621 = arith.extui %lt3A_620 : i1 to i32
      %cond3A = arith.constant 0 : i32
      %cond3A_622 = arith.cmpi ne, %convert_element_type3A_621, %cond3A : i32
      scf.if %cond3A_622 {
        %add3A_691 = arith.constant 2 : i32
        %add3A_692 = arith.addi %add3A_561, %add3A_691 : i32
        %mul3A_693 = arith.constant 4 : i32
        %mul3A_694 = arith.muli %select_n3A_30, %mul3A_693 : i32
        %jit3A_695 = arith.constant 8 : i32
        %div3A_696 = arith.divsi %add3A_692, %jit3A_695 : i32
        %sign3A_697 = arith.constant 0 : i32
        %sign3A_698 = arith.cmpi sgt, %add3A_692, %sign3A_697 : i32
        %sign3A_699 = arith.extui %sign3A_698 : i1 to i32
        %sign3A_700 = arith.constant 0 : i32
        %sign3A_701 = arith.cmpi slt, %add3A_692, %sign3A_700 : i32
        %sign3A_702 = arith.extui %sign3A_701 : i1 to i32
        %sign3A_703 = arith.subi %sign3A_699, %sign3A_702 : i32
        %sign3A_704 = arith.constant 0 : i32
        %sign3A_705 = arith.cmpi sgt, %jit3A_695, %sign3A_704 : i32
        %sign3A_706 = arith.extui %sign3A_705 : i1 to i32
        %sign3A_707 = arith.constant 0 : i32
        %sign3A_708 = arith.cmpi slt, %jit3A_695, %sign3A_707 : i32
        %sign3A_709 = arith.extui %sign3A_708 : i1 to i32
        %sign3A_710 = arith.subi %sign3A_706, %sign3A_709 : i32
        %ne3A_711 = arith.cmpi ne, %sign3A_703, %sign3A_710 : i32
        %rem3A_712 = arith.remsi %add3A_692, %jit3A_695 : i32
        %ne3A_713 = arith.constant 0 : i32
        %ne3A_714 = arith.cmpi ne, %rem3A_712, %ne3A_713 : i32
        %and3A_715 = arith.andi %ne3A_711, %ne3A_714 : i1
        %sub3A_716 = arith.constant 1 : i32
        %sub3A_717 = arith.subi %div3A_696, %sub3A_716 : i32
        %select_n3A_718 = arith.select %and3A_715, %sub3A_717, %div3A_696 : i32
        %add3A_719 = arith.addi %mul3A_694, %select_n3A_718 : i32
        %mul3A_720 = arith.constant 8 : i32
        %mul3A_721 = arith.muli %add3A_719, %mul3A_720 : i32
        %add3A_722 = arith.addi %mul3A_721, %add3A : i32
        %mul3A_723 = arith.constant 65536 : i32
        %mul3A_724 = arith.muli %add3A_722, %mul3A_723 : i32
        %jit3A_725 = arith.constant 8 : i32
        %eq3A_726 = arith.constant 0 : i32
        %eq3A_727 = arith.cmpi eq, %jit3A_725, %eq3A_726 : i32
        %jit3A_728 = arith.constant 1 : i32
        %select_n3A_729 = arith.select %eq3A_727, %jit3A_728, %jit3A_725 : i32
        %rem3A_730 = arith.remsi %add3A_692, %select_n3A_729 : i32
        %ne3A_731 = arith.constant 0 : i32
        %ne3A_732 = arith.cmpi ne, %rem3A_730, %ne3A_731 : i32
        %lt3A_733 = arith.constant 0 : i32
        %lt3A_734 = arith.cmpi slt, %rem3A_730, %lt3A_733 : i32
        %lt3A_735 = arith.constant 0 : i32
        %lt3A_736 = arith.cmpi slt, %select_n3A_729, %lt3A_735 : i32
        %ne3A_737 = arith.xori %lt3A_734, %lt3A_736 : i1
        %and3A_738 = arith.andi %ne3A_737, %ne3A_732 : i1
        %add3A_739 = arith.addi %rem3A_730, %select_n3A_729 : i32
        %select_n3A_740 = arith.select %and3A_738, %add3A_739, %rem3A_730 : i32
        %mul3A_741 = arith.constant 8192 : i32
        %mul3A_742 = arith.muli %select_n3A_740, %mul3A_741 : i32
        %add3A_743 = arith.addi %mul3A_724, %mul3A_742 : i32
        %dma_start3A_744 = tpu.memref_slice %arg5[%add3A_743] : memref<8388608xi32, #tpu.memory_space<hbm>> -> memref<8192xi32, #tpu.memory_space<hbm>>
        %dma_start3A_745 = tpu.memref_slice %arg5[%add3A_743] : memref<8388608xi32, #tpu.memory_space<hbm>> -> memref<8192xi32, #tpu.memory_space<hbm>>
        tpu.enqueue_dma source(%dma_start3A_745 : memref<8192xi32, #tpu.memory_space<hbm>>) target(%arg10 : memref<8192xi32, #tpu.memory_space<vmem>>) target_semaphore(%arg20 : memref<!tpu.dma_semaphore, #tpu.memory_space<semaphore_mem>>)
      } else {
      }
      %mul3A_623 = arith.constant 2 : i32
      %mul3A_624 = arith.muli %mul3A_623, %scan3A_556 : i32
      %add3A_625 = arith.constant 1 : i32
      %add3A_626 = arith.addi %mul3A_624, %add3A_625 : i32
      %mul3A_627 = arith.constant 4 : i32
      %mul3A_628 = arith.muli %select_n3A_30, %mul3A_627 : i32
      %jit3A_629 = arith.constant 8 : i32
      %div3A_630 = arith.divsi %add3A_626, %jit3A_629 : i32
      %sign3A_631 = arith.constant 0 : i32
      %sign3A_632 = arith.cmpi sgt, %add3A_626, %sign3A_631 : i32
      %sign3A_633 = arith.extui %sign3A_632 : i1 to i32
      %sign3A_634 = arith.constant 0 : i32
      %sign3A_635 = arith.cmpi slt, %add3A_626, %sign3A_634 : i32
      %sign3A_636 = arith.extui %sign3A_635 : i1 to i32
      %sign3A_637 = arith.subi %sign3A_633, %sign3A_636 : i32
      %sign3A_638 = arith.constant 0 : i32
      %sign3A_639 = arith.cmpi sgt, %jit3A_629, %sign3A_638 : i32
      %sign3A_640 = arith.extui %sign3A_639 : i1 to i32
      %sign3A_641 = arith.constant 0 : i32
      %sign3A_642 = arith.cmpi slt, %jit3A_629, %sign3A_641 : i32
      %sign3A_643 = arith.extui %sign3A_642 : i1 to i32
      %sign3A_644 = arith.subi %sign3A_640, %sign3A_643 : i32
      %ne3A_645 = arith.cmpi ne, %sign3A_637, %sign3A_644 : i32
      %rem3A_646 = arith.remsi %add3A_626, %jit3A_629 : i32
      %ne3A_647 = arith.constant 0 : i32
      %ne3A_648 = arith.cmpi ne, %rem3A_646, %ne3A_647 : i32
      %and3A_649 = arith.andi %ne3A_645, %ne3A_648 : i1
      %sub3A_650 = arith.constant 1 : i32
      %sub3A_651 = arith.subi %div3A_630, %sub3A_650 : i32
      %select_n3A_652 = arith.select %and3A_649, %sub3A_651, %div3A_630 : i32
      %add3A_653 = arith.addi %mul3A_628, %select_n3A_652 : i32
      %mul3A_654 = arith.constant 8 : i32
      %mul3A_655 = arith.muli %add3A_653, %mul3A_654 : i32
      %add3A_656 = arith.addi %mul3A_655, %add3A : i32
      %mul3A_657 = arith.constant 65536 : i32
      %mul3A_658 = arith.muli %add3A_656, %mul3A_657 : i32
      %jit3A_659 = arith.constant 8 : i32
      %eq3A_660 = arith.constant 0 : i32
      %eq3A_661 = arith.cmpi eq, %jit3A_659, %eq3A_660 : i32
      %jit3A_662 = arith.constant 1 : i32
      %select_n3A_663 = arith.select %eq3A_661, %jit3A_662, %jit3A_659 : i32
      %rem3A_664 = arith.remsi %add3A_626, %select_n3A_663 : i32
      %ne3A_665 = arith.constant 0 : i32
      %ne3A_666 = arith.cmpi ne, %rem3A_664, %ne3A_665 : i32
      %lt3A_667 = arith.constant 0 : i32
      %lt3A_668 = arith.cmpi slt, %rem3A_664, %lt3A_667 : i32
      %lt3A_669 = arith.constant 0 : i32
      %lt3A_670 = arith.cmpi slt, %select_n3A_663, %lt3A_669 : i32
      %ne3A_671 = arith.xori %lt3A_668, %lt3A_670 : i1
      %and3A_672 = arith.andi %ne3A_671, %ne3A_666 : i1
      %add3A_673 = arith.addi %rem3A_664, %select_n3A_663 : i32
      %select_n3A_674 = arith.select %and3A_672, %add3A_673, %rem3A_664 : i32
      %mul3A_675 = arith.constant 8192 : i32
      %mul3A_676 = arith.muli %select_n3A_674, %mul3A_675 : i32
      %add3A_677 = arith.addi %mul3A_658, %mul3A_676 : i32
      %dma_wait3A_678 = tpu.memref_slice %arg5[%add3A_677] : memref<8388608xi32, #tpu.memory_space<hbm>> -> memref<8192xi32, #tpu.memory_space<hbm>>
      %dma_wait3A_679 = tpu.memref_slice %arg5[%add3A_677] : memref<8388608xi32, #tpu.memory_space<hbm>> -> memref<8192xi32, #tpu.memory_space<hbm>>
      tpu.wait_dma2 semaphore(%arg21 : memref<!tpu.dma_semaphore, #tpu.memory_space<semaphore_mem>>) src(%dma_wait3A_679 : memref<8192xi32, #tpu.memory_space<hbm>>) dst(%arg11 : memref<8192xi32, #tpu.memory_space<vmem>>)
      %parallel_loop3A_680 = arith.constant 0 : i32
      %parallel_loop3A_681 = arith.constant 512 : i32
      %parallel_loop3A_682 = arith.constant 1 : i32
      scf.for %parallel_loop3A_691 = %parallel_loop3A_680 to %parallel_loop3A_681 step %parallel_loop3A_682  : i32 {
        %parallel_loop3A_692 = arith.constant 16 : i32
        %parallel_loop3A_693 = arith.muli %parallel_loop3A_691, %parallel_loop3A_692 : i32
        %parallel_loop3A_694 = arith.index_cast %parallel_loop3A_693 : i32 to index
        %parallel_loop3A_695 = tpu.vector_load %arg11[%parallel_loop3A_694] {strides = array<i32>} : memref<8192xi32, #tpu.memory_space<vmem>>, vector<16xi32>,
        %parallel_loop3A_696 = arith.constant 8 : i32
        %parallel_loop3A_697 = vector.broadcast %parallel_loop3A_696 : i32 to vector<16xi32>
        %parallel_loop3A_698 = arith.shrui %parallel_loop3A_695, %parallel_loop3A_697 : vector<16xi32>
        %parallel_loop3A_699 = arith.cmpi eq, %parallel_loop3A_698, %broadcast_in_dim3A_403 : vector<16xi32>
        %parallel_loop3A_700 = arith.constant 0 : i32
        %parallel_loop3A_701 = vector.broadcast %parallel_loop3A_700 : i32 to vector<16xi32>
        %parallel_loop3A_702 = arith.cmpi ne, %parallel_loop3A_695, %parallel_loop3A_701 : vector<16xi32>
        %parallel_loop3A_703 = arith.andi %parallel_loop3A_699, %parallel_loop3A_702 : vector<16xi1>
        %parallel_loop3A_704 = arith.constant 255 : i32
        %parallel_loop3A_705 = vector.broadcast %parallel_loop3A_704 : i32 to vector<16xi32>
        %parallel_loop3A_706 = arith.andi %parallel_loop3A_695, %parallel_loop3A_705 : vector<16xi32>
        %parallel_loop3A_707 = arith.addi %mul3A_406, %parallel_loop3A_706 : vector<16xi32>
        %parallel_loop3A_708 = arith.constant 0 : i32
        %parallel_loop3A_709 = tpu.memref_slice %arg14[%parallel_loop3A_708] : memref<32768xi32, #tpu.memory_space<vmem>> -> memref<32768xi32, #tpu.memory_space<vmem>>
        tpu.vector_store_idx %parallel_loop3A_709[%parallel_loop3A_707], %broadcast_in_dim3A_57 masked %parallel_loop3A_703 {add = true} : memref<32768xi32, #tpu.memory_space<vmem>>[vector<16xi32>], vector<16xi32>, vector<16xi1>
      } {sc.loop_unroll_factor = 8 : i64, sc.parallel_access}
      %add3A_683 = arith.constant 2 : i32
      %add3A_684 = arith.addi %add3A_626, %add3A_683 : i32
      %lt3A_685 = arith.constant 32 : i32
      %lt3A_686 = arith.cmpi slt, %add3A_684, %lt3A_685 : i32
      %convert_element_type3A_687 = arith.extui %lt3A_686 : i1 to i32
      %cond3A_688 = arith.constant 0 : i32
      %cond3A_689 = arith.cmpi ne, %convert_element_type3A_687, %cond3A_688 : i32
      scf.if %cond3A_689 {
        %add3A_691 = arith.constant 2 : i32
        %add3A_692 = arith.addi %add3A_626, %add3A_691 : i32
        %mul3A_693 = arith.constant 4 : i32
        %mul3A_694 = arith.muli %select_n3A_30, %mul3A_693 : i32
        %jit3A_695 = arith.constant 8 : i32
        %div3A_696 = arith.divsi %add3A_692, %jit3A_695 : i32
        %sign3A_697 = arith.constant 0 : i32
        %sign3A_698 = arith.cmpi sgt, %add3A_692, %sign3A_697 : i32
        %sign3A_699 = arith.extui %sign3A_698 : i1 to i32
        %sign3A_700 = arith.constant 0 : i32
        %sign3A_701 = arith.cmpi slt, %add3A_692, %sign3A_700 : i32
        %sign3A_702 = arith.extui %sign3A_701 : i1 to i32
        %sign3A_703 = arith.subi %sign3A_699, %sign3A_702 : i32
        %sign3A_704 = arith.constant 0 : i32
        %sign3A_705 = arith.cmpi sgt, %jit3A_695, %sign3A_704 : i32
        %sign3A_706 = arith.extui %sign3A_705 : i1 to i32
        %sign3A_707 = arith.constant 0 : i32
        %sign3A_708 = arith.cmpi slt, %jit3A_695, %sign3A_707 : i32
        %sign3A_709 = arith.extui %sign3A_708 : i1 to i32
        %sign3A_710 = arith.subi %sign3A_706, %sign3A_709 : i32
        %ne3A_711 = arith.cmpi ne, %sign3A_703, %sign3A_710 : i32
        %rem3A_712 = arith.remsi %add3A_692, %jit3A_695 : i32
        %ne3A_713 = arith.constant 0 : i32
        %ne3A_714 = arith.cmpi ne, %rem3A_712, %ne3A_713 : i32
        %and3A_715 = arith.andi %ne3A_711, %ne3A_714 : i1
        %sub3A_716 = arith.constant 1 : i32
        %sub3A_717 = arith.subi %div3A_696, %sub3A_716 : i32
        %select_n3A_718 = arith.select %and3A_715, %sub3A_717, %div3A_696 : i32
        %add3A_719 = arith.addi %mul3A_694, %select_n3A_718 : i32
        %mul3A_720 = arith.constant 8 : i32
        %mul3A_721 = arith.muli %add3A_719, %mul3A_720 : i32
        %add3A_722 = arith.addi %mul3A_721, %add3A : i32
        %mul3A_723 = arith.constant 65536 : i32
        %mul3A_724 = arith.muli %add3A_722, %mul3A_723 : i32
        %jit3A_725 = arith.constant 8 : i32
        %eq3A_726 = arith.constant 0 : i32
        %eq3A_727 = arith.cmpi eq, %jit3A_725, %eq3A_726 : i32
        %jit3A_728 = arith.constant 1 : i32
        %select_n3A_729 = arith.select %eq3A_727, %jit3A_728, %jit3A_725 : i32
        %rem3A_730 = arith.remsi %add3A_692, %select_n3A_729 : i32
        %ne3A_731 = arith.constant 0 : i32
        %ne3A_732 = arith.cmpi ne, %rem3A_730, %ne3A_731 : i32
        %lt3A_733 = arith.constant 0 : i32
        %lt3A_734 = arith.cmpi slt, %rem3A_730, %lt3A_733 : i32
        %lt3A_735 = arith.constant 0 : i32
        %lt3A_736 = arith.cmpi slt, %select_n3A_729, %lt3A_735 : i32
        %ne3A_737 = arith.xori %lt3A_734, %lt3A_736 : i1
        %and3A_738 = arith.andi %ne3A_737, %ne3A_732 : i1
        %add3A_739 = arith.addi %rem3A_730, %select_n3A_729 : i32
        %select_n3A_740 = arith.select %and3A_738, %add3A_739, %rem3A_730 : i32
        %mul3A_741 = arith.constant 8192 : i32
        %mul3A_742 = arith.muli %select_n3A_740, %mul3A_741 : i32
        %add3A_743 = arith.addi %mul3A_724, %mul3A_742 : i32
        %dma_start3A_744 = tpu.memref_slice %arg5[%add3A_743] : memref<8388608xi32, #tpu.memory_space<hbm>> -> memref<8192xi32, #tpu.memory_space<hbm>>
        %dma_start3A_745 = tpu.memref_slice %arg5[%add3A_743] : memref<8388608xi32, #tpu.memory_space<hbm>> -> memref<8192xi32, #tpu.memory_space<hbm>>
        tpu.enqueue_dma source(%dma_start3A_745 : memref<8192xi32, #tpu.memory_space<hbm>>) target(%arg11 : memref<8192xi32, #tpu.memory_space<vmem>>) target_semaphore(%arg21 : memref<!tpu.dma_semaphore, #tpu.memory_space<semaphore_mem>>)
      } else {
      }
      %scan3A_690 = arith.constant 0 : i32
      scf.yield %scan3A_690 : i32
    }
    %scan3A_413 = arith.constant 16 : i32
    %scan3A_414 = arith.constant 0 : i32
    %scan3A_415 = arith.constant 0 : i32
    %scan3A_416 = arith.constant 16 : i32
    %scan3A_417 = arith.addi %scan3A_415, %scan3A_416 : i32
    %scan3A_418 = arith.constant 1 : i32
    %scan3A_419 = scf.for %scan3A_556 = %scan3A_415 to %scan3A_417 step %scan3A_418 iter_args(%scan3A_557 = %scan3A_414) -> (i32)  : i32 {
      %mul3A_558 = arith.constant 16 : i32
      %mul3A_559 = arith.muli %scan3A_556, %mul3A_558 : i32
      %get3A_560 = arith.index_cast %mul3A_559 : i32 to index
      %get3A_561 = tpu.vector_load %arg14[%get3A_560] {strides = array<i32>} : memref<32768xi32, #tpu.memory_space<vmem>>, vector<16xi32>,
      %mul3A_562 = arith.constant 16 : i32
      %mul3A_563 = arith.muli %scan3A_556, %mul3A_562 : i32
      %add3A_564 = arith.constant 256 : i32
      %add3A_565 = arith.addi %add3A_564, %mul3A_563 : i32
      %get3A_566 = arith.index_cast %add3A_565 : i32 to index
      %get3A_567 = tpu.vector_load %arg14[%get3A_566] {strides = array<i32>} : memref<32768xi32, #tpu.memory_space<vmem>>, vector<16xi32>,
      %add3A_568 = arith.addi %get3A_561, %get3A_567 : vector<16xi32>
      %mul3A_569 = arith.constant 16 : i32
      %mul3A_570 = arith.muli %scan3A_556, %mul3A_569 : i32
      %add3A_571 = arith.constant 512 : i32
      %add3A_572 = arith.addi %add3A_571, %mul3A_570 : i32
      %get3A_573 = arith.index_cast %add3A_572 : i32 to index
      %get3A_574 = tpu.vector_load %arg14[%get3A_573] {strides = array<i32>} : memref<32768xi32, #tpu.memory_space<vmem>>, vector<16xi32>,
      %add3A_575 = arith.addi %add3A_568, %get3A_574 : vector<16xi32>
      %mul3A_576 = arith.constant 16 : i32
      %mul3A_577 = arith.muli %scan3A_556, %mul3A_576 : i32
      %add3A_578 = arith.constant 768 : i32
      %add3A_579 = arith.addi %add3A_578, %mul3A_577 : i32
      %get3A_580 = arith.index_cast %add3A_579 : i32 to index
      %get3A_581 = tpu.vector_load %arg14[%get3A_580] {strides = array<i32>} : memref<32768xi32, #tpu.memory_space<vmem>>, vector<16xi32>,
      %add3A_582 = arith.addi %add3A_575, %get3A_581 : vector<16xi32>
      %mul3A_583 = arith.constant 16 : i32
      %mul3A_584 = arith.muli %scan3A_556, %mul3A_583 : i32
      %add3A_585 = arith.constant 1024 : i32
      %add3A_586 = arith.addi %add3A_585, %mul3A_584 : i32
      %get3A_587 = arith.index_cast %add3A_586 : i32 to index
      %get3A_588 = tpu.vector_load %arg14[%get3A_587] {strides = array<i32>} : memref<32768xi32, #tpu.memory_space<vmem>>, vector<16xi32>,
      %add3A_589 = arith.addi %add3A_582, %get3A_588 : vector<16xi32>
      %mul3A_590 = arith.constant 16 : i32
      %mul3A_591 = arith.muli %scan3A_556, %mul3A_590 : i32
      %add3A_592 = arith.constant 1280 : i32
      %add3A_593 = arith.addi %add3A_592, %mul3A_591 : i32
      %get3A_594 = arith.index_cast %add3A_593 : i32 to index
      %get3A_595 = tpu.vector_load %arg14[%get3A_594] {strides = array<i32>} : memref<32768xi32, #tpu.memory_space<vmem>>, vector<16xi32>,
      %add3A_596 = arith.addi %add3A_589, %get3A_595 : vector<16xi32>
      %mul3A_597 = arith.constant 16 : i32
      %mul3A_598 = arith.muli %scan3A_556, %mul3A_597 : i32
      %add3A_599 = arith.constant 1536 : i32
      %add3A_600 = arith.addi %add3A_599, %mul3A_598 : i32
      %get3A_601 = arith.index_cast %add3A_600 : i32 to index
      %get3A_602 = tpu.vector_load %arg14[%get3A_601] {strides = array<i32>} : memref<32768xi32, #tpu.memory_space<vmem>>, vector<16xi32>,
      %add3A_603 = arith.addi %add3A_596, %get3A_602 : vector<16xi32>
      %mul3A_604 = arith.constant 16 : i32
      %mul3A_605 = arith.muli %scan3A_556, %mul3A_604 : i32
      %add3A_606 = arith.constant 1792 : i32
      %add3A_607 = arith.addi %add3A_606, %mul3A_605 : i32
      %get3A_608 = arith.index_cast %add3A_607 : i32 to index
      %get3A_609 = tpu.vector_load %arg14[%get3A_608] {strides = array<i32>} : memref<32768xi32, #tpu.memory_space<vmem>>, vector<16xi32>,
      %add3A_610 = arith.addi %add3A_603, %get3A_609 : vector<16xi32>
      %mul3A_611 = arith.constant 16 : i32
      %mul3A_612 = arith.muli %scan3A_556, %mul3A_611 : i32
      %add3A_613 = arith.constant 2048 : i32
      %add3A_614 = arith.addi %add3A_613, %mul3A_612 : i32
      %get3A_615 = arith.index_cast %add3A_614 : i32 to index
      %get3A_616 = tpu.vector_load %arg14[%get3A_615] {strides = array<i32>} : memref<32768xi32, #tpu.memory_space<vmem>>, vector<16xi32>,
      %add3A_617 = arith.addi %add3A_610, %get3A_616 : vector<16xi32>
      %mul3A_618 = arith.constant 16 : i32
      %mul3A_619 = arith.muli %scan3A_556, %mul3A_618 : i32
      %add3A_620 = arith.constant 2304 : i32
      %add3A_621 = arith.addi %add3A_620, %mul3A_619 : i32
      %get3A_622 = arith.index_cast %add3A_621 : i32 to index
      %get3A_623 = tpu.vector_load %arg14[%get3A_622] {strides = array<i32>} : memref<32768xi32, #tpu.memory_space<vmem>>, vector<16xi32>,
      %add3A_624 = arith.addi %add3A_617, %get3A_623 : vector<16xi32>
      %mul3A_625 = arith.constant 16 : i32
      %mul3A_626 = arith.muli %scan3A_556, %mul3A_625 : i32
      %add3A_627 = arith.constant 2560 : i32
      %add3A_628 = arith.addi %add3A_627, %mul3A_626 : i32
      %get3A_629 = arith.index_cast %add3A_628 : i32 to index
      %get3A_630 = tpu.vector_load %arg14[%get3A_629] {strides = array<i32>} : memref<32768xi32, #tpu.memory_space<vmem>>, vector<16xi32>,
      %add3A_631 = arith.addi %add3A_624, %get3A_630 : vector<16xi32>
      %mul3A_632 = arith.constant 16 : i32
      %mul3A_633 = arith.muli %scan3A_556, %mul3A_632 : i32
      %add3A_634 = arith.constant 2816 : i32
      %add3A_635 = arith.addi %add3A_634, %mul3A_633 : i32
      %get3A_636 = arith.index_cast %add3A_635 : i32 to index
      %get3A_637 = tpu.vector_load %arg14[%get3A_636] {strides = array<i32>} : memref<32768xi32, #tpu.memory_space<vmem>>, vector<16xi32>,
      %add3A_638 = arith.addi %add3A_631, %get3A_637 : vector<16xi32>
      %mul3A_639 = arith.constant 16 : i32
      %mul3A_640 = arith.muli %scan3A_556, %mul3A_639 : i32
      %add3A_641 = arith.constant 3072 : i32
      %add3A_642 = arith.addi %add3A_641, %mul3A_640 : i32
      %get3A_643 = arith.index_cast %add3A_642 : i32 to index
      %get3A_644 = tpu.vector_load %arg14[%get3A_643] {strides = array<i32>} : memref<32768xi32, #tpu.memory_space<vmem>>, vector<16xi32>,
      %add3A_645 = arith.addi %add3A_638, %get3A_644 : vector<16xi32>
      %mul3A_646 = arith.constant 16 : i32
      %mul3A_647 = arith.muli %scan3A_556, %mul3A_646 : i32
      %add3A_648 = arith.constant 3328 : i32
      %add3A_649 = arith.addi %add3A_648, %mul3A_647 : i32
      %get3A_650 = arith.index_cast %add3A_649 : i32 to index
      %get3A_651 = tpu.vector_load %arg14[%get3A_650] {strides = array<i32>} : memref<32768xi32, #tpu.memory_space<vmem>>, vector<16xi32>,
      %add3A_652 = arith.addi %add3A_645, %get3A_651 : vector<16xi32>
      %mul3A_653 = arith.constant 16 : i32
      %mul3A_654 = arith.muli %scan3A_556, %mul3A_653 : i32
      %add3A_655 = arith.constant 3584 : i32
      %add3A_656 = arith.addi %add3A_655, %mul3A_654 : i32
      %get3A_657 = arith.index_cast %add3A_656 : i32 to index
      %get3A_658 = tpu.vector_load %arg14[%get3A_657] {strides = array<i32>} : memref<32768xi32, #tpu.memory_space<vmem>>, vector<16xi32>,
      %add3A_659 = arith.addi %add3A_652, %get3A_658 : vector<16xi32>
      %mul3A_660 = arith.constant 16 : i32
      %mul3A_661 = arith.muli %scan3A_556, %mul3A_660 : i32
      %add3A_662 = arith.constant 3840 : i32
      %add3A_663 = arith.addi %add3A_662, %mul3A_661 : i32
      %get3A_664 = arith.index_cast %add3A_663 : i32 to index
      %get3A_665 = tpu.vector_load %arg14[%get3A_664] {strides = array<i32>} : memref<32768xi32, #tpu.memory_space<vmem>>, vector<16xi32>,
      %add3A_666 = arith.addi %add3A_659, %get3A_665 : vector<16xi32>
      %mul3A_667 = arith.constant 16 : i32
      %mul3A_668 = arith.muli %scan3A_556, %mul3A_667 : i32
      %swap3A_669 = arith.index_cast %mul3A_668 : i32 to index
      %swap3A_670 = tpu.vector_load %arg15[%swap3A_669] {strides = array<i32>} : memref<2048xi32, #tpu.memory_space<vmem>>, vector<16xi32>,
      tpu.vector_store %arg15[%swap3A_669], %add3A_666 {strides = array<i32>} : memref<2048xi32, #tpu.memory_space<vmem>>, vector<16xi32>,
      %scan3A_671 = arith.constant 0 : i32
      scf.yield %scan3A_671 : i32
    }
    %scan3A_420 = arith.constant 16 : i32
    %mul3A_421 = arith.constant 2048 : i32
    %mul3A_422 = arith.muli %arg1, %mul3A_421 : i32
    "tpu.region"() ({
      %run_scoped3A = tpu.sem_alloc : memref<!tpu.dma_semaphore, #tpu.memory_space<semaphore_mem>>
      %dma_start3A_556 = arith.constant 0 : i32
      %dma_start3A_557 = tpu.memref_slice %arg15[%dma_start3A_556] : memref<2048xi32, #tpu.memory_space<vmem>> -> memref<256xi32, #tpu.memory_space<vmem>>
      %dma_start3A_558 = tpu.memref_slice %arg18[%mul3A_422] : memref<32768xi32, #tpu.memory_space<vmem_shared>> -> memref<256xi32, #tpu.memory_space<vmem_shared>>
      %dma_start3A_559 = tpu.memref_slice %arg18[%mul3A_422] : memref<32768xi32, #tpu.memory_space<vmem_shared>> -> memref<256xi32, #tpu.memory_space<vmem_shared>>
      %dma_start3A_560 = arith.constant 0 : i32
      %dma_start3A_561 = tpu.memref_slice %arg15[%dma_start3A_560] : memref<2048xi32, #tpu.memory_space<vmem>> -> memref<256xi32, #tpu.memory_space<vmem>>
      tpu.enqueue_dma source(%dma_start3A_561 : memref<256xi32, #tpu.memory_space<vmem>>) target(%dma_start3A_559 : memref<256xi32, #tpu.memory_space<vmem_shared>>) target_semaphore(%run_scoped3A : memref<!tpu.dma_semaphore, #tpu.memory_space<semaphore_mem>>)
      %dma_wait3A_562 = arith.constant 0 : i32
      %dma_wait3A_563 = tpu.memref_slice %arg15[%dma_wait3A_562] : memref<2048xi32, #tpu.memory_space<vmem>> -> memref<256xi32, #tpu.memory_space<vmem>>
      %dma_wait3A_564 = tpu.memref_slice %arg18[%mul3A_422] : memref<32768xi32, #tpu.memory_space<vmem_shared>> -> memref<256xi32, #tpu.memory_space<vmem_shared>>
      %dma_wait3A_565 = tpu.memref_slice %arg18[%mul3A_422] : memref<32768xi32, #tpu.memory_space<vmem_shared>> -> memref<256xi32, #tpu.memory_space<vmem_shared>>
      %dma_wait3A_566 = arith.constant 0 : i32
      %dma_wait3A_567 = tpu.memref_slice %arg15[%dma_wait3A_566] : memref<2048xi32, #tpu.memory_space<vmem>> -> memref<256xi32, #tpu.memory_space<vmem>>
      tpu.wait_dma2 semaphore(%run_scoped3A : memref<!tpu.dma_semaphore, #tpu.memory_space<semaphore_mem>>) src(%dma_wait3A_567 : memref<256xi32, #tpu.memory_space<vmem>>) dst(%dma_wait3A_565 : memref<256xi32, #tpu.memory_space<vmem_shared>>)
      tpu.yield
    }) : () -> ()
    %barrier3A_423 = arith.constant 0 : index
    tpu.barrier barrier_id(%barrier3A_423)
    %mul3A_424 = arith.constant 4 : i32
    %mul3A_425 = arith.muli %select_n3A_30, %mul3A_424 : i32
    %add3A_426 = arith.constant 0 : i32
    %add3A_427 = arith.addi %mul3A_425, %add3A_426 : i32
    %mul3A_428 = arith.constant 8 : i32
    %mul3A_429 = arith.muli %add3A_427, %mul3A_428 : i32
    %add3A_430 = arith.addi %mul3A_429, %add3A : i32
    %mul3A_431 = arith.constant 65536 : i32
    %mul3A_432 = arith.muli %add3A_430, %mul3A_431 : i32
    %add3A_433 = arith.constant 0 : i32
    %add3A_434 = arith.addi %mul3A_432, %add3A_433 : i32
    %dma_start3A_435 = tpu.memref_slice %arg5[%add3A_434] : memref<8388608xi32, #tpu.memory_space<hbm>> -> memref<8192xi32, #tpu.memory_space<hbm>>
    %dma_start3A_436 = tpu.memref_slice %arg5[%add3A_434] : memref<8388608xi32, #tpu.memory_space<hbm>> -> memref<8192xi32, #tpu.memory_space<hbm>>
    tpu.enqueue_dma source(%dma_start3A_436 : memref<8192xi32, #tpu.memory_space<hbm>>) target(%arg10 : memref<8192xi32, #tpu.memory_space<vmem>>) target_semaphore(%arg20 : memref<!tpu.dma_semaphore, #tpu.memory_space<semaphore_mem>>)
    %mul3A_437 = arith.constant 4 : i32
    %mul3A_438 = arith.muli %select_n3A_30, %mul3A_437 : i32
    %add3A_439 = arith.constant 0 : i32
    %add3A_440 = arith.addi %mul3A_438, %add3A_439 : i32
    %mul3A_441 = arith.constant 8 : i32
    %mul3A_442 = arith.muli %add3A_440, %mul3A_441 : i32
    %add3A_443 = arith.addi %mul3A_442, %add3A : i32
    %mul3A_444 = arith.constant 65536 : i32
    %mul3A_445 = arith.muli %add3A_443, %mul3A_444 : i32
    %add3A_446 = arith.constant 8192 : i32
    %add3A_447 = arith.addi %mul3A_445, %add3A_446 : i32
    %dma_start3A_448 = tpu.memref_slice %arg5[%add3A_447] : memref<8388608xi32, #tpu.memory_space<hbm>> -> memref<8192xi32, #tpu.memory_space<hbm>>
    %dma_start3A_449 = tpu.memref_slice %arg5[%add3A_447] : memref<8388608xi32, #tpu.memory_space<hbm>> -> memref<8192xi32, #tpu.memory_space<hbm>>
    tpu.enqueue_dma source(%dma_start3A_449 : memref<8192xi32, #tpu.memory_space<hbm>>) target(%arg11 : memref<8192xi32, #tpu.memory_space<vmem>>) target_semaphore(%arg21 : memref<!tpu.dma_semaphore, #tpu.memory_space<semaphore_mem>>)
    %mul3A_450 = arith.constant 2048 : i32
    %mul3A_451 = arith.muli %mul3A_56, %mul3A_450 : i32
    "tpu.region"() ({
      %run_scoped3A = tpu.sem_alloc : memref<!tpu.dma_semaphore, #tpu.memory_space<semaphore_mem>>
      %dma_start3A_556 = arith.constant 0 : i32
      %dma_start3A_557 = tpu.memref_slice %arg15[%dma_start3A_556] : memref<2048xi32, #tpu.memory_space<vmem>> -> memref<256xi32, #tpu.memory_space<vmem>>
      %dma_start3A_558 = tpu.memref_slice %arg18[%mul3A_451] : memref<32768xi32, #tpu.memory_space<vmem_shared>> -> memref<256xi32, #tpu.memory_space<vmem_shared>>
      %dma_start3A_559 = arith.constant 0 : i32
      %dma_start3A_560 = tpu.memref_slice %arg15[%dma_start3A_559] : memref<2048xi32, #tpu.memory_space<vmem>> -> memref<256xi32, #tpu.memory_space<vmem>>
      %dma_start3A_561 = tpu.memref_slice %arg18[%mul3A_451] : memref<32768xi32, #tpu.memory_space<vmem_shared>> -> memref<256xi32, #tpu.memory_space<vmem_shared>>
      tpu.enqueue_dma source(%dma_start3A_561 : memref<256xi32, #tpu.memory_space<vmem_shared>>) target(%dma_start3A_560 : memref<256xi32, #tpu.memory_space<vmem>>) target_semaphore(%run_scoped3A : memref<!tpu.dma_semaphore, #tpu.memory_space<semaphore_mem>>)
      %dma_wait3A_562 = arith.constant 0 : i32
      %dma_wait3A_563 = tpu.memref_slice %arg15[%dma_wait3A_562] : memref<2048xi32, #tpu.memory_space<vmem>> -> memref<256xi32, #tpu.memory_space<vmem>>
      %dma_wait3A_564 = tpu.memref_slice %arg18[%mul3A_451] : memref<32768xi32, #tpu.memory_space<vmem_shared>> -> memref<256xi32, #tpu.memory_space<vmem_shared>>
      %dma_wait3A_565 = arith.constant 0 : i32
      %dma_wait3A_566 = tpu.memref_slice %arg15[%dma_wait3A_565] : memref<2048xi32, #tpu.memory_space<vmem>> -> memref<256xi32, #tpu.memory_space<vmem>>
      %dma_wait3A_567 = tpu.memref_slice %arg18[%mul3A_451] : memref<32768xi32, #tpu.memory_space<vmem_shared>> -> memref<256xi32, #tpu.memory_space<vmem_shared>>
      tpu.wait_dma2 semaphore(%run_scoped3A : memref<!tpu.dma_semaphore, #tpu.memory_space<semaphore_mem>>) src(%dma_wait3A_567 : memref<256xi32, #tpu.memory_space<vmem_shared>>) dst(%dma_wait3A_566 : memref<256xi32, #tpu.memory_space<vmem>>)
      tpu.yield
    }) : () -> ()
    %add3A_452 = arith.constant 1 : i32
    %add3A_453 = arith.addi %mul3A_56, %add3A_452 : i32
    %mul3A_454 = arith.constant 2048 : i32
    %mul3A_455 = arith.muli %add3A_453, %mul3A_454 : i32
    "tpu.region"() ({
      %run_scoped3A = tpu.sem_alloc : memref<!tpu.dma_semaphore, #tpu.memory_space<semaphore_mem>>
      %dma_start3A_556 = arith.constant 0 : i32
      %dma_start3A_557 = tpu.memref_slice %arg16[%dma_start3A_556] : memref<2048xi32, #tpu.memory_space<vmem>> -> memref<256xi32, #tpu.memory_space<vmem>>
      %dma_start3A_558 = tpu.memref_slice %arg18[%mul3A_455] : memref<32768xi32, #tpu.memory_space<vmem_shared>> -> memref<256xi32, #tpu.memory_space<vmem_shared>>
      %dma_start3A_559 = arith.constant 0 : i32
      %dma_start3A_560 = tpu.memref_slice %arg16[%dma_start3A_559] : memref<2048xi32, #tpu.memory_space<vmem>> -> memref<256xi32, #tpu.memory_space<vmem>>
      %dma_start3A_561 = tpu.memref_slice %arg18[%mul3A_455] : memref<32768xi32, #tpu.memory_space<vmem_shared>> -> memref<256xi32, #tpu.memory_space<vmem_shared>>
      tpu.enqueue_dma source(%dma_start3A_561 : memref<256xi32, #tpu.memory_space<vmem_shared>>) target(%dma_start3A_560 : memref<256xi32, #tpu.memory_space<vmem>>) target_semaphore(%run_scoped3A : memref<!tpu.dma_semaphore, #tpu.memory_space<semaphore_mem>>)
      %dma_wait3A_562 = arith.constant 0 : i32
      %dma_wait3A_563 = tpu.memref_slice %arg16[%dma_wait3A_562] : memref<2048xi32, #tpu.memory_space<vmem>> -> memref<256xi32, #tpu.memory_space<vmem>>
      %dma_wait3A_564 = tpu.memref_slice %arg18[%mul3A_455] : memref<32768xi32, #tpu.memory_space<vmem_shared>> -> memref<256xi32, #tpu.memory_space<vmem_shared>>
      %dma_wait3A_565 = arith.constant 0 : i32
      %dma_wait3A_566 = tpu.memref_slice %arg16[%dma_wait3A_565] : memref<2048xi32, #tpu.memory_space<vmem>> -> memref<256xi32, #tpu.memory_space<vmem>>
      %dma_wait3A_567 = tpu.memref_slice %arg18[%mul3A_455] : memref<32768xi32, #tpu.memory_space<vmem_shared>> -> memref<256xi32, #tpu.memory_space<vmem_shared>>
      tpu.wait_dma2 semaphore(%run_scoped3A : memref<!tpu.dma_semaphore, #tpu.memory_space<semaphore_mem>>) src(%dma_wait3A_567 : memref<256xi32, #tpu.memory_space<vmem_shared>>) dst(%dma_wait3A_566 : memref<256xi32, #tpu.memory_space<vmem>>)
      tpu.yield
    }) : () -> ()
    %broadcast_in_dim3A_456 = arith.constant 0 : i32
    %broadcast_in_dim3A_457 = vector.broadcast %broadcast_in_dim3A_456 : i32 to vector<16xi32>
    %scan3A_458 = arith.constant 0 : i32
    %scan3A_459 = arith.constant 16 : i32
    %scan3A_460 = arith.addi %scan3A_458, %scan3A_459 : i32
    %scan3A_461 = arith.constant 1 : i32
    %scan3A_462 = scf.for %scan3A_556 = %scan3A_458 to %scan3A_460 step %scan3A_461 iter_args(%scan3A_557 = %broadcast_in_dim3A_457) -> (vector<16xi32>)  : i32 {
      %mul3A_558 = arith.constant 16 : i32
      %mul3A_559 = arith.muli %scan3A_556, %mul3A_558 : i32
      %get3A_560 = arith.index_cast %mul3A_559 : i32 to index
      %get3A_561 = tpu.vector_load %arg15[%get3A_560] {strides = array<i32>} : memref<2048xi32, #tpu.memory_space<vmem>>, vector<16xi32>,
      %mul3A_562 = arith.constant 16 : i32
      %mul3A_563 = arith.muli %scan3A_556, %mul3A_562 : i32
      %get3A_564 = arith.index_cast %mul3A_563 : i32 to index
      %get3A_565 = tpu.vector_load %arg16[%get3A_564] {strides = array<i32>} : memref<2048xi32, #tpu.memory_space<vmem>>, vector<16xi32>,
      %add3A_566 = arith.addi %get3A_561, %get3A_565 : vector<16xi32>
      %mul3A_567 = arith.constant 16 : i32
      %mul3A_568 = arith.muli %scan3A_556, %mul3A_567 : i32
      %swap3A_569 = arith.index_cast %mul3A_568 : i32 to index
      %swap3A_570 = tpu.vector_load %arg15[%swap3A_569] {strides = array<i32>} : memref<2048xi32, #tpu.memory_space<vmem>>, vector<16xi32>,
      tpu.vector_store %arg15[%swap3A_569], %add3A_566 {strides = array<i32>} : memref<2048xi32, #tpu.memory_space<vmem>>, vector<16xi32>,
      %add3A_571 = arith.addi %scan3A_557, %add3A_566 : vector<16xi32>
      scf.yield %add3A_571 : vector<16xi32>
    }
    %scan3A_463 = arith.constant 16 : i32
    %reduce_sum3A_464 = arith.constant true
    %reduce_sum3A_465 = vector.broadcast %reduce_sum3A_464 : i1 to vector<16xi1>
    %reduce_sum3A_466 = tpu.scan <sum>, %scan3A_462 masked %reduce_sum3A_465 : vector<16xi32>, vector<16xi1> -> vector<16xi32>
    %reduce_sum3A_467 = vector.extract %reduce_sum3A_466[15] : i32 from vector<16xi32>
    %add3A_468 = arith.constant 2 : i32
    %add3A_469 = arith.addi %mul3A_56, %add3A_468 : i32
    %mul3A_470 = arith.constant 2048 : i32
    %mul3A_471 = arith.muli %add3A_469, %mul3A_470 : i32
    "tpu.region"() ({
      %run_scoped3A = tpu.sem_alloc : memref<!tpu.dma_semaphore, #tpu.memory_space<semaphore_mem>>
      %dma_start3A_556 = arith.constant 0 : i32
      %dma_start3A_557 = tpu.memref_slice %arg16[%dma_start3A_556] : memref<2048xi32, #tpu.memory_space<vmem>> -> memref<256xi32, #tpu.memory_space<vmem>>
      %dma_start3A_558 = tpu.memref_slice %arg18[%mul3A_471] : memref<32768xi32, #tpu.memory_space<vmem_shared>> -> memref<256xi32, #tpu.memory_space<vmem_shared>>
      %dma_start3A_559 = arith.constant 0 : i32
      %dma_start3A_560 = tpu.memref_slice %arg16[%dma_start3A_559] : memref<2048xi32, #tpu.memory_space<vmem>> -> memref<256xi32, #tpu.memory_space<vmem>>
      %dma_start3A_561 = tpu.memref_slice %arg18[%mul3A_471] : memref<32768xi32, #tpu.memory_space<vmem_shared>> -> memref<256xi32, #tpu.memory_space<vmem_shared>>
      tpu.enqueue_dma source(%dma_start3A_561 : memref<256xi32, #tpu.memory_space<vmem_shared>>) target(%dma_start3A_560 : memref<256xi32, #tpu.memory_space<vmem>>) target_semaphore(%run_scoped3A : memref<!tpu.dma_semaphore, #tpu.memory_space<semaphore_mem>>)
      %dma_wait3A_562 = arith.constant 0 : i32
      %dma_wait3A_563 = tpu.memref_slice %arg16[%dma_wait3A_562] : memref<2048xi32, #tpu.memory_space<vmem>> -> memref<256xi32, #tpu.memory_space<vmem>>
      %dma_wait3A_564 = tpu.memref_slice %arg18[%mul3A_471] : memref<32768xi32, #tpu.memory_space<vmem_shared>> -> memref<256xi32, #tpu.memory_space<vmem_shared>>
      %dma_wait3A_565 = arith.constant 0 : i32
      %dma_wait3A_566 = tpu.memref_slice %arg16[%dma_wait3A_565] : memref<2048xi32, #tpu.memory_space<vmem>> -> memref<256xi32, #tpu.memory_space<vmem>>
      %dma_wait3A_567 = tpu.memref_slice %arg18[%mul3A_471] : memref<32768xi32, #tpu.memory_space<vmem_shared>> -> memref<256xi32, #tpu.memory_space<vmem_shared>>
      tpu.wait_dma2 semaphore(%run_scoped3A : memref<!tpu.dma_semaphore, #tpu.memory_space<semaphore_mem>>) src(%dma_wait3A_567 : memref<256xi32, #tpu.memory_space<vmem_shared>>) dst(%dma_wait3A_566 : memref<256xi32, #tpu.memory_space<vmem>>)
      tpu.yield
    }) : () -> ()
    %broadcast_in_dim3A_472 = arith.constant 0 : i32
    %broadcast_in_dim3A_473 = vector.broadcast %broadcast_in_dim3A_472 : i32 to vector<16xi32>
    %scan3A_474 = arith.constant 0 : i32
    %scan3A_475 = arith.constant 16 : i32
    %scan3A_476 = arith.addi %scan3A_474, %scan3A_475 : i32
    %scan3A_477 = arith.constant 1 : i32
    %scan3A_478 = scf.for %scan3A_556 = %scan3A_474 to %scan3A_476 step %scan3A_477 iter_args(%scan3A_557 = %broadcast_in_dim3A_473) -> (vector<16xi32>)  : i32 {
      %mul3A_558 = arith.constant 16 : i32
      %mul3A_559 = arith.muli %scan3A_556, %mul3A_558 : i32
      %get3A_560 = arith.index_cast %mul3A_559 : i32 to index
      %get3A_561 = tpu.vector_load %arg15[%get3A_560] {strides = array<i32>} : memref<2048xi32, #tpu.memory_space<vmem>>, vector<16xi32>,
      %mul3A_562 = arith.constant 16 : i32
      %mul3A_563 = arith.muli %scan3A_556, %mul3A_562 : i32
      %get3A_564 = arith.index_cast %mul3A_563 : i32 to index
      %get3A_565 = tpu.vector_load %arg16[%get3A_564] {strides = array<i32>} : memref<2048xi32, #tpu.memory_space<vmem>>, vector<16xi32>,
      %add3A_566 = arith.addi %get3A_561, %get3A_565 : vector<16xi32>
      %mul3A_567 = arith.constant 16 : i32
      %mul3A_568 = arith.muli %scan3A_556, %mul3A_567 : i32
      %swap3A_569 = arith.index_cast %mul3A_568 : i32 to index
      %swap3A_570 = tpu.vector_load %arg15[%swap3A_569] {strides = array<i32>} : memref<2048xi32, #tpu.memory_space<vmem>>, vector<16xi32>,
      tpu.vector_store %arg15[%swap3A_569], %add3A_566 {strides = array<i32>} : memref<2048xi32, #tpu.memory_space<vmem>>, vector<16xi32>,
      %add3A_571 = arith.addi %scan3A_557, %add3A_566 : vector<16xi32>
      scf.yield %add3A_571 : vector<16xi32>
    }
    %scan3A_479 = arith.constant 16 : i32
    %reduce_sum3A_480 = arith.constant true
    %reduce_sum3A_481 = vector.broadcast %reduce_sum3A_480 : i1 to vector<16xi1>
    %reduce_sum3A_482 = tpu.scan <sum>, %scan3A_478 masked %reduce_sum3A_481 : vector<16xi32>, vector<16xi1> -> vector<16xi32>
    %reduce_sum3A_483 = vector.extract %reduce_sum3A_482[15] : i32 from vector<16xi32>
    %add3A_484 = arith.constant 3 : i32
    %add3A_485 = arith.addi %mul3A_56, %add3A_484 : i32
    %mul3A_486 = arith.constant 2048 : i32
    %mul3A_487 = arith.muli %add3A_485, %mul3A_486 : i32
    "tpu.region"() ({
      %run_scoped3A = tpu.sem_alloc : memref<!tpu.dma_semaphore, #tpu.memory_space<semaphore_mem>>
      %dma_start3A_556 = arith.constant 0 : i32
      %dma_start3A_557 = tpu.memref_slice %arg16[%dma_start3A_556] : memref<2048xi32, #tpu.memory_space<vmem>> -> memref<256xi32, #tpu.memory_space<vmem>>
      %dma_start3A_558 = tpu.memref_slice %arg18[%mul3A_487] : memref<32768xi32, #tpu.memory_space<vmem_shared>> -> memref<256xi32, #tpu.memory_space<vmem_shared>>
      %dma_start3A_559 = arith.constant 0 : i32
      %dma_start3A_560 = tpu.memref_slice %arg16[%dma_start3A_559] : memref<2048xi32, #tpu.memory_space<vmem>> -> memref<256xi32, #tpu.memory_space<vmem>>
      %dma_start3A_561 = tpu.memref_slice %arg18[%mul3A_487] : memref<32768xi32, #tpu.memory_space<vmem_shared>> -> memref<256xi32, #tpu.memory_space<vmem_shared>>
      tpu.enqueue_dma source(%dma_start3A_561 : memref<256xi32, #tpu.memory_space<vmem_shared>>) target(%dma_start3A_560 : memref<256xi32, #tpu.memory_space<vmem>>) target_semaphore(%run_scoped3A : memref<!tpu.dma_semaphore, #tpu.memory_space<semaphore_mem>>)
      %dma_wait3A_562 = arith.constant 0 : i32
      %dma_wait3A_563 = tpu.memref_slice %arg16[%dma_wait3A_562] : memref<2048xi32, #tpu.memory_space<vmem>> -> memref<256xi32, #tpu.memory_space<vmem>>
      %dma_wait3A_564 = tpu.memref_slice %arg18[%mul3A_487] : memref<32768xi32, #tpu.memory_space<vmem_shared>> -> memref<256xi32, #tpu.memory_space<vmem_shared>>
      %dma_wait3A_565 = arith.constant 0 : i32
      %dma_wait3A_566 = tpu.memref_slice %arg16[%dma_wait3A_565] : memref<2048xi32, #tpu.memory_space<vmem>> -> memref<256xi32, #tpu.memory_space<vmem>>
      %dma_wait3A_567 = tpu.memref_slice %arg18[%mul3A_487] : memref<32768xi32, #tpu.memory_space<vmem_shared>> -> memref<256xi32, #tpu.memory_space<vmem_shared>>
      tpu.wait_dma2 semaphore(%run_scoped3A : memref<!tpu.dma_semaphore, #tpu.memory_space<semaphore_mem>>) src(%dma_wait3A_567 : memref<256xi32, #tpu.memory_space<vmem_shared>>) dst(%dma_wait3A_566 : memref<256xi32, #tpu.memory_space<vmem>>)
      tpu.yield
    }) : () -> ()
    %broadcast_in_dim3A_488 = arith.constant 0 : i32
    %broadcast_in_dim3A_489 = vector.broadcast %broadcast_in_dim3A_488 : i32 to vector<16xi32>
    %scan3A_490 = arith.constant 0 : i32
    %scan3A_491 = arith.constant 16 : i32
    %scan3A_492 = arith.addi %scan3A_490, %scan3A_491 : i32
    %scan3A_493 = arith.constant 1 : i32
    %scan3A_494 = scf.for %scan3A_556 = %scan3A_490 to %scan3A_492 step %scan3A_493 iter_args(%scan3A_557 = %broadcast_in_dim3A_489) -> (vector<16xi32>)  : i32 {
      %mul3A_558 = arith.constant 16 : i32
      %mul3A_559 = arith.muli %scan3A_556, %mul3A_558 : i32
      %get3A_560 = arith.index_cast %mul3A_559 : i32 to index
      %get3A_561 = tpu.vector_load %arg15[%get3A_560] {strides = array<i32>} : memref<2048xi32, #tpu.memory_space<vmem>>, vector<16xi32>,
      %mul3A_562 = arith.constant 16 : i32
      %mul3A_563 = arith.muli %scan3A_556, %mul3A_562 : i32
      %get3A_564 = arith.index_cast %mul3A_563 : i32 to index
      %get3A_565 = tpu.vector_load %arg16[%get3A_564] {strides = array<i32>} : memref<2048xi32, #tpu.memory_space<vmem>>, vector<16xi32>,
      %add3A_566 = arith.addi %get3A_561, %get3A_565 : vector<16xi32>
      %mul3A_567 = arith.constant 16 : i32
      %mul3A_568 = arith.muli %scan3A_556, %mul3A_567 : i32
      %swap3A_569 = arith.index_cast %mul3A_568 : i32 to index
      %swap3A_570 = tpu.vector_load %arg15[%swap3A_569] {strides = array<i32>} : memref<2048xi32, #tpu.memory_space<vmem>>, vector<16xi32>,
      tpu.vector_store %arg15[%swap3A_569], %add3A_566 {strides = array<i32>} : memref<2048xi32, #tpu.memory_space<vmem>>, vector<16xi32>,
      %add3A_571 = arith.addi %scan3A_557, %add3A_566 : vector<16xi32>
      scf.yield %add3A_571 : vector<16xi32>
    }
    %scan3A_495 = arith.constant 16 : i32
    %reduce_sum3A_496 = arith.constant true
    %reduce_sum3A_497 = vector.broadcast %reduce_sum3A_496 : i1 to vector<16xi1>
    %reduce_sum3A_498 = tpu.scan <sum>, %scan3A_494 masked %reduce_sum3A_497 : vector<16xi32>, vector<16xi1> -> vector<16xi32>
    %reduce_sum3A_499 = vector.extract %reduce_sum3A_498[15] : i32 from vector<16xi32>
    %sub3A_500 = arith.subi %reduce_sum3A_499, %sub3A_391 : i32
    %add3A_501 = arith.constant 1 : i32
    %add3A_502 = arith.addi %sub3A_500, %add3A_501 : i32
    %iota3A_503 = tpu.iota {dimensions = array<i32: 0>} : vector<16xi32>
    %scan3A_504 = arith.constant 0 : i32
    %scan3A_505 = arith.constant -1 : i32
    %scan3A_506 = arith.constant 0 : i32
    %scan3A_507 = arith.constant 0 : i32
    %scan3A_508 = arith.constant 0 : i32
    %scan3A_509 = arith.constant 16 : i32
    %scan3A_510 = arith.addi %scan3A_508, %scan3A_509 : i32
    %scan3A_511 = arith.constant 1 : i32
    %scan3A_512:4 = scf.for %scan3A_556 = %scan3A_508 to %scan3A_510 step %scan3A_511 iter_args(%scan3A_557 = %scan3A_504, %scan3A_558 = %scan3A_505, %scan3A_559 = %scan3A_506, %scan3A_560 = %scan3A_507) -> (i32, i32, i32, i32)  : i32 {
      %mul3A_561 = arith.constant 16 : i32
      %mul3A_562 = arith.muli %scan3A_556, %mul3A_561 : i32
      %get3A_563 = arith.index_cast %mul3A_562 : i32 to index
      %get3A_564 = tpu.vector_load %arg15[%get3A_563] {strides = array<i32>} : memref<2048xi32, #tpu.memory_space<vmem>>, vector<16xi32>,
      %broadcast_in_dim3A_565 = arith.constant true
      %broadcast_in_dim3A_566 = vector.broadcast %broadcast_in_dim3A_565 : i1 to vector<16xi1>
      %masked_cumsum3A = tpu.scan <sum>, %get3A_564 masked %broadcast_in_dim3A_566 : vector<16xi32>, vector<16xi1> -> vector<16xi32>
      %add3A_567 = vector.broadcast %scan3A_560 : i32 to vector<16xi32>
      %add3A_568 = arith.addi %masked_cumsum3A, %add3A_567 : vector<16xi32>
      %ge3A = vector.broadcast %add3A_502 : i32 to vector<16xi32>
      %ge3A_569 = arith.cmpi sge, %add3A_568, %ge3A : vector<16xi32>
      %convert_element_type3A_570 = arith.extui %ge3A_569 : vector<16xi1> to vector<16xi32>
      %reduce_max3A = arith.constant true
      %reduce_max3A_571 = vector.broadcast %reduce_max3A : i1 to vector<16xi1>
      %reduce_max3A_572 = arith.constant -2147483648 : i32
      %reduce_max3A_573 = vector.broadcast %reduce_max3A_572 : i32 to vector<16xi32>
      %reduce_max3A_574 = arith.xori %convert_element_type3A_570, %reduce_max3A_573 : vector<16xi32>
      %reduce_max3A_575 = tpu.scan <max>, %reduce_max3A_574 masked %reduce_max3A_571 : vector<16xi32>, vector<16xi1> -> vector<16xi32>
      %reduce_max3A_576 = arith.xori %reduce_max3A_575, %reduce_max3A_573 : vector<16xi32>
      %reduce_max3A_577 = vector.extract %reduce_max3A_576[15] : i32 from vector<16xi32>
      %jit3A_578 = arith.constant 16 : i32
      %broadcast_in_dim3A_579 = vector.broadcast %jit3A_578 : i32 to vector<16xi32>
      %select_n3A_580 = arith.select %ge3A_569, %iota3A_503, %broadcast_in_dim3A_579 : vector<16xi1>, vector<16xi32>
      %reduce_min3A = arith.constant true
      %reduce_min3A_581 = vector.broadcast %reduce_min3A : i1 to vector<16xi1>
      %reduce_min3A_582 = arith.constant -2147483648 : i32
      %reduce_min3A_583 = vector.broadcast %reduce_min3A_582 : i32 to vector<16xi32>
      %reduce_min3A_584 = arith.xori %select_n3A_580, %reduce_min3A_583 : vector<16xi32>
      %reduce_min3A_585 = tpu.scan <min>, %reduce_min3A_584 masked %reduce_min3A_581 : vector<16xi32>, vector<16xi1> -> vector<16xi32>
      %reduce_min3A_586 = arith.xori %reduce_min3A_585, %reduce_min3A_583 : vector<16xi32>
      %reduce_min3A_587 = vector.extract %reduce_min3A_586[15] : i32 from vector<16xi32>
      %jit3A_588 = arith.constant 2147483647 : i32
      %broadcast_in_dim3A_589 = vector.broadcast %jit3A_588 : i32 to vector<16xi32>
      %select_n3A_590 = arith.select %ge3A_569, %add3A_568, %broadcast_in_dim3A_589 : vector<16xi1>, vector<16xi32>
      %reduce_min3A_591 = arith.constant true
      %reduce_min3A_592 = vector.broadcast %reduce_min3A_591 : i1 to vector<16xi1>
      %reduce_min3A_593 = arith.constant -2147483648 : i32
      %reduce_min3A_594 = vector.broadcast %reduce_min3A_593 : i32 to vector<16xi32>
      %reduce_min3A_595 = arith.xori %select_n3A_590, %reduce_min3A_594 : vector<16xi32>
      %reduce_min3A_596 = tpu.scan <min>, %reduce_min3A_595 masked %reduce_min3A_592 : vector<16xi32>, vector<16xi1> -> vector<16xi32>
      %reduce_min3A_597 = arith.xori %reduce_min3A_596, %reduce_min3A_594 : vector<16xi32>
      %reduce_min3A_598 = vector.extract %reduce_min3A_597[15] : i32 from vector<16xi32>
      %eq3A_599 = arith.constant 0 : i32
      %eq3A_600 = arith.cmpi eq, %scan3A_557, %eq3A_599 : i32
      %eq3A_601 = arith.constant 1 : i32
      %eq3A_602 = arith.cmpi eq, %reduce_max3A_577, %eq3A_601 : i32
      %and3A_603 = arith.andi %eq3A_600, %eq3A_602 : i1
      %mul3A_604 = arith.constant 16 : i32
      %mul3A_605 = arith.muli %scan3A_556, %mul3A_604 : i32
      %add3A_606 = arith.addi %mul3A_605, %reduce_min3A_587 : i32
      %select_n3A_607 = arith.select %and3A_603, %add3A_606, %scan3A_558 : i32
      %select_n3A_608 = arith.select %and3A_603, %reduce_min3A_598, %scan3A_559 : i32
      %max3A_609 = arith.maxsi %scan3A_557, %reduce_max3A_577 : i32
      %reduce_sum3A_610 = arith.constant true
      %reduce_sum3A_611 = vector.broadcast %reduce_sum3A_610 : i1 to vector<16xi1>
      %reduce_sum3A_612 = tpu.scan <sum>, %get3A_564 masked %reduce_sum3A_611 : vector<16xi32>, vector<16xi1> -> vector<16xi32>
      %reduce_sum3A_613 = vector.extract %reduce_sum3A_612[15] : i32 from vector<16xi32>
      %add3A_614 = arith.addi %scan3A_560, %reduce_sum3A_613 : i32
      scf.yield %max3A_609, %select_n3A_607, %select_n3A_608, %add3A_614 : i32, i32, i32, i32
    }
    %scan3A_513 = arith.constant 16 : i32
    %shift_left3A_514 = arith.constant 8 : i32
    %shift_left3A_515 = arith.shli %or3A, %shift_left3A_514 : i32
    %or3A_516 = arith.ori %shift_left3A_515, %scan3A_512#1 : i32
    %eq3A_517 = arith.constant 1 : i32
    %eq3A_518 = arith.cmpi eq, %convert_element_type3A, %eq3A_517 : i32
    %jit3A_519 = arith.constant 1073741824 : i32
    %select_n3A_520 = arith.select %eq3A_518, %or3A_516, %jit3A_519 : i32
    %xor3A = arith.constant -2147483648 : i32
    %xor3A_521 = arith.xori %select_n3A_520, %xor3A : i32
    %broadcast_in_dim3A_522 = vector.broadcast %xor3A_521 : i32 to vector<16xi32>
    %scan3A_523 = arith.constant 0 : i32
    %scan3A_524 = arith.constant 0 : i32
    %scan3A_525 = arith.constant 16 : i32
    %scan3A_526 = arith.addi %scan3A_524, %scan3A_525 : i32
    %scan3A_527 = arith.constant 1 : i32
    %scan3A_528 = scf.for %scan3A_556 = %scan3A_524 to %scan3A_526 step %scan3A_527 iter_args(%scan3A_557 = %scan3A_523) -> (i32)  : i32 {
      %mul3A_558 = arith.constant 2 : i32
      %mul3A_559 = arith.muli %mul3A_558, %scan3A_556 : i32
      %add3A_560 = arith.constant 0 : i32
      %add3A_561 = arith.addi %mul3A_559, %add3A_560 : i32
      %mul3A_562 = arith.constant 4 : i32
      %mul3A_563 = arith.muli %select_n3A_30, %mul3A_562 : i32
      %jit3A_564 = arith.constant 8 : i32
      %div3A_565 = arith.divsi %add3A_561, %jit3A_564 : i32
      %sign3A_566 = arith.constant 0 : i32
      %sign3A_567 = arith.cmpi sgt, %add3A_561, %sign3A_566 : i32
      %sign3A_568 = arith.extui %sign3A_567 : i1 to i32
      %sign3A_569 = arith.constant 0 : i32
      %sign3A_570 = arith.cmpi slt, %add3A_561, %sign3A_569 : i32
      %sign3A_571 = arith.extui %sign3A_570 : i1 to i32
      %sign3A_572 = arith.subi %sign3A_568, %sign3A_571 : i32
      %sign3A_573 = arith.constant 0 : i32
      %sign3A_574 = arith.cmpi sgt, %jit3A_564, %sign3A_573 : i32
      %sign3A_575 = arith.extui %sign3A_574 : i1 to i32
      %sign3A_576 = arith.constant 0 : i32
      %sign3A_577 = arith.cmpi slt, %jit3A_564, %sign3A_576 : i32
      %sign3A_578 = arith.extui %sign3A_577 : i1 to i32
      %sign3A_579 = arith.subi %sign3A_575, %sign3A_578 : i32
      %ne3A_580 = arith.cmpi ne, %sign3A_572, %sign3A_579 : i32
      %rem3A_581 = arith.remsi %add3A_561, %jit3A_564 : i32
      %ne3A_582 = arith.constant 0 : i32
      %ne3A_583 = arith.cmpi ne, %rem3A_581, %ne3A_582 : i32
      %and3A_584 = arith.andi %ne3A_580, %ne3A_583 : i1
      %sub3A_585 = arith.constant 1 : i32
      %sub3A_586 = arith.subi %div3A_565, %sub3A_585 : i32
      %select_n3A_587 = arith.select %and3A_584, %sub3A_586, %div3A_565 : i32
      %add3A_588 = arith.addi %mul3A_563, %select_n3A_587 : i32
      %mul3A_589 = arith.constant 8 : i32
      %mul3A_590 = arith.muli %add3A_588, %mul3A_589 : i32
      %add3A_591 = arith.addi %mul3A_590, %add3A : i32
      %mul3A_592 = arith.constant 65536 : i32
      %mul3A_593 = arith.muli %add3A_591, %mul3A_592 : i32
      %jit3A_594 = arith.constant 8 : i32
      %eq3A_595 = arith.constant 0 : i32
      %eq3A_596 = arith.cmpi eq, %jit3A_594, %eq3A_595 : i32
      %jit3A_597 = arith.constant 1 : i32
      %select_n3A_598 = arith.select %eq3A_596, %jit3A_597, %jit3A_594 : i32
      %rem3A_599 = arith.remsi %add3A_561, %select_n3A_598 : i32
      %ne3A_600 = arith.constant 0 : i32
      %ne3A_601 = arith.cmpi ne, %rem3A_599, %ne3A_600 : i32
      %lt3A_602 = arith.constant 0 : i32
      %lt3A_603 = arith.cmpi slt, %rem3A_599, %lt3A_602 : i32
      %lt3A_604 = arith.constant 0 : i32
      %lt3A_605 = arith.cmpi slt, %select_n3A_598, %lt3A_604 : i32
      %ne3A_606 = arith.xori %lt3A_603, %lt3A_605 : i1
      %and3A_607 = arith.andi %ne3A_606, %ne3A_601 : i1
      %add3A_608 = arith.addi %rem3A_599, %select_n3A_598 : i32
      %select_n3A_609 = arith.select %and3A_607, %add3A_608, %rem3A_599 : i32
      %mul3A_610 = arith.constant 8192 : i32
      %mul3A_611 = arith.muli %select_n3A_609, %mul3A_610 : i32
      %add3A_612 = arith.addi %mul3A_593, %mul3A_611 : i32
      %dma_wait3A_613 = tpu.memref_slice %arg5[%add3A_612] : memref<8388608xi32, #tpu.memory_space<hbm>> -> memref<8192xi32, #tpu.memory_space<hbm>>
      %dma_wait3A_614 = tpu.memref_slice %arg5[%add3A_612] : memref<8388608xi32, #tpu.memory_space<hbm>> -> memref<8192xi32, #tpu.memory_space<hbm>>
      tpu.wait_dma2 semaphore(%arg20 : memref<!tpu.dma_semaphore, #tpu.memory_space<semaphore_mem>>) src(%dma_wait3A_614 : memref<8192xi32, #tpu.memory_space<hbm>>) dst(%arg10 : memref<8192xi32, #tpu.memory_space<vmem>>)
      %ge3A = arith.constant 2 : i32
      %ge3A_615 = arith.cmpi sge, %add3A_561, %ge3A : i32
      %convert_element_type3A_616 = arith.extui %ge3A_615 : i1 to i32
      %cond3A = arith.constant 0 : i32
      %cond3A_617 = arith.cmpi ne, %convert_element_type3A_616, %cond3A : i32
      scf.if %cond3A_617 {
        %sub3A_806 = arith.constant 2 : i32
        %sub3A_807 = arith.subi %add3A_561, %sub3A_806 : i32
        %mul3A_808 = arith.constant 4 : i32
        %mul3A_809 = arith.muli %select_n3A_30, %mul3A_808 : i32
        %jit3A_810 = arith.constant 8 : i32
        %div3A_811 = arith.divsi %sub3A_807, %jit3A_810 : i32
        %sign3A_812 = arith.constant 0 : i32
        %sign3A_813 = arith.cmpi sgt, %sub3A_807, %sign3A_812 : i32
        %sign3A_814 = arith.extui %sign3A_813 : i1 to i32
        %sign3A_815 = arith.constant 0 : i32
        %sign3A_816 = arith.cmpi slt, %sub3A_807, %sign3A_815 : i32
        %sign3A_817 = arith.extui %sign3A_816 : i1 to i32
        %sign3A_818 = arith.subi %sign3A_814, %sign3A_817 : i32
        %sign3A_819 = arith.constant 0 : i32
        %sign3A_820 = arith.cmpi sgt, %jit3A_810, %sign3A_819 : i32
        %sign3A_821 = arith.extui %sign3A_820 : i1 to i32
        %sign3A_822 = arith.constant 0 : i32
        %sign3A_823 = arith.cmpi slt, %jit3A_810, %sign3A_822 : i32
        %sign3A_824 = arith.extui %sign3A_823 : i1 to i32
        %sign3A_825 = arith.subi %sign3A_821, %sign3A_824 : i32
        %ne3A_826 = arith.cmpi ne, %sign3A_818, %sign3A_825 : i32
        %rem3A_827 = arith.remsi %sub3A_807, %jit3A_810 : i32
        %ne3A_828 = arith.constant 0 : i32
        %ne3A_829 = arith.cmpi ne, %rem3A_827, %ne3A_828 : i32
        %and3A_830 = arith.andi %ne3A_826, %ne3A_829 : i1
        %sub3A_831 = arith.constant 1 : i32
        %sub3A_832 = arith.subi %div3A_811, %sub3A_831 : i32
        %select_n3A_833 = arith.select %and3A_830, %sub3A_832, %div3A_811 : i32
        %add3A_834 = arith.addi %mul3A_809, %select_n3A_833 : i32
        %mul3A_835 = arith.constant 8 : i32
        %mul3A_836 = arith.muli %add3A_834, %mul3A_835 : i32
        %add3A_837 = arith.addi %mul3A_836, %add3A : i32
        %mul3A_838 = arith.constant 65536 : i32
        %mul3A_839 = arith.muli %add3A_837, %mul3A_838 : i32
        %jit3A_840 = arith.constant 8 : i32
        %eq3A_841 = arith.constant 0 : i32
        %eq3A_842 = arith.cmpi eq, %jit3A_840, %eq3A_841 : i32
        %jit3A_843 = arith.constant 1 : i32
        %select_n3A_844 = arith.select %eq3A_842, %jit3A_843, %jit3A_840 : i32
        %rem3A_845 = arith.remsi %sub3A_807, %select_n3A_844 : i32
        %ne3A_846 = arith.constant 0 : i32
        %ne3A_847 = arith.cmpi ne, %rem3A_845, %ne3A_846 : i32
        %lt3A_848 = arith.constant 0 : i32
        %lt3A_849 = arith.cmpi slt, %rem3A_845, %lt3A_848 : i32
        %lt3A_850 = arith.constant 0 : i32
        %lt3A_851 = arith.cmpi slt, %select_n3A_844, %lt3A_850 : i32
        %ne3A_852 = arith.xori %lt3A_849, %lt3A_851 : i1
        %and3A_853 = arith.andi %ne3A_852, %ne3A_847 : i1
        %add3A_854 = arith.addi %rem3A_845, %select_n3A_844 : i32
        %select_n3A_855 = arith.select %and3A_853, %add3A_854, %rem3A_845 : i32
        %mul3A_856 = arith.constant 8192 : i32
        %mul3A_857 = arith.muli %select_n3A_855, %mul3A_856 : i32
        %add3A_858 = arith.addi %mul3A_839, %mul3A_857 : i32
        %dma_wait3A_859 = tpu.memref_slice %arg4[%add3A_858] : memref<8388608xf32, #tpu.memory_space<hbm>> -> memref<8192xf32, #tpu.memory_space<hbm>>
        %dma_wait3A_860 = tpu.memref_slice %arg4[%add3A_858] : memref<8388608xf32, #tpu.memory_space<hbm>> -> memref<8192xf32, #tpu.memory_space<hbm>>
        tpu.wait_dma2 semaphore(%arg22 : memref<!tpu.dma_semaphore, #tpu.memory_space<semaphore_mem>>) src(%arg12 : memref<8192xf32, #tpu.memory_space<vmem>>) dst(%dma_wait3A_860 : memref<8192xf32, #tpu.memory_space<hbm>>)
      } else {
      }
      %parallel_loop3A = arith.constant 0 : i32
      %parallel_loop3A_618 = arith.constant 512 : i32
      %parallel_loop3A_619 = arith.constant 1 : i32
      scf.for %parallel_loop3A_806 = %parallel_loop3A to %parallel_loop3A_618 step %parallel_loop3A_619  : i32 {
        %parallel_loop3A_807 = arith.constant 16 : i32
        %parallel_loop3A_808 = arith.muli %parallel_loop3A_806, %parallel_loop3A_807 : i32
        %parallel_loop3A_809 = arith.index_cast %parallel_loop3A_808 : i32 to index
        %parallel_loop3A_810 = tpu.vector_load %arg10[%parallel_loop3A_809] {strides = array<i32>} : memref<8192xi32, #tpu.memory_space<vmem>>, vector<16xi32>,
        %parallel_loop3A_811 = arith.constant -2147483648 : i32
        %parallel_loop3A_812 = vector.broadcast %parallel_loop3A_811 : i32 to vector<16xi32>
        %parallel_loop3A_813 = arith.xori %parallel_loop3A_810, %parallel_loop3A_812 : vector<16xi32>
        %parallel_loop3A_814 = arith.cmpi sge, %parallel_loop3A_813, %broadcast_in_dim3A_522 : vector<16xi32>
        %parallel_loop3A_815 = arith.constant 1.000000e+00 : f32
        %parallel_loop3A_816 = arith.constant 0.000000e+00 : f32
        %parallel_loop3A_817 = vector.broadcast %parallel_loop3A_815 : f32 to vector<16xf32>
        %parallel_loop3A_818 = vector.broadcast %parallel_loop3A_816 : f32 to vector<16xf32>
        %parallel_loop3A_819 = arith.select %parallel_loop3A_814, %parallel_loop3A_817, %parallel_loop3A_818 : vector<16xi1>, vector<16xf32>
        %parallel_loop3A_820 = arith.index_cast %parallel_loop3A_808 : i32 to index
        %parallel_loop3A_821 = tpu.vector_load %arg12[%parallel_loop3A_820] {strides = array<i32>} : memref<8192xf32, #tpu.memory_space<vmem>>, vector<16xf32>,
        tpu.vector_store %arg12[%parallel_loop3A_820], %parallel_loop3A_819 {strides = array<i32>} : memref<8192xf32, #tpu.memory_space<vmem>>, vector<16xf32>,
      } {sc.loop_unroll_factor = 8 : i64, sc.parallel_access}
      %mul3A_620 = arith.constant 4 : i32
      %mul3A_621 = arith.muli %select_n3A_30, %mul3A_620 : i32
      %jit3A_622 = arith.constant 8 : i32
      %div3A_623 = arith.divsi %add3A_561, %jit3A_622 : i32
      %sign3A_624 = arith.constant 0 : i32
      %sign3A_625 = arith.cmpi sgt, %add3A_561, %sign3A_624 : i32
      %sign3A_626 = arith.extui %sign3A_625 : i1 to i32
      %sign3A_627 = arith.constant 0 : i32
      %sign3A_628 = arith.cmpi slt, %add3A_561, %sign3A_627 : i32
      %sign3A_629 = arith.extui %sign3A_628 : i1 to i32
      %sign3A_630 = arith.subi %sign3A_626, %sign3A_629 : i32
      %sign3A_631 = arith.constant 0 : i32
      %sign3A_632 = arith.cmpi sgt, %jit3A_622, %sign3A_631 : i32
      %sign3A_633 = arith.extui %sign3A_632 : i1 to i32
      %sign3A_634 = arith.constant 0 : i32
      %sign3A_635 = arith.cmpi slt, %jit3A_622, %sign3A_634 : i32
      %sign3A_636 = arith.extui %sign3A_635 : i1 to i32
      %sign3A_637 = arith.subi %sign3A_633, %sign3A_636 : i32
      %ne3A_638 = arith.cmpi ne, %sign3A_630, %sign3A_637 : i32
      %rem3A_639 = arith.remsi %add3A_561, %jit3A_622 : i32
      %ne3A_640 = arith.constant 0 : i32
      %ne3A_641 = arith.cmpi ne, %rem3A_639, %ne3A_640 : i32
      %and3A_642 = arith.andi %ne3A_638, %ne3A_641 : i1
      %sub3A_643 = arith.constant 1 : i32
      %sub3A_644 = arith.subi %div3A_623, %sub3A_643 : i32
      %select_n3A_645 = arith.select %and3A_642, %sub3A_644, %div3A_623 : i32
      %add3A_646 = arith.addi %mul3A_621, %select_n3A_645 : i32
      %mul3A_647 = arith.constant 8 : i32
      %mul3A_648 = arith.muli %add3A_646, %mul3A_647 : i32
      %add3A_649 = arith.addi %mul3A_648, %add3A : i32
      %mul3A_650 = arith.constant 65536 : i32
      %mul3A_651 = arith.muli %add3A_649, %mul3A_650 : i32
      %jit3A_652 = arith.constant 8 : i32
      %eq3A_653 = arith.constant 0 : i32
      %eq3A_654 = arith.cmpi eq, %jit3A_652, %eq3A_653 : i32
      %jit3A_655 = arith.constant 1 : i32
      %select_n3A_656 = arith.select %eq3A_654, %jit3A_655, %jit3A_652 : i32
      %rem3A_657 = arith.remsi %add3A_561, %select_n3A_656 : i32
      %ne3A_658 = arith.constant 0 : i32
      %ne3A_659 = arith.cmpi ne, %rem3A_657, %ne3A_658 : i32
      %lt3A_660 = arith.constant 0 : i32
      %lt3A_661 = arith.cmpi slt, %rem3A_657, %lt3A_660 : i32
      %lt3A_662 = arith.constant 0 : i32
      %lt3A_663 = arith.cmpi slt, %select_n3A_656, %lt3A_662 : i32
      %ne3A_664 = arith.xori %lt3A_661, %lt3A_663 : i1
      %and3A_665 = arith.andi %ne3A_664, %ne3A_659 : i1
      %add3A_666 = arith.addi %rem3A_657, %select_n3A_656 : i32
      %select_n3A_667 = arith.select %and3A_665, %add3A_666, %rem3A_657 : i32
      %mul3A_668 = arith.constant 8192 : i32
      %mul3A_669 = arith.muli %select_n3A_667, %mul3A_668 : i32
      %add3A_670 = arith.addi %mul3A_651, %mul3A_669 : i32
      %dma_start3A_671 = tpu.memref_slice %arg4[%add3A_670] : memref<8388608xf32, #tpu.memory_space<hbm>> -> memref<8192xf32, #tpu.memory_space<hbm>>
      %dma_start3A_672 = tpu.memref_slice %arg4[%add3A_670] : memref<8388608xf32, #tpu.memory_space<hbm>> -> memref<8192xf32, #tpu.memory_space<hbm>>
      tpu.enqueue_dma source(%arg12 : memref<8192xf32, #tpu.memory_space<vmem>>) target(%dma_start3A_672 : memref<8192xf32, #tpu.memory_space<hbm>>) target_semaphore(%arg22 : memref<!tpu.dma_semaphore, #tpu.memory_space<semaphore_mem>>)
      %add3A_673 = arith.constant 2 : i32
      %add3A_674 = arith.addi %add3A_561, %add3A_673 : i32
      %lt3A_675 = arith.constant 32 : i32
      %lt3A_676 = arith.cmpi slt, %add3A_674, %lt3A_675 : i32
      %convert_element_type3A_677 = arith.extui %lt3A_676 : i1 to i32
      %cond3A_678 = arith.constant 0 : i32
      %cond3A_679 = arith.cmpi ne, %convert_element_type3A_677, %cond3A_678 : i32
      scf.if %cond3A_679 {
        %add3A_806 = arith.constant 2 : i32
        %add3A_807 = arith.addi %add3A_561, %add3A_806 : i32
        %mul3A_808 = arith.constant 4 : i32
        %mul3A_809 = arith.muli %select_n3A_30, %mul3A_808 : i32
        %jit3A_810 = arith.constant 8 : i32
        %div3A_811 = arith.divsi %add3A_807, %jit3A_810 : i32
        %sign3A_812 = arith.constant 0 : i32
        %sign3A_813 = arith.cmpi sgt, %add3A_807, %sign3A_812 : i32
        %sign3A_814 = arith.extui %sign3A_813 : i1 to i32
        %sign3A_815 = arith.constant 0 : i32
        %sign3A_816 = arith.cmpi slt, %add3A_807, %sign3A_815 : i32
        %sign3A_817 = arith.extui %sign3A_816 : i1 to i32
        %sign3A_818 = arith.subi %sign3A_814, %sign3A_817 : i32
        %sign3A_819 = arith.constant 0 : i32
        %sign3A_820 = arith.cmpi sgt, %jit3A_810, %sign3A_819 : i32
        %sign3A_821 = arith.extui %sign3A_820 : i1 to i32
        %sign3A_822 = arith.constant 0 : i32
        %sign3A_823 = arith.cmpi slt, %jit3A_810, %sign3A_822 : i32
        %sign3A_824 = arith.extui %sign3A_823 : i1 to i32
        %sign3A_825 = arith.subi %sign3A_821, %sign3A_824 : i32
        %ne3A_826 = arith.cmpi ne, %sign3A_818, %sign3A_825 : i32
        %rem3A_827 = arith.remsi %add3A_807, %jit3A_810 : i32
        %ne3A_828 = arith.constant 0 : i32
        %ne3A_829 = arith.cmpi ne, %rem3A_827, %ne3A_828 : i32
        %and3A_830 = arith.andi %ne3A_826, %ne3A_829 : i1
        %sub3A_831 = arith.constant 1 : i32
        %sub3A_832 = arith.subi %div3A_811, %sub3A_831 : i32
        %select_n3A_833 = arith.select %and3A_830, %sub3A_832, %div3A_811 : i32
        %add3A_834 = arith.addi %mul3A_809, %select_n3A_833 : i32
        %mul3A_835 = arith.constant 8 : i32
        %mul3A_836 = arith.muli %add3A_834, %mul3A_835 : i32
        %add3A_837 = arith.addi %mul3A_836, %add3A : i32
        %mul3A_838 = arith.constant 65536 : i32
        %mul3A_839 = arith.muli %add3A_837, %mul3A_838 : i32
        %jit3A_840 = arith.constant 8 : i32
        %eq3A_841 = arith.constant 0 : i32
        %eq3A_842 = arith.cmpi eq, %jit3A_840, %eq3A_841 : i32
        %jit3A_843 = arith.constant 1 : i32
        %select_n3A_844 = arith.select %eq3A_842, %jit3A_843, %jit3A_840 : i32
        %rem3A_845 = arith.remsi %add3A_807, %select_n3A_844 : i32
        %ne3A_846 = arith.constant 0 : i32
        %ne3A_847 = arith.cmpi ne, %rem3A_845, %ne3A_846 : i32
        %lt3A_848 = arith.constant 0 : i32
        %lt3A_849 = arith.cmpi slt, %rem3A_845, %lt3A_848 : i32
        %lt3A_850 = arith.constant 0 : i32
        %lt3A_851 = arith.cmpi slt, %select_n3A_844, %lt3A_850 : i32
        %ne3A_852 = arith.xori %lt3A_849, %lt3A_851 : i1
        %and3A_853 = arith.andi %ne3A_852, %ne3A_847 : i1
        %add3A_854 = arith.addi %rem3A_845, %select_n3A_844 : i32
        %select_n3A_855 = arith.select %and3A_853, %add3A_854, %rem3A_845 : i32
        %mul3A_856 = arith.constant 8192 : i32
        %mul3A_857 = arith.muli %select_n3A_855, %mul3A_856 : i32
        %add3A_858 = arith.addi %mul3A_839, %mul3A_857 : i32
        %dma_start3A_859 = tpu.memref_slice %arg5[%add3A_858] : memref<8388608xi32, #tpu.memory_space<hbm>> -> memref<8192xi32, #tpu.memory_space<hbm>>
        %dma_start3A_860 = tpu.memref_slice %arg5[%add3A_858] : memref<8388608xi32, #tpu.memory_space<hbm>> -> memref<8192xi32, #tpu.memory_space<hbm>>
        tpu.enqueue_dma source(%dma_start3A_860 : memref<8192xi32, #tpu.memory_space<hbm>>) target(%arg10 : memref<8192xi32, #tpu.memory_space<vmem>>) target_semaphore(%arg20 : memref<!tpu.dma_semaphore, #tpu.memory_space<semaphore_mem>>)
      } else {
      }
      %mul3A_680 = arith.constant 2 : i32
      %mul3A_681 = arith.muli %mul3A_680, %scan3A_556 : i32
      %add3A_682 = arith.constant 1 : i32
      %add3A_683 = arith.addi %mul3A_681, %add3A_682 : i32
      %mul3A_684 = arith.constant 4 : i32
      %mul3A_685 = arith.muli %select_n3A_30, %mul3A_684 : i32
      %jit3A_686 = arith.constant 8 : i32
      %div3A_687 = arith.divsi %add3A_683, %jit3A_686 : i32
      %sign3A_688 = arith.constant 0 : i32
      %sign3A_689 = arith.cmpi sgt, %add3A_683, %sign3A_688 : i32
      %sign3A_690 = arith.extui %sign3A_689 : i1 to i32
      %sign3A_691 = arith.constant 0 : i32
      %sign3A_692 = arith.cmpi slt, %add3A_683, %sign3A_691 : i32
      %sign3A_693 = arith.extui %sign3A_692 : i1 to i32
      %sign3A_694 = arith.subi %sign3A_690, %sign3A_693 : i32
      %sign3A_695 = arith.constant 0 : i32
      %sign3A_696 = arith.cmpi sgt, %jit3A_686, %sign3A_695 : i32
      %sign3A_697 = arith.extui %sign3A_696 : i1 to i32
      %sign3A_698 = arith.constant 0 : i32
      %sign3A_699 = arith.cmpi slt, %jit3A_686, %sign3A_698 : i32
      %sign3A_700 = arith.extui %sign3A_699 : i1 to i32
      %sign3A_701 = arith.subi %sign3A_697, %sign3A_700 : i32
      %ne3A_702 = arith.cmpi ne, %sign3A_694, %sign3A_701 : i32
      %rem3A_703 = arith.remsi %add3A_683, %jit3A_686 : i32
      %ne3A_704 = arith.constant 0 : i32
      %ne3A_705 = arith.cmpi ne, %rem3A_703, %ne3A_704 : i32
      %and3A_706 = arith.andi %ne3A_702, %ne3A_705 : i1
      %sub3A_707 = arith.constant 1 : i32
      %sub3A_708 = arith.subi %div3A_687, %sub3A_707 : i32
      %select_n3A_709 = arith.select %and3A_706, %sub3A_708, %div3A_687 : i32
      %add3A_710 = arith.addi %mul3A_685, %select_n3A_709 : i32
      %mul3A_711 = arith.constant 8 : i32
      %mul3A_712 = arith.muli %add3A_710, %mul3A_711 : i32
      %add3A_713 = arith.addi %mul3A_712, %add3A : i32
      %mul3A_714 = arith.constant 65536 : i32
      %mul3A_715 = arith.muli %add3A_713, %mul3A_714 : i32
      %jit3A_716 = arith.constant 8 : i32
      %eq3A_717 = arith.constant 0 : i32
      %eq3A_718 = arith.cmpi eq, %jit3A_716, %eq3A_717 : i32
      %jit3A_719 = arith.constant 1 : i32
      %select_n3A_720 = arith.select %eq3A_718, %jit3A_719, %jit3A_716 : i32
      %rem3A_721 = arith.remsi %add3A_683, %select_n3A_720 : i32
      %ne3A_722 = arith.constant 0 : i32
      %ne3A_723 = arith.cmpi ne, %rem3A_721, %ne3A_722 : i32
      %lt3A_724 = arith.constant 0 : i32
      %lt3A_725 = arith.cmpi slt, %rem3A_721, %lt3A_724 : i32
      %lt3A_726 = arith.constant 0 : i32
      %lt3A_727 = arith.cmpi slt, %select_n3A_720, %lt3A_726 : i32
      %ne3A_728 = arith.xori %lt3A_725, %lt3A_727 : i1
      %and3A_729 = arith.andi %ne3A_728, %ne3A_723 : i1
      %add3A_730 = arith.addi %rem3A_721, %select_n3A_720 : i32
      %select_n3A_731 = arith.select %and3A_729, %add3A_730, %rem3A_721 : i32
      %mul3A_732 = arith.constant 8192 : i32
      %mul3A_733 = arith.muli %select_n3A_731, %mul3A_732 : i32
      %add3A_734 = arith.addi %mul3A_715, %mul3A_733 : i32
      %dma_wait3A_735 = tpu.memref_slice %arg5[%add3A_734] : memref<8388608xi32, #tpu.memory_space<hbm>> -> memref<8192xi32, #tpu.memory_space<hbm>>
      %dma_wait3A_736 = tpu.memref_slice %arg5[%add3A_734] : memref<8388608xi32, #tpu.memory_space<hbm>> -> memref<8192xi32, #tpu.memory_space<hbm>>
      tpu.wait_dma2 semaphore(%arg21 : memref<!tpu.dma_semaphore, #tpu.memory_space<semaphore_mem>>) src(%dma_wait3A_736 : memref<8192xi32, #tpu.memory_space<hbm>>) dst(%arg11 : memref<8192xi32, #tpu.memory_space<vmem>>)
      %ge3A_737 = arith.constant 2 : i32
      %ge3A_738 = arith.cmpi sge, %add3A_683, %ge3A_737 : i32
      %convert_element_type3A_739 = arith.extui %ge3A_738 : i1 to i32
      %cond3A_740 = arith.constant 0 : i32
      %cond3A_741 = arith.cmpi ne, %convert_element_type3A_739, %cond3A_740 : i32
      scf.if %cond3A_741 {
        %sub3A_806 = arith.constant 2 : i32
        %sub3A_807 = arith.subi %add3A_683, %sub3A_806 : i32
        %mul3A_808 = arith.constant 4 : i32
        %mul3A_809 = arith.muli %select_n3A_30, %mul3A_808 : i32
        %jit3A_810 = arith.constant 8 : i32
        %div3A_811 = arith.divsi %sub3A_807, %jit3A_810 : i32
        %sign3A_812 = arith.constant 0 : i32
        %sign3A_813 = arith.cmpi sgt, %sub3A_807, %sign3A_812 : i32
        %sign3A_814 = arith.extui %sign3A_813 : i1 to i32
        %sign3A_815 = arith.constant 0 : i32
        %sign3A_816 = arith.cmpi slt, %sub3A_807, %sign3A_815 : i32
        %sign3A_817 = arith.extui %sign3A_816 : i1 to i32
        %sign3A_818 = arith.subi %sign3A_814, %sign3A_817 : i32
        %sign3A_819 = arith.constant 0 : i32
        %sign3A_820 = arith.cmpi sgt, %jit3A_810, %sign3A_819 : i32
        %sign3A_821 = arith.extui %sign3A_820 : i1 to i32
        %sign3A_822 = arith.constant 0 : i32
        %sign3A_823 = arith.cmpi slt, %jit3A_810, %sign3A_822 : i32
        %sign3A_824 = arith.extui %sign3A_823 : i1 to i32
        %sign3A_825 = arith.subi %sign3A_821, %sign3A_824 : i32
        %ne3A_826 = arith.cmpi ne, %sign3A_818, %sign3A_825 : i32
        %rem3A_827 = arith.remsi %sub3A_807, %jit3A_810 : i32
        %ne3A_828 = arith.constant 0 : i32
        %ne3A_829 = arith.cmpi ne, %rem3A_827, %ne3A_828 : i32
        %and3A_830 = arith.andi %ne3A_826, %ne3A_829 : i1
        %sub3A_831 = arith.constant 1 : i32
        %sub3A_832 = arith.subi %div3A_811, %sub3A_831 : i32
        %select_n3A_833 = arith.select %and3A_830, %sub3A_832, %div3A_811 : i32
        %add3A_834 = arith.addi %mul3A_809, %select_n3A_833 : i32
        %mul3A_835 = arith.constant 8 : i32
        %mul3A_836 = arith.muli %add3A_834, %mul3A_835 : i32
        %add3A_837 = arith.addi %mul3A_836, %add3A : i32
        %mul3A_838 = arith.constant 65536 : i32
        %mul3A_839 = arith.muli %add3A_837, %mul3A_838 : i32
        %jit3A_840 = arith.constant 8 : i32
        %eq3A_841 = arith.constant 0 : i32
        %eq3A_842 = arith.cmpi eq, %jit3A_840, %eq3A_841 : i32
        %jit3A_843 = arith.constant 1 : i32
        %select_n3A_844 = arith.select %eq3A_842, %jit3A_843, %jit3A_840 : i32
        %rem3A_845 = arith.remsi %sub3A_807, %select_n3A_844 : i32
        %ne3A_846 = arith.constant 0 : i32
        %ne3A_847 = arith.cmpi ne, %rem3A_845, %ne3A_846 : i32
        %lt3A_848 = arith.constant 0 : i32
        %lt3A_849 = arith.cmpi slt, %rem3A_845, %lt3A_848 : i32
        %lt3A_850 = arith.constant 0 : i32
        %lt3A_851 = arith.cmpi slt, %select_n3A_844, %lt3A_850 : i32
        %ne3A_852 = arith.xori %lt3A_849, %lt3A_851 : i1
        %and3A_853 = arith.andi %ne3A_852, %ne3A_847 : i1
        %add3A_854 = arith.addi %rem3A_845, %select_n3A_844 : i32
        %select_n3A_855 = arith.select %and3A_853, %add3A_854, %rem3A_845 : i32
        %mul3A_856 = arith.constant 8192 : i32
        %mul3A_857 = arith.muli %select_n3A_855, %mul3A_856 : i32
        %add3A_858 = arith.addi %mul3A_839, %mul3A_857 : i32
        %dma_wait3A_859 = tpu.memref_slice %arg4[%add3A_858] : memref<8388608xf32, #tpu.memory_space<hbm>> -> memref<8192xf32, #tpu.memory_space<hbm>>
        %dma_wait3A_860 = tpu.memref_slice %arg4[%add3A_858] : memref<8388608xf32, #tpu.memory_space<hbm>> -> memref<8192xf32, #tpu.memory_space<hbm>>
        tpu.wait_dma2 semaphore(%arg23 : memref<!tpu.dma_semaphore, #tpu.memory_space<semaphore_mem>>) src(%arg13 : memref<8192xf32, #tpu.memory_space<vmem>>) dst(%dma_wait3A_860 : memref<8192xf32, #tpu.memory_space<hbm>>)
      } else {
      }
      %parallel_loop3A_742 = arith.constant 0 : i32
      %parallel_loop3A_743 = arith.constant 512 : i32
      %parallel_loop3A_744 = arith.constant 1 : i32
      scf.for %parallel_loop3A_806 = %parallel_loop3A_742 to %parallel_loop3A_743 step %parallel_loop3A_744  : i32 {
        %parallel_loop3A_807 = arith.constant 16 : i32
        %parallel_loop3A_808 = arith.muli %parallel_loop3A_806, %parallel_loop3A_807 : i32
        %parallel_loop3A_809 = arith.index_cast %parallel_loop3A_808 : i32 to index
        %parallel_loop3A_810 = tpu.vector_load %arg11[%parallel_loop3A_809] {strides = array<i32>} : memref<8192xi32, #tpu.memory_space<vmem>>, vector<16xi32>,
        %parallel_loop3A_811 = arith.constant -2147483648 : i32
        %parallel_loop3A_812 = vector.broadcast %parallel_loop3A_811 : i32 to vector<16xi32>
        %parallel_loop3A_813 = arith.xori %parallel_loop3A_810, %parallel_loop3A_812 : vector<16xi32>
        %parallel_loop3A_814 = arith.cmpi sge, %parallel_loop3A_813, %broadcast_in_dim3A_522 : vector<16xi32>
        %parallel_loop3A_815 = arith.constant 1.000000e+00 : f32
        %parallel_loop3A_816 = arith.constant 0.000000e+00 : f32
        %parallel_loop3A_817 = vector.broadcast %parallel_loop3A_815 : f32 to vector<16xf32>
        %parallel_loop3A_818 = vector.broadcast %parallel_loop3A_816 : f32 to vector<16xf32>
        %parallel_loop3A_819 = arith.select %parallel_loop3A_814, %parallel_loop3A_817, %parallel_loop3A_818 : vector<16xi1>, vector<16xf32>
        %parallel_loop3A_820 = arith.index_cast %parallel_loop3A_808 : i32 to index
        %parallel_loop3A_821 = tpu.vector_load %arg13[%parallel_loop3A_820] {strides = array<i32>} : memref<8192xf32, #tpu.memory_space<vmem>>, vector<16xf32>,
        tpu.vector_store %arg13[%parallel_loop3A_820], %parallel_loop3A_819 {strides = array<i32>} : memref<8192xf32, #tpu.memory_space<vmem>>, vector<16xf32>,
      } {sc.loop_unroll_factor = 8 : i64, sc.parallel_access}
      %mul3A_745 = arith.constant 4 : i32
      %mul3A_746 = arith.muli %select_n3A_30, %mul3A_745 : i32
      %jit3A_747 = arith.constant 8 : i32
      %div3A_748 = arith.divsi %add3A_683, %jit3A_747 : i32
      %sign3A_749 = arith.constant 0 : i32
      %sign3A_750 = arith.cmpi sgt, %add3A_683, %sign3A_749 : i32
      %sign3A_751 = arith.extui %sign3A_750 : i1 to i32
      %sign3A_752 = arith.constant 0 : i32
      %sign3A_753 = arith.cmpi slt, %add3A_683, %sign3A_752 : i32
      %sign3A_754 = arith.extui %sign3A_753 : i1 to i32
      %sign3A_755 = arith.subi %sign3A_751, %sign3A_754 : i32
      %sign3A_756 = arith.constant 0 : i32
      %sign3A_757 = arith.cmpi sgt, %jit3A_747, %sign3A_756 : i32
      %sign3A_758 = arith.extui %sign3A_757 : i1 to i32
      %sign3A_759 = arith.constant 0 : i32
      %sign3A_760 = arith.cmpi slt, %jit3A_747, %sign3A_759 : i32
      %sign3A_761 = arith.extui %sign3A_760 : i1 to i32
      %sign3A_762 = arith.subi %sign3A_758, %sign3A_761 : i32
      %ne3A_763 = arith.cmpi ne, %sign3A_755, %sign3A_762 : i32
      %rem3A_764 = arith.remsi %add3A_683, %jit3A_747 : i32
      %ne3A_765 = arith.constant 0 : i32
      %ne3A_766 = arith.cmpi ne, %rem3A_764, %ne3A_765 : i32
      %and3A_767 = arith.andi %ne3A_763, %ne3A_766 : i1
      %sub3A_768 = arith.constant 1 : i32
      %sub3A_769 = arith.subi %div3A_748, %sub3A_768 : i32
      %select_n3A_770 = arith.select %and3A_767, %sub3A_769, %div3A_748 : i32
      %add3A_771 = arith.addi %mul3A_746, %select_n3A_770 : i32
      %mul3A_772 = arith.constant 8 : i32
      %mul3A_773 = arith.muli %add3A_771, %mul3A_772 : i32
      %add3A_774 = arith.addi %mul3A_773, %add3A : i32
      %mul3A_775 = arith.constant 65536 : i32
      %mul3A_776 = arith.muli %add3A_774, %mul3A_775 : i32
      %jit3A_777 = arith.constant 8 : i32
      %eq3A_778 = arith.constant 0 : i32
      %eq3A_779 = arith.cmpi eq, %jit3A_777, %eq3A_778 : i32
      %jit3A_780 = arith.constant 1 : i32
      %select_n3A_781 = arith.select %eq3A_779, %jit3A_780, %jit3A_777 : i32
      %rem3A_782 = arith.remsi %add3A_683, %select_n3A_781 : i32
      %ne3A_783 = arith.constant 0 : i32
      %ne3A_784 = arith.cmpi ne, %rem3A_782, %ne3A_783 : i32
      %lt3A_785 = arith.constant 0 : i32
      %lt3A_786 = arith.cmpi slt, %rem3A_782, %lt3A_785 : i32
      %lt3A_787 = arith.constant 0 : i32
      %lt3A_788 = arith.cmpi slt, %select_n3A_781, %lt3A_787 : i32
      %ne3A_789 = arith.xori %lt3A_786, %lt3A_788 : i1
      %and3A_790 = arith.andi %ne3A_789, %ne3A_784 : i1
      %add3A_791 = arith.addi %rem3A_782, %select_n3A_781 : i32
      %select_n3A_792 = arith.select %and3A_790, %add3A_791, %rem3A_782 : i32
      %mul3A_793 = arith.constant 8192 : i32
      %mul3A_794 = arith.muli %select_n3A_792, %mul3A_793 : i32
      %add3A_795 = arith.addi %mul3A_776, %mul3A_794 : i32
      %dma_start3A_796 = tpu.memref_slice %arg4[%add3A_795] : memref<8388608xf32, #tpu.memory_space<hbm>> -> memref<8192xf32, #tpu.memory_space<hbm>>
      %dma_start3A_797 = tpu.memref_slice %arg4[%add3A_795] : memref<8388608xf32, #tpu.memory_space<hbm>> -> memref<8192xf32, #tpu.memory_space<hbm>>
      tpu.enqueue_dma source(%arg13 : memref<8192xf32, #tpu.memory_space<vmem>>) target(%dma_start3A_797 : memref<8192xf32, #tpu.memory_space<hbm>>) target_semaphore(%arg23 : memref<!tpu.dma_semaphore, #tpu.memory_space<semaphore_mem>>)
      %add3A_798 = arith.constant 2 : i32
      %add3A_799 = arith.addi %add3A_683, %add3A_798 : i32
      %lt3A_800 = arith.constant 32 : i32
      %lt3A_801 = arith.cmpi slt, %add3A_799, %lt3A_800 : i32
      %convert_element_type3A_802 = arith.extui %lt3A_801 : i1 to i32
      %cond3A_803 = arith.constant 0 : i32
      %cond3A_804 = arith.cmpi ne, %convert_element_type3A_802, %cond3A_803 : i32
      scf.if %cond3A_804 {
        %add3A_806 = arith.constant 2 : i32
        %add3A_807 = arith.addi %add3A_683, %add3A_806 : i32
        %mul3A_808 = arith.constant 4 : i32
        %mul3A_809 = arith.muli %select_n3A_30, %mul3A_808 : i32
        %jit3A_810 = arith.constant 8 : i32
        %div3A_811 = arith.divsi %add3A_807, %jit3A_810 : i32
        %sign3A_812 = arith.constant 0 : i32
        %sign3A_813 = arith.cmpi sgt, %add3A_807, %sign3A_812 : i32
        %sign3A_814 = arith.extui %sign3A_813 : i1 to i32
        %sign3A_815 = arith.constant 0 : i32
        %sign3A_816 = arith.cmpi slt, %add3A_807, %sign3A_815 : i32
        %sign3A_817 = arith.extui %sign3A_816 : i1 to i32
        %sign3A_818 = arith.subi %sign3A_814, %sign3A_817 : i32
        %sign3A_819 = arith.constant 0 : i32
        %sign3A_820 = arith.cmpi sgt, %jit3A_810, %sign3A_819 : i32
        %sign3A_821 = arith.extui %sign3A_820 : i1 to i32
        %sign3A_822 = arith.constant 0 : i32
        %sign3A_823 = arith.cmpi slt, %jit3A_810, %sign3A_822 : i32
        %sign3A_824 = arith.extui %sign3A_823 : i1 to i32
        %sign3A_825 = arith.subi %sign3A_821, %sign3A_824 : i32
        %ne3A_826 = arith.cmpi ne, %sign3A_818, %sign3A_825 : i32
        %rem3A_827 = arith.remsi %add3A_807, %jit3A_810 : i32
        %ne3A_828 = arith.constant 0 : i32
        %ne3A_829 = arith.cmpi ne, %rem3A_827, %ne3A_828 : i32
        %and3A_830 = arith.andi %ne3A_826, %ne3A_829 : i1
        %sub3A_831 = arith.constant 1 : i32
        %sub3A_832 = arith.subi %div3A_811, %sub3A_831 : i32
        %select_n3A_833 = arith.select %and3A_830, %sub3A_832, %div3A_811 : i32
        %add3A_834 = arith.addi %mul3A_809, %select_n3A_833 : i32
        %mul3A_835 = arith.constant 8 : i32
        %mul3A_836 = arith.muli %add3A_834, %mul3A_835 : i32
        %add3A_837 = arith.addi %mul3A_836, %add3A : i32
        %mul3A_838 = arith.constant 65536 : i32
        %mul3A_839 = arith.muli %add3A_837, %mul3A_838 : i32
        %jit3A_840 = arith.constant 8 : i32
        %eq3A_841 = arith.constant 0 : i32
        %eq3A_842 = arith.cmpi eq, %jit3A_840, %eq3A_841 : i32
        %jit3A_843 = arith.constant 1 : i32
        %select_n3A_844 = arith.select %eq3A_842, %jit3A_843, %jit3A_840 : i32
        %rem3A_845 = arith.remsi %add3A_807, %select_n3A_844 : i32
        %ne3A_846 = arith.constant 0 : i32
        %ne3A_847 = arith.cmpi ne, %rem3A_845, %ne3A_846 : i32
        %lt3A_848 = arith.constant 0 : i32
        %lt3A_849 = arith.cmpi slt, %rem3A_845, %lt3A_848 : i32
        %lt3A_850 = arith.constant 0 : i32
        %lt3A_851 = arith.cmpi slt, %select_n3A_844, %lt3A_850 : i32
        %ne3A_852 = arith.xori %lt3A_849, %lt3A_851 : i1
        %and3A_853 = arith.andi %ne3A_852, %ne3A_847 : i1
        %add3A_854 = arith.addi %rem3A_845, %select_n3A_844 : i32
        %select_n3A_855 = arith.select %and3A_853, %add3A_854, %rem3A_845 : i32
        %mul3A_856 = arith.constant 8192 : i32
        %mul3A_857 = arith.muli %select_n3A_855, %mul3A_856 : i32
        %add3A_858 = arith.addi %mul3A_839, %mul3A_857 : i32
        %dma_start3A_859 = tpu.memref_slice %arg5[%add3A_858] : memref<8388608xi32, #tpu.memory_space<hbm>> -> memref<8192xi32, #tpu.memory_space<hbm>>
        %dma_start3A_860 = tpu.memref_slice %arg5[%add3A_858] : memref<8388608xi32, #tpu.memory_space<hbm>> -> memref<8192xi32, #tpu.memory_space<hbm>>
        tpu.enqueue_dma source(%dma_start3A_860 : memref<8192xi32, #tpu.memory_space<hbm>>) target(%arg11 : memref<8192xi32, #tpu.memory_space<vmem>>) target_semaphore(%arg21 : memref<!tpu.dma_semaphore, #tpu.memory_space<semaphore_mem>>)
      } else {
      }
      %scan3A_805 = arith.constant 0 : i32
      scf.yield %scan3A_805 : i32
    }
    %scan3A_529 = arith.constant 16 : i32
    %mul3A_530 = arith.constant 4 : i32
    %mul3A_531 = arith.muli %select_n3A_30, %mul3A_530 : i32
    %add3A_532 = arith.constant 3 : i32
    %add3A_533 = arith.addi %mul3A_531, %add3A_532 : i32
    %mul3A_534 = arith.constant 8 : i32
    %mul3A_535 = arith.muli %add3A_533, %mul3A_534 : i32
    %add3A_536 = arith.addi %mul3A_535, %add3A : i32
    %mul3A_537 = arith.constant 65536 : i32
    %mul3A_538 = arith.muli %add3A_536, %mul3A_537 : i32
    %add3A_539 = arith.constant 49152 : i32
    %add3A_540 = arith.addi %mul3A_538, %add3A_539 : i32
    %dma_wait3A_541 = tpu.memref_slice %arg4[%add3A_540] : memref<8388608xf32, #tpu.memory_space<hbm>> -> memref<8192xf32, #tpu.memory_space<hbm>>
    %dma_wait3A_542 = tpu.memref_slice %arg4[%add3A_540] : memref<8388608xf32, #tpu.memory_space<hbm>> -> memref<8192xf32, #tpu.memory_space<hbm>>
    tpu.wait_dma2 semaphore(%arg22 : memref<!tpu.dma_semaphore, #tpu.memory_space<semaphore_mem>>) src(%arg12 : memref<8192xf32, #tpu.memory_space<vmem>>) dst(%dma_wait3A_542 : memref<8192xf32, #tpu.memory_space<hbm>>)
    %mul3A_543 = arith.constant 4 : i32
    %mul3A_544 = arith.muli %select_n3A_30, %mul3A_543 : i32
    %add3A_545 = arith.constant 3 : i32
    %add3A_546 = arith.addi %mul3A_544, %add3A_545 : i32
    %mul3A_547 = arith.constant 8 : i32
    %mul3A_548 = arith.muli %add3A_546, %mul3A_547 : i32
    %add3A_549 = arith.addi %mul3A_548, %add3A : i32
    %mul3A_550 = arith.constant 65536 : i32
    %mul3A_551 = arith.muli %add3A_549, %mul3A_550 : i32
    %add3A_552 = arith.constant 57344 : i32
    %add3A_553 = arith.addi %mul3A_551, %add3A_552 : i32
    %dma_wait3A_554 = tpu.memref_slice %arg4[%add3A_553] : memref<8388608xf32, #tpu.memory_space<hbm>> -> memref<8192xf32, #tpu.memory_space<hbm>>
    %dma_wait3A_555 = tpu.memref_slice %arg4[%add3A_553] : memref<8388608xf32, #tpu.memory_space<hbm>> -> memref<8192xf32, #tpu.memory_space<hbm>>
    tpu.wait_dma2 semaphore(%arg23 : memref<!tpu.dma_semaphore, #tpu.memory_space<semaphore_mem>>) src(%arg13 : memref<8192xf32, #tpu.memory_space<vmem>>) dst(%dma_wait3A_555 : memref<8192xf32, #tpu.memory_space<hbm>>)
    return
  }
}

</mosaic_0001>

<sc_bundles>
// kernel: kernel.3.cloned.1.call-start
scs
__scs_entry_jumppad:
0x0: {  	(pc) =	sbr.rel $0x88, $3  }
0x1: {  	(tag) =	ssettag $0x0;
	lr =	simm.s32 $0x1  }
0x2: {  	[smem:$0x3F9F] =	sst lr;
	_ =	strace $0xD0000000  }
0x3: {  	_ = 	snop  }
0x4: {  	_ = 	snop  }
0x5: {  	_ = 	snop  }
0x6: {  	_ = 	snop  }
0x7: {  	_ = 	snop  }
__scs_overlays_trampoline_lowered:
0x8: {  	[smem:$0x3FAE] =	sst s0  }
0x9: {  	[smem:$0x3FAF] =	sst s1  }
0xa: {  	[smem:$0x3FB0] =	sst s2  }
0xb: {  	[smem:$0x3FB1] =	sst s3  }
0xc: {  	[smem:$0x3FB2] =	sst s4  }
0xd: {  	[smem:$0x3FB3] =	sst s5  }
0xe: {  	[smem:$0x3FB4] =	sst s6  }
0xf: {  	[smem:$0x3FB5] =	sst s7  }
0x10: {  	[smem:$0x3FB6] =	sst s8  }
0x11: {  	[smem:$0x3FB7] =	sst s9;
	s0 =	simm.s32 @!p0 $0x0  }
0x12: {  	s1 =	sld [smem:$0x3F9D];
	s0 =	simm.s32 @p0 $0x1  }
0x13: {  	[smem:$0x3FB8] =	sst s0;
	s0 =	simm.s32 @!p1 $0x0  }
0x14: {  	s2 =	sld [smem:$0x3F9C];
	s0 =	simm.s32 @p1 $0x1  }
0x15: {  	[smem:$0x3FB9] =	sst s0;
	s0 =	simm.s32 @!p2 $0x0  }
0x16: {  	s3 =	sld [smem:$0x3FDB];
	s0 =	simm.s32 @p2 $0x1  }
0x17: {  	s4 =	simm.s32 $0x1BF5;
	[smem:$0x3FBB] =	sst s0  }
0x18: {  	s0 =	sld [smem:$0x3F9E];
	_ =	swait.ge [sflag:s4], $0x0  }
0x19: {  	s7 =	sld [smem:$0x3F9F]  }
0x1a: {  	s8 =	sadd.s32 $0xFFFFE003, lr  }
0x1b: {  	s9 =	sadd.s32 $0xFFFFFEF7, lr;
	s5 =	simm.s32 $0xFFFFFFFF;
	p2 =	slt.u32 s8, $0xFFFFF086  }
0x1c: {  	p1 =	slt.u32 s9, $0xF7A;
	s5 =	simm.s32 @!p2 $0x0  }
0x1d: {  	s5 =	simm.s32 @p1 $0x1;
	p0 =	seq.s32 s7, s2  }
0x1e: {  	s7 =	smul.u32 @!p0 $0xF7A, s2;
	p2 =	seq.s32 @!p0 s5, $0x0  }
0x1f: {  	s9 =	smul.u32 $0xF7A, s1;
	s8 =	simm.s32 @!p0 $0x1BF5;
	p2 =	por !p2, p0  }
0x20: {  	[sflag:s8] =	ssyncset.s32 @!p0 $0xFFFFF086;
	s6 =	sadd.s32 @!p0 s3, s7;
	s7 =	simm.s32 @!p0 $0x108  }
0x21: {  	s3 =	sadd.s32 s3, s9;
	s6 =	sadd.s32 @!p0 $0x88, s6;
	s7 =	simm.s32 @p2 $0x1082  }
0x22: {  	[simem:s7], [sflag:s8] =	dma.local @!p0 [hbm:s6], $0xF7A  }
0x23: {  	s9 =	sor.u32 $0xD0000000, s2;
	s6 =	simm.s32 $0x108;
	_ =	swait.ge @!p0 [sflag:s8], $0x0  }
0x24: {  	s3 =	sadd.s32 $0x88, s3;
	s6 =	simm.s32 @!p1 $0x1082;
	[sflag:s4] =	ssyncset.s32 $0xFFFFF086  }
0x25: {  	[simem:s6], [sflag:s4] =	dma.local [hbm:s3], $0xF7A  }
0x26: {  	[smem:$0x3F9F] =	sst s1;
	(tag) =	ssettag s2;
	_ =	strace s9  }
0x27: {  	s1 =	sld [smem:$0x3FAF]  }
0x28: {  	s2 =	sld [smem:$0x3FB0]  }
0x29: {  	s4 =	sld [smem:$0x3FB2]  }
0x2a: {  	p0 =	seq.s32 s5, $0x0;
	s5 =	sld [smem:$0x3FB3]  }
0x2b: {  	s6 =	sld [smem:$0x3FB4]  }
0x2c: {  	s7 =	sld [smem:$0x3FB5]  }
0x2d: {  	s3 =	simm.s32 $0x108;
	s8 =	sld [smem:$0x3FB6]  }
0x2e: {  	s3 =	simm.s32 @!p0 $0x1082;
	s9 =	sld [smem:$0x3FB7]  }
0x2f: {  	lr =	sadd.s32 s0, s3;
	s0 =	sld [smem:$0x3FAE]  }
0x30: {  	s3 =	sld [smem:$0x3FB1]  }
0x31: {  	[smem:$0x3FBA] =	sst s10  }
0x32: {  	s10 =	sld [smem:$0x3FB8];
	_ =	sdelay $0x3  }
0x33: {  	p0 =	seq.s32 s10, $0x1;
	s10 =	sld [smem:$0x3FBA];
	_ =	sdelay $0x3  }
0x34: {  	[smem:$0x3FBA] =	sst s10  }
0x35: {  	s10 =	sld [smem:$0x3FB9];
	_ =	sdelay $0x3  }
0x36: {  	p1 =	seq.s32 s10, $0x1;
	s10 =	sld [smem:$0x3FBA];
	_ =	sdelay $0x3  }
0x37: {  	[smem:$0x3FBA] =	sst s10  }
0x38: {  	s10 =	sld [smem:$0x3FBB]  }
0x39: {  	_ = 	snop;
	(pc) =	sbr.ind lr, $3  }
0x3a: {  	_ = 	snop  }
0x3b: {  	_ = 	snop  }
0x3c: {  	p2 =	seq.s32 s10, $0x1;
	s10 =	sld [smem:$0x3FBA]  }
0x3d: {  	_ =	shalt  }
0x3e: {  	_ =	shalt  }
0x3f: {  	_ =	shalt  }
0x40: {  	_ =	shalt  }
0x41: {  	_ =	shalt  }
0x42: {  	_ =	shalt  }
0x43: {  	_ =	shalt  }
0x44: {  	_ =	shalt  }
0x45: {  	_ =	shalt  }
0x46: {  	_ =	shalt  }
0x47: {  	_ =	shalt  }
0x48: {  	_ =	shalt  }
0x49: {  	_ =	shalt  }
0x4a: {  	_ =	shalt  }
0x4b: {  	_ =	shalt  }
0x4c: {  	_ =	shalt  }
0x4d: {  	_ =	shalt  }
0x4e: {  	_ =	shalt  }
0x4f: {  	_ =	shalt  }
0x50: {  	_ =	shalt  }
0x51: {  	_ =	shalt  }
0x52: {  	_ =	shalt  }
0x53: {  	_ =	shalt  }
0x54: {  	_ =	shalt  }
0x55: {  	_ =	shalt  }
0x56: {  	_ =	shalt  }
0x57: {  	_ =	shalt  }
0x58: {  	_ =	shalt  }
0x59: {  	_ =	shalt  }
0x5a: {  	_ =	shalt  }
0x5b: {  	_ =	shalt  }
0x5c: {  	_ =	shalt  }
0x5d: {  	_ =	shalt  }
0x5e: {  	_ =	shalt  }
0x5f: {  	_ =	shalt  }
0x60: {  	_ =	shalt  }
0x61: {  	_ =	shalt  }
0x62: {  	_ =	shalt  }
0x63: {  	_ =	shalt  }
0x64: {  	_ =	shalt  }
0x65: {  	_ =	shalt  }
0x66: {  	_ =	shalt  }
0x67: {  	_ =	shalt  }
0x68: {  	_ =	shalt  }
0x69: {  	_ =	shalt  }
0x6a: {  	_ =	shalt  }
0x6b: {  	_ =	shalt  }
0x6c: {  	_ =	shalt  }
0x6d: {  	_ =	shalt  }
0x6e: {  	_ =	shalt  }
0x6f: {  	_ =	shalt  }
0x70: {  	_ =	shalt  }
0x71: {  	_ =	shalt  }
0x72: {  	_ =	shalt  }
0x73: {  	_ =	shalt  }
0x74: {  	_ =	shalt  }
0x75: {  	_ =	shalt  }
0x76: {  	_ =	shalt  }
0x77: {  	_ =	shalt  }
0x78: {  	_ =	shalt  }
0x79: {  	_ =	shalt  }
0x7a: {  	_ =	shalt  }
0x7b: {  	_ =	shalt  }
0x7c: {  	_ =	shalt  }
0x7d: {  	_ =	shalt  }
0x7e: {  	_ =	shalt  }
0x7f: {  	_ =	shalt  }
0x80: {  	_ =	shalt  }
0x81: {  	_ =	shalt  }
0x82: {  	_ =	shalt  }
0x83: {  	_ =	shalt  }
0x84: {  	_ =	shalt  }
0x85: {  	_ =	shalt  }
0x86: {  	_ =	shalt  }
0x87: {  	_ =	shalt  }
.Lfunc_end0:
.L_simem_size_0:
called_computation_lowered:
.L_overlay_start_0:
0x88: {  	s2 =	sld [smem:$0x3FD9]  }
0x89: {  	s3 =	sld [smem:$0x3FFE];
	_ =	sdelay $0x1  }
0x8a: {  	s1 =	srdreg.scid  }
0x8b: {  	s0 =	sand.u32 $0x1, s1  }
0x8c: {  	s17 =	sshll.u32 s0, $0xA;
	s2 =	sadd.s32 s3, s2  }
0x8d: {  	s2 =	sadd.s32 s2, s17  }
0x8e: {  	[smem:$0x3FC6] =	sst s2  }
0x8f: {  	_ = 	snop  }
0x90: {  	s2 =	sld [smem:$0x3FC9]  }
0x91: {  	s18 =	sld [smem:$0x3FC8]  }
0x92: {  	s4 =	sld [smem:$0x3FD0];
	(tm) =	ssettm $0x1  }
0x93: {  	s5 =	sld [smem:$0x3FFB];
	_ =	sdelay $0x3  }
0x94: {  	_ =	strace s5  }
0x95: {  	s5 =	sld [smem:$0x3FFC];
	_ =	sdelay $0x3  }
0x96: {  	_ =	strace s5  }
0x97: {  	s5 =	sld [smem:$0x3FFD];
	_ =	sdelay $0x3  }
0x98: {  	_ =	strace s5  }
0x99: {  	_ =	strace $0x8FFFFFFF  }
0x9a: {  	s19 =	sld [smem:$0x3FDB];
	_ =	sdelay $0x1  }
0x9b: {  	s6 =	simm.s32 $_scs_section_size  }
0x9c: {  	s7 =	simm.s32 $_size__tile_overlayer_lowered;
	s8 =	simm.s32 $_tile_overlayer_lowered  }
0x9d: {  	s22 =	simm.s32 $0x1BFF;
	s21 =	sshll.u32 s8, $0x1;
	s5 =	sadd.s32 s6, s19  }
0x9e: {  	s9 =	simm.s32 $0x0;
	s20 =	sshll.u32 s7, $0x1;
	s7 =	sadd.s32 s21, s5  }
0x9f: {  	[timem:s9], [sflag:s22] =	dma.local [hbm:s7], s20  }
0xa0: {  	_ =	swait.ge [sflag:s22], s20  }
0xa1: {  	s6 =	ssub.s32 $0x0, s20;
	[sflag:s22] =	ssyncset.done $0x0  }
0xa2: {  	[sflag:s22] =	ssyncadd.s32 s6;
	_ =	sdelay $0x1  }
0xa3: {  	s23 =	simm.s32 $0x1B8B  }
0xa4: {  	_ =	swait.ge [sflag:s23], $0x1  }
0xa5: {  	[sflag:s23] =	ssyncset.done $0x0  }
0xa6: {  	s25 =	simm.s32 $0x1B8E;
	s24 =	sld [smem:$0x3FFE];
	[sflag:s23] =	ssyncadd.s32 $0xFFFFFFFF  }
0xa7: {  	s26 =	simm.s32 $execute0_lowered;
	[smem:$0x3FD2] =	sst s25  }
0xa8: {  	s7 =	sshll.u32 s26, $0x1;
	_ =	strace $0x80000046;
	[dreg:$0x1] =	wrdreg $0xFFFFFFFF  }
0xa9: {  	s28 =	simm.s32 $_size_execute0_lowered;
	s5 =	sadd.s32 s5, s7;
	[dreg:$0x0] =	wrdreg $0x0  }
0xaa: {  	s7 =	sshll.u32 s28, $0x1;
	[dreg:$0x2] =	wrdreg s5  }
0xab: {  	[dreg:$0x3] =	wrdreg s7  }
0xac: {  	[dreg:$0x4] =	wrdreg $0xC0  }
0xad: {  	_ =	task [dreg:s9], $0x5FFFF  }
0xae: {  	[dreg:$0x1] =	wrdreg $0xFFFFFFFF  }
0xaf: {  	[dreg:$0x0] =	wrdreg $0x60  }
0xb0: {  	[dreg:$0x2] =	wrdreg s2  }
0xb1: {  	[dreg:$0x3] =	wrdreg s18  }
0xb2: {  	[dreg:$0x4] =	wrdreg s24  }
0xb3: {  	[dreg:$0x5] =	wrdreg s4  }
0xb4: {  	[dreg:$0x6] =	wrdreg $0x190800  }
0xb5: {  	[dreg:$0x7] =	wrdreg $0x198800  }
0xb6: {  	[dreg:$0x8] =	wrdreg $0x9  }
0xb7: {  	_ =	task.clear_ibuf [dreg:s9], $0x9FFFF;
	_ =	strace $0x90000046  }
0xb8: {  	s29 =	simm.s32 $0x9;
	_ =	strace $0x80000048  }
0xb9: {  	_ =	swait.ge [sflag:s29], $0x1  }
0xba: {  	[sflag:s29] =	ssyncadd.s32 $0xFFFFFFFF  }
0xbb: {  	_ =	strace $0x90000048  }
0xbc: {  	_ =	sfence  }
0xbd: {  	s30 =	sld [smem:$0x0];
	_ =	sdelay $0x2  }
0xbe: {  	s31 =	sshll.u32 s1, $0xD;
	s1 =	sshrl.u32 s1, $0x2  }
0xbf: {  	s3 =	sand.u32 $0x4000, s31;
	s1 =	sadd.s32 s1, s30  }
0xc0: {  	s0 =	sor.u32 s3, s0;
	s1 =	sshll.u32 s1, $0x11  }
0xc1: {  	s0 =	sor.u32 s1, s0  }
0xc2: {  	s0 =	sadd.s32 $0x8F2B, s0  }
0xc3: {  	[sflag:s0] =	ssyncadd.remote.s32 $0x1  }
0xc4: {  	_ =	sfence.sel $0xFFFF  }
0xc5: {  	[dreg:$0x0] =	wrdreg $0xFFFFFFFF;
	(pc) =	sbr.abs _section_cstart, $3  }
0xc6: {  	[dreg:$0x1] =	wrdreg $0xFFFFFFFF  }
0xc7: {  	_ =	task.clear_ibuf [dreg:s9], $0x2FFFF;
	_ =	strace $0x9FFFFFFF  }
0xc8: {  	(tm) =	ssettm $0x7FFFFFFF  }
0xc9: {  	_ =	shalt  }
tec
execute0_lowered:
.L_overlay_start_1:
0x0: {  	(tag) =	ssettag $0x1  }
0x1: {  	s1 =	rddreg [dreg:$0x0]  }
0x2: {  	s2 =	rddreg [dreg:$0x1]  }
0x3: {  	s0 =	rddreg [dreg:$0x2]  }
0x4: {  	s3 =	rddreg [dreg:$0x3]  }
0x5: {  	s4 =	rddreg [dreg:$0x4]  }
0x6: {  	s8 =	rddreg [dreg:$0x5];
	s5 =	simm.s32 $0x0  }
0x7: {  	s6 =	srdreg.scid;
	s16 =	stileid.u32;
	s28 =	simm.s32 $0x1  }
0x8: {  	s29 =	simm.s32 $0x3;
	s30 =	simm.s32 $0x10000;
	[smem:$0x7FF] =	sst s5  }
0x9: {  	s6 =	sand.u32 $0x1, s6;
	s10 =	sshrl.u32 s16, $0x2;
	s11 =	sand.u32 $0x3, s16  }
0xa: {  	s7 =	sadd.s32 $0x800, s0;
	s15 =	sshll.u32 s16, $0xB;
	s22 =	sshll.u32 s16, $0x4  }
0xb: {  	_ =	strace $0x80000047;
	s9 =	ssub.s32 $0x2, s6;
	s6 =	sshll.u32 s6, $0xF  }
0xc: {  	s13 =	sshll.u32 s10, $0xD;
	s14 =	sshll.u32 s11, $0x12;
	s21 =	sadd.s32 s15, s4  }
0xd: {  	s26 =	sshll.u32 s10, $0x6;
	s12 =	sshrl.u32 s9, $0x1;
	s6 =	sor.u32 s13, s6  }
0xe: {  	[dreg:$0xb] =	wrdreg s21;
	s23 =	sadd.s32 s13, s4;
	s4 =	sadd.s32 s26, s8  }
0xf: {  	s21 =	simm.s32 $0x2000;
	s0 =	ssub.s32 s9, s12;
	[dreg:$0xe] =	wrdreg s23  }
0x10: {  	s12 =	sshll.u32 s11, $0x2;
	s11 =	sadd.s32 s22, s8;
	[dreg:$0x13] =	wrdreg s4  }
0x11: {  	s31 =	sor.u32 s14, s6;
	s25 =	sadd.s32 $0x800, s23;
	[dreg:$0xc] =	wrdreg s11  }
0x12: {  	s26 =	simm.s32 $0x18800;
	s17 =	sadd.s32 s1, s31;
	[dreg:$0x10] =	wrdreg s25  }
0x13: {  	s22 =	sadd.s32 s3, s6;
	s18 =	sadd.s32 s2, s31;
	[dreg:$0x7] =	wrdreg s17  }
0x14: {  	s4 =	simm.s32 $0x4;
	s9 =	sadd.s32 s3, s31;
	[dreg:$0x8] =	wrdreg s18  }
0x15: {  	s14 =	sor.u32 $0x400, s31;
	s31 =	sadd.s32 $0x1000, s23;
	[dreg:$0xd] =	wrdreg s9  }
0x16: {  	s0 =	smax.u32 s0, $0x1;
	s25 =	simm.s32 $0x8000;
	[dreg:$0x11] =	wrdreg s31  }
.Ltmp0:
0x17: {  	s19 =	sadd.s32 s1, s14;
	[dreg:$0x14] =	wrdreg s0;
	(pc) =	sbr.rel .LBB2_1-.Ltmp0, $4  }
0x18: {  	s11 =	simm.s32 $0x7;
	s20 =	sadd.s32 s2, s14;
	[dreg:$0x9] =	wrdreg s19  }
0x19: {  	s24 =	sadd.s32 s3, s14;
	s9 =	sadd.s32 $0x1800, s23;
	[dreg:$0xa] =	wrdreg s20  }
0x1a: {  	v0 =	vimm.s32 $0x0;
	v1 =	vimm.s32 $0x1;
	v2 =	vlaneseq.u32;
	s23 =	simm.s32 $0x6000;
	s0 =	simm.s32 $0x2;
	[dreg:$0xf] =	wrdreg s24  }
0x1b: {  	v5 =	vimm.f32 $1.000000000e+00;
	v3 =	vmul.u32 $0x800, v2;
	v4 =	vor.u32 $0x80000000, v2;
	[dreg:$0x12] =	wrdreg s9;
	s24 =	simm.s32 $0xA000;
	s9 =	simm.s32 $0x0  }
.LBB2_57:
0x1c: {  	_ =	swait.ge [sflag:s29], $0x2000  }
0x1d: {  	[sflag:s29] =	ssyncset.done $0x0  }
0x1e: {  	[sflag:s29] =	ssyncadd.s32 $0xFFFFE000  }
0x1f: {  	_ =	swait.ge [sflag:s4], $0x2000  }
0x20: {  	s9 =	rddreg [dreg:$0x15]  }
0x21: {  	s8 =	rddreg [dreg:$0x14];
	s9 =	sadd.s32 $0x1, s9  }
0x22: {  	p0 =	sne.s32 s9, s8  }
.Ltmp1:
0x23: {  	_ = 	snop;
	(pc) =	sbr.rel @!p0 .LBB2_58-.Ltmp1, $3  }
0x24: {  	_ =	sdelay $0x1  }
0x25: {  	[sflag:s4] =	ssyncset.done $0x0  }
0x26: {  	[sflag:s4] =	ssyncadd.s32 $0xFFFFE000  }
.LBB2_1:
0x27: {  	[dreg:$0x15] =	wrdreg s9  }
0x28: {  	s8 =	rddreg [dreg:$0x7]  }
0x29: {  	[tilespmem:s5], [sflag:$0x1] =	stream.linear.gather [hbm4b:s8+s5], $0x2000, $0x38;
	[tilespmem:$0x19890] =	vst v63  }
0x2a: {  	s18 =	rddreg [dreg:$0x8];
	s19 =	simm.s32 $0x4000  }
0x2b: {  	[tilespmem:s19], [sflag:$0x3] =	stream.linear.gather [hbm4b:s18+s5], $0x2000, $0x38;
	[tilespmem:$0x19890] =	vst v63  }
0x2c: {  	s20 =	rddreg [dreg:$0x9]  }
0x2d: {  	[tilespmem:s21], [sflag:$0x2] =	stream.linear.gather [hbm4b:s20+s5], $0x2000, $0x38;
	[tilespmem:$0x19890] =	vst v63  }
0x2e: {  	s31 =	rddreg [dreg:$0xa];
	s9 =	simm.s32 $0x200;
	s8 =	simm.s32 $0x0  }
0x2f: {  	[tilespmem:s23], [sflag:$0x4] =	stream.linear.gather [hbm4b:s31+s5], $0x2000, $0x38;
	[tilespmem:$0x19890] =	vst v63  }
.LBB2_2:
0x30: {  	p0 =	sne.s32 s9, $0x1FE00;
	[tilespmem:s8+$0x10070] =	vst v0  }
0x31: {  	[tilespmem:s8+$0x10000] =	vst v0  }
0x32: {  	[tilespmem:s8+$0x10010] =	vst v0  }
.Ltmp2:
0x33: {  	[tilespmem:s8+$0x10020] =	vst v0;
	(pc) =	sbr.rel @p0 .LBB2_2-.Ltmp2, $4  }
0x34: {  	[tilespmem:s8+$0x10030] =	vst v0  }
0x35: {  	[tilespmem:s8+$0x10040] =	vst v0  }
0x36: {  	[tilespmem:s8+$0x10050] =	vst v0  }
0x37: {  	[tilespmem:s8+$0x10060] =	vst v0;
	s8 =	sshra.s32 s9, $0x2;
	s9 =	sadd.s32 $0x200, s9  }
0x38: {  	[tilespmem:s8+$0x10070] =	vst v0  }
0x39: {  	[tilespmem:s8+$0x10000] =	vst v0  }
0x3a: {  	[tilespmem:s8+$0x10010] =	vst v0  }
0x3b: {  	[tilespmem:s8+$0x10020] =	vst v0  }
0x3c: {  	[tilespmem:s8+$0x10030] =	vst v0  }
0x3d: {  	[tilespmem:s8+$0x10040] =	vst v0  }
0x3e: {  	[tilespmem:s8+$0x10050] =	vst v0  }
0x3f: {  	[tilespmem:s8+$0x10060] =	vst v0  }
0x40: {  	s9 =	simm.s32 $0x0;
	s10 =	simm.s32 $0x0;
	[tilespmem:$0x19000] =	vst v0  }
.LBB2_4:
0x41: {  	_ =	swait.ge [sflag:s28], $0x2000  }
0x42: {  	[sflag:s28] =	ssyncset.done $0x0  }
0x43: {  	[sflag:s28] =	ssyncadd.s32 $0xFFFFE000  }
0x44: {  	_ =	swait.ge [sflag:s29], $0x2000  }
0x45: {  	p0 =	seq.s32 s10, $0x0;
	s13 =	simm.s32 $0x0;
	[sflag:s29] =	ssyncset.done $0x0  }
0x46: {  	s14 =	sand.u32 $0x400, s9;
	s8 =	simm.s32 @!p0 $0x5;
	[sflag:s29] =	ssyncadd.s32 $0xFFFFE000  }
0x47: {  	s15 =	simm.s32 $0x0;
	s13 =	sand.u32 $0x1800, s13;
	_ =	swait.ge @!p0 [sflag:s8], $0x2000  }
0x48: {  	s15 =	sand.u32 $0x380, s15;
	s13 =	sor.u32 s14, s13;
	[sflag:s8] =	ssyncset.done @!p0 $0x0  }
0x49: {  	s16 =	sor.u32 s15, s13;
	[sflag:s8] =	ssyncadd.s32 @!p0 $0xFFFFE000  }
0x4a: {  	v6 =	vld [tilespmem:s16+$0x4000]  }
0x4b: {  	v7 =	vld [tilespmem:s16+$0x4010]  }
0x4c: {  	v8 =	vld [tilespmem:s16+$0x4020]  }
0x4d: {  	v9 =	vld [tilespmem:s16+$0x4030]  }
0x4e: {  	v10 =	vld [tilespmem:s16+$0x4040]  }
0x4f: {  	v11 =	vld [tilespmem:s16+$0x4050]  }
0x50: {  	v12 =	vimm.s32 $0x0;
	v13 =	vld [tilespmem:s16+$0x4060]  }
0x51: {  	v34 =	vimm.s32 $0x0;
	v17 =	vld [tilespmem:s16+$0x70];
	vm1 =	veq.s32 v6, $0x0;
	vm0 =	veq.s32 v6, $0x1  }
0x52: {  	v6 =	vadd.s32 v12, v6;
	v12 =	vld [tilespmem:s16+$0x4070];
	vm4 =	veq.s32 v7, $0x0;
	vm2 =	veq.s32 v7, $0x1  }
0x53: {  	vm9 =	veq.s32 v8, $0x0;
	vm3 =	veq.s32 v8, $0x1;
	v6 =	vadd.s32 v7, v6;
	v7 =	vld [tilespmem:s16+$0x0]  }
0x54: {  	vm10 =	veq.s32 v9, $0x0;
	vm5 =	veq.s32 v9, $0x1;
	v6 =	vadd.s32 v8, v6;
	v8 =	vld [tilespmem:s16+$0x10]  }
0x55: {  	vm11 =	veq.s32 v10, $0x0;
	vm6 =	veq.s32 v10, $0x1;
	v6 =	vadd.s32 v9, v6;
	v9 =	vld [tilespmem:s16+$0x20]  }
0x56: {  	vm12 =	veq.s32 v11, $0x0;
	vm7 =	veq.s32 v11, $0x1;
	v6 =	vadd.s32 v10, v6  }
0x57: {  	vm13 =	veq.s32 v13, $0x0;
	vm8 =	veq.s32 v13, $0x1;
	v10 =	vld [tilespmem:s16+$0x30];
	v6 =	vadd.s32 v11, v6  }
0x58: {  	v11 =	vnsel vm1, $0x0, v7;
	v6 =	vadd.s32 v13, v6;
	vm1 =	veq.s32 v12, $0x0  }
0x59: {  	v7 =	vld [tilespmem:s16+$0x40];
	v8 =	vnsel vm4, $0x0, v8;
	v14 =	vshrl.u32 v11, $0x13;
	v17 =	vnsel vm1, $0x0, v17  }
0x5a: {  	v13 =	vld [tilespmem:s16+$0x50];
	v9 =	vnsel vm9, $0x0, v9;
	vm9 =	veq.s32 v12, $0x1;
	v12 =	vadd.s32 v12, v6  }
0x5b: {  	v15 =	vadd.s32 v3, v14;
	v16 =	vshrl.u32 v8, $0x13;
	v29 =	vshrl.u32 v17, $0x13  }
0x5c: {  	v6 =	vld [tilespmem:s16+$0x60];
	vm1 =	vne.s32 v8, $0x0;
	v10 =	vnsel vm10, $0x0, v10;
	v18 =	vshrl.u32 v9, $0x13  }
0x5d: {  	v19 =	vadd.s32 v3, v16;
	v15 =	vand.u32 $0xFF80, v15;
	v20 =	vadd.s32 v3, v18  }
0x5e: {  	v21 =	vshrl.u32 v10, $0x13;
	v18 =	vand.u32 $0x7F, v18;
	v22 =	vnsel vm11, $0x0, v7  }
0x5f: {  	v7 =	vadd.s32 v3, v21;
	v13 =	vnsel vm12, $0x0, v13;
	v20 =	vand.u32 $0xFF80, v20  }
0x60: {  	v21 =	vand.u32 $0x7F, v21;
	v23 =	vshrl.u32 v22, $0x13;
	v24 =	vshrl.u32 v13, $0x13  }
0x61: {  	s17 =	simm.s32 $0x80;
	s15 =	simm.s32 $0x400;
	v31 =	vand.u32 $0xFF80, v7;
	v7 =	vand.u32 $0x7F, v16;
	v25 =	vnsel vm13, $0x0, v6  }
0x62: {  	s19 =	simm.s32 $0x40;
	s18 =	sand.u32 $0x400, s15;
	s8 =	sand.u32 $0x1800, s17;
	v6 =	vadd.s32 v3, v23;
	v26 =	vadd.s32 v3, v24;
	v23 =	vand.u32 $0x7F, v23  }
0x63: {  	s20 =	sand.u32 $0x380, s19;
	s8 =	sor.u32 s18, s8;
	v24 =	vand.u32 $0x7F, v24;
	v27 =	vshrl.u32 v25, $0x13;
	v32 =	vand.u32 $0xFF80, v6  }
0x64: {  	s8 =	sor.u32 s20, s8;
	v26 =	vand.u32 $0xFF80, v26;
	v6 =	vand.u32 $0x7F, v14;
	v28 =	vadd.s32 v3, v27  }
0x65: {  	v33 =	vld [tilespmem:s8+$0x4020];
	v27 =	vand.u32 $0x7F, v27;
	v15 =	vor.u32 v6, v15;
	v6 =	vor.u32 v18, v20  }
0x66: {  	v16 =	vld [tilespmem:s8+$0x4000];
	v20 =	vor.u32 v21, v31;
	v21 =	vor.u32 v23, v32;
	v14 =	vand.u32 $0xFF80, v28  }
0x67: {  	v18 =	vld [tilespmem:s8+$0x4030];
	v23 =	vor.u32 v24, v26;
	v26 =	vor.u32 v27, v14;
	v14 =	vimm.s32 $0x0  }
0x68: {  	vm4 =	vne.s32 v11, $0x0;
	v30 =	vadd.s32 v3, v29;
	v24 =	vld [tilespmem:s8+$0x4040];
	v14 =	vsel vm1, $0xFFFFFFFF, v14  }
0x69: {  	v11 =	vsel vm0, $0x80000000, v11;
	v19 =	vand.u32 $0xFF80, v19;
	v28 =	vand.u32 $0xFF80, v30;
	v30 =	vld [tilespmem:s8+$0x4010];
	[tilespmem:$0x1FFD0] =	vst v14  }
0x6a: {  	vm0 =	vne.s32 v17, $0x0;
	v7 =	vor.u32 v7, v19;
	v19 =	vand.u32 $0x7F, v29;
	v14 =	vld [tilespmem:s8+$0x4050]  }
0x6b: {  	vm10 =	vmmov vm4;
	v62 =	vsel vm9, $0x80000000, v17;
	v27 =	vor.u32 v19, v28;
	v19 =	vld [tilespmem:s8+$0x4060]  }
0x6c: {  	vm15 =	vne.s32 v10, $0x0;
	v10 =	vsel vm5, $0x80000000, v10;
	v29 =	vsel vm2, $0x80000000, v8;
	v8 =	vld [tilespmem:s8+$0x0]  }
0x6d: {  	vm12 =	vne.s32 v9, $0x0;
	vm4 =	vne.s32 v13, $0x0;
	v31 =	vsel vm3, $0x80000000, v9;
	v9 =	vld [tilespmem:s8+$0x10]  }
0x6e: {  	vm13 =	vne.s32 v22, $0x0;
	v28 =	vsel vm7, $0x80000000, v13;
	v13 =	vld [tilespmem:s8+$0x20];
	vm5 =	veq.s32 v30, $0x1  }
0x6f: {  	v22 =	vsel vm6, $0x80000000, v22;
	vm2 =	veq.s32 v16, $0x0;
	v17 =	vld [tilespmem:s8+$0x4070];
	v34 =	vsel vm5, $0xFFFFFFFF, v34  }
0x70: {  	s17 =	simm.s32 $0x8040;
	vm11 =	veq.s32 v16, $0x1;
	v12 =	vadd.s32 v12, v16;
	vm1 =	vne.s32 v25, $0x0;
	v16 =	vld [tilespmem:s8+$0x30];
	[tilespmem:$0x1FFE0] =	vst v34  }
0x71: {  	[tilespmem:s17+$0xFFFFFFC0] =	vst v11;
	v11 =	vnsel vm2, $0x0, v8;
	vm2 =	veq.s32 v33, $0x1;
	v8 =	vimm.s32 $0x0  }
0x72: {  	v25 =	vsel vm8, $0x80000000, v25;
	vm14 =	veq.s32 v18, $0x1;
	v8 =	vsel vm2, $0xFFFFFFFF, v8  }
0x73: {  	vm6 =	veq.s32 v24, $0x1;
	vm3 =	veq.s32 v30, $0x0;
	v12 =	vadd.s32 v30, v12;
	v30 =	vld [tilespmem:s8+$0x40];
	[tilespmem:$0x1FFF0] =	vst v8  }
0x74: {  	vm5 =	veq.s32 v33, $0x0;
	vm7 =	veq.s32 v14, $0x1;
	vm8 =	veq.s32 v19, $0x1;
	[tilespmem:s17+$0xFFFFFFF0] =	vst v10  }
0x75: {  	vm9 =	veq.s32 v17, $0x1;
	vm2 =	veq.s32 v18, $0x0;
	v8 =	vadd.s32 v33, v12;
	[tilespmem:v15+s30+$0x0] =	vst.idx.add.s32.msk vm10, v1  }
0x76: {  	v12 =	vnsel vm2, $0x0, v16;
	vm2 =	veq.s32 v14, $0x0;
	v63 =	vld [tilespmem:s8+$0x50];
	v10 =	vnsel vm3, $0x0, v9;
	[tilespmem:s17+$0x0] =	vst v22  }
0x77: {  	v34 =	vld [tilespmem:s8+$0x60];
	v9 =	vnsel vm5, $0x0, v13;
	v8 =	vadd.s32 v18, v8;
	vm3 =	veq.s32 v24, $0x0;
	[tilespmem:s17+$0x10] =	vst v28  }
0x78: {  	v16 =	vld [tilespmem:s8+$0x70];
	vm10 =	vne.s32 v11, $0x0;
	[tilespmem:s17+$0x30] =	vst v62;
	v8 =	vadd.s32 v24, v8;
	v13 =	vnsel vm3, $0x0, v30  }
0x79: {  	[tilespmem:v21+s30+$0x0] =	vst.idx.add.s32.msk vm13, v1;
	v18 =	vshrl.u32 v9, $0x13;
	v21 =	vshrl.u32 v12, $0x13;
	v8 =	vadd.s32 v14, v8  }
0x7a: {  	[tilespmem:v27+s30+$0x0] =	vst.idx.add.s32.msk vm0, v1;
	v28 =	vadd.s32 v3, v18;
	v22 =	vshrl.u32 v13, $0x13;
	v8 =	vadd.s32 v19, v8  }
0x7b: {  	[tilespmem:s17+$0xFFFFFFD0] =	vst v29;
	v27 =	vadd.s32 v3, v21;
	v29 =	vadd.s32 v3, v22;
	v8 =	vadd.s32 v17, v8  }
0x7c: {  	[tilespmem:s17+$0x20] =	vst v25;
	v14 =	vnsel vm2, $0x0, v63;
	vm2 =	veq.s32 v19, $0x0;
	v19 =	vshrl.u32 v11, $0x13  }
0x7d: {  	[tilespmem:v20+s30+$0x0] =	vst.idx.add.s32.msk vm15, v1;
	v15 =	vnsel vm2, $0x0, v34;
	vm2 =	veq.s32 v17, $0x0;
	v20 =	vadd.s32 v3, v19  }
0x7e: {  	[tilespmem:v23+s30+$0x0] =	vst.idx.add.s32.msk vm4, v1;
	v17 =	vshrl.u32 v10, $0x13;
	v23 =	vshrl.u32 v14, $0x13;
	v16 =	vnsel vm2, $0x0, v16  }
0x7f: {  	s31 =	sshrl.u32 s10, $0x2;
	[tilespmem:v26+s30+$0x0] =	vst.idx.add.s32.msk vm1, v1;
	v26 =	vadd.s32 v3, v17;
	v30 =	vadd.s32 v3, v23;
	v24 =	vshrl.u32 v15, $0x13  }
0x80: {  	s19 =	simm.s32 $0x8;
	s13 =	sshll.u32 s10, $0x1;
	s18 =	sadd.s32 s12, s31;
	[tilespmem:s17+$0xFFFFFFE0] =	vst v31;
	v25 =	vand.u32 $0xFF80, v20;
	v31 =	vadd.s32 v3, v24;
	v20 =	vshrl.u32 v16, $0x13  }
.LBB2_5:
0x81: {  	v33 =	vld [tilespmem:$0x1FFD0];
	_ =	sdelay $0x4  }
0x82: {  	vm0 =	vnez.u8 v33;
	_ =	sdelay $0x4  }
0x83: {  	v32 =	vadd.s32 v3, v20;
	v27 =	vand.u32 $0xFF80, v27;
	[tilespmem:v6+s30+$0x0] =	vst.idx.add.s32.msk vm12, v1;
	v6 =	vand.u32 $0x7F, v19  }
0x84: {  	v19 =	vand.u32 $0xFF80, v31;
	[tilespmem:v7+s30+$0x0] =	vst.idx.add.s32.msk vm0, v1;
	vm0 =	vmmov vm10;
	v7 =	vimm.s32 $0x0  }
0x85: {  	v20 =	vand.u32 $0x7F, v20;
	v31 =	vand.u32 $0xFF80, v32;
	v7 =	vsel vm0, $0xFFFFFFFF, v7  }
0x86: {  	v62 =	vor.u32 v20, v31;
	vm0 =	vne.s32 v10, $0x0;
	[tilespmem:$0x1FF80] =	vst v7;
	v7 =	vand.u32 $0x7F, v17  }
0x87: {  	v17 =	vand.u32 $0x7F, v18;
	v18 =	vand.u32 $0x7F, v21;
	v21 =	vand.u32 $0x7F, v22  }
0x88: {  	s19 =	sadd.s32 $0x8, s19;
	v22 =	vand.u32 $0x7F, v23;
	v23 =	vand.u32 $0x7F, v24;
	v24 =	vor.u32 v6, v25  }
0x89: {  	s15 =	sadd.s32 $0x400, s15;
	s8 =	sshll.u32 s19, $0x4;
	v25 =	vor.u32 v18, v27;
	v61 =	vor.u32 v23, v19;
	v18 =	vimm.s32 $0x0  }
0x8a: {  	s14 =	sand.u32 $0x400, s15;
	s16 =	sshll.u32 s19, $0x3;
	s8 =	sand.u32 $0x1800, s8;
	v20 =	vld [tilespmem:$0x1FFE0];
	v19 =	vimm.s32 $0x0;
	v18 =	vsel vm0, $0xFFFFFFFF, v18;
	vm0 =	vne.s32 v13, $0x0  }
0x8b: {  	v28 =	vand.u32 $0xFF80, v28;
	s31 =	sand.u32 $0x380, s16;
	s8 =	sor.u32 s14, s8;
	v19 =	vsel vm0, $0xFFFFFFFF, v19  }
0x8c: {  	v11 =	vsel vm11, $0x80000000, v11;
	s17 =	sadd.s32 $0x80, s17;
	s8 =	sor.u32 s31, s8;
	vm0 =	vne.s32 v14, $0x0;
	[tilespmem:$0x1FF90] =	vst v19;
	v19 =	vimm.s32 $0x0  }
0x8d: {  	v6 =	vor.u32 v17, v28;
	v17 =	vld [tilespmem:s8+$0x4000];
	[tilespmem:s17+$0xFFFFFFC0] =	vst v11;
	v19 =	vsel vm0, $0xFFFFFFFF, v19  }
0x8e: {  	v11 =	vld [tilespmem:$0x1FFF0];
	vm0 =	vne.s32 v15, $0x0;
	[tilespmem:$0x1FFA0] =	vst v19;
	v19 =	vimm.s32 $0x0  }
0x8f: {  	[tilespmem:$0x1FFD0] =	vst v18;
	v18 =	vld [tilespmem:s8+$0x4010];
	v19 =	vsel vm0, $0xFFFFFFFF, v19;
	vm0 =	vnez.u8 v20  }
0x90: {  	v20 =	vimm.s32 $0x0;
	v10 =	vsel vm0, $0x80000000, v10;
	vm0 =	vne.s32 v16, $0x0  }
0x91: {  	[tilespmem:$0x1FFB0] =	vst v19;
	v19 =	vld [tilespmem:s8+$0x4020];
	v20 =	vsel vm0, $0xFFFFFFFF, v20  }
0x92: {  	vm5 =	vne.s32 v9, $0x0;
	vm15 =	vne.s32 v12, $0x0;
	v8 =	vadd.s32 v8, v17;
	[tilespmem:$0x1FFC0] =	vst v20;
	v20 =	vld [tilespmem:s8+$0x4030]  }
0x93: {  	vm0 =	vnez.u8 v11;
	v11 =	vsel vm14, $0x80000000, v12;
	v12 =	vsel vm6, $0x80000000, v13;
	v13 =	vld [tilespmem:s8+$0x4040]  }
0x94: {  	vm1 =	veq.s32 v18, $0x1;
	v8 =	vadd.s32 v18, v8;
	[tilespmem:s17+$0xFFFFFFD0] =	vst v10;
	v9 =	vsel vm0, $0x80000000, v9  }
0x95: {  	v10 =	vsel vm7, $0x80000000, v14;
	v14 =	vsel vm8, $0x80000000, v15;
	[tilespmem:s17+$0xFFFFFFE0] =	vst v9;
	v9 =	vimm.s32 $0x0  }
0x96: {  	v15 =	vsel vm9, $0x80000000, v16;
	v16 =	vld [tilespmem:s8+$0x4050];
	v9 =	vsel vm1, $0xFFFFFFFF, v9;
	v8 =	vadd.s32 v19, v8  }
0x97: {  	[tilespmem:$0x1FFE0] =	vst v9;
	v9 =	vld [tilespmem:s8+$0x4060];
	v8 =	vadd.s32 v20, v8  }
0x98: {  	vm12 =	veq.s32 v13, $0x0;
	vm6 =	veq.s32 v13, $0x1;
	v8 =	vadd.s32 v13, v8;
	v13 =	vld [tilespmem:s8+$0x20];
	_ =	sdelay $0x1  }
0x99: {  	[tilespmem:s17+$0xFFFFFFF0] =	vst v11;
	v11 =	vimm.s32 $0x0;
	vm2 =	veq.s32 v19, $0x1  }
0x9a: {  	[tilespmem:s17+$0x10] =	vst v10;
	v10 =	vld [tilespmem:s8+$0x10];
	v11 =	vsel vm2, $0xFFFFFFFF, v11  }
0x9b: {  	vm1 =	veq.s32 v19, $0x0;
	[tilespmem:$0x1FFF0] =	vst v11;
	v11 =	vld [tilespmem:s8+$0x4070];
	v8 =	vadd.s32 v16, v8;
	vm3 =	veq.s32 v9, $0x0  }
0x9c: {  	[tilespmem:s17+$0x0] =	vst v12;
	vm8 =	veq.s32 v9, $0x1;
	v8 =	vadd.s32 v9, v8;
	v9 =	vnsel vm1, $0x0, v13;
	v13 =	vld [tilespmem:$0x1FF80]  }
0x9d: {  	[tilespmem:s17+$0x30] =	vst v15;
	v15 =	vld [tilespmem:s8+$0x40];
	_ =	sdelay $0x2  }
0x9e: {  	vm0 =	veq.s32 v18, $0x0;
	v12 =	vld [tilespmem:s8+$0x0]  }
0x9f: {  	[tilespmem:s17+$0x20] =	vst v14;
	v14 =	vld [tilespmem:s8+$0x30];
	v10 =	vnsel vm0, $0x0, v10;
	vm0 =	vnez.u8 v13  }
0xa0: {  	v13 =	vnsel vm12, $0x0, v15;
	v15 =	vld [tilespmem:$0x1FF90]  }
0xa1: {  	vm2 =	veq.s32 v16, $0x0;
	vm7 =	veq.s32 v16, $0x1;
	v16 =	vld [tilespmem:s8+$0x50]  }
0xa2: {  	v29 =	vand.u32 $0xFF80, v29  }
0xa3: {  	v29 =	vor.u32 v21, v29  }
0xa4: {  	vm10 =	veq.s32 v17, $0x0;
	vm11 =	veq.s32 v20, $0x0;
	vm4 =	veq.s32 v11, $0x0  }
0xa5: {  	vm9 =	veq.s32 v11, $0x1;
	v8 =	vadd.s32 v11, v8;
	[tilespmem:v24+s30+$0x0] =	vst.idx.add.s32.msk vm0, v1;
	vm0 =	vnez.u8 v15  }
0xa6: {  	v11 =	vnsel vm10, $0x0, v12;
	v12 =	vnsel vm11, $0x0, v14;
	v14 =	vnsel vm2, $0x0, v16;
	v16 =	vld [tilespmem:$0x1FFA0]  }
0xa7: {  	vm14 =	veq.s32 v20, $0x1;
	v20 =	vld [tilespmem:s8+$0x60];
	_ =	sdelay $0x3  }
0xa8: {  	v30 =	vand.u32 $0xFF80, v30;
	[tilespmem:v29+s30+$0x0] =	vst.idx.add.s32.msk vm0, v1;
	vm0 =	vnez.u8 v16  }
0xa9: {  	v30 =	vor.u32 v22, v30;
	v15 =	vnsel vm3, $0x0, v20;
	v20 =	vld [tilespmem:$0x1FFB0];
	_ =	sdelay $0x4  }
0xaa: {  	[tilespmem:v30+s30+$0x0] =	vst.idx.add.s32.msk vm0, v1;
	vm0 =	vnez.u8 v20  }
0xab: {  	v63 =	vld [tilespmem:$0x1FFC0];
	_ =	sdelay $0x3  }
0xac: {  	v26 =	vand.u32 $0xFF80, v26;
	vm13 =	veq.s32 v17, $0x1;
	v17 =	vshrl.u32 v10, $0x13;
	v34 =	vld [tilespmem:s8+$0x70]  }
0xad: {  	v7 =	vor.u32 v7, v26;
	v26 =	vadd.s32 v3, v17;
	[tilespmem:v61+s30+$0x0] =	vst.idx.add.s32.msk vm0, v1;
	vm0 =	vnez.u8 v63  }
0xae: {  	p1 =	slt.u32 s19, $0x1F8;
	vm11 =	vmmov vm13;
	v19 =	vshrl.u32 v11, $0x13;
	vm10 =	vne.s32 v11, $0x0  }
.Ltmp3:
0xaf: {  	v21 =	vshrl.u32 v12, $0x13;
	v31 =	vadd.s32 v3, v19;
	v18 =	vshrl.u32 v9, $0x13;
	(pc) =	sbr.rel @p1 .LBB2_5-.Ltmp3, $4  }
0xb0: {  	v27 =	vadd.s32 v3, v21;
	v28 =	vadd.s32 v3, v18;
	v23 =	vshrl.u32 v14, $0x13  }
0xb1: {  	[tilespmem:v25+s30+$0x0] =	vst.idx.add.s32.msk vm15, v1;
	v25 =	vand.u32 $0xFF80, v31;
	vm12 =	vmmov vm5;
	v24 =	vshrl.u32 v15, $0x13  }
0xb2: {  	v22 =	vshrl.u32 v13, $0x13;
	v31 =	vadd.s32 v3, v24;
	v16 =	vnsel vm4, $0x0, v34  }
0xb3: {  	v29 =	vadd.s32 v3, v22;
	v30 =	vadd.s32 v3, v23;
	v20 =	vshrl.u32 v16, $0x13;
	[tilespmem:v62+s30+$0x0] =	vst.idx.add.s32.msk vm0, v1  }
0xb4: {  	v33 =	vld [tilespmem:$0x1FFD0];
	_ =	sdelay $0x4  }
0xb5: {  	vm0 =	vnez.u8 v33;
	_ =	sdelay $0x4  }
0xb6: {  	[tilespmem:v6+s30+$0x0] =	vst.idx.add.s32.msk vm12, v1;
	v6 =	vand.u32 $0x7F, v19  }
0xb7: {  	v11 =	vsel vm11, $0x80000000, v11;
	v19 =	vand.u32 $0xFF80, v31;
	v23 =	vand.u32 $0x7F, v23;
	[tilespmem:v7+s30+$0x0] =	vst.idx.add.s32.msk vm0, v1  }
0xb8: {  	s8 =	sadd.s32 $0x80, s17;
	vm3 =	vne.s32 v14, $0x0;
	v6 =	vor.u32 v6, v25;
	v7 =	vand.u32 $0xFF80, v27;
	v31 =	vld [tilespmem:$0x1FFE0]  }
0xb9: {  	v27 =	vand.u32 $0xFF80, v29;
	v29 =	vand.u32 $0xFF80, v30;
	[tilespmem:s8+$0xFFFFFFC0] =	vst v11;
	v11 =	vand.u32 $0x7F, v21  }
0xba: {  	v21 =	vand.u32 $0x7F, v22;
	v22 =	vld [tilespmem:$0x1FFF0];
	v7 =	vor.u32 v11, v7;
	v11 =	vsel vm7, $0x80000000, v14  }
0xbb: {  	[tilespmem:s8+$0x10] =	vst v11;
	v11 =	vor.u32 v23, v29  }
0xbc: {  	v28 =	vand.u32 $0xFF80, v28;
	v24 =	vand.u32 $0x7F, v24;
	vm2 =	vne.s32 v13, $0x0  }
0xbd: {  	vm4 =	vne.s32 v15, $0x0;
	v14 =	vsel vm9, $0x80000000, v16;
	[tilespmem:v6+s30+$0x0] =	vst.idx.add.s32.msk vm10, v1;
	vm1 =	vnez.u8 v31  }
0xbe: {  	vm0 =	vmmov vm10;
	v6 =	vand.u32 $0x7F, v18;
	[tilespmem:s8+$0x30] =	vst v14;
	v31 =	vsel vm1, $0x80000000, v10  }
0xbf: {  	vm0 =	vne.s32 v9, $0x0;
	v6 =	vor.u32 v6, v28;
	vm1 =	vnez.u8 v22;
	[tilespmem:s8+$0xFFFFFFD0] =	vst v31  }
0xc0: {  	v22 =	vsel vm1, $0x80000000, v9;
	v31 =	vsel vm14, $0x80000000, v12;
	vm1 =	vne.s32 v12, $0x0;
	[tilespmem:v11+s30+$0x0] =	vst.idx.add.s32.msk vm3, v1  }
0xc1: {  	v12 =	vsel vm6, $0x80000000, v13;
	v13 =	vsel vm8, $0x80000000, v15;
	v15 =	vor.u32 v24, v19;
	[tilespmem:s8+$0xFFFFFFE0] =	vst v22  }
0xc2: {  	v26 =	vand.u32 $0xFF80, v26;
	v32 =	vadd.s32 v3, v20;
	vm5 =	vne.s32 v16, $0x0;
	[tilespmem:s8+$0xFFFFFFF0] =	vst v31  }
0xc3: {  	v14 =	vand.u32 $0x7F, v17;
	vm6 =	vne.s32 v10, $0x0;
	[tilespmem:s8+$0x0] =	vst v12;
	v12 =	vor.u32 v21, v27  }
0xc4: {  	v30 =	vand.u32 $0xFF80, v32;
	v10 =	vor.u32 v14, v26;
	[tilespmem:s8+$0x20] =	vst v13;
	v13 =	vand.u32 $0x7F, v20  }
0xc5: {  	v13 =	vor.u32 v13, v30;
	[tilespmem:v6+s30+$0x0] =	vst.idx.add.s32.msk vm0, v1  }
0xc6: {  	[tilespmem:v15+s30+$0x0] =	vst.idx.add.s32.msk vm4, v1  }
0xc7: {  	[tilespmem:v7+s30+$0x0] =	vst.idx.add.s32.msk vm1, v1  }
0xc8: {  	[tilespmem:v12+s30+$0x0] =	vst.idx.add.s32.msk vm2, v1  }
0xc9: {  	[tilespmem:v10+s30+$0x0] =	vst.idx.add.s32.msk vm6, v1  }
0xca: {  	[tilespmem:v13+s30+$0x0] =	vst.idx.add.s32.msk vm5, v1  }
0xcb: {  	v6 =	vld [tilespmem:$0x19000];
	_ =	sdelay $0x2  }
0xcc: {  	s17 =	sshll.u32 s10, $0xB  }
0xcd: {  	s14 =	sshll.u32 s18, $0x10;
	s17 =	sand.u32 $0x1800, s17  }
0xce: {  	s15 =	sor.u32 s6, s14;
	s8 =	sadd.s32 s3, s17;
	v6 =	vadd.s32 v8, v6  }
0xcf: {  	p1 =	seq.s32 s10, $0xF;
	s8 =	sadd.s32 s15, s8;
	[tilespmem:$0x19000] =	vst v6  }
0xd0: {  	[hbm4b:s8+s5] =	stream.linear.scatter [tilespmem:s25], [sflag:$0x5], $0x2000, $0x38;
	[tilespmem:$0x19890] =	vst v63  }
0xd1: {  	s8 =	sadd.s32 @!p1 $0x2, s13  }
0xd2: {  	s14 =	sshrl.u32 @!p1 s8, $0x3  }
0xd3: {  	s8 =	sshll.u32 @!p1 s8, $0xA;
	s14 =	sadd.s32 @!p1 s12, s14  }
0xd4: {  	s8 =	sand.u32 @!p1 $0x1800, s8;
	s14 =	sshll.u32 @!p1 s14, $0x10  }
0xd5: {  	s8 =	sor.u32 @!p1 s8, s14  }
0xd6: {  	s8 =	sor.u32 @!p1 s6, s8  }
0xd7: {  	s16 =	simm.s32 @!p1 $0x0;
	s14 =	sadd.s32 @!p1 s1, s8  }
0xd8: {  	[tilespmem:s16], [sflag:$0x1] =	stream.linear.gather @!p1 [hbm4b:s14+s16], $0x2000, $0x38;
	[tilespmem:$0x19890] =	vst v63  }
0xd9: {  	s8 =	sadd.s32 @!p1 s2, s8;
	s14 =	simm.s32 @!p1 $0x4000  }
0xda: {  	[tilespmem:s14], [sflag:$0x3] =	stream.linear.gather @!p1 [hbm4b:s8+s16], $0x2000, $0x38;
	[tilespmem:$0x19890] =	vst v63  }
0xdb: {  	_ =	swait.ge [sflag:s0], $0x2000  }
0xdc: {  	[sflag:s0] =	ssyncset.done $0x0  }
0xdd: {  	[sflag:s0] =	ssyncadd.s32 $0xFFFFE000  }
0xde: {  	_ =	swait.ge [sflag:s4], $0x2000  }
0xdf: {  	s18 =	simm.s32 $0x0;
	s19 =	simm.s32 $0x0;
	[sflag:s4] =	ssyncset.done $0x0  }
0xe0: {  	s20 =	simm.s32 $0x0;
	s8 =	simm.s32 @!p0 $0x6;
	[sflag:s4] =	ssyncadd.s32 $0xFFFFE000  }
0xe1: {  	s16 =	sand.u32 $0x1800, s19;
	s14 =	sand.u32 $0x400, s18;
	_ =	swait.ge @!p0 [sflag:s8], $0x2000  }
0xe2: {  	s31 =	sand.u32 $0x380, s20;
	s14 =	sor.u32 s14, s16;
	[sflag:s8] =	ssyncset.done @!p0 $0x0  }
0xe3: {  	s14 =	sor.u32 s31, s14;
	[sflag:s8] =	ssyncadd.s32 @!p0 $0xFFFFE000  }
0xe4: {  	v6 =	vld [tilespmem:s14+$0x6000]  }
0xe5: {  	v7 =	vld [tilespmem:s14+$0x6010]  }
0xe6: {  	v8 =	vld [tilespmem:s14+$0x6020]  }
0xe7: {  	v9 =	vld [tilespmem:s14+$0x6030]  }
0xe8: {  	v10 =	vld [tilespmem:s14+$0x6040]  }
0xe9: {  	v11 =	vld [tilespmem:s14+$0x6050]  }
0xea: {  	v34 =	vimm.s32 $0x0;
	v13 =	vld [tilespmem:s14+$0x6060]  }
0xeb: {  	v12 =	vimm.s32 $0x0;
	v17 =	vld [tilespmem:s14+$0x2070];
	vm1 =	veq.s32 v6, $0x0;
	vm0 =	veq.s32 v6, $0x1  }
0xec: {  	v6 =	vadd.s32 v12, v6;
	v12 =	vld [tilespmem:s14+$0x6070];
	vm4 =	veq.s32 v7, $0x0;
	vm2 =	veq.s32 v7, $0x1  }
0xed: {  	vm9 =	veq.s32 v8, $0x0;
	vm3 =	veq.s32 v8, $0x1;
	v6 =	vadd.s32 v7, v6;
	v7 =	vld [tilespmem:s14+$0x2000]  }
0xee: {  	vm10 =	veq.s32 v9, $0x0;
	vm5 =	veq.s32 v9, $0x1;
	v6 =	vadd.s32 v8, v6;
	v8 =	vld [tilespmem:s14+$0x2010]  }
0xef: {  	vm11 =	veq.s32 v10, $0x0;
	vm6 =	veq.s32 v10, $0x1;
	v6 =	vadd.s32 v9, v6;
	v9 =	vld [tilespmem:s14+$0x2020]  }
0xf0: {  	vm12 =	veq.s32 v11, $0x0;
	vm7 =	veq.s32 v11, $0x1;
	v6 =	vadd.s32 v10, v6  }
0xf1: {  	vm13 =	veq.s32 v13, $0x0;
	vm8 =	veq.s32 v13, $0x1;
	v10 =	vld [tilespmem:s14+$0x2030];
	v6 =	vadd.s32 v11, v6  }
0xf2: {  	v11 =	vnsel vm1, $0x0, v7;
	v6 =	vadd.s32 v13, v6;
	vm1 =	veq.s32 v12, $0x0  }
0xf3: {  	v7 =	vld [tilespmem:s14+$0x2040];
	v8 =	vnsel vm4, $0x0, v8;
	v14 =	vshrl.u32 v11, $0x13;
	v17 =	vnsel vm1, $0x0, v17  }
0xf4: {  	v13 =	vld [tilespmem:s14+$0x2050];
	v9 =	vnsel vm9, $0x0, v9;
	vm9 =	veq.s32 v12, $0x1;
	v12 =	vadd.s32 v12, v6  }
0xf5: {  	v15 =	vadd.s32 v3, v14;
	v16 =	vshrl.u32 v8, $0x13;
	v29 =	vshrl.u32 v17, $0x13  }
0xf6: {  	v6 =	vld [tilespmem:s14+$0x2060];
	vm1 =	vne.s32 v8, $0x0;
	v10 =	vnsel vm10, $0x0, v10;
	v18 =	vshrl.u32 v9, $0x13  }
0xf7: {  	v19 =	vadd.s32 v3, v16;
	v15 =	vand.u32 $0xFF80, v15;
	v20 =	vadd.s32 v3, v18  }
0xf8: {  	v21 =	vshrl.u32 v10, $0x13;
	v18 =	vand.u32 $0x7F, v18;
	v22 =	vnsel vm11, $0x0, v7  }
0xf9: {  	v7 =	vadd.s32 v3, v21;
	v13 =	vnsel vm12, $0x0, v13;
	v20 =	vand.u32 $0xFF80, v20  }
0xfa: {  	v21 =	vand.u32 $0x7F, v21;
	v23 =	vshrl.u32 v22, $0x13;
	v24 =	vshrl.u32 v13, $0x13  }
0xfb: {  	s18 =	simm.s32 $0x400;
	s16 =	simm.s32 $0x80;
	v31 =	vand.u32 $0xFF80, v7;
	v7 =	vand.u32 $0x7F, v16;
	v25 =	vnsel vm13, $0x0, v6  }
0xfc: {  	s20 =	simm.s32 $0x40;
	s19 =	sand.u32 $0x400, s18;
	s8 =	sand.u32 $0x1800, s16;
	v6 =	vadd.s32 v3, v23;
	v26 =	vadd.s32 v3, v24;
	v23 =	vand.u32 $0x7F, v23  }
0xfd: {  	s31 =	sand.u32 $0x380, s20;
	s8 =	sor.u32 s19, s8;
	v24 =	vand.u32 $0x7F, v24;
	v27 =	vshrl.u32 v25, $0x13;
	v60 =	vand.u32 $0xFF80, v6  }
0xfe: {  	s8 =	sor.u32 s31, s8;
	v26 =	vand.u32 $0xFF80, v26;
	v6 =	vand.u32 $0x7F, v14;
	v28 =	vadd.s32 v3, v27  }
0xff: {  	v61 =	vld [tilespmem:s8+$0x6020];
	v27 =	vand.u32 $0x7F, v27;
	v15 =	vor.u32 v6, v15;
	v6 =	vor.u32 v18, v20  }
0x100: {  	v16 =	vld [tilespmem:s8+$0x6000];
	v20 =	vor.u32 v21, v31;
	v21 =	vor.u32 v23, v60;
	v14 =	vand.u32 $0xFF80, v28  }
0x101: {  	v18 =	vld [tilespmem:s8+$0x6030];
	v23 =	vor.u32 v24, v26;
	v26 =	vor.u32 v27, v14;
	v14 =	vimm.s32 $0x0  }
0x102: {  	vm4 =	vne.s32 v11, $0x0;
	v30 =	vadd.s32 v3, v29;
	v24 =	vld [tilespmem:s8+$0x6040];
	v14 =	vsel vm1, $0xFFFFFFFF, v14  }
0x103: {  	v11 =	vsel vm0, $0x80000000, v11;
	v19 =	vand.u32 $0xFF80, v19;
	v28 =	vand.u32 $0xFF80, v30;
	v30 =	vld [tilespmem:s8+$0x6010];
	[tilespmem:$0x1FF50] =	vst v14  }
0x104: {  	vm0 =	vne.s32 v17, $0x0;
	v7 =	vor.u32 v7, v19;
	v19 =	vand.u32 $0x7F, v29;
	v14 =	vld [tilespmem:s8+$0x6050]  }
0x105: {  	vm10 =	vmmov vm4;
	vm4 =	vne.s32 v9, $0x0;
	v27 =	vor.u32 v19, v28;
	v19 =	vld [tilespmem:s8+$0x6060]  }
0x106: {  	v62 =	vsel vm9, $0x80000000, v17;
	vm15 =	vne.s32 v10, $0x0;
	v29 =	vsel vm2, $0x80000000, v8;
	v8 =	vld [tilespmem:s8+$0x2000]  }
0x107: {  	v10 =	vsel vm5, $0x80000000, v10;
	vm13 =	vne.s32 v22, $0x0;
	v31 =	vsel vm3, $0x80000000, v9;
	v9 =	vld [tilespmem:s8+$0x2010]  }
0x108: {  	v28 =	vsel vm7, $0x80000000, v13;
	vm1 =	vne.s32 v13, $0x0;
	v13 =	vld [tilespmem:s8+$0x2020];
	vm5 =	veq.s32 v30, $0x1  }
0x109: {  	v22 =	vsel vm6, $0x80000000, v22;
	vm11 =	vne.s32 v25, $0x0;
	v17 =	vld [tilespmem:s8+$0x6070];
	v34 =	vsel vm5, $0xFFFFFFFF, v34  }
0x10a: {  	s19 =	simm.s32 $0xA040;
	vm2 =	veq.s32 v16, $0x0;
	vm12 =	veq.s32 v16, $0x1;
	v12 =	vadd.s32 v12, v16;
	v16 =	vld [tilespmem:s8+$0x2030];
	[tilespmem:$0x1FF60] =	vst v34  }
0x10b: {  	[tilespmem:s19+$0xFFFFFFC0] =	vst v11;
	v11 =	vnsel vm2, $0x0, v8;
	vm2 =	veq.s32 v61, $0x1;
	v8 =	vimm.s32 $0x0  }
0x10c: {  	v25 =	vsel vm8, $0x80000000, v25;
	vm14 =	veq.s32 v18, $0x1;
	v8 =	vsel vm2, $0xFFFFFFFF, v8  }
0x10d: {  	vm6 =	veq.s32 v24, $0x1;
	vm3 =	veq.s32 v30, $0x0;
	v12 =	vadd.s32 v30, v12;
	v30 =	vld [tilespmem:s8+$0x2040];
	[tilespmem:$0x1FF70] =	vst v8  }
0x10e: {  	vm5 =	veq.s32 v61, $0x0;
	vm7 =	veq.s32 v14, $0x1;
	vm8 =	veq.s32 v19, $0x1;
	[tilespmem:s19+$0xFFFFFFF0] =	vst v10  }
0x10f: {  	vm9 =	veq.s32 v17, $0x1;
	vm2 =	veq.s32 v18, $0x0;
	v8 =	vadd.s32 v61, v12;
	[tilespmem:v15+s30+$0x0] =	vst.idx.add.s32.msk vm10, v1  }
0x110: {  	v12 =	vnsel vm2, $0x0, v16;
	vm2 =	veq.s32 v14, $0x0;
	v63 =	vld [tilespmem:s8+$0x2050];
	v10 =	vnsel vm3, $0x0, v9;
	[tilespmem:s19+$0x0] =	vst v22  }
0x111: {  	v34 =	vld [tilespmem:s8+$0x2060];
	v9 =	vnsel vm5, $0x0, v13;
	v8 =	vadd.s32 v18, v8;
	vm3 =	veq.s32 v24, $0x0;
	[tilespmem:s19+$0x10] =	vst v28  }
0x112: {  	v16 =	vld [tilespmem:s8+$0x2070];
	vm10 =	vne.s32 v11, $0x0;
	[tilespmem:s19+$0x30] =	vst v62;
	v8 =	vadd.s32 v24, v8;
	v13 =	vnsel vm3, $0x0, v30  }
0x113: {  	[tilespmem:v21+s30+$0x0] =	vst.idx.add.s32.msk vm13, v1;
	v18 =	vshrl.u32 v9, $0x13;
	v21 =	vshrl.u32 v12, $0x13;
	v8 =	vadd.s32 v14, v8  }
0x114: {  	[tilespmem:v27+s30+$0x0] =	vst.idx.add.s32.msk vm0, v1;
	v28 =	vadd.s32 v3, v18;
	v22 =	vshrl.u32 v13, $0x13;
	v8 =	vadd.s32 v19, v8  }
0x115: {  	[tilespmem:s19+$0xFFFFFFD0] =	vst v29;
	v27 =	vadd.s32 v3, v21;
	v29 =	vadd.s32 v3, v22;
	v8 =	vadd.s32 v17, v8  }
0x116: {  	[tilespmem:s19+$0x20] =	vst v25;
	v14 =	vnsel vm2, $0x0, v63;
	vm2 =	veq.s32 v19, $0x0;
	v19 =	vshrl.u32 v11, $0x13  }
0x117: {  	[tilespmem:v20+s30+$0x0] =	vst.idx.add.s32.msk vm15, v1;
	v15 =	vnsel vm2, $0x0, v34;
	vm2 =	veq.s32 v17, $0x0;
	v20 =	vadd.s32 v3, v19  }
0x118: {  	[tilespmem:v23+s30+$0x0] =	vst.idx.add.s32.msk vm1, v1;
	v17 =	vshrl.u32 v10, $0x13;
	v23 =	vshrl.u32 v14, $0x13;
	v16 =	vnsel vm2, $0x0, v16  }
0x119: {  	[tilespmem:v26+s30+$0x0] =	vst.idx.add.s32.msk vm11, v1;
	v26 =	vadd.s32 v3, v17;
	v30 =	vadd.s32 v3, v23;
	v25 =	vshrl.u32 v15, $0x13  }
0x11a: {  	s20 =	simm.s32 $0x8;
	[tilespmem:s19+$0xFFFFFFE0] =	vst v31;
	v24 =	vand.u32 $0xFF80, v20;
	v31 =	vadd.s32 v3, v25;
	v20 =	vshrl.u32 v16, $0x13  }
.LBB2_7:
0x11b: {  	v33 =	vld [tilespmem:$0x1FF50];
	_ =	sdelay $0x4  }
0x11c: {  	vm0 =	vnez.u8 v33;
	_ =	sdelay $0x2  }
0x11d: {  	v28 =	vand.u32 $0xFF80, v28  }
0x11e: {  	v32 =	vadd.s32 v3, v20;
	v27 =	vand.u32 $0xFF80, v27;
	[tilespmem:v6+s30+$0x0] =	vst.idx.add.s32.msk vm4, v1;
	v6 =	vand.u32 $0x7F, v19  }
0x11f: {  	v19 =	vand.u32 $0xFF80, v31;
	v20 =	vand.u32 $0x7F, v20;
	v11 =	vsel vm12, $0x80000000, v11  }
0x120: {  	v31 =	vand.u32 $0xFF80, v32;
	[tilespmem:v7+s30+$0x0] =	vst.idx.add.s32.msk vm0, v1;
	vm0 =	vmmov vm10;
	v7 =	vimm.s32 $0x0  }
0x121: {  	s20 =	sadd.s32 $0x8, s20;
	v62 =	vor.u32 v20, v31;
	v7 =	vsel vm0, $0xFFFFFFFF, v7;
	vm0 =	vne.s32 v10, $0x0  }
0x122: {  	s18 =	sadd.s32 $0x400, s18;
	s8 =	sshll.u32 s20, $0x4;
	[tilespmem:$0x1FF00] =	vst v7;
	v7 =	vand.u32 $0x7F, v17;
	v17 =	vand.u32 $0x7F, v18;
	v18 =	vand.u32 $0x7F, v21  }
0x123: {  	s14 =	sand.u32 $0x400, s18;
	s16 =	sshll.u32 s20, $0x3;
	s8 =	sand.u32 $0x1800, s8;
	v21 =	vand.u32 $0x7F, v22;
	v22 =	vand.u32 $0x7F, v23;
	v23 =	vand.u32 $0x7F, v25  }
0x124: {  	s31 =	sand.u32 $0x380, s16;
	s8 =	sor.u32 s14, s8;
	v25 =	vor.u32 v18, v27;
	v61 =	vor.u32 v23, v19;
	v18 =	vimm.s32 $0x0  }
0x125: {  	s19 =	sadd.s32 $0x80, s19;
	v20 =	vld [tilespmem:$0x1FF60];
	s8 =	sor.u32 s31, s8;
	v19 =	vimm.s32 $0x0;
	v18 =	vsel vm0, $0xFFFFFFFF, v18;
	vm0 =	vne.s32 v13, $0x0  }
0x126: {  	v24 =	vor.u32 v6, v24;
	v6 =	vor.u32 v17, v28;
	v17 =	vld [tilespmem:s8+$0x6000];
	[tilespmem:s19+$0xFFFFFFC0] =	vst v11;
	v19 =	vsel vm0, $0xFFFFFFFF, v19  }
0x127: {  	vm0 =	vne.s32 v14, $0x0;
	[tilespmem:$0x1FF10] =	vst v19;
	v19 =	vimm.s32 $0x0  }
0x128: {  	[tilespmem:$0x1FF50] =	vst v18;
	v18 =	vld [tilespmem:s8+$0x6010];
	v19 =	vsel vm0, $0xFFFFFFFF, v19  }
0x129: {  	v11 =	vld [tilespmem:$0x1FF70];
	vm0 =	vne.s32 v15, $0x0;
	[tilespmem:$0x1FF20] =	vst v19;
	v19 =	vimm.s32 $0x0  }
0x12a: {  	v19 =	vsel vm0, $0xFFFFFFFF, v19;
	vm0 =	vnez.u8 v20  }
0x12b: {  	v20 =	vimm.s32 $0x0;
	v10 =	vsel vm0, $0x80000000, v10;
	vm0 =	vne.s32 v16, $0x0  }
0x12c: {  	vm5 =	vne.s32 v9, $0x0;
	v8 =	vadd.s32 v8, v17;
	[tilespmem:$0x1FF30] =	vst v19;
	v19 =	vld [tilespmem:s8+$0x6020];
	v20 =	vsel vm0, $0xFFFFFFFF, v20  }
0x12d: {  	vm15 =	vne.s32 v12, $0x0;
	vm1 =	veq.s32 v18, $0x1;
	v8 =	vadd.s32 v18, v8;
	[tilespmem:$0x1FF40] =	vst v20;
	v20 =	vld [tilespmem:s8+$0x6030]  }
0x12e: {  	vm0 =	vnez.u8 v11;
	v11 =	vsel vm14, $0x80000000, v12;
	v12 =	vsel vm6, $0x80000000, v13;
	v13 =	vld [tilespmem:s8+$0x6040];
	[tilespmem:s19+$0xFFFFFFD0] =	vst v10  }
0x12f: {  	v10 =	vsel vm7, $0x80000000, v14;
	v14 =	vsel vm8, $0x80000000, v15;
	v9 =	vsel vm0, $0x80000000, v9;
	[tilespmem:s19+$0xFFFFFFF0] =	vst v11  }
0x130: {  	v15 =	vsel vm9, $0x80000000, v16;
	v11 =	vimm.s32 $0x0;
	[tilespmem:s19+$0xFFFFFFE0] =	vst v9;
	v9 =	vimm.s32 $0x0  }
0x131: {  	v16 =	vld [tilespmem:s8+$0x6050];
	v9 =	vsel vm1, $0xFFFFFFFF, v9;
	vm1 =	veq.s32 v19, $0x1;
	v8 =	vadd.s32 v19, v8  }
0x132: {  	[tilespmem:$0x1FF60] =	vst v9;
	v9 =	vld [tilespmem:s8+$0x6060];
	v11 =	vsel vm1, $0xFFFFFFFF, v11;
	v8 =	vadd.s32 v20, v8  }
0x133: {  	vm1 =	veq.s32 v13, $0x0;
	vm6 =	veq.s32 v13, $0x1;
	v8 =	vadd.s32 v13, v8;
	v13 =	vld [tilespmem:s8+$0x2020];
	_ =	sdelay $0x2  }
0x134: {  	[tilespmem:s19+$0x10] =	vst v10;
	v10 =	vld [tilespmem:s8+$0x2010]  }
0x135: {  	vm11 =	veq.s32 v19, $0x0;
	[tilespmem:$0x1FF70] =	vst v11;
	v11 =	vld [tilespmem:s8+$0x6070];
	v8 =	vadd.s32 v16, v8;
	vm13 =	veq.s32 v9, $0x0  }
0x136: {  	[tilespmem:s19+$0x0] =	vst v12;
	vm8 =	veq.s32 v9, $0x1;
	v8 =	vadd.s32 v9, v8;
	v9 =	vnsel vm11, $0x0, v13;
	v13 =	vld [tilespmem:$0x1FF00]  }
0x137: {  	[tilespmem:s19+$0x30] =	vst v15;
	v15 =	vld [tilespmem:s8+$0x2040];
	_ =	sdelay $0x2  }
0x138: {  	vm0 =	veq.s32 v18, $0x0;
	v12 =	vld [tilespmem:s8+$0x2000]  }
0x139: {  	[tilespmem:s19+$0x20] =	vst v14;
	v14 =	vld [tilespmem:s8+$0x2030];
	v10 =	vnsel vm0, $0x0, v10;
	vm0 =	vnez.u8 v13  }
0x13a: {  	v13 =	vnsel vm1, $0x0, v15;
	v15 =	vld [tilespmem:$0x1FF10]  }
0x13b: {  	vm2 =	veq.s32 v16, $0x0;
	vm7 =	veq.s32 v16, $0x1;
	v16 =	vld [tilespmem:s8+$0x2050]  }
0x13c: {  	v29 =	vand.u32 $0xFF80, v29  }
0x13d: {  	v29 =	vor.u32 v21, v29  }
0x13e: {  	vm10 =	veq.s32 v17, $0x0;
	vm12 =	veq.s32 v20, $0x0;
	vm3 =	veq.s32 v11, $0x0  }
0x13f: {  	vm9 =	veq.s32 v11, $0x1;
	v8 =	vadd.s32 v11, v8;
	[tilespmem:v24+s30+$0x0] =	vst.idx.add.s32.msk vm0, v1;
	vm0 =	vnez.u8 v15  }
0x140: {  	v11 =	vnsel vm10, $0x0, v12;
	v12 =	vnsel vm12, $0x0, v14;
	v14 =	vnsel vm2, $0x0, v16;
	v16 =	vld [tilespmem:$0x1FF20]  }
0x141: {  	vm14 =	veq.s32 v20, $0x1;
	v20 =	vld [tilespmem:s8+$0x2060];
	_ =	sdelay $0x3  }
0x142: {  	v30 =	vand.u32 $0xFF80, v30;
	[tilespmem:v29+s30+$0x0] =	vst.idx.add.s32.msk vm0, v1;
	vm0 =	vnez.u8 v16  }
0x143: {  	v30 =	vor.u32 v22, v30;
	v15 =	vnsel vm13, $0x0, v20;
	v20 =	vld [tilespmem:$0x1FF30];
	_ =	sdelay $0x4  }
0x144: {  	[tilespmem:v30+s30+$0x0] =	vst.idx.add.s32.msk vm0, v1;
	vm0 =	vnez.u8 v20  }
0x145: {  	v63 =	vld [tilespmem:$0x1FF40];
	_ =	sdelay $0x3  }
0x146: {  	v26 =	vand.u32 $0xFF80, v26;
	vm4 =	veq.s32 v17, $0x1;
	v17 =	vshrl.u32 v10, $0x13;
	v34 =	vld [tilespmem:s8+$0x2070]  }
0x147: {  	v7 =	vor.u32 v7, v26;
	v26 =	vadd.s32 v3, v17;
	[tilespmem:v61+s30+$0x0] =	vst.idx.add.s32.msk vm0, v1;
	vm0 =	vnez.u8 v63  }
0x148: {  	p0 =	slt.u32 s20, $0x1F8;
	vm12 =	vmmov vm4;
	vm4 =	vmmov vm5;
	v19 =	vshrl.u32 v11, $0x13  }
.Ltmp4:
0x149: {  	vm10 =	vne.s32 v11, $0x0;
	v21 =	vshrl.u32 v12, $0x13;
	v18 =	vshrl.u32 v9, $0x13;
	(pc) =	sbr.rel @p0 .LBB2_7-.Ltmp4, $4  }
0x14a: {  	v31 =	vadd.s32 v3, v19;
	v27 =	vadd.s32 v3, v21;
	v28 =	vadd.s32 v3, v18  }
0x14b: {  	[tilespmem:v25+s30+$0x0] =	vst.idx.add.s32.msk vm15, v1;
	v23 =	vshrl.u32 v14, $0x13;
	v22 =	vshrl.u32 v13, $0x13;
	v25 =	vshrl.u32 v15, $0x13  }
0x14c: {  	v24 =	vand.u32 $0xFF80, v31;
	v31 =	vadd.s32 v3, v25;
	v16 =	vnsel vm3, $0x0, v34  }
0x14d: {  	v29 =	vadd.s32 v3, v22;
	v30 =	vadd.s32 v3, v23;
	v20 =	vshrl.u32 v16, $0x13;
	[tilespmem:v62+s30+$0x0] =	vst.idx.add.s32.msk vm0, v1  }
0x14e: {  	v33 =	vld [tilespmem:$0x1FF50];
	_ =	sdelay $0x4  }
0x14f: {  	vm0 =	vnez.u8 v33;
	_ =	sdelay $0x2  }
0x150: {  	v32 =	vadd.s32 v3, v20  }
0x151: {  	v45 =	vand.u32 $0xFF80, v29;
	v46 =	vand.u32 $0xFF80, v30;
	[tilespmem:v6+s30+$0x0] =	vst.idx.add.s32.msk vm4, v1;
	v6 =	vand.u32 $0x7F, v19  }
0x152: {  	v11 =	vsel vm12, $0x80000000, v11;
	v47 =	vand.u32 $0xFF80, v31;
	v50 =	vand.u32 $0x7F, v21  }
0x153: {  	s8 =	sadd.s32 $0x80, s19;
	v51 =	vand.u32 $0x7F, v22;
	v23 =	vand.u32 $0x7F, v23;
	v25 =	vand.u32 $0x7F, v25;
	[tilespmem:v7+s30+$0x0] =	vst.idx.add.s32.msk vm0, v1  }
0x154: {  	v53 =	vsel vm14, $0x80000000, v12;
	v54 =	vsel vm6, $0x80000000, v13;
	vm2 =	vne.s32 v13, $0x0;
	v49 =	vld [tilespmem:$0x1FF60];
	[tilespmem:s8+$0xFFFFFFC0] =	vst v11  }
0x155: {  	v55 =	vsel vm7, $0x80000000, v14;
	vm3 =	vne.s32 v14, $0x0;
	v6 =	vor.u32 v6, v24;
	v52 =	vld [tilespmem:$0x1FF70];
	[tilespmem:s8+$0xFFFFFFF0] =	vst v53  }
0x156: {  	v57 =	vsel vm8, $0x80000000, v15;
	vm14 =	vne.s32 v15, $0x0;
	v56 =	vor.u32 v51, v45;
	[tilespmem:s8+$0x0] =	vst v54  }
0x157: {  	v59 =	vsel vm9, $0x80000000, v16;
	v60 =	vand.u32 $0x7F, v20;
	v58 =	vor.u32 v23, v46;
	[tilespmem:s8+$0x10] =	vst v55  }
0x158: {  	vm5 =	vne.s32 v16, $0x0;
	v48 =	vand.u32 $0xFF80, v32;
	v61 =	vor.u32 v25, v47;
	[tilespmem:s8+$0x20] =	vst v57  }
0x159: {  	vm13 =	vne.s32 v12, $0x0;
	v13 =	vor.u32 v60, v48;
	v7 =	vand.u32 $0xFF80, v27;
	[tilespmem:s8+$0x30] =	vst v59  }
0x15a: {  	v7 =	vor.u32 v50, v7;
	[tilespmem:v6+s30+$0x0] =	vst.idx.add.s32.msk vm10, v1  }
0x15b: {  	v26 =	vand.u32 $0xFF80, v26;
	[tilespmem:v56+s30+$0x0] =	vst.idx.add.s32.msk vm2, v1  }
0x15c: {  	v28 =	vand.u32 $0xFF80, v28;
	v62 =	vand.u32 $0x7F, v17;
	vm15 =	vne.s32 v10, $0x0;
	[tilespmem:v58+s30+$0x0] =	vst.idx.add.s32.msk vm3, v1  }
0x15d: {  	v63 =	vor.u32 v62, v26;
	vm0 =	vne.s32 v9, $0x0;
	v6 =	vand.u32 $0x7F, v18;
	[tilespmem:v61+s30+$0x0] =	vst.idx.add.s32.msk vm14, v1  }
0x15e: {  	v6 =	vor.u32 v6, v28;
	[tilespmem:v13+s30+$0x0] =	vst.idx.add.s32.msk vm5, v1;
	vm1 =	vnez.u8 v49  }
0x15f: {  	[tilespmem:v7+s30+$0x0] =	vst.idx.add.s32.msk vm13, v1;
	v31 =	vsel vm1, $0x80000000, v10;
	vm12 =	vnez.u8 v52  }
0x160: {  	v22 =	vsel vm12, $0x80000000, v9;
	[tilespmem:s8+$0xFFFFFFD0] =	vst v31  }
0x161: {  	[tilespmem:s8+$0xFFFFFFE0] =	vst v22  }
0x162: {  	[tilespmem:v63+s30+$0x0] =	vst.idx.add.s32.msk vm15, v1  }
0x163: {  	[tilespmem:v6+s30+$0x0] =	vst.idx.add.s32.msk vm0, v1  }
0x164: {  	v6 =	vld [tilespmem:$0x19000];
	_ =	sdelay $0x2  }
.Ltmp5:
0x165: {  	_ = 	snop;
	(pc) =	sbr.rel @p1 .LBB2_10-.Ltmp5, $4  }
0x166: {  	s31 =	sadd.s32 s17, s3  }
0x167: {  	s8 =	sadd.s32 s15, s31;
	v6 =	vadd.s32 v8, v6  }
0x168: {  	s8 =	sadd.s32 $0x400, s8;
	[tilespmem:$0x19000] =	vst v6  }
0x169: {  	vm11 =	vmmov vm10;
	[hbm4b:s8+s5] =	stream.linear.scatter [tilespmem:s24], [sflag:$0x6], $0x2000, $0x38;
	[tilespmem:$0x19890] =	vst v63  }
0x16a: {  	s8 =	sadd.s32 $0x3, s13  }
0x16b: {  	s13 =	sshrl.u32 s8, $0x3  }
0x16c: {  	s8 =	sshll.u32 s8, $0xA;
	s13 =	sadd.s32 s12, s13  }
0x16d: {  	s8 =	sand.u32 $0x1C00, s8;
	s13 =	sshll.u32 s13, $0x10  }
0x16e: {  	s8 =	sor.u32 s8, s13  }
.Ltmp6:
0x16f: {  	s8 =	sor.u32 s6, s8;
	(pc) =	sbr.rel .LBB2_4-.Ltmp6, $4  }
0x170: {  	s31 =	sadd.s32 s1, s8  }
0x171: {  	[tilespmem:s21], [sflag:$0x2] =	stream.linear.gather [hbm4b:s31+s5], $0x2000, $0x38;
	[tilespmem:$0x19890] =	vst v63  }
0x172: {  	s10 =	sadd.s32 $0x1, s10;
	s8 =	sadd.s32 s2, s8  }
0x173: {  	[tilespmem:s23], [sflag:$0x4] =	stream.linear.gather [hbm4b:s8+s5], $0x2000, $0x38;
	[tilespmem:$0x19890] =	vst v63  }
.LBB2_10:
0x174: {  	s8 =	simm.s32 $0x5  }
0x175: {  	_ =	swait.ge [sflag:s8], $0x2000  }
0x176: {  	[sflag:s8] =	ssyncset.done $0x0  }
0x177: {  	s9 =	simm.s32 $0x6;
	[sflag:s8] =	ssyncadd.s32 $0xFFFFE000  }
0x178: {  	_ =	swait.ge [sflag:s9], $0x2000  }
0x179: {  	s21 =	simm.s32 $0x0;
	[sflag:s9] =	ssyncset.done $0x0  }
0x17a: {  	s8 =	sand.u32 $0x7F0, s21;
	[sflag:s9] =	ssyncadd.s32 $0xFFFFE000  }
0x17b: {  	s23 =	simm.s32 $0x10000;
	v6 =	vld [tilespmem:s8+$0x10800]  }
0x17c: {  	v7 =	vld [tilespmem:s23+$0x0]  }
0x17d: {  	v8 =	vld [tilespmem:s8+$0x11000]  }
0x17e: {  	v9 =	vld [tilespmem:s8+$0x11800]  }
0x17f: {  	v10 =	vld [tilespmem:s8+$0x12000]  }
0x180: {  	v11 =	vld [tilespmem:s8+$0x12800]  }
0x181: {  	v6 =	vadd.s32 v7, v6;
	v7 =	vld [tilespmem:s8+$0x13000]  }
0x182: {  	v6 =	vadd.s32 v8, v6;
	v8 =	vld [tilespmem:s8+$0x13800]  }
0x183: {  	v58 =	vld [tilespmem:s8+$0x14000];
	v6 =	vadd.s32 v9, v6  }
0x184: {  	v59 =	vld [tilespmem:s8+$0x14800];
	v6 =	vadd.s32 v10, v6  }
0x185: {  	v60 =	vld [tilespmem:s8+$0x15000];
	v6 =	vadd.s32 v11, v6  }
0x186: {  	v6 =	vadd.s32 v7, v6;
	v7 =	vld [tilespmem:s8+$0x15800]  }
0x187: {  	v6 =	vadd.s32 v8, v6;
	v8 =	vld [tilespmem:s8+$0x16000]  }
0x188: {  	v61 =	vld [tilespmem:s8+$0x16800];
	v6 =	vadd.s32 v58, v6  }
0x189: {  	v62 =	vld [tilespmem:s8+$0x17000];
	v6 =	vadd.s32 v59, v6  }
0x18a: {  	v63 =	vld [tilespmem:s8+$0x17800];
	v6 =	vadd.s32 v60, v6  }
0x18b: {  	v6 =	vadd.s32 v7, v6  }
0x18c: {  	v6 =	vadd.s32 v8, v6  }
0x18d: {  	v6 =	vadd.s32 v61, v6  }
0x18e: {  	v6 =	vadd.s32 v62, v6  }
0x18f: {  	s31 =	simm.s32 $0x10;
	s8 =	simm.s32 $0x18000;
	v6 =	vadd.s32 v63, v6  }
0x190: {  	s9 =	sand.u32 $0x7F0, s31;
	[tilespmem:s8+$0x0] =	vst v6  }
0x191: {  	s13 =	simm.s32 $0x20;
	s10 =	simm.s32 $0x10010;
	v6 =	vld [tilespmem:s9+$0x10800]  }
.LBB2_11:
0x192: {  	p0 =	sne.s32 s13, $0x7F0;
	v7 =	vld [tilespmem:s10+$0x0]  }
0x193: {  	v8 =	vld [tilespmem:s9+$0x11000]  }
0x194: {  	v9 =	vld [tilespmem:s9+$0x11800]  }
0x195: {  	v10 =	vld [tilespmem:s9+$0x12000]  }
0x196: {  	v11 =	vld [tilespmem:s9+$0x12800]  }
0x197: {  	v6 =	vadd.s32 v7, v6;
	v7 =	vld [tilespmem:s9+$0x13000]  }
0x198: {  	v6 =	vadd.s32 v8, v6;
	v8 =	vld [tilespmem:s9+$0x13800]  }
0x199: {  	v6 =	vadd.s32 v9, v6;
	v9 =	vld [tilespmem:s9+$0x14000]  }
0x19a: {  	v6 =	vadd.s32 v10, v6;
	v10 =	vld [tilespmem:s9+$0x14800]  }
0x19b: {  	v6 =	vadd.s32 v11, v6;
	v11 =	vld [tilespmem:s9+$0x15000]  }
0x19c: {  	v6 =	vadd.s32 v7, v6;
	v7 =	vld [tilespmem:s9+$0x15800]  }
0x19d: {  	v6 =	vadd.s32 v8, v6;
	v8 =	vld [tilespmem:s9+$0x16000]  }
0x19e: {  	v6 =	vadd.s32 v9, v6;
	v9 =	vld [tilespmem:s9+$0x16800]  }
0x19f: {  	v6 =	vadd.s32 v10, v6;
	v10 =	vld [tilespmem:s9+$0x17000]  }
0x1a0: {  	v6 =	vadd.s32 v11, v6;
	v11 =	vld [tilespmem:s9+$0x17800]  }
0x1a1: {  	v6 =	vadd.s32 v7, v6  }
0x1a2: {  	v6 =	vadd.s32 v8, v6  }
.Ltmp7:
0x1a3: {  	v6 =	vadd.s32 v9, v6;
	(pc) =	sbr.rel @p0 .LBB2_11-.Ltmp7, $4  }
0x1a4: {  	v6 =	vadd.s32 v10, v6  }
0x1a5: {  	s8 =	sadd.s32 $0x10, s8;
	v6 =	vadd.s32 v11, v6  }
0x1a6: {  	s9 =	sand.u32 $0x7F0, s13;
	[tilespmem:s8+$0x0] =	vst v6  }
0x1a7: {  	s10 =	sadd.s32 $0x10, s10;
	s13 =	sadd.s32 $0x10, s13;
	v6 =	vld [tilespmem:s9+$0x10800]  }
0x1a8: {  	v7 =	vld [tilespmem:s10+$0x0]  }
0x1a9: {  	v8 =	vld [tilespmem:s9+$0x11000]  }
0x1aa: {  	v9 =	vld [tilespmem:s9+$0x11800]  }
0x1ab: {  	v10 =	vld [tilespmem:s9+$0x12000]  }
0x1ac: {  	v11 =	vld [tilespmem:s9+$0x12800]  }
0x1ad: {  	v6 =	vadd.s32 v7, v6;
	v7 =	vld [tilespmem:s9+$0x13000]  }
0x1ae: {  	v6 =	vadd.s32 v8, v6;
	v8 =	vld [tilespmem:s9+$0x13800]  }
0x1af: {  	v58 =	vld [tilespmem:s9+$0x14000];
	v6 =	vadd.s32 v9, v6  }
0x1b0: {  	v59 =	vld [tilespmem:s9+$0x14800];
	v6 =	vadd.s32 v10, v6  }
0x1b1: {  	v60 =	vld [tilespmem:s9+$0x15000];
	v6 =	vadd.s32 v11, v6  }
0x1b2: {  	v6 =	vadd.s32 v7, v6;
	v7 =	vld [tilespmem:s9+$0x15800]  }
0x1b3: {  	v6 =	vadd.s32 v8, v6;
	v8 =	vld [tilespmem:s9+$0x16000]  }
0x1b4: {  	v61 =	vld [tilespmem:s9+$0x16800];
	v6 =	vadd.s32 v58, v6  }
0x1b5: {  	v62 =	vld [tilespmem:s9+$0x17000];
	v6 =	vadd.s32 v59, v6  }
0x1b6: {  	v63 =	vld [tilespmem:s9+$0x17800];
	v6 =	vadd.s32 v60, v6  }
0x1b7: {  	v6 =	vadd.s32 v7, v6  }
0x1b8: {  	v6 =	vadd.s32 v8, v6  }
0x1b9: {  	v6 =	vadd.s32 v61, v6  }
0x1ba: {  	v6 =	vadd.s32 v62, v6  }
0x1bb: {  	s8 =	sadd.s32 $0x10, s8;
	v6 =	vadd.s32 v63, v6  }
0x1bc: {  	s16 =	rddreg [dreg:$0xb];
	s17 =	simm.s32 $0x18000;
	[tilespmem:s8+$0x0] =	vst v6  }
0x1bd: {  	[spmem:s16] =	stream.linear.scatter [tilespmem:s17], [sflag:$0x7], $0x800, $0x38;
	[tilespmem:$0x19890] =	vst v63  }
0x1be: {  	_ =	swait.ge [sflag:s11], $0x800  }
0x1bf: {  	[sflag:s11] =	ssyncset.done $0x0  }
0x1c0: {  	s19 =	simm.s32 $0x19000;
	s18 =	rddreg [dreg:$0xc];
	[sflag:s11] =	ssyncadd.s32 $0xFFFFF800  }
0x1c1: {  	[spmem:s18] =	stream.linear.scatter [tilespmem:s19], [sflag:$0x7], $0x10, $0x38;
	[tilespmem:$0x19890] =	vst v63  }
0x1c2: {  	_ =	swait.ge [sflag:s11], $0x10  }
0x1c3: {  	[sflag:s11] =	ssyncset.done $0x0  }
0x1c4: {  	[sflag:s11] =	ssyncadd.s32 $0xFFFFFFF0  }
0x1c5: {  	[bflag:$0x0] =	sbarrier.arrive $0xFFFF  }
0x1c6: {  	s20 =	simm.s32 $0x0;
	s21 =	rddreg [dreg:$0xd]  }
0x1c7: {  	[tilespmem:s25], [sflag:$0x1] =	stream.linear.gather [hbm4b:s21+s20], $0x2000, $0x38;
	[tilespmem:$0x19890] =	vst v63  }
0x1c8: {  	s23 =	rddreg [dreg:$0xf]  }
0x1c9: {  	[tilespmem:s24], [sflag:$0x2] =	stream.linear.gather [hbm4b:s23+s20], $0x2000, $0x38;
	[tilespmem:$0x19890] =	vst v63  }
0x1ca: {  	s25 =	rddreg [dreg:$0xe]  }
0x1cb: {  	[tilespmem:s17], [sflag:$0x7] =	stream.linear.gather [spmem:s25], $0x800, $0x38;
	[tilespmem:$0x19890] =	vst v63  }
0x1cc: {  	_ =	swait.ge [sflag:s11], $0x800  }
0x1cd: {  	[sflag:s11] =	ssyncset.done $0x0  }
0x1ce: {  	s31 =	rddreg [dreg:$0x10];
	[sflag:s11] =	ssyncadd.s32 $0xFFFFF800  }
0x1cf: {  	[tilespmem:s26], [sflag:$0x7] =	stream.linear.gather [spmem:s31], $0x800, $0x38;
	[tilespmem:$0x19890] =	vst v63  }
0x1d0: {  	_ =	swait.ge [sflag:s11], $0x800  }
0x1d1: {  	[sflag:s11] =	ssyncset.done $0x0  }
0x1d2: {  	s8 =	simm.s32 $0x0;
	[sflag:s11] =	ssyncadd.s32 $0xFFFFF800  }
0x1d3: {  	s9 =	simm.s32 $0x40;
	v6 =	vld [tilespmem:s8+$0x18800]  }
.LBB2_13:
0x1d4: {  	p0 =	sne.s32 s9, $0x1FC0;
	v7 =	vld [tilespmem:s8+$0x18000];
	_ =	sdelay $0x1  }
.Ltmp8:
0x1d5: {  	(pc) =	sbr.rel @p0 .LBB2_13-.Ltmp8, $3  }
0x1d6: {  	_ =	sdelay $0x1  }
0x1d7: {  	s10 =	sshra.s32 s9, $0x2;
	v7 =	vadd.s32 v7, v6  }
0x1d8: {  	s9 =	sadd.s32 $0x40, s9;
	v6 =	vld [tilespmem:s10+$0x18800];
	[tilespmem:s8+$0x18000] =	vst v7;
	s8 =	smov.u32 s10  }
0x1d9: {  	v7 =	vld [tilespmem:s8+$0x18000];
	_ =	sdelay $0x4  }
0x1da: {  	v6 =	vadd.s32 v7, v6  }
0x1db: {  	s31 =	rddreg [dreg:$0x11];
	[tilespmem:s8+$0x18000] =	vst v6  }
0x1dc: {  	[tilespmem:s26], [sflag:$0x7] =	stream.linear.gather [spmem:s31], $0x800, $0x38;
	[tilespmem:$0x19890] =	vst v63  }
0x1dd: {  	_ =	swait.ge [sflag:s11], $0x800  }
0x1de: {  	[sflag:s11] =	ssyncset.done $0x0  }
0x1df: {  	s8 =	simm.s32 $0x0;
	[sflag:s11] =	ssyncadd.s32 $0xFFFFF800  }
0x1e0: {  	s9 =	simm.s32 $0x40;
	v6 =	vld [tilespmem:s8+$0x18800]  }
.LBB2_15:
0x1e1: {  	p0 =	sne.s32 s9, $0x1FC0;
	v7 =	vld [tilespmem:s8+$0x18000];
	_ =	sdelay $0x1  }
.Ltmp9:
0x1e2: {  	(pc) =	sbr.rel @p0 .LBB2_15-.Ltmp9, $3  }
0x1e3: {  	_ =	sdelay $0x1  }
0x1e4: {  	s10 =	sshra.s32 s9, $0x2;
	v7 =	vadd.s32 v7, v6  }
0x1e5: {  	s9 =	sadd.s32 $0x40, s9;
	v6 =	vld [tilespmem:s10+$0x18800];
	[tilespmem:s8+$0x18000] =	vst v7;
	s8 =	smov.u32 s10  }
0x1e6: {  	v7 =	vld [tilespmem:s8+$0x18000];
	_ =	sdelay $0x4  }
0x1e7: {  	v6 =	vadd.s32 v7, v6  }
0x1e8: {  	s31 =	rddreg [dreg:$0x12];
	[tilespmem:s8+$0x18000] =	vst v6  }
0x1e9: {  	[tilespmem:s26], [sflag:$0x7] =	stream.linear.gather [spmem:s31], $0x800, $0x38;
	[tilespmem:$0x19890] =	vst v63  }
0x1ea: {  	_ =	swait.ge [sflag:s11], $0x800  }
0x1eb: {  	[sflag:s11] =	ssyncset.done $0x0  }
0x1ec: {  	s8 =	simm.s32 $0x0;
	[sflag:s11] =	ssyncadd.s32 $0xFFFFF800  }
0x1ed: {  	s9 =	simm.s32 $0x40;
	v6 =	vimm.s32 $0x0;
	v7 =	vld [tilespmem:s8+$0x18800]  }
.LBB2_17:
0x1ee: {  	p0 =	sne.s32 s9, $0x1FC0;
	v8 =	vld [tilespmem:s8+$0x18000];
	_ =	sdelay $0x1  }
.Ltmp10:
0x1ef: {  	(pc) =	sbr.rel @p0 .LBB2_17-.Ltmp10, $3  }
0x1f0: {  	_ =	sdelay $0x1  }
0x1f1: {  	s10 =	sshra.s32 s9, $0x2;
	v8 =	vadd.s32 v8, v7  }
0x1f2: {  	s9 =	sadd.s32 $0x40, s9;
	v7 =	vld [tilespmem:s10+$0x18800];
	[tilespmem:s8+$0x18000] =	vst v8;
	v6 =	vadd.s32 v6, v8;
	s8 =	smov.u32 s10  }
0x1f3: {  	v8 =	vld [tilespmem:s8+$0x18000];
	_ =	sdelay $0x4  }
0x1f4: {  	v7 =	vadd.s32 v8, v7  }
0x1f5: {  	v6 =	vadd.s32 v6, v7  }
0x1f6: {  	(xrf0) =	vadd.scan.msk.s32 $0xffff, v6;
	_ =	sdelay $0x5  }
0x1f7: {  	v6, _, _ =	vpop (xrf0)  }
0x1f8: {  	(v2sf) =	vpush v6, $0xF;
	_ =	sdelay $0xc  }
0x1f9: {  	s18 =	rddreg [dreg:$0x13];
	[tilespmem:s8+$0x18000] =	vst v7  }
0x1fa: {  	[tilespmem:s30], [sflag:$0x7] =	stream.linear.gather [spmem:s18], $0x40, $0x38;
	[tilespmem:$0x19890] =	vst v63  }
0x1fb: {  	s9 =	spop (v2sf)  }
0x1fc: {  	_ =	swait.ge [sflag:s11], $0x40  }
0x1fd: {  	[sflag:s11] =	ssyncset.done $0x0  }
0x1fe: {  	[sflag:s11] =	ssyncadd.s32 $0xFFFFFFC0  }
0x1ff: {  	v6 =	vld [tilespmem:$0x10000]  }
0x200: {  	v7 =	vld [tilespmem:$0x10010]  }
0x201: {  	v8 =	vld [tilespmem:$0x10020]  }
0x202: {  	v9 =	vld [tilespmem:$0x10030];
	_ =	sdelay $0x2  }
0x203: {  	v6 =	vadd.s32 v6, v7  }
0x204: {  	v6 =	vadd.s32 v8, v6  }
0x205: {  	v6 =	vadd.s32 v9, v6  }
0x206: {  	(xrf0) =	vadd.scan.msk.s32 $0xffff, v6;
	_ =	sdelay $0x2  }
0x207: {  	s19 =	simm.s32 $0x18000  }
0x208: {  	v6 =	vld [tilespmem:s19+$0x0];
	_ =	sdelay $0x1  }
0x209: {  	v7, _, _ =	vpop (xrf0)  }
0x20a: {  	(v2sf) =	vpush v7, $0xF;
	_ =	sdelay $0x1  }
0x20b: {  	(xrf0) =	vadd.scan.msk.s32 $0xffff, v6;
	_ =	sdelay $0x3  }
0x20c: {  	s20 =	simm.s32 $0x18010  }
0x20d: {  	v6 =	vld [tilespmem:s20+$0x0]  }
0x20e: {  	v7, _, _ =	vpop (xrf0)  }
0x20f: {  	(v2sf) =	vpush v7, $0xF;
	_ =	sdelay $0x2  }
0x210: {  	(xrf0) =	vadd.scan.msk.s32 $0xffff, v6;
	_ =	sdelay $0x2  }
0x211: {  	s8 =	spop (v2sf)  }
0x212: {  	p0 =	sgt.s32 s8, $0x1  }
0x213: {  	s8 =	simm.s32 @!p0 $0x1  }
0x214: {  	s13 =	smov.u32 s9;
	v8, _, _ =	vpop (xrf0);
	p0 =	slt.s32 s8, s9  }
0x215: {  	s21 =	simm.s32 $0x18020;
	(v2sf) =	vpush v8, $0xF;
	s13 =	smov.u32 @p0 s8  }
0x216: {  	[dreg:$0x16] =	wrdreg s9;
	v9 =	vld [tilespmem:s21+$0x0];
	s9 =	ssub.s32 s9, s13  }
0x217: {  	s20 =	simm.s32 $0x0;
	s23 =	sadd.s32 $0x1, s9  }
0x218: {  	v7 =	vadd.s32 s20, v7;
	v6 =	vmov s23  }
0x219: {  	vm0 =	vge.s32 v7, v6  }
0x21a: {  	s26 =	spop (v2sf);
	v10 =	vsel vm0, $0x1, v0  }
0x21b: {  	s25 =	simm.s32 $0x18030;
	(xrf0) =	vadd.scan.msk.s32 $0xffff, v9;
	s31 =	sadd.s32 $0x0, s26;
	v9 =	vor.u32 $0x80000000, v10  }
0x21c: {  	v11 =	vld [tilespmem:s25+$0x0];
	v8 =	vadd.s32 s31, v8;
	v7 =	vxor.u32 $0x80000000, v7;
	v10 =	vnsel vm0, $0x80000010, v4;
	(xrf0) =	vmax.scan.msk.u32 $0xffff, v9  }
0x21d: {  	vm14 =	vge.s32 v8, v6;
	v7 =	vnsel vm0, $0xFFFFFFFF, v7;
	(xrf0) =	vmin.scan.msk.u32 $0xffff, v10  }
0x21e: {  	(xrf0) =	vmin.scan.msk.u32 $0xffff, v7;
	v7 =	vsel vm14, $0x1, v0  }
0x21f: {  	v7 =	vor.u32 $0x80000000, v7  }
0x220: {  	v9 =	vnsel vm14, $0x80000010, v4  }
0x221: {  	(xrf0) =	vadd.scan.msk.s32 $0xffff, v11  }
0x222: {  	v8 =	vxor.u32 $0x80000000, v8;
	(xrf0) =	vmax.scan.msk.u32 $0xffff, v7;
	v7, _, _ =	vpop (xrf0)  }
0x223: {  	v8 =	vnsel vm14, $0xFFFFFFFF, v8;
	(xrf0) =	vmin.scan.msk.u32 $0xffff, v9;
	(v2sf) =	vpush v7, $0xF;
	v9, _, _ =	vpop (xrf0)  }
0x224: {  	s10 =	spop (v2sf);
	(xrf0) =	vmin.scan.msk.u32 $0xffff, v8;
	(v2sf) =	vpush v9, $0xF  }
0x225: {  	v10, _, _ =	vpop (xrf0)  }
0x226: {  	s9 =	sadd.s32 s31, s10;
	v9, _, _ =	vpop (xrf0);
	(v2sf) =	vpush v10, $0xF  }
0x227: {  	s8 =	simm.s32 $0x18040;
	v10 =	vadd.s32 s9, v7;
	(v2sf) =	vpush v9, $0xF;
	v7, _, _ =	vpop (xrf0)  }
0x228: {  	v8 =	vld [tilespmem:s8+$0x0];
	(v2sf) =	vpush v7, $0xF;
	v9, _, _ =	vpop (xrf0)  }
0x229: {  	(v2sf) =	vpush v9, $0xF;
	v9, _, _ =	vpop (xrf0)  }
0x22a: {  	(v2sf) =	vpush v9, $0xF;
	v9, _, _ =	vpop (xrf0)  }
0x22b: {  	vm15 =	vge.s32 v10, v6;
	(v2sf) =	vpush v9, $0xF  }
0x22c: {  	s16 =	simm.s32 $0x80000010;
	v11 =	vsel vm15, $0x1, v0  }
0x22d: {  	s17 =	simm.s32 $0x80000040;
	s18 =	simm.s32 $0x80000030;
	(xrf0) =	vadd.scan.msk.s32 $0xffff, v8;
	v8 =	vor.u32 $0x80000000, v11  }
0x22e: {  	s14 =	simm.s32 $0x80000000;
	s15 =	simm.s32 $0x0;
	s25 =	simm.s32 $0x80000050;
	v10 =	vxor.u32 $0x80000000, v10;
	v11 =	vnsel vm15, $0x80000010, v4;
	(xrf0) =	vmax.scan.msk.u32 $0xffff, v8  }
0x22f: {  	s19 =	simm.s32 $0x80000020;
	p0 =	por $0x1, $0x1;
	s10 =	simm.s32 $0xFFFFFFFF;
	v8 =	vnsel vm15, $0xFFFFFFFF, v10;
	(xrf0) =	vmin.scan.msk.u32 $0xffff, v11  }
.LBB2_19:
0x230: {  	s26 =	smov.u32 s20  }
0x231: {  	p1 =	sne.s32 s25, $0x800007F0;
	s8 =	sadd.s32 $0x10, s8;
	s21 =	smov.u32 s17;
	(xrf0) =	vmin.scan.msk.u32 $0xffff, v8  }
0x232: {  	s17 =	smov.u32 s25;
	v8 =	vld [tilespmem:s8+$0x0];
	s20 =	spop (v2sf)  }
0x233: {  	s23 =	spop (v2sf)  }
0x234: {  	s9 =	sadd.s32 s9, s20;
	p2 =	seq.s32 s23, $0x80000001  }
0x235: {  	v9 =	vadd.s32 s9, v7;
	v7, _, _ =	vpop (xrf0);
	s20 =	sxor.u32 $0x80000000, s23;
	s23 =	spop (v2sf);
	p0 =	por !p0, !p2  }
.Ltmp11:
0x236: {  	(v2sf) =	vpush v7, $0xF;
	vm0 =	vge.s32 v9, v6;
	v13 =	vxor.u32 $0x80000000, v9;
	v10, _, _ =	vpop (xrf0);
	p2 =	sgt.s32 s26, s20;
	s31 =	spop (v2sf);
	(pc) =	sbr.rel @p1 .LBB2_19-.Ltmp11, $4  }
0x237: {  	v11 =	vsel vm0, $0x1, v0;
	v12 =	vnsel vm0, $0x80000010, v4;
	(v2sf) =	vpush v10, $0xF;
	v10, _, _ =	vpop (xrf0);
	s31 =	sxor.u32 $0x80000000, s31;
	p3 =	por !p0, !p0;
	s20 =	smov.u32 @p2 s26  }
0x238: {  	s14 =	sadd.s32 s14, s23;
	(xrf0) =	vadd.scan.msk.s32 $0xffff, v8;
	v11 =	vor.u32 $0x80000000, v11;
	v8 =	vnsel vm0, $0xFFFFFFFF, v13;
	(v2sf) =	vpush v10, $0xF;
	v9, _, _ =	vpop (xrf0);
	p0 =	seq.s32 s20, $0x0;
	s15 =	smov.u32 @p3 s31  }
0x239: {  	s10 =	smov.u32 @p3 s14;
	s14 =	smov.u32 s16;
	s16 =	smov.u32 s19;
	(xrf0) =	vmax.scan.msk.u32 $0xffff, v11;
	(v2sf) =	vpush v9, $0xF  }
0x23a: {  	s25 =	sadd.s32 $0x10, s25;
	s19 =	smov.u32 s18;
	s18 =	smov.u32 s21;
	(xrf0) =	vmin.scan.msk.u32 $0xffff, v12  }
0x23b: {  	_ =	sdelay $0x5  }
0x23c: {  	s8 =	spop (v2sf)  }
0x23d: {  	s8 =	sadd.s32 s9, s8;
	s26 =	spop (v2sf)  }
0x23e: {  	(xrf0) =	vmin.scan.msk.u32 $0xffff, v8;
	v7 =	vadd.s32 s8, v7;
	s21 =	spop (v2sf);
	v9, _, _ =	vpop (xrf0)  }
0x23f: {  	vm0 =	vge.s32 v7, v6;
	s23 =	spop (v2sf);
	(v2sf) =	vpush v9, $0xF;
	v59, _, _ =	vpop (xrf0)  }
0x240: {  	v10 =	vsel vm0, $0x1, v0;
	(v2sf) =	vpush v59, $0xF;
	s25 =	spop (v2sf)  }
0x241: {  	v60 =	vor.u32 $0x80000000, v10;
	s8 =	sadd.s32 s8, s25  }
0x242: {  	v7 =	vxor.u32 $0x80000000, v7;
	v61 =	vnsel vm0, $0x80000010, v4;
	(xrf0) =	vmax.scan.msk.u32 $0xffff, v60;
	v62 =	vadd.s32 s8, v9  }
0x243: {  	v7 =	vnsel vm0, $0xFFFFFFFF, v7;
	(xrf0) =	vmin.scan.msk.u32 $0xffff, v61;
	vm15 =	vge.s32 v62, v6;
	v6, _, _ =	vpop (xrf0)  }
0x244: {  	(xrf0) =	vmin.scan.msk.u32 $0xffff, v7;
	v7 =	vsel vm15, $0x1, v0;
	(v2sf) =	vpush v6, $0xF;
	v6, _, _ =	vpop (xrf0)  }
0x245: {  	v7 =	vor.u32 $0x80000000, v7;
	(v2sf) =	vpush v6, $0xF;
	v6 =	vxor.u32 $0x80000000, v62  }
0x246: {  	v63 =	vnsel vm15, $0x80000010, v4;
	(xrf0) =	vmax.scan.msk.u32 $0xffff, v7;
	v6 =	vnsel vm15, $0xFFFFFFFF, v6  }
0x247: {  	(xrf0) =	vmin.scan.msk.u32 $0xffff, v63  }
0x248: {  	v7, _, _ =	vpop (xrf0);
	(xrf0) =	vmin.scan.msk.u32 $0xffff, v6  }
0x249: {  	v6, _, _ =	vpop (xrf0);
	(v2sf) =	vpush v7, $0xF  }
0x24a: {  	(v2sf) =	vpush v6, $0xF;
	v6, _, _ =	vpop (xrf0)  }
0x24b: {  	s8 =	spop (v2sf);
	(v2sf) =	vpush v6, $0xF  }
0x24c: {  	p1 =	seq.s32 s26, $0x80000001;
	s9 =	sxor.u32 $0x80000000, s26;
	s25 =	spop (v2sf);
	v6, _, _ =	vpop (xrf0)  }
0x24d: {  	p0 =	por !p0, !p1;
	p1 =	sgt.s32 s20, s9;
	s26 =	spop (v2sf);
	(v2sf) =	vpush v6, $0xF;
	v6, _, _ =	vpop (xrf0)  }
0x24e: {  	s14 =	sadd.s32 s14, s21;
	s23 =	sxor.u32 $0x80000000, s23;
	s31 =	spop (v2sf);
	(v2sf) =	vpush v6, $0xF;
	v6, _, _ =	vpop (xrf0)  }
0x24f: {  	p0 =	por !p0, !p0;
	s9 =	smov.u32 @p1 s20;
	s20 =	spop (v2sf);
	(v2sf) =	vpush v6, $0xF  }
0x250: {  	p1 =	seq.s32 s9, $0x0;
	p2 =	seq.s32 s8, $0x80000001;
	s8 =	sxor.u32 $0x80000000, s8  }
0x251: {  	s15 =	smov.u32 @p0 s23;
	p2 =	por !p1, !p2;
	p1 =	sgt.s32 s9, s8  }
0x252: {  	s10 =	smov.u32 @p0 s14;
	s14 =	sxor.u32 $0x80000000, s26;
	s8 =	smov.u32 @p1 s9  }
0x253: {  	p0 =	por !p2, !p2;
	s9 =	sadd.s32 s16, s25;
	p1 =	seq.s32 s8, $0x0  }
0x254: {  	s15 =	smov.u32 @p0 s14;
	p3 =	seq.s32 s20, $0x80000001;
	s14 =	sxor.u32 $0x80000000, s20  }
0x255: {  	s10 =	smov.u32 @p0 s9;
	p0 =	por !p1, !p3;
	p1 =	sgt.s32 s8, s14  }
0x256: {  	p0 =	por !p0, !p0;
	s14 =	smov.u32 @p1 s8;
	s26 =	spop (v2sf)  }
0x257: {  	p1 =	seq.s32 s14, $0x0;
	s31 =	spop (v2sf);
	s8 =	sadd.s32 s19, s26  }
0x258: {  	s16 =	sxor.u32 $0x80000000, s31;
	s10 =	smov.u32 @p0 s8;
	s20 =	spop (v2sf)  }
0x259: {  	s15 =	smov.u32 @p0 s16;
	p4 =	seq.s32 s20, $0x80000001;
	s21 =	spop (v2sf)  }
0x25a: {  	s9 =	sxor.u32 $0x80000000, s20;
	p0 =	por !p1, !p4;
	s23 =	spop (v2sf)  }
0x25b: {  	p1 =	sgt.s32 s14, s9;
	s8 =	sadd.s32 s18, s21;
	s16 =	sxor.u32 $0x80000000, s23  }
0x25c: {  	p0 =	por !p0, !p0;
	s9 =	smov.u32 @p1 s14;
	s25 =	spop (v2sf)  }
0x25d: {  	p1 =	seq.s32 s9, $0x0;
	p5 =	seq.s32 s25, $0x80000001;
	s26 =	spop (v2sf)  }
0x25e: {  	s15 =	smov.u32 @p0 s16;
	p6 =	por !p1, !p5;
	s31 =	spop (v2sf)  }
0x25f: {  	s10 =	smov.u32 @p0 s8;
	s8 =	sxor.u32 $0x80000000, s31;
	p0 =	por !p6, !p6  }
0x260: {  	s9 =	sadd.s32 s17, s26;
	[bflag:$0x0] =	sbarrier.arrive $0xFFFF;
	s15 =	smov.u32 @p0 s8  }
0x261: {  	s10 =	smov.u32 @p0 s9;
	s8 =	simm.s32 $0x0;
	s9 =	simm.s32 $0x200  }
.LBB2_21:
0x262: {  	p0 =	sne.s32 s9, $0x1FE00;
	[tilespmem:s8+$0x10070] =	vst v0  }
0x263: {  	[tilespmem:s8+$0x10000] =	vst v0  }
0x264: {  	[tilespmem:s8+$0x10010] =	vst v0  }
.Ltmp12:
0x265: {  	[tilespmem:s8+$0x10020] =	vst v0;
	(pc) =	sbr.rel @p0 .LBB2_21-.Ltmp12, $4  }
0x266: {  	[tilespmem:s8+$0x10030] =	vst v0  }
0x267: {  	[tilespmem:s8+$0x10040] =	vst v0  }
0x268: {  	[tilespmem:s8+$0x10050] =	vst v0  }
0x269: {  	[tilespmem:s8+$0x10060] =	vst v0;
	s8 =	sshra.s32 s9, $0x2;
	s9 =	sadd.s32 $0x200, s9  }
0x26a: {  	[tilespmem:s8+$0x10070] =	vst v0  }
0x26b: {  	[tilespmem:s8+$0x10000] =	vst v0  }
0x26c: {  	[tilespmem:s8+$0x10010] =	vst v0  }
0x26d: {  	[tilespmem:s8+$0x10020] =	vst v0  }
0x26e: {  	[tilespmem:s8+$0x10030] =	vst v0  }
0x26f: {  	[tilespmem:s8+$0x10040] =	vst v0  }
0x270: {  	[tilespmem:s8+$0x10050] =	vst v0  }
0x271: {  	[tilespmem:s8+$0x10060] =	vst v0;
	v6 =	vmov s10;
	s17 =	simm.s32 $0x0;
	s19 =	simm.s32 $0x8000;
	s20 =	simm.s32 $0x18800  }
.LBB2_23:
0x272: {  	_ =	swait.ge [sflag:s28], $0x2000  }
0x273: {  	[sflag:s28] =	ssyncset.done $0x0  }
0x274: {  	s8 =	simm.s32 $0x8040;
	[sflag:s28] =	ssyncadd.s32 $0xFFFFE000  }
0x275: {  	v8 =	vld [tilespmem:s8+$0x30]  }
0x276: {  	v10 =	vld [tilespmem:s8+$0xFFFFFFD0]  }
0x277: {  	v11 =	vld [tilespmem:s8+$0xFFFFFFE0]  }
0x278: {  	v12 =	vld [tilespmem:s8+$0xFFFFFFF0]  }
0x279: {  	v13 =	vld [tilespmem:s8+$0x0]  }
0x27a: {  	v14 =	vld [tilespmem:s8+$0x10]  }
0x27b: {  	v7 =	vld [tilespmem:s8+$0x20];
	v9 =	vshrl.u32 v8, $0x13  }
0x27c: {  	vm1 =	vne.s32 v8, $0x0;
	v8 =	vshrl.u32 v8, $0x8;
	v15 =	vshrl.u32 v10, $0x13  }
0x27d: {  	v16 =	vshrl.u32 v11, $0x13;
	v17 =	vshrl.u32 v12, $0x13;
	v19 =	vshrl.u32 v10, $0x8  }
0x27e: {  	v20 =	vshrl.u32 v11, $0x8;
	v21 =	vshrl.u32 v13, $0x13;
	v22 =	vshrl.u32 v12, $0x8  }
0x27f: {  	v23 =	vshrl.u32 v13, $0x8;
	v24 =	vshrl.u32 v14, $0x13;
	v25 =	vshrl.u32 v14, $0x8  }
0x280: {  	v26 =	vshrl.u32 v7, $0x13;
	vm10 =	vne.s32 v10, $0x0;
	vm3 =	vne.s32 v11, $0x0  }
0x281: {  	vm11 =	vne.s32 v12, $0x0;
	vm0 =	veq.s32 v9, v6;
	v9 =	vld [tilespmem:s8+$0xFFFFFFC0];
	v8 =	vand.u32 $0x7FF, v8  }
0x282: {  	vm6 =	veq.s32 v16, v6;
	vm7 =	veq.s32 v17, v6;
	vm12 =	vmand vm1, vm0  }
0x283: {  	vm4 =	veq.s32 v21, v6;
	vm2 =	veq.s32 v24, v6;
	v18 =	vor.u32 v3, v8  }
0x284: {  	vm5 =	veq.s32 v26, v6;
	v10 =	vand.u32 $0x7FF, v19;
	v11 =	vand.u32 $0x7FF, v20  }
0x285: {  	v12 =	vand.u32 $0x7FF, v22;
	v8 =	vshrl.u32 v7, $0x8;
	vm1 =	veq.s32 v15, v6  }
0x286: {  	vm0 =	vne.s32 v13, $0x0;
	v13 =	vand.u32 $0x7FF, v23;
	v27 =	vshrl.u32 v9, $0x13  }
0x287: {  	v28 =	vshrl.u32 v9, $0x8;
	vm9 =	vne.s32 v9, $0x0;
	vm8 =	veq.s32 v27, v6  }
0x288: {  	s9 =	simm.s32 $0x80C0;
	s8 =	simm.s32 $0x0;
	v9 =	vand.u32 $0x7FF, v28;
	[tilespmem:v18+s30+$0x0] =	vst.idx.add.s32.msk vm12, v1;
	vm12 =	vne.s32 v14, $0x0;
	v14 =	vand.u32 $0x7FF, v25  }
.LBB2_24:
0x289: {  	v15 =	vld [tilespmem:s9+$0x30];
	s8 =	sadd.s32 $0x8, s8;
	vm8 =	vmand vm9, vm8;
	vm13 =	vne.s32 v7, $0x0;
	v7 =	vand.u32 $0x7FF, v8  }
0x28a: {  	vm9 =	vmand vm10, vm1;
	vm6 =	vmand vm3, vm6;
	vm1 =	vmand vm11, vm7;
	v16 =	vld [tilespmem:s9+$0xFFFFFFD0];
	p0 =	slt.u32 s8, $0x1F8  }
0x28b: {  	vm4 =	vmand vm0, vm4;
	vm3 =	vmand vm12, vm2;
	vm0 =	vmand vm13, vm5;
	v17 =	vld [tilespmem:s9+$0xFFFFFFE0]  }
0x28c: {  	v8 =	vor.u32 v3, v9;
	v9 =	vor.u32 v3, v10;
	v10 =	vor.u32 v3, v11;
	v18 =	vld [tilespmem:s9+$0xFFFFFFF0]  }
0x28d: {  	v11 =	vor.u32 v3, v12;
	v12 =	vor.u32 v3, v13;
	v13 =	vor.u32 v3, v14;
	v19 =	vld [tilespmem:s9+$0x0]  }
0x28e: {  	v21 =	vor.u32 v3, v7;
	v14 =	vld [tilespmem:s9+$0x10];
	v20 =	vshrl.u32 v15, $0x13  }
0x28f: {  	vm5 =	vne.s32 v15, $0x0;
	v15 =	vshrl.u32 v15, $0x8;
	v7 =	vld [tilespmem:s9+$0x20];
	vm2 =	veq.s32 v20, v6  }
0x290: {  	v22 =	vshrl.u32 v16, $0x13;
	v15 =	vand.u32 $0x7FF, v15;
	v20 =	vld [tilespmem:s9+$0xFFFFFFC0];
	vm2 =	vmand vm5, vm2  }
0x291: {  	v23 =	vshrl.u32 v17, $0x13;
	v15 =	vor.u32 v3, v15;
	v24 =	vshrl.u32 v18, $0x13;
	[tilespmem:v8+s30+$0x0] =	vst.idx.add.s32.msk vm8, v1  }
0x292: {  	v25 =	vshrl.u32 v16, $0x8;
	v26 =	vshrl.u32 v17, $0x8;
	v27 =	vshrl.u32 v19, $0x13;
	[tilespmem:v9+s30+$0x0] =	vst.idx.add.s32.msk vm9, v1  }
0x293: {  	v28 =	vshrl.u32 v18, $0x8;
	v29 =	vshrl.u32 v19, $0x8;
	v9 =	vshrl.u32 v14, $0x13;
	[tilespmem:v10+s30+$0x0] =	vst.idx.add.s32.msk vm6, v1  }
0x294: {  	v30 =	vshrl.u32 v14, $0x8;
	v10 =	vshrl.u32 v7, $0x13;
	v8 =	vshrl.u32 v7, $0x8;
	[tilespmem:v11+s30+$0x0] =	vst.idx.add.s32.msk vm1, v1  }
0x295: {  	vm1 =	veq.s32 v22, v6;
	v11 =	vshrl.u32 v20, $0x13;
	v31 =	vshrl.u32 v20, $0x8;
	[tilespmem:v12+s30+$0x0] =	vst.idx.add.s32.msk vm4, v1  }
0x296: {  	vm6 =	veq.s32 v23, v6;
	vm9 =	vne.s32 v20, $0x0;
	vm8 =	veq.s32 v11, v6;
	[tilespmem:v15+s30+$0x0] =	vst.idx.add.s32.msk vm2, v1  }
.Ltmp13:
0x297: {  	vm7 =	veq.s32 v24, v6;
	vm4 =	veq.s32 v27, v6;
	vm2 =	veq.s32 v9, v6;
	(pc) =	sbr.rel @p0 .LBB2_24-.Ltmp13, $4  }
0x298: {  	vm10 =	vne.s32 v16, $0x0;
	vm5 =	veq.s32 v10, v6;
	v9 =	vand.u32 $0x7FF, v31;
	[tilespmem:v13+s30+$0x0] =	vst.idx.add.s32.msk vm3, v1  }
0x299: {  	v10 =	vand.u32 $0x7FF, v25;
	v11 =	vand.u32 $0x7FF, v26;
	vm3 =	vne.s32 v17, $0x0;
	[tilespmem:v21+s30+$0x0] =	vst.idx.add.s32.msk vm0, v1  }
0x29a: {  	vm11 =	vne.s32 v18, $0x0;
	v12 =	vand.u32 $0x7FF, v28;
	vm0 =	vne.s32 v19, $0x0  }
0x29b: {  	s9 =	sadd.s32 $0x80, s9;
	vm12 =	vne.s32 v14, $0x0;
	v14 =	vand.u32 $0x7FF, v30;
	v13 =	vand.u32 $0x7FF, v29  }
0x29c: {  	vm8 =	vmand vm9, vm8  }
0x29d: {  	vm1 =	vmand vm10, vm1;
	v9 =	vor.u32 v3, v9  }
0x29e: {  	vm3 =	vmand vm3, vm6;
	v10 =	vor.u32 v3, v10  }
0x29f: {  	vm6 =	vmand vm11, vm7;
	v11 =	vor.u32 v3, v11  }
0x2a0: {  	vm0 =	vmand vm0, vm4;
	v12 =	vor.u32 v3, v12  }
0x2a1: {  	vm4 =	vne.s32 v7, $0x0;
	vm2 =	vmand vm12, vm2;
	v7 =	vor.u32 v3, v13  }
0x2a2: {  	v8 =	vand.u32 $0x7FF, v8;
	v13 =	vor.u32 v3, v14;
	vm4 =	vmand vm4, vm5;
	[tilespmem:v9+s30+$0x0] =	vst.idx.add.s32.msk vm8, v1  }
0x2a3: {  	s18 =	sshll.u32 s17, $0x1;
	p0 =	seq.s32 s17, $0xF;
	v8 =	vor.u32 v3, v8;
	[tilespmem:v10+s30+$0x0] =	vst.idx.add.s32.msk vm1, v1  }
0x2a4: {  	s8 =	sadd.s32 @!p0 $0x2, s18;
	[tilespmem:v11+s30+$0x0] =	vst.idx.add.s32.msk vm3, v1  }
0x2a5: {  	s9 =	sshrl.u32 @!p0 s8, $0x3;
	s8 =	sshll.u32 @!p0 s8, $0xA;
	[tilespmem:v12+s30+$0x0] =	vst.idx.add.s32.msk vm6, v1  }
0x2a6: {  	s9 =	sadd.s32 @!p0 s12, s9;
	s8 =	sand.u32 @!p0 $0x1800, s8;
	[tilespmem:v7+s30+$0x0] =	vst.idx.add.s32.msk vm0, v1  }
0x2a7: {  	s9 =	sshll.u32 @!p0 s9, $0x10;
	s8 =	sadd.s32 @!p0 s8, s22;
	[tilespmem:v13+s30+$0x0] =	vst.idx.add.s32.msk vm2, v1  }
0x2a8: {  	s14 =	simm.s32 @!p0 $0x8000;
	s8 =	sadd.s32 @!p0 s9, s8;
	s9 =	simm.s32 @!p0 $0x0;
	[tilespmem:v8+s30+$0x0] =	vst.idx.add.s32.msk vm4, v1  }
0x2a9: {  	[tilespmem:s14], [sflag:$0x1] =	stream.linear.gather @!p0 [hbm4b:s8+s9], $0x2000, $0x38;
	[tilespmem:$0x19890] =	vst v63  }
0x2aa: {  	_ =	swait.ge [sflag:s0], $0x2000  }
0x2ab: {  	[sflag:s0] =	ssyncset.done $0x0  }
0x2ac: {  	s31 =	simm.s32 $0xA040;
	[sflag:s0] =	ssyncadd.s32 $0xFFFFE000  }
0x2ad: {  	v8 =	vld [tilespmem:s31+$0x30]  }
0x2ae: {  	v10 =	vld [tilespmem:s31+$0xFFFFFFD0]  }
0x2af: {  	v11 =	vld [tilespmem:s31+$0xFFFFFFE0]  }
0x2b0: {  	v12 =	vld [tilespmem:s31+$0xFFFFFFF0]  }
0x2b1: {  	v13 =	vld [tilespmem:s31+$0x0]  }
0x2b2: {  	v14 =	vld [tilespmem:s31+$0x10]  }
0x2b3: {  	v7 =	vld [tilespmem:s31+$0x20];
	v9 =	vshrl.u32 v8, $0x13  }
0x2b4: {  	vm1 =	vne.s32 v8, $0x0;
	v8 =	vshrl.u32 v8, $0x8;
	v15 =	vshrl.u32 v10, $0x13  }
0x2b5: {  	v16 =	vshrl.u32 v11, $0x13;
	v17 =	vshrl.u32 v12, $0x13;
	v19 =	vshrl.u32 v10, $0x8  }
0x2b6: {  	v20 =	vshrl.u32 v11, $0x8;
	v21 =	vshrl.u32 v13, $0x13;
	v22 =	vshrl.u32 v12, $0x8  }
0x2b7: {  	v23 =	vshrl.u32 v13, $0x8;
	v24 =	vshrl.u32 v14, $0x13;
	v25 =	vshrl.u32 v14, $0x8  }
0x2b8: {  	v26 =	vshrl.u32 v7, $0x13;
	vm10 =	vne.s32 v10, $0x0;
	vm3 =	vne.s32 v11, $0x0  }
0x2b9: {  	vm11 =	vne.s32 v12, $0x0;
	vm0 =	veq.s32 v9, v6;
	v9 =	vld [tilespmem:s31+$0xFFFFFFC0];
	v8 =	vand.u32 $0x7FF, v8  }
0x2ba: {  	vm6 =	veq.s32 v16, v6;
	vm7 =	veq.s32 v17, v6;
	vm12 =	vmand vm1, vm0  }
0x2bb: {  	vm4 =	veq.s32 v21, v6;
	vm2 =	veq.s32 v24, v6;
	v18 =	vor.u32 v3, v8  }
0x2bc: {  	vm5 =	veq.s32 v26, v6;
	v10 =	vand.u32 $0x7FF, v19;
	v11 =	vand.u32 $0x7FF, v20  }
0x2bd: {  	v12 =	vand.u32 $0x7FF, v22;
	v8 =	vshrl.u32 v7, $0x8;
	vm1 =	veq.s32 v15, v6  }
0x2be: {  	vm0 =	vne.s32 v13, $0x0;
	v13 =	vand.u32 $0x7FF, v23;
	v27 =	vshrl.u32 v9, $0x13  }
0x2bf: {  	v28 =	vshrl.u32 v9, $0x8;
	vm9 =	vne.s32 v9, $0x0;
	vm8 =	veq.s32 v27, v6  }
0x2c0: {  	s8 =	simm.s32 $0x0;
	s9 =	simm.s32 $0xA0C0;
	v9 =	vand.u32 $0x7FF, v28;
	[tilespmem:v18+s30+$0x0] =	vst.idx.add.s32.msk vm12, v1;
	vm12 =	vne.s32 v14, $0x0;
	v14 =	vand.u32 $0x7FF, v25  }
.LBB2_26:
0x2c1: {  	v15 =	vld [tilespmem:s9+$0x30];
	s8 =	sadd.s32 $0x8, s8;
	vm8 =	vmand vm9, vm8;
	vm13 =	vne.s32 v7, $0x0;
	v7 =	vand.u32 $0x7FF, v8  }
0x2c2: {  	vm9 =	vmand vm10, vm1;
	vm6 =	vmand vm3, vm6;
	vm1 =	vmand vm11, vm7;
	v16 =	vld [tilespmem:s9+$0xFFFFFFD0];
	p1 =	slt.u32 s8, $0x1F8  }
0x2c3: {  	vm4 =	vmand vm0, vm4;
	vm3 =	vmand vm12, vm2;
	vm0 =	vmand vm13, vm5;
	v17 =	vld [tilespmem:s9+$0xFFFFFFE0]  }
0x2c4: {  	v8 =	vor.u32 v3, v9;
	v9 =	vor.u32 v3, v10;
	v10 =	vor.u32 v3, v11;
	v18 =	vld [tilespmem:s9+$0xFFFFFFF0]  }
0x2c5: {  	v11 =	vor.u32 v3, v12;
	v12 =	vor.u32 v3, v13;
	v13 =	vor.u32 v3, v14;
	v19 =	vld [tilespmem:s9+$0x0]  }
0x2c6: {  	v21 =	vor.u32 v3, v7;
	v14 =	vld [tilespmem:s9+$0x10];
	v20 =	vshrl.u32 v15, $0x13  }
0x2c7: {  	vm5 =	vne.s32 v15, $0x0;
	v15 =	vshrl.u32 v15, $0x8;
	v7 =	vld [tilespmem:s9+$0x20];
	vm2 =	veq.s32 v20, v6  }
0x2c8: {  	v22 =	vshrl.u32 v16, $0x13;
	v15 =	vand.u32 $0x7FF, v15;
	v20 =	vld [tilespmem:s9+$0xFFFFFFC0];
	vm2 =	vmand vm5, vm2  }
0x2c9: {  	v23 =	vshrl.u32 v17, $0x13;
	v15 =	vor.u32 v3, v15;
	v24 =	vshrl.u32 v18, $0x13;
	[tilespmem:v8+s30+$0x0] =	vst.idx.add.s32.msk vm8, v1  }
0x2ca: {  	v25 =	vshrl.u32 v16, $0x8;
	v26 =	vshrl.u32 v17, $0x8;
	v27 =	vshrl.u32 v19, $0x13;
	[tilespmem:v9+s30+$0x0] =	vst.idx.add.s32.msk vm9, v1  }
0x2cb: {  	v28 =	vshrl.u32 v18, $0x8;
	v29 =	vshrl.u32 v19, $0x8;
	v9 =	vshrl.u32 v14, $0x13;
	[tilespmem:v10+s30+$0x0] =	vst.idx.add.s32.msk vm6, v1  }
0x2cc: {  	v30 =	vshrl.u32 v14, $0x8;
	v10 =	vshrl.u32 v7, $0x13;
	v8 =	vshrl.u32 v7, $0x8;
	[tilespmem:v11+s30+$0x0] =	vst.idx.add.s32.msk vm1, v1  }
0x2cd: {  	vm1 =	veq.s32 v22, v6;
	v11 =	vshrl.u32 v20, $0x13;
	v31 =	vshrl.u32 v20, $0x8;
	[tilespmem:v12+s30+$0x0] =	vst.idx.add.s32.msk vm4, v1  }
0x2ce: {  	vm6 =	veq.s32 v23, v6;
	vm9 =	vne.s32 v20, $0x0;
	vm8 =	veq.s32 v11, v6;
	[tilespmem:v15+s30+$0x0] =	vst.idx.add.s32.msk vm2, v1  }
.Ltmp14:
0x2cf: {  	vm7 =	veq.s32 v24, v6;
	vm4 =	veq.s32 v27, v6;
	vm2 =	veq.s32 v9, v6;
	(pc) =	sbr.rel @p1 .LBB2_26-.Ltmp14, $4  }
0x2d0: {  	vm10 =	vne.s32 v16, $0x0;
	vm5 =	veq.s32 v10, v6;
	v9 =	vand.u32 $0x7FF, v31;
	[tilespmem:v13+s30+$0x0] =	vst.idx.add.s32.msk vm3, v1  }
0x2d1: {  	v10 =	vand.u32 $0x7FF, v25;
	v11 =	vand.u32 $0x7FF, v26;
	vm3 =	vne.s32 v17, $0x0;
	[tilespmem:v21+s30+$0x0] =	vst.idx.add.s32.msk vm0, v1  }
0x2d2: {  	vm11 =	vne.s32 v18, $0x0;
	v12 =	vand.u32 $0x7FF, v28;
	vm0 =	vne.s32 v19, $0x0  }
0x2d3: {  	s9 =	sadd.s32 $0x80, s9;
	vm12 =	vne.s32 v14, $0x0;
	v14 =	vand.u32 $0x7FF, v30;
	v13 =	vand.u32 $0x7FF, v29  }
0x2d4: {  	vm8 =	vmand vm9, vm8  }
0x2d5: {  	vm1 =	vmand vm10, vm1;
	v9 =	vor.u32 v3, v9  }
0x2d6: {  	vm3 =	vmand vm3, vm6;
	v10 =	vor.u32 v3, v10  }
0x2d7: {  	vm14 =	vmand vm11, vm7;
	v11 =	vor.u32 v3, v11  }
0x2d8: {  	vm0 =	vmand vm0, vm4;
	v12 =	vor.u32 v3, v12  }
0x2d9: {  	vm15 =	vne.s32 v7, $0x0;
	vm2 =	vmand vm12, vm2;
	v7 =	vor.u32 v3, v13  }
0x2da: {  	v8 =	vand.u32 $0x7FF, v8;
	v63 =	vor.u32 v3, v14;
	vm4 =	vmand vm15, vm5;
	[tilespmem:v9+s30+$0x0] =	vst.idx.add.s32.msk vm8, v1  }
0x2db: {  	v8 =	vor.u32 v3, v8;
	[tilespmem:v10+s30+$0x0] =	vst.idx.add.s32.msk vm1, v1  }
.Ltmp15:
0x2dc: {  	[tilespmem:v11+s30+$0x0] =	vst.idx.add.s32.msk vm3, v1;
	(pc) =	sbr.rel @p0 .LBB2_28-.Ltmp15, $4  }
0x2dd: {  	[tilespmem:v12+s30+$0x0] =	vst.idx.add.s32.msk vm14, v1  }
0x2de: {  	[tilespmem:v7+s30+$0x0] =	vst.idx.add.s32.msk vm0, v1  }
0x2df: {  	[tilespmem:v63+s30+$0x0] =	vst.idx.add.s32.msk vm2, v1  }
0x2e0: {  	[tilespmem:v8+s30+$0x0] =	vst.idx.add.s32.msk vm4, v1  }
0x2e1: {  	s8 =	sadd.s32 $0x3, s18  }
.Ltmp16:
0x2e2: {  	s9 =	sshrl.u32 s8, $0x3;
	s8 =	sshll.u32 s8, $0xA;
	(pc) =	sbr.rel .LBB2_23-.Ltmp16, $4  }
0x2e3: {  	s9 =	sadd.s32 s12, s9;
	s8 =	sand.u32 $0x1C00, s8  }
0x2e4: {  	s9 =	sshll.u32 s9, $0x10;
	s8 =	sadd.s32 s8, s22  }
0x2e5: {  	s17 =	sadd.s32 $0x1, s17;
	s8 =	sadd.s32 s9, s8  }
0x2e6: {  	[tilespmem:s24], [sflag:$0x2] =	stream.linear.gather [hbm4b:s8+s5], $0x2000, $0x38;
	[tilespmem:$0x19890] =	vst v63  }
.LBB2_28:
0x2e7: {  	s14 =	simm.s32 $0x0;
	s9 =	simm.s32 $0x10000  }
0x2e8: {  	s14 =	sand.u32 $0x7F0, s14;
	v7 =	vld [tilespmem:s9+$0x0]  }
0x2e9: {  	v6 =	vld [tilespmem:s14+$0x10800]  }
0x2ea: {  	v8 =	vld [tilespmem:s14+$0x11000]  }
0x2eb: {  	v9 =	vld [tilespmem:s14+$0x11800]  }
0x2ec: {  	v10 =	vld [tilespmem:s14+$0x12000]  }
0x2ed: {  	v11 =	vld [tilespmem:s14+$0x12800]  }
0x2ee: {  	v6 =	vadd.s32 v7, v6;
	v7 =	vld [tilespmem:s14+$0x13000]  }
0x2ef: {  	v6 =	vadd.s32 v8, v6;
	v8 =	vld [tilespmem:s14+$0x13800]  }
0x2f0: {  	v58 =	vld [tilespmem:s14+$0x14000];
	v6 =	vadd.s32 v9, v6  }
0x2f1: {  	v59 =	vld [tilespmem:s14+$0x14800];
	v6 =	vadd.s32 v10, v6  }
0x2f2: {  	v60 =	vld [tilespmem:s14+$0x15000];
	v6 =	vadd.s32 v11, v6  }
0x2f3: {  	v6 =	vadd.s32 v7, v6;
	v7 =	vld [tilespmem:s14+$0x15800]  }
0x2f4: {  	v6 =	vadd.s32 v8, v6;
	v8 =	vld [tilespmem:s14+$0x16000]  }
0x2f5: {  	v61 =	vld [tilespmem:s14+$0x16800];
	v6 =	vadd.s32 v58, v6  }
0x2f6: {  	v62 =	vld [tilespmem:s14+$0x17000];
	v6 =	vadd.s32 v59, v6  }
0x2f7: {  	v63 =	vld [tilespmem:s14+$0x17800];
	v6 =	vadd.s32 v60, v6  }
0x2f8: {  	v6 =	vadd.s32 v7, v6  }
0x2f9: {  	v6 =	vadd.s32 v8, v6  }
0x2fa: {  	v6 =	vadd.s32 v61, v6  }
0x2fb: {  	v6 =	vadd.s32 v62, v6  }
0x2fc: {  	s8 =	simm.s32 $0x18000;
	s31 =	simm.s32 $0x10;
	v6 =	vadd.s32 v63, v6  }
0x2fd: {  	s9 =	sand.u32 $0x7F0, s31;
	[tilespmem:s8+$0x0] =	vst v6  }
0x2fe: {  	s16 =	simm.s32 $0x20;
	s14 =	simm.s32 $0x10010;
	v6 =	vld [tilespmem:s9+$0x10800]  }
.LBB2_29:
0x2ff: {  	p0 =	sne.s32 s16, $0x7F0;
	v7 =	vld [tilespmem:s14+$0x0]  }
0x300: {  	v8 =	vld [tilespmem:s9+$0x11000]  }
0x301: {  	v9 =	vld [tilespmem:s9+$0x11800]  }
0x302: {  	v10 =	vld [tilespmem:s9+$0x12000]  }
0x303: {  	v11 =	vld [tilespmem:s9+$0x12800]  }
0x304: {  	v6 =	vadd.s32 v7, v6;
	v7 =	vld [tilespmem:s9+$0x13000]  }
0x305: {  	v6 =	vadd.s32 v8, v6;
	v8 =	vld [tilespmem:s9+$0x13800]  }
0x306: {  	v6 =	vadd.s32 v9, v6;
	v9 =	vld [tilespmem:s9+$0x14000]  }
0x307: {  	v6 =	vadd.s32 v10, v6;
	v10 =	vld [tilespmem:s9+$0x14800]  }
0x308: {  	v6 =	vadd.s32 v11, v6;
	v11 =	vld [tilespmem:s9+$0x15000]  }
0x309: {  	v6 =	vadd.s32 v7, v6;
	v7 =	vld [tilespmem:s9+$0x15800]  }
0x30a: {  	v6 =	vadd.s32 v8, v6;
	v8 =	vld [tilespmem:s9+$0x16000]  }
0x30b: {  	v6 =	vadd.s32 v9, v6;
	v9 =	vld [tilespmem:s9+$0x16800]  }
0x30c: {  	v6 =	vadd.s32 v10, v6;
	v10 =	vld [tilespmem:s9+$0x17000]  }
0x30d: {  	v6 =	vadd.s32 v11, v6;
	v11 =	vld [tilespmem:s9+$0x17800]  }
0x30e: {  	v6 =	vadd.s32 v7, v6  }
0x30f: {  	v6 =	vadd.s32 v8, v6  }
.Ltmp17:
0x310: {  	v6 =	vadd.s32 v9, v6;
	(pc) =	sbr.rel @p0 .LBB2_29-.Ltmp17, $4  }
0x311: {  	v6 =	vadd.s32 v10, v6  }
0x312: {  	s8 =	sadd.s32 $0x10, s8;
	v6 =	vadd.s32 v11, v6  }
0x313: {  	s9 =	sand.u32 $0x7F0, s16;
	[tilespmem:s8+$0x0] =	vst v6  }
0x314: {  	s14 =	sadd.s32 $0x10, s14;
	s16 =	sadd.s32 $0x10, s16;
	v6 =	vld [tilespmem:s9+$0x10800]  }
0x315: {  	v7 =	vld [tilespmem:s14+$0x0]  }
0x316: {  	v8 =	vld [tilespmem:s9+$0x11000]  }
0x317: {  	v9 =	vld [tilespmem:s9+$0x11800]  }
0x318: {  	v10 =	vld [tilespmem:s9+$0x12000]  }
0x319: {  	v11 =	vld [tilespmem:s9+$0x12800]  }
0x31a: {  	v6 =	vadd.s32 v7, v6;
	v7 =	vld [tilespmem:s9+$0x13000]  }
0x31b: {  	v6 =	vadd.s32 v8, v6;
	v8 =	vld [tilespmem:s9+$0x13800]  }
0x31c: {  	v58 =	vld [tilespmem:s9+$0x14000];
	v6 =	vadd.s32 v9, v6  }
0x31d: {  	v59 =	vld [tilespmem:s9+$0x14800];
	v6 =	vadd.s32 v10, v6  }
0x31e: {  	v60 =	vld [tilespmem:s9+$0x15000];
	v6 =	vadd.s32 v11, v6  }
0x31f: {  	v6 =	vadd.s32 v7, v6;
	v7 =	vld [tilespmem:s9+$0x15800]  }
0x320: {  	v6 =	vadd.s32 v8, v6;
	v8 =	vld [tilespmem:s9+$0x16000]  }
0x321: {  	v61 =	vld [tilespmem:s9+$0x16800];
	v6 =	vadd.s32 v58, v6  }
0x322: {  	v62 =	vld [tilespmem:s9+$0x17000];
	v6 =	vadd.s32 v59, v6  }
0x323: {  	v63 =	vld [tilespmem:s9+$0x17800];
	v6 =	vadd.s32 v60, v6  }
0x324: {  	v6 =	vadd.s32 v7, v6  }
0x325: {  	v6 =	vadd.s32 v8, v6  }
0x326: {  	v6 =	vadd.s32 v61, v6  }
0x327: {  	v6 =	vadd.s32 v62, v6  }
0x328: {  	s8 =	sadd.s32 $0x10, s8;
	v6 =	vadd.s32 v63, v6  }
0x329: {  	s17 =	rddreg [dreg:$0xb];
	s18 =	simm.s32 $0x18000;
	[tilespmem:s8+$0x0] =	vst v6  }
0x32a: {  	[spmem:s17] =	stream.linear.scatter [tilespmem:s18], [sflag:$0x7], $0x800, $0x38;
	[tilespmem:$0x19890] =	vst v63  }
0x32b: {  	_ =	swait.ge [sflag:s11], $0x800  }
0x32c: {  	[sflag:s11] =	ssyncset.done $0x0  }
0x32d: {  	[sflag:s11] =	ssyncadd.s32 $0xFFFFF800  }
0x32e: {  	[bflag:$0x0] =	sbarrier.arrive $0xFFFF  }
0x32f: {  	s21 =	simm.s32 $0x0;
	s23 =	rddreg [dreg:$0xd]  }
0x330: {  	[tilespmem:s19], [sflag:$0x1] =	stream.linear.gather [hbm4b:s23+s21], $0x2000, $0x38;
	[tilespmem:$0x19890] =	vst v63  }
0x331: {  	s25 =	rddreg [dreg:$0xf]  }
0x332: {  	[tilespmem:s24], [sflag:$0x2] =	stream.linear.gather [hbm4b:s25+s21], $0x2000, $0x38;
	[tilespmem:$0x19890] =	vst v63  }
0x333: {  	s26 =	rddreg [dreg:$0xe]  }
0x334: {  	[tilespmem:s18], [sflag:$0x7] =	stream.linear.gather [spmem:s26], $0x800, $0x38;
	[tilespmem:$0x19890] =	vst v63  }
0x335: {  	_ =	swait.ge [sflag:s11], $0x800  }
0x336: {  	[sflag:s11] =	ssyncset.done $0x0  }
0x337: {  	s31 =	rddreg [dreg:$0x10];
	[sflag:s11] =	ssyncadd.s32 $0xFFFFF800  }
0x338: {  	[tilespmem:s20], [sflag:$0x7] =	stream.linear.gather [spmem:s31], $0x800, $0x38;
	[tilespmem:$0x19890] =	vst v63  }
0x339: {  	_ =	swait.ge [sflag:s11], $0x800  }
0x33a: {  	[sflag:s11] =	ssyncset.done $0x0  }
0x33b: {  	s8 =	simm.s32 $0x0;
	[sflag:s11] =	ssyncadd.s32 $0xFFFFF800  }
0x33c: {  	s9 =	simm.s32 $0x40;
	v6 =	vld [tilespmem:s8+$0x18800]  }
.LBB2_31:
0x33d: {  	p0 =	sne.s32 s9, $0x1FC0;
	v7 =	vld [tilespmem:s8+$0x18000];
	_ =	sdelay $0x1  }
.Ltmp18:
0x33e: {  	(pc) =	sbr.rel @p0 .LBB2_31-.Ltmp18, $3  }
0x33f: {  	_ =	sdelay $0x1  }
0x340: {  	s14 =	sshra.s32 s9, $0x2;
	v7 =	vadd.s32 v7, v6  }
0x341: {  	s9 =	sadd.s32 $0x40, s9;
	v6 =	vld [tilespmem:s14+$0x18800];
	[tilespmem:s8+$0x18000] =	vst v7;
	s8 =	smov.u32 s14  }
0x342: {  	v7 =	vld [tilespmem:s8+$0x18000];
	_ =	sdelay $0x4  }
0x343: {  	v6 =	vadd.s32 v7, v6  }
0x344: {  	s31 =	rddreg [dreg:$0x11];
	[tilespmem:s8+$0x18000] =	vst v6  }
0x345: {  	[tilespmem:s20], [sflag:$0x7] =	stream.linear.gather [spmem:s31], $0x800, $0x38;
	[tilespmem:$0x19890] =	vst v63  }
0x346: {  	_ =	swait.ge [sflag:s11], $0x800  }
0x347: {  	[sflag:s11] =	ssyncset.done $0x0  }
0x348: {  	s8 =	simm.s32 $0x0;
	[sflag:s11] =	ssyncadd.s32 $0xFFFFF800  }
0x349: {  	s9 =	simm.s32 $0x40;
	v6 =	vld [tilespmem:s8+$0x18800]  }
.LBB2_33:
0x34a: {  	p0 =	sne.s32 s9, $0x1FC0;
	v7 =	vld [tilespmem:s8+$0x18000];
	_ =	sdelay $0x1  }
.Ltmp19:
0x34b: {  	(pc) =	sbr.rel @p0 .LBB2_33-.Ltmp19, $3  }
0x34c: {  	_ =	sdelay $0x1  }
0x34d: {  	s14 =	sshra.s32 s9, $0x2;
	v7 =	vadd.s32 v7, v6  }
0x34e: {  	s9 =	sadd.s32 $0x40, s9;
	v6 =	vld [tilespmem:s14+$0x18800];
	[tilespmem:s8+$0x18000] =	vst v7;
	s8 =	smov.u32 s14  }
0x34f: {  	v7 =	vld [tilespmem:s8+$0x18000];
	_ =	sdelay $0x4  }
0x350: {  	v6 =	vadd.s32 v7, v6  }
0x351: {  	s31 =	rddreg [dreg:$0x12];
	[tilespmem:s8+$0x18000] =	vst v6  }
0x352: {  	[tilespmem:s20], [sflag:$0x7] =	stream.linear.gather [spmem:s31], $0x800, $0x38;
	[tilespmem:$0x19890] =	vst v63  }
0x353: {  	_ =	swait.ge [sflag:s11], $0x800  }
0x354: {  	[sflag:s11] =	ssyncset.done $0x0  }
0x355: {  	s8 =	simm.s32 $0x0;
	[sflag:s11] =	ssyncadd.s32 $0xFFFFF800  }
0x356: {  	s9 =	simm.s32 $0x40;
	v6 =	vimm.s32 $0x0;
	v7 =	vld [tilespmem:s8+$0x18800]  }
.LBB2_35:
0x357: {  	p0 =	sne.s32 s9, $0x1FC0;
	v8 =	vld [tilespmem:s8+$0x18000];
	_ =	sdelay $0x1  }
.Ltmp20:
0x358: {  	(pc) =	sbr.rel @p0 .LBB2_35-.Ltmp20, $3  }
0x359: {  	_ =	sdelay $0x1  }
0x35a: {  	s14 =	sshra.s32 s9, $0x2;
	v8 =	vadd.s32 v8, v7  }
0x35b: {  	s9 =	sadd.s32 $0x40, s9;
	v7 =	vld [tilespmem:s14+$0x18800];
	[tilespmem:s8+$0x18000] =	vst v8;
	v6 =	vadd.s32 v6, v8;
	s8 =	smov.u32 s14  }
0x35c: {  	v8 =	vld [tilespmem:s8+$0x18000];
	_ =	sdelay $0x4  }
0x35d: {  	v7 =	vadd.s32 v8, v7  }
0x35e: {  	s18 =	simm.s32 $0x18000;
	[tilespmem:s8+$0x18000] =	vst v7;
	v6 =	vadd.s32 v6, v7  }
0x35f: {  	(xrf0) =	vadd.scan.msk.s32 $0xffff, v6;
	v6 =	vld [tilespmem:s18+$0x0];
	_ =	sdelay $0x4  }
0x360: {  	(xrf0) =	vadd.scan.msk.s32 $0xffff, v6  }
0x361: {  	v6, _, _ =	vpop (xrf0)  }
0x362: {  	(v2sf) =	vpush v6, $0xF;
	_ =	sdelay $0x1  }
0x363: {  	s19 =	simm.s32 $0x18010  }
0x364: {  	v6 =	vld [tilespmem:s19+$0x0]  }
0x365: {  	v7, _, _ =	vpop (xrf0)  }
0x366: {  	(v2sf) =	vpush v7, $0xF;
	_ =	sdelay $0x2  }
0x367: {  	(xrf0) =	vadd.scan.msk.s32 $0xffff, v6;
	_ =	sdelay $0x5  }
0x368: {  	s20 =	sadd.s32 s13, s15;
	s9 =	rddreg [dreg:$0x16];
	v8, _, _ =	vpop (xrf0)  }
0x369: {  	s23 =	simm.s32 $0x18020;
	s8 =	ssub.s32 s9, s20;
	(v2sf) =	vpush v8, $0xF;
	s21 =	spop (v2sf)  }
0x36a: {  	v9 =	vld [tilespmem:s23+$0x0];
	s8 =	sadd.s32 s21, s8  }
0x36b: {  	s16 =	simm.s32 $0x0;
	s8 =	sadd.s32 $0x1, s8  }
0x36c: {  	v7 =	vadd.s32 s16, v7;
	v6 =	vmov s8  }
0x36d: {  	vm0 =	vge.s32 v7, v6  }
0x36e: {  	v10 =	vsel vm0, $0x1, v0;
	s26 =	spop (v2sf)  }
0x36f: {  	s25 =	simm.s32 $0x18030;
	(xrf0) =	vadd.scan.msk.s32 $0xffff, v9;
	[dreg:$0x17] =	wrdreg s8;
	v9 =	vor.u32 $0x80000000, v10;
	s8 =	sadd.s32 $0x0, s26  }
0x370: {  	v11 =	vld [tilespmem:s25+$0x0];
	v7 =	vxor.u32 $0x80000000, v7;
	v10 =	vnsel vm0, $0x80000010, v4;
	(xrf0) =	vmax.scan.msk.u32 $0xffff, v9;
	v8 =	vadd.s32 s8, v8  }
0x371: {  	v7 =	vnsel vm0, $0xFFFFFFFF, v7;
	(xrf0) =	vmin.scan.msk.u32 $0xffff, v10;
	vm14 =	vge.s32 v8, v6  }
0x372: {  	(xrf0) =	vmin.scan.msk.u32 $0xffff, v7;
	v7 =	vsel vm14, $0x1, v0  }
0x373: {  	v7 =	vor.u32 $0x80000000, v7  }
0x374: {  	v9 =	vnsel vm14, $0x80000010, v4  }
0x375: {  	(xrf0) =	vadd.scan.msk.s32 $0xffff, v11  }
0x376: {  	v8 =	vxor.u32 $0x80000000, v8;
	(xrf0) =	vmax.scan.msk.u32 $0xffff, v7;
	v7, _, _ =	vpop (xrf0)  }
0x377: {  	v8 =	vnsel vm14, $0xFFFFFFFF, v8;
	(xrf0) =	vmin.scan.msk.u32 $0xffff, v9;
	(v2sf) =	vpush v7, $0xF;
	v9, _, _ =	vpop (xrf0)  }
0x378: {  	s31 =	spop (v2sf);
	(xrf0) =	vmin.scan.msk.u32 $0xffff, v8;
	(v2sf) =	vpush v9, $0xF  }
0x379: {  	v10, _, _ =	vpop (xrf0)  }
0x37a: {  	s13 =	sadd.s32 s8, s31;
	v9, _, _ =	vpop (xrf0);
	(v2sf) =	vpush v10, $0xF  }
0x37b: {  	s9 =	simm.s32 $0x18040;
	v10 =	vadd.s32 s13, v7;
	(v2sf) =	vpush v9, $0xF;
	v7, _, _ =	vpop (xrf0)  }
0x37c: {  	v8 =	vld [tilespmem:s9+$0x0];
	(v2sf) =	vpush v7, $0xF;
	v9, _, _ =	vpop (xrf0)  }
0x37d: {  	(v2sf) =	vpush v9, $0xF;
	v9, _, _ =	vpop (xrf0)  }
0x37e: {  	(v2sf) =	vpush v9, $0xF;
	v9, _, _ =	vpop (xrf0)  }
0x37f: {  	vm15 =	vge.s32 v10, v6;
	(v2sf) =	vpush v9, $0xF  }
0x380: {  	s14 =	simm.s32 $0x80000010;
	v11 =	vsel vm15, $0x1, v0  }
0x381: {  	s20 =	simm.s32 $0x80000020;
	s18 =	simm.s32 $0x80000040;
	(xrf0) =	vadd.scan.msk.s32 $0xffff, v8;
	v8 =	vor.u32 $0x80000000, v11  }
0x382: {  	s17 =	simm.s32 $0xFFFFFFFF;
	p0 =	por $0x1, $0x1;
	s25 =	simm.s32 $0x80000050;
	v10 =	vxor.u32 $0x80000000, v10;
	v11 =	vnsel vm15, $0x80000010, v4;
	(xrf0) =	vmax.scan.msk.u32 $0xffff, v8  }
0x383: {  	s15 =	simm.s32 $0x0;
	s19 =	simm.s32 $0x80000030;
	s8 =	simm.s32 $0x80000000;
	v8 =	vnsel vm15, $0xFFFFFFFF, v10;
	(xrf0) =	vmin.scan.msk.u32 $0xffff, v11  }
.LBB2_37:
0x384: {  	s21 =	smov.u32 s16  }
0x385: {  	p1 =	sne.s32 s25, $0x800007F0;
	s9 =	sadd.s32 $0x10, s9;
	s23 =	smov.u32 s18;
	(xrf0) =	vmin.scan.msk.u32 $0xffff, v8  }
0x386: {  	s18 =	smov.u32 s25;
	v8 =	vld [tilespmem:s9+$0x0];
	s16 =	spop (v2sf)  }
0x387: {  	s26 =	spop (v2sf)  }
0x388: {  	s13 =	sadd.s32 s13, s16;
	p2 =	seq.s32 s26, $0x80000001  }
0x389: {  	v9 =	vadd.s32 s13, v7;
	v7, _, _ =	vpop (xrf0);
	s16 =	sxor.u32 $0x80000000, s26;
	s26 =	spop (v2sf);
	p0 =	por !p0, !p2  }
.Ltmp21:
0x38a: {  	(v2sf) =	vpush v7, $0xF;
	vm0 =	vge.s32 v9, v6;
	v13 =	vxor.u32 $0x80000000, v9;
	v10, _, _ =	vpop (xrf0);
	p2 =	sgt.s32 s21, s16;
	s31 =	spop (v2sf);
	(pc) =	sbr.rel @p1 .LBB2_37-.Ltmp21, $4  }
0x38b: {  	v11 =	vsel vm0, $0x1, v0;
	v12 =	vnsel vm0, $0x80000010, v4;
	(v2sf) =	vpush v10, $0xF;
	v10, _, _ =	vpop (xrf0);
	s31 =	sxor.u32 $0x80000000, s31;
	p3 =	por !p0, !p0;
	s16 =	smov.u32 @p2 s21  }
0x38c: {  	s8 =	sadd.s32 s8, s26;
	(xrf0) =	vadd.scan.msk.s32 $0xffff, v8;
	v11 =	vor.u32 $0x80000000, v11;
	v8 =	vnsel vm0, $0xFFFFFFFF, v13;
	(v2sf) =	vpush v10, $0xF;
	v9, _, _ =	vpop (xrf0);
	p0 =	seq.s32 s16, $0x0;
	s15 =	smov.u32 @p3 s31  }
0x38d: {  	s17 =	smov.u32 @p3 s8;
	s8 =	smov.u32 s14;
	s14 =	smov.u32 s20;
	(xrf0) =	vmax.scan.msk.u32 $0xffff, v11;
	(v2sf) =	vpush v9, $0xF  }
0x38e: {  	s25 =	sadd.s32 $0x10, s25;
	s20 =	smov.u32 s19;
	s19 =	smov.u32 s23;
	(xrf0) =	vmin.scan.msk.u32 $0xffff, v12  }
0x38f: {  	_ =	sdelay $0x5  }
0x390: {  	s9 =	spop (v2sf)  }
0x391: {  	s9 =	sadd.s32 s13, s9;
	s26 =	spop (v2sf)  }
0x392: {  	(xrf0) =	vmin.scan.msk.u32 $0xffff, v8;
	v7 =	vadd.s32 s9, v7;
	s21 =	spop (v2sf);
	v9, _, _ =	vpop (xrf0)  }
0x393: {  	vm0 =	vge.s32 v7, v6;
	s23 =	spop (v2sf);
	(v2sf) =	vpush v9, $0xF;
	v59, _, _ =	vpop (xrf0)  }
0x394: {  	v10 =	vsel vm0, $0x1, v0;
	(v2sf) =	vpush v59, $0xF;
	s25 =	spop (v2sf)  }
0x395: {  	v60 =	vor.u32 $0x80000000, v10;
	s9 =	sadd.s32 s9, s25  }
0x396: {  	v7 =	vxor.u32 $0x80000000, v7;
	v61 =	vnsel vm0, $0x80000010, v4;
	(xrf0) =	vmax.scan.msk.u32 $0xffff, v60;
	v62 =	vadd.s32 s9, v9  }
0x397: {  	v7 =	vnsel vm0, $0xFFFFFFFF, v7;
	(xrf0) =	vmin.scan.msk.u32 $0xffff, v61;
	vm15 =	vge.s32 v62, v6;
	v6, _, _ =	vpop (xrf0)  }
0x398: {  	(xrf0) =	vmin.scan.msk.u32 $0xffff, v7;
	v7 =	vsel vm15, $0x1, v0;
	(v2sf) =	vpush v6, $0xF;
	v6, _, _ =	vpop (xrf0)  }
0x399: {  	v7 =	vor.u32 $0x80000000, v7;
	(v2sf) =	vpush v6, $0xF;
	v6 =	vxor.u32 $0x80000000, v62  }
0x39a: {  	v63 =	vnsel vm15, $0x80000010, v4;
	(xrf0) =	vmax.scan.msk.u32 $0xffff, v7;
	v6 =	vnsel vm15, $0xFFFFFFFF, v6  }
0x39b: {  	(xrf0) =	vmin.scan.msk.u32 $0xffff, v63  }
0x39c: {  	v7, _, _ =	vpop (xrf0);
	(xrf0) =	vmin.scan.msk.u32 $0xffff, v6  }
0x39d: {  	v6, _, _ =	vpop (xrf0);
	(v2sf) =	vpush v7, $0xF  }
0x39e: {  	(v2sf) =	vpush v6, $0xF;
	v6, _, _ =	vpop (xrf0)  }
0x39f: {  	s9 =	spop (v2sf);
	(v2sf) =	vpush v6, $0xF  }
0x3a0: {  	p1 =	seq.s32 s26, $0x80000001;
	s13 =	sxor.u32 $0x80000000, s26;
	s25 =	spop (v2sf);
	v6, _, _ =	vpop (xrf0)  }
0x3a1: {  	p0 =	por !p0, !p1;
	p1 =	sgt.s32 s16, s13;
	s26 =	spop (v2sf);
	(v2sf) =	vpush v6, $0xF;
	v6, _, _ =	vpop (xrf0)  }
0x3a2: {  	s8 =	sadd.s32 s8, s21;
	s23 =	sxor.u32 $0x80000000, s23;
	s31 =	spop (v2sf);
	(v2sf) =	vpush v6, $0xF;
	v6, _, _ =	vpop (xrf0)  }
0x3a3: {  	p0 =	por !p0, !p0;
	s13 =	smov.u32 @p1 s16;
	s16 =	spop (v2sf);
	(v2sf) =	vpush v6, $0xF  }
0x3a4: {  	p1 =	seq.s32 s13, $0x0;
	p2 =	seq.s32 s9, $0x80000001;
	s9 =	sxor.u32 $0x80000000, s9  }
0x3a5: {  	s15 =	smov.u32 @p0 s23;
	p2 =	por !p1, !p2;
	p1 =	sgt.s32 s13, s9  }
0x3a6: {  	s17 =	smov.u32 @p0 s8;
	s8 =	sxor.u32 $0x80000000, s26;
	s9 =	smov.u32 @p1 s13  }
0x3a7: {  	p0 =	por !p2, !p2;
	s13 =	sadd.s32 s14, s25;
	p1 =	seq.s32 s9, $0x0  }
0x3a8: {  	s17 =	smov.u32 @p0 s13;
	p3 =	seq.s32 s16, $0x80000001;
	s13 =	sxor.u32 $0x80000000, s16  }
0x3a9: {  	s15 =	smov.u32 @p0 s8;
	p0 =	por !p1, !p3;
	p1 =	sgt.s32 s9, s13  }
0x3aa: {  	p0 =	por !p0, !p0;
	s13 =	smov.u32 @p1 s9;
	s31 =	spop (v2sf)  }
0x3ab: {  	p1 =	seq.s32 s13, $0x0;
	s16 =	spop (v2sf);
	s8 =	sadd.s32 s20, s31  }
0x3ac: {  	s14 =	sxor.u32 $0x80000000, s16;
	s17 =	smov.u32 @p0 s8;
	s20 =	spop (v2sf)  }
0x3ad: {  	s15 =	smov.u32 @p0 s14;
	p4 =	seq.s32 s20, $0x80000001;
	s21 =	spop (v2sf)  }
0x3ae: {  	s9 =	sxor.u32 $0x80000000, s20;
	p0 =	por !p1, !p4;
	s23 =	spop (v2sf)  }
0x3af: {  	p1 =	sgt.s32 s13, s9;
	s8 =	sadd.s32 s19, s21;
	s14 =	sxor.u32 $0x80000000, s23  }
0x3b0: {  	p0 =	por !p0, !p0;
	s9 =	smov.u32 @p1 s13;
	s25 =	spop (v2sf)  }
0x3b1: {  	p1 =	seq.s32 s9, $0x0;
	p5 =	seq.s32 s25, $0x80000001;
	s26 =	spop (v2sf)  }
0x3b2: {  	s15 =	smov.u32 @p0 s14;
	p6 =	por !p1, !p5;
	s31 =	spop (v2sf)  }
0x3b3: {  	s17 =	smov.u32 @p0 s8;
	s8 =	sxor.u32 $0x80000000, s31;
	p0 =	por !p6, !p6  }
0x3b4: {  	s9 =	sadd.s32 s18, s26;
	[bflag:$0x0] =	sbarrier.arrive $0xFFFF;
	s15 =	smov.u32 @p0 s8  }
0x3b5: {  	s17 =	smov.u32 @p0 s9;
	s8 =	simm.s32 $0x0;
	s9 =	simm.s32 $0x200  }
.LBB2_39:
0x3b6: {  	p0 =	sne.s32 s9, $0x3E00;
	[tilespmem:s8+$0x10070] =	vst v0  }
0x3b7: {  	[tilespmem:s8+$0x10000] =	vst v0  }
0x3b8: {  	[tilespmem:s8+$0x10010] =	vst v0  }
.Ltmp22:
0x3b9: {  	[tilespmem:s8+$0x10020] =	vst v0;
	(pc) =	sbr.rel @p0 .LBB2_39-.Ltmp22, $4  }
0x3ba: {  	[tilespmem:s8+$0x10030] =	vst v0  }
0x3bb: {  	[tilespmem:s8+$0x10040] =	vst v0  }
0x3bc: {  	[tilespmem:s8+$0x10050] =	vst v0  }
0x3bd: {  	[tilespmem:s8+$0x10060] =	vst v0;
	s8 =	sshra.s32 s9, $0x2;
	s9 =	sadd.s32 $0x200, s9  }
0x3be: {  	[tilespmem:s8+$0x10070] =	vst v0  }
0x3bf: {  	[tilespmem:s8+$0x10000] =	vst v0  }
0x3c0: {  	[tilespmem:s8+$0x10010] =	vst v0  }
0x3c1: {  	[tilespmem:s8+$0x10020] =	vst v0  }
0x3c2: {  	[tilespmem:s8+$0x10030] =	vst v0  }
0x3c3: {  	[tilespmem:s8+$0x10040] =	vst v0;
	s9 =	sshll.u32 s10, $0xB  }
0x3c4: {  	[tilespmem:s8+$0x10050] =	vst v0;
	s10 =	sor.u32 s9, s17  }
0x3c5: {  	[tilespmem:s8+$0x10060] =	vst v0;
	s25 =	simm.s32 $0x8000;
	s26 =	simm.s32 $0x18800;
	s17 =	simm.s32 $0x0;
	v6 =	vmov s10  }
.LBB2_41:
0x3c6: {  	_ =	swait.ge [sflag:s28], $0x2000  }
0x3c7: {  	[sflag:s28] =	ssyncset.done $0x0  }
0x3c8: {  	s8 =	simm.s32 $0x8040;
	[sflag:s28] =	ssyncadd.s32 $0xFFFFE000  }
0x3c9: {  	v9 =	vld [tilespmem:s8+$0x30]  }
0x3ca: {  	v10 =	vld [tilespmem:s8+$0xFFFFFFD0]  }
0x3cb: {  	v11 =	vld [tilespmem:s8+$0xFFFFFFE0]  }
0x3cc: {  	v13 =	vld [tilespmem:s8+$0xFFFFFFF0]  }
0x3cd: {  	v15 =	vld [tilespmem:s8+$0x0]  }
0x3ce: {  	v16 =	vld [tilespmem:s8+$0x10]  }
0x3cf: {  	v7 =	vmul.u32 $0x100, v2;
	v8 =	vld [tilespmem:s8+$0x20]  }
0x3d0: {  	v12 =	vshrl.u32 v9, $0x8;
	vm1 =	vne.s32 v9, $0x0;
	v14 =	vshrl.u32 v10, $0x8  }
0x3d1: {  	v9 =	vand.u32 $0xFF, v9;
	v17 =	vshrl.u32 v11, $0x8;
	v18 =	vshrl.u32 v13, $0x8  }
0x3d2: {  	vm7 =	vne.s32 v10, $0x0;
	vm12 =	vne.s32 v11, $0x0;
	vm10 =	vne.s32 v13, $0x0  }
0x3d3: {  	vm13 =	vne.s32 v15, $0x0;
	vm11 =	vne.s32 v16, $0x0;
	vm0 =	veq.s32 v12, v6;
	v12 =	vld [tilespmem:s8+$0xFFFFFFC0]  }
0x3d4: {  	vm9 =	vne.s32 v8, $0x0;
	v13 =	vand.u32 $0xFF, v13;
	vm6 =	vmand vm1, vm0  }
0x3d5: {  	v9 =	vor.u32 v7, v9;
	vm4 =	veq.s32 v14, v6;
	v14 =	vshrl.u32 v15, $0x8  }
0x3d6: {  	vm2 =	veq.s32 v18, v6;
	vm1 =	veq.s32 v14, v6;
	v14 =	vshrl.u32 v16, $0x8  }
0x3d7: {  	vm0 =	veq.s32 v17, v6;
	vm3 =	veq.s32 v14, v6;
	v14 =	vshrl.u32 v8, $0x8  }
0x3d8: {  	vm5 =	veq.s32 v14, v6;
	v63 =	vshrl.u32 v12, $0x8;
	vm14 =	vne.s32 v12, $0x0  }
0x3d9: {  	v14 =	vand.u32 $0xFF, v12;
	v12 =	vand.u32 $0xFF, v10;
	v10 =	vand.u32 $0xFF, v11  }
0x3da: {  	s9 =	simm.s32 $0x80C0;
	s8 =	simm.s32 $0x0;
	v11 =	vand.u32 $0xFF, v15;
	vm15 =	veq.s32 v63, v6;
	[tilespmem:v9+s30+$0x0] =	vst.idx.add.s32.msk vm6, v1;
	v9 =	vand.u32 $0xFF, v16  }
.LBB2_42:
0x3db: {  	v15 =	vld [tilespmem:s9+$0x30];
	s8 =	sadd.s32 $0x8, s8;
	vm15 =	vmand vm14, vm15;
	vm7 =	vmand vm7, vm4;
	v8 =	vand.u32 $0xFF, v8  }
0x3dc: {  	vm14 =	vmand vm12, vm0;
	vm12 =	vmand vm10, vm2;
	vm10 =	vmand vm13, vm1;
	v16 =	vld [tilespmem:s9+$0xFFFFFFD0];
	p0 =	slt.u32 s8, $0x1F8  }
0x3dd: {  	v14 =	vor.u32 v7, v14;
	vm8 =	vmand vm11, vm3;
	vm6 =	vmand vm9, vm5;
	v17 =	vld [tilespmem:s9+$0xFFFFFFE0]  }
0x3de: {  	v12 =	vor.u32 v7, v12;
	v10 =	vor.u32 v7, v10;
	v13 =	vor.u32 v7, v13;
	v18 =	vld [tilespmem:s9+$0xFFFFFFF0]  }
0x3df: {  	v11 =	vor.u32 v7, v11;
	v9 =	vor.u32 v7, v9;
	v20 =	vor.u32 v7, v8;
	v19 =	vld [tilespmem:s9+$0x0]  }
0x3e0: {  	v21 =	vld [tilespmem:s9+$0x10];
	v22 =	vshrl.u32 v15, $0x8  }
0x3e1: {  	vm1 =	vne.s32 v15, $0x0;
	v8 =	vld [tilespmem:s9+$0x20];
	vm0 =	veq.s32 v22, v6  }
0x3e2: {  	v15 =	vand.u32 $0xFF, v15;
	v23 =	vshrl.u32 v16, $0x8;
	v22 =	vld [tilespmem:s9+$0xFFFFFFC0];
	vm9 =	vmand vm1, vm0  }
0x3e3: {  	v15 =	vor.u32 v7, v15;
	v24 =	vshrl.u32 v17, $0x8;
	v25 =	vshrl.u32 v18, $0x8;
	[tilespmem:v14+s30+$0x0] =	vst.idx.add.s32.msk vm15, v1  }
0x3e4: {  	vm4 =	veq.s32 v23, v6;
	vm0 =	veq.s32 v24, v6;
	v14 =	vshrl.u32 v19, $0x8;
	[tilespmem:v12+s30+$0x0] =	vst.idx.add.s32.msk vm7, v1  }
0x3e5: {  	vm2 =	veq.s32 v25, v6;
	vm1 =	veq.s32 v14, v6;
	v12 =	vshrl.u32 v21, $0x8;
	[tilespmem:v10+s30+$0x0] =	vst.idx.add.s32.msk vm14, v1  }
0x3e6: {  	vm7 =	vne.s32 v16, $0x0;
	vm3 =	veq.s32 v12, v6;
	v10 =	vshrl.u32 v8, $0x8;
	[tilespmem:v13+s30+$0x0] =	vst.idx.add.s32.msk vm12, v1  }
.Ltmp23:
0x3e7: {  	v12 =	vshrl.u32 v22, $0x8;
	vm14 =	vne.s32 v22, $0x0;
	vm5 =	veq.s32 v10, v6;
	[tilespmem:v11+s30+$0x0] =	vst.idx.add.s32.msk vm10, v1;
	(pc) =	sbr.rel @p0 .LBB2_42-.Ltmp23, $4  }
0x3e8: {  	vm12 =	vne.s32 v17, $0x0;
	vm10 =	vne.s32 v18, $0x0;
	vm15 =	veq.s32 v12, v6;
	[tilespmem:v15+s30+$0x0] =	vst.idx.add.s32.msk vm9, v1  }
0x3e9: {  	vm13 =	vne.s32 v19, $0x0;
	vm11 =	vne.s32 v21, $0x0;
	vm9 =	vne.s32 v8, $0x0;
	[tilespmem:v9+s30+$0x0] =	vst.idx.add.s32.msk vm8, v1  }
0x3ea: {  	v14 =	vand.u32 $0xFF, v22;
	v10 =	vand.u32 $0xFF, v17;
	v12 =	vand.u32 $0xFF, v16;
	[tilespmem:v20+s30+$0x0] =	vst.idx.add.s32.msk vm6, v1  }
0x3eb: {  	s9 =	sadd.s32 $0x80, s9;
	v13 =	vand.u32 $0xFF, v18;
	v11 =	vand.u32 $0xFF, v19;
	v9 =	vand.u32 $0xFF, v21  }
0x3ec: {  	vm6 =	vmand vm14, vm15  }
0x3ed: {  	vm4 =	vmand vm7, vm4;
	v14 =	vor.u32 v7, v14  }
0x3ee: {  	vm0 =	vmand vm12, vm0;
	v12 =	vor.u32 v7, v12  }
0x3ef: {  	vm2 =	vmand vm10, vm2;
	v10 =	vor.u32 v7, v10  }
0x3f0: {  	vm1 =	vmand vm13, vm1;
	v13 =	vor.u32 v7, v13  }
0x3f1: {  	vm3 =	vmand vm11, vm3;
	v11 =	vor.u32 v7, v11  }
0x3f2: {  	v8 =	vand.u32 $0xFF, v8;
	vm5 =	vmand vm9, vm5;
	v9 =	vor.u32 v7, v9;
	[tilespmem:v14+s30+$0x0] =	vst.idx.add.s32.msk vm6, v1  }
0x3f3: {  	s18 =	sshll.u32 s17, $0x1;
	p0 =	seq.s32 s17, $0xF;
	v8 =	vor.u32 v7, v8;
	[tilespmem:v12+s30+$0x0] =	vst.idx.add.s32.msk vm4, v1  }
0x3f4: {  	s8 =	sadd.s32 @!p0 $0x2, s18;
	[tilespmem:v10+s30+$0x0] =	vst.idx.add.s32.msk vm0, v1  }
0x3f5: {  	s9 =	sshrl.u32 @!p0 s8, $0x3;
	s8 =	sshll.u32 @!p0 s8, $0xA;
	[tilespmem:v13+s30+$0x0] =	vst.idx.add.s32.msk vm2, v1  }
0x3f6: {  	s9 =	sadd.s32 @!p0 s12, s9;
	s8 =	sand.u32 @!p0 $0x1800, s8;
	[tilespmem:v11+s30+$0x0] =	vst.idx.add.s32.msk vm1, v1  }
0x3f7: {  	s9 =	sshll.u32 @!p0 s9, $0x10;
	s8 =	sadd.s32 @!p0 s8, s22;
	[tilespmem:v9+s30+$0x0] =	vst.idx.add.s32.msk vm3, v1  }
0x3f8: {  	s13 =	simm.s32 @!p0 $0x8000;
	s8 =	sadd.s32 @!p0 s9, s8;
	s9 =	simm.s32 @!p0 $0x0;
	[tilespmem:v8+s30+$0x0] =	vst.idx.add.s32.msk vm5, v1  }
0x3f9: {  	[tilespmem:s13], [sflag:$0x1] =	stream.linear.gather @!p0 [hbm4b:s8+s9], $0x2000, $0x38;
	[tilespmem:$0x19890] =	vst v63  }
0x3fa: {  	_ =	swait.ge [sflag:s0], $0x2000  }
0x3fb: {  	[sflag:s0] =	ssyncset.done $0x0  }
0x3fc: {  	s31 =	simm.s32 $0xA040;
	[sflag:s0] =	ssyncadd.s32 $0xFFFFE000  }
0x3fd: {  	v11 =	vld [tilespmem:s31+$0x30]  }
0x3fe: {  	v12 =	vld [tilespmem:s31+$0xFFFFFFD0]  }
0x3ff: {  	v13 =	vld [tilespmem:s31+$0xFFFFFFE0]  }
0x400: {  	v15 =	vld [tilespmem:s31+$0xFFFFFFF0]  }
0x401: {  	v8 =	vld [tilespmem:s31+$0x0]  }
0x402: {  	v9 =	vld [tilespmem:s31+$0x10]  }
0x403: {  	v10 =	vld [tilespmem:s31+$0x20];
	v14 =	vshrl.u32 v11, $0x8  }
0x404: {  	v16 =	vshrl.u32 v12, $0x8;
	vm1 =	vne.s32 v11, $0x0;
	v17 =	vshrl.u32 v13, $0x8  }
0x405: {  	v11 =	vand.u32 $0xFF, v11;
	v62 =	vshrl.u32 v15, $0x8;
	vm6 =	vne.s32 v12, $0x0  }
0x406: {  	vm8 =	vne.s32 v13, $0x0;
	vm12 =	vne.s32 v15, $0x0;
	vm0 =	veq.s32 v14, v6  }
0x407: {  	vm11 =	vne.s32 v8, $0x0;
	vm13 =	vne.s32 v9, $0x0;
	v14 =	vld [tilespmem:s31+$0xFFFFFFC0];
	vm7 =	vmand vm1, vm0  }
0x408: {  	vm10 =	vne.s32 v10, $0x0;
	v18 =	vor.u32 v7, v11;
	v11 =	vshrl.u32 v8, $0x8  }
0x409: {  	v13 =	vand.u32 $0xFF, v13;
	vm3 =	veq.s32 v11, v6;
	v11 =	vshrl.u32 v9, $0x8  }
0x40a: {  	vm2 =	veq.s32 v17, v6;
	vm4 =	veq.s32 v11, v6;
	v11 =	vshrl.u32 v10, $0x8  }
0x40b: {  	vm0 =	veq.s32 v16, v6;
	vm1 =	veq.s32 v62, v6;
	vm5 =	veq.s32 v11, v6  }
0x40c: {  	v63 =	vshrl.u32 v14, $0x8;
	vm14 =	vne.s32 v14, $0x0;
	v11 =	vand.u32 $0xFF, v14  }
0x40d: {  	s8 =	simm.s32 $0x0;
	s9 =	simm.s32 $0xA0C0;
	v14 =	vand.u32 $0xFF, v12;
	v12 =	vand.u32 $0xFF, v15;
	vm15 =	veq.s32 v63, v6;
	[tilespmem:v18+s30+$0x0] =	vst.idx.add.s32.msk vm7, v1  }
.LBB2_44:
0x40e: {  	v15 =	vld [tilespmem:s9+$0x30];
	s8 =	sadd.s32 $0x8, s8;
	v16 =	vand.u32 $0xFF, v8;
	v17 =	vand.u32 $0xFF, v9;
	v10 =	vand.u32 $0xFF, v10  }
0x40f: {  	vm14 =	vmand vm14, vm15;
	vm6 =	vmand vm6, vm0;
	vm8 =	vmand vm8, vm2;
	v18 =	vld [tilespmem:s9+$0xFFFFFFD0];
	p1 =	slt.u32 s8, $0x1F8  }
0x410: {  	vm12 =	vmand vm12, vm1;
	vm11 =	vmand vm11, vm3;
	vm9 =	vmand vm13, vm4;
	v19 =	vld [tilespmem:s9+$0xFFFFFFE0]  }
0x411: {  	v11 =	vor.u32 v7, v11;
	v14 =	vor.u32 v7, v14;
	vm7 =	vmand vm10, vm5;
	v20 =	vld [tilespmem:s9+$0xFFFFFFF0]  }
0x412: {  	v13 =	vor.u32 v7, v13;
	v12 =	vor.u32 v7, v12;
	v16 =	vor.u32 v7, v16;
	v8 =	vld [tilespmem:s9+$0x0]  }
0x413: {  	v17 =	vor.u32 v7, v17;
	v22 =	vor.u32 v7, v10;
	v9 =	vld [tilespmem:s9+$0x10];
	v21 =	vshrl.u32 v15, $0x8  }
0x414: {  	vm1 =	vne.s32 v15, $0x0;
	v23 =	vshrl.u32 v18, $0x8;
	v10 =	vld [tilespmem:s9+$0x20];
	vm0 =	veq.s32 v21, v6  }
0x415: {  	v15 =	vand.u32 $0xFF, v15;
	v21 =	vld [tilespmem:s9+$0xFFFFFFC0];
	v24 =	vshrl.u32 v19, $0x8;
	vm10 =	vmand vm1, vm0  }
0x416: {  	v15 =	vor.u32 v7, v15;
	vm0 =	veq.s32 v23, v6;
	v23 =	vshrl.u32 v20, $0x8;
	[tilespmem:v11+s30+$0x0] =	vst.idx.add.s32.msk vm14, v1  }
0x417: {  	vm2 =	veq.s32 v24, v6;
	vm1 =	veq.s32 v23, v6;
	v11 =	vshrl.u32 v8, $0x8;
	[tilespmem:v14+s30+$0x0] =	vst.idx.add.s32.msk vm6, v1  }
0x418: {  	vm6 =	vne.s32 v18, $0x0;
	vm3 =	veq.s32 v11, v6;
	v11 =	vshrl.u32 v9, $0x8;
	[tilespmem:v13+s30+$0x0] =	vst.idx.add.s32.msk vm8, v1  }
.Ltmp24:
0x419: {  	vm8 =	vne.s32 v19, $0x0;
	vm4 =	veq.s32 v11, v6;
	v11 =	vshrl.u32 v10, $0x8;
	[tilespmem:v12+s30+$0x0] =	vst.idx.add.s32.msk vm12, v1;
	(pc) =	sbr.rel @p1 .LBB2_44-.Ltmp24, $4  }
0x41a: {  	v12 =	vshrl.u32 v21, $0x8;
	vm14 =	vne.s32 v21, $0x0;
	vm5 =	veq.s32 v11, v6;
	[tilespmem:v16+s30+$0x0] =	vst.idx.add.s32.msk vm11, v1  }
0x41b: {  	vm12 =	vne.s32 v20, $0x0;
	vm11 =	vne.s32 v8, $0x0;
	vm15 =	veq.s32 v12, v6;
	[tilespmem:v15+s30+$0x0] =	vst.idx.add.s32.msk vm10, v1  }
0x41c: {  	vm13 =	vne.s32 v9, $0x0;
	v11 =	vand.u32 $0xFF, v21;
	vm10 =	vne.s32 v10, $0x0;
	[tilespmem:v17+s30+$0x0] =	vst.idx.add.s32.msk vm9, v1  }
0x41d: {  	s9 =	sadd.s32 $0x80, s9;
	v14 =	vand.u32 $0xFF, v18;
	v13 =	vand.u32 $0xFF, v19;
	v12 =	vand.u32 $0xFF, v20;
	[tilespmem:v22+s30+$0x0] =	vst.idx.add.s32.msk vm7, v1  }
0x41e: {  	vm7 =	vmand vm14, vm15  }
0x41f: {  	vm0 =	vmand vm6, vm0;
	v11 =	vor.u32 v7, v11  }
0x420: {  	vm2 =	vmand vm8, vm2;
	v14 =	vor.u32 v7, v14  }
0x421: {  	vm1 =	vmand vm12, vm1;
	v13 =	vor.u32 v7, v13  }
0x422: {  	v8 =	vand.u32 $0xFF, v8;
	vm3 =	vmand vm11, vm3;
	v12 =	vor.u32 v7, v12  }
0x423: {  	v9 =	vand.u32 $0xFF, v9;
	vm4 =	vmand vm13, vm4;
	v8 =	vor.u32 v7, v8  }
0x424: {  	v10 =	vand.u32 $0xFF, v10;
	vm5 =	vmand vm10, vm5;
	v9 =	vor.u32 v7, v9;
	[tilespmem:v11+s30+$0x0] =	vst.idx.add.s32.msk vm7, v1  }
0x425: {  	v7 =	vor.u32 v7, v10;
	[tilespmem:v14+s30+$0x0] =	vst.idx.add.s32.msk vm0, v1  }
.Ltmp25:
0x426: {  	[tilespmem:v13+s30+$0x0] =	vst.idx.add.s32.msk vm2, v1;
	(pc) =	sbr.rel @p0 .LBB2_46-.Ltmp25, $4  }
0x427: {  	[tilespmem:v12+s30+$0x0] =	vst.idx.add.s32.msk vm1, v1  }
0x428: {  	[tilespmem:v8+s30+$0x0] =	vst.idx.add.s32.msk vm3, v1  }
0x429: {  	[tilespmem:v9+s30+$0x0] =	vst.idx.add.s32.msk vm4, v1  }
0x42a: {  	[tilespmem:v7+s30+$0x0] =	vst.idx.add.s32.msk vm5, v1  }
0x42b: {  	s8 =	sadd.s32 $0x3, s18  }
.Ltmp26:
0x42c: {  	s9 =	sshrl.u32 s8, $0x3;
	s8 =	sshll.u32 s8, $0xA;
	(pc) =	sbr.rel .LBB2_41-.Ltmp26, $4  }
0x42d: {  	s9 =	sadd.s32 s12, s9;
	s8 =	sand.u32 $0x1C00, s8  }
0x42e: {  	s9 =	sshll.u32 s9, $0x10;
	s8 =	sadd.s32 s8, s22  }
0x42f: {  	s17 =	sadd.s32 $0x1, s17;
	s8 =	sadd.s32 s9, s8  }
0x430: {  	[tilespmem:s24], [sflag:$0x2] =	stream.linear.gather [hbm4b:s8+s5], $0x2000, $0x38;
	[tilespmem:$0x19890] =	vst v63  }
.LBB2_46:
0x431: {  	s13 =	simm.s32 $0x0;
	s9 =	simm.s32 $0x10000  }
0x432: {  	s13 =	sand.u32 $0xF0, s13;
	v7 =	vld [tilespmem:s9+$0x0]  }
0x433: {  	v6 =	vld [tilespmem:s13+$0x10100]  }
0x434: {  	v8 =	vld [tilespmem:s13+$0x10200]  }
0x435: {  	v9 =	vld [tilespmem:s13+$0x10300]  }
0x436: {  	v10 =	vld [tilespmem:s13+$0x10400]  }
0x437: {  	v11 =	vld [tilespmem:s13+$0x10500]  }
0x438: {  	v6 =	vadd.s32 v7, v6;
	v7 =	vld [tilespmem:s13+$0x10600]  }
0x439: {  	v6 =	vadd.s32 v8, v6;
	v8 =	vld [tilespmem:s13+$0x10700]  }
0x43a: {  	v58 =	vld [tilespmem:s13+$0x10800];
	v6 =	vadd.s32 v9, v6  }
0x43b: {  	v59 =	vld [tilespmem:s13+$0x10900];
	v6 =	vadd.s32 v10, v6  }
0x43c: {  	v60 =	vld [tilespmem:s13+$0x10A00];
	v6 =	vadd.s32 v11, v6  }
0x43d: {  	v6 =	vadd.s32 v7, v6;
	v7 =	vld [tilespmem:s13+$0x10B00]  }
0x43e: {  	v6 =	vadd.s32 v8, v6;
	v8 =	vld [tilespmem:s13+$0x10C00]  }
0x43f: {  	v61 =	vld [tilespmem:s13+$0x10D00];
	v6 =	vadd.s32 v58, v6  }
0x440: {  	v62 =	vld [tilespmem:s13+$0x10E00];
	v6 =	vadd.s32 v59, v6  }
0x441: {  	v63 =	vld [tilespmem:s13+$0x10F00];
	v6 =	vadd.s32 v60, v6  }
0x442: {  	v6 =	vadd.s32 v7, v6  }
0x443: {  	v6 =	vadd.s32 v8, v6  }
0x444: {  	v6 =	vadd.s32 v61, v6  }
0x445: {  	v6 =	vadd.s32 v62, v6  }
0x446: {  	s8 =	simm.s32 $0x18000;
	s31 =	simm.s32 $0x10;
	v6 =	vadd.s32 v63, v6  }
0x447: {  	s9 =	sand.u32 $0xF0, s31;
	[tilespmem:s8+$0x0] =	vst v6  }
0x448: {  	s14 =	simm.s32 $0x20;
	s13 =	simm.s32 $0x10010;
	v6 =	vld [tilespmem:s9+$0x10100]  }
.LBB2_47:
0x449: {  	p0 =	sne.s32 s14, $0xF0;
	v7 =	vld [tilespmem:s13+$0x0]  }
0x44a: {  	v8 =	vld [tilespmem:s9+$0x10200]  }
0x44b: {  	v9 =	vld [tilespmem:s9+$0x10300]  }
0x44c: {  	v10 =	vld [tilespmem:s9+$0x10400]  }
0x44d: {  	v11 =	vld [tilespmem:s9+$0x10500]  }
0x44e: {  	v6 =	vadd.s32 v7, v6;
	v7 =	vld [tilespmem:s9+$0x10600]  }
0x44f: {  	v6 =	vadd.s32 v8, v6;
	v8 =	vld [tilespmem:s9+$0x10700]  }
0x450: {  	v6 =	vadd.s32 v9, v6;
	v9 =	vld [tilespmem:s9+$0x10800]  }
0x451: {  	v6 =	vadd.s32 v10, v6;
	v10 =	vld [tilespmem:s9+$0x10900]  }
0x452: {  	v6 =	vadd.s32 v11, v6;
	v11 =	vld [tilespmem:s9+$0x10A00]  }
0x453: {  	v6 =	vadd.s32 v7, v6;
	v7 =	vld [tilespmem:s9+$0x10B00]  }
0x454: {  	v6 =	vadd.s32 v8, v6;
	v8 =	vld [tilespmem:s9+$0x10C00]  }
0x455: {  	v6 =	vadd.s32 v9, v6;
	v9 =	vld [tilespmem:s9+$0x10D00]  }
0x456: {  	v6 =	vadd.s32 v10, v6;
	v10 =	vld [tilespmem:s9+$0x10E00]  }
0x457: {  	v6 =	vadd.s32 v11, v6;
	v11 =	vld [tilespmem:s9+$0x10F00]  }
0x458: {  	v6 =	vadd.s32 v7, v6  }
0x459: {  	v6 =	vadd.s32 v8, v6  }
.Ltmp27:
0x45a: {  	v6 =	vadd.s32 v9, v6;
	(pc) =	sbr.rel @p0 .LBB2_47-.Ltmp27, $4  }
0x45b: {  	v6 =	vadd.s32 v10, v6  }
0x45c: {  	s8 =	sadd.s32 $0x10, s8;
	v6 =	vadd.s32 v11, v6  }
0x45d: {  	s9 =	sand.u32 $0xF0, s14;
	[tilespmem:s8+$0x0] =	vst v6  }
0x45e: {  	s13 =	sadd.s32 $0x10, s13;
	s14 =	sadd.s32 $0x10, s14;
	v6 =	vld [tilespmem:s9+$0x10100]  }
0x45f: {  	v7 =	vld [tilespmem:s13+$0x0]  }
0x460: {  	v8 =	vld [tilespmem:s9+$0x10200]  }
0x461: {  	v9 =	vld [tilespmem:s9+$0x10300]  }
0x462: {  	v10 =	vld [tilespmem:s9+$0x10400]  }
0x463: {  	v11 =	vld [tilespmem:s9+$0x10500]  }
0x464: {  	v6 =	vadd.s32 v7, v6;
	v7 =	vld [tilespmem:s9+$0x10600]  }
0x465: {  	v6 =	vadd.s32 v8, v6;
	v8 =	vld [tilespmem:s9+$0x10700]  }
0x466: {  	v6 =	vadd.s32 v9, v6;
	v9 =	vld [tilespmem:s9+$0x10800]  }
0x467: {  	v6 =	vadd.s32 v10, v6;
	v10 =	vld [tilespmem:s9+$0x10900]  }
0x468: {  	v6 =	vadd.s32 v11, v6;
	v11 =	vld [tilespmem:s9+$0x10A00]  }
0x469: {  	v6 =	vadd.s32 v7, v6;
	v7 =	vld [tilespmem:s9+$0x10B00]  }
0x46a: {  	v6 =	vadd.s32 v8, v6;
	v8 =	vld [tilespmem:s9+$0x10C00]  }
0x46b: {  	v6 =	vadd.s32 v9, v6;
	v9 =	vld [tilespmem:s9+$0x10D00]  }
0x46c: {  	v6 =	vadd.s32 v10, v6;
	v10 =	vld [tilespmem:s9+$0x10E00]  }
0x46d: {  	v6 =	vadd.s32 v11, v6;
	v11 =	vld [tilespmem:s9+$0x10F00]  }
0x46e: {  	v6 =	vadd.s32 v7, v6  }
0x46f: {  	v6 =	vadd.s32 v8, v6  }
0x470: {  	v6 =	vadd.s32 v9, v6  }
0x471: {  	v6 =	vadd.s32 v10, v6  }
0x472: {  	s8 =	sadd.s32 $0x10, s8;
	v6 =	vadd.s32 v11, v6  }
0x473: {  	s18 =	simm.s32 $0x18000;
	s21 =	rddreg [dreg:$0xb];
	[tilespmem:s8+$0x0] =	vst v6  }
0x474: {  	[spmem:s21] =	stream.linear.scatter [tilespmem:s18], [sflag:$0x7], $0x100, $0x38;
	[tilespmem:$0x19890] =	vst v63  }
0x475: {  	_ =	swait.ge [sflag:s11], $0x100  }
0x476: {  	[sflag:s11] =	ssyncset.done $0x0  }
0x477: {  	[sflag:s11] =	ssyncadd.s32 $0xFFFFFF00  }
0x478: {  	[bflag:$0x0] =	sbarrier.arrive $0xFFFF  }
0x479: {  	s17 =	simm.s32 $0x0;
	s23 =	rddreg [dreg:$0xd]  }
0x47a: {  	[tilespmem:s25], [sflag:$0x1] =	stream.linear.gather [hbm4b:s23+s17], $0x2000, $0x38;
	[tilespmem:$0x19890] =	vst v63  }
0x47b: {  	s31 =	rddreg [dreg:$0xf]  }
0x47c: {  	[tilespmem:s24], [sflag:$0x2] =	stream.linear.gather [hbm4b:s31+s17], $0x2000, $0x38;
	[tilespmem:$0x19890] =	vst v63  }
0x47d: {  	s9 =	rddreg [dreg:$0xe]  }
0x47e: {  	[tilespmem:s18], [sflag:$0x7] =	stream.linear.gather [spmem:s9], $0x100, $0x38;
	[tilespmem:$0x19890] =	vst v63  }
0x47f: {  	_ =	swait.ge [sflag:s11], $0x100  }
0x480: {  	[sflag:s11] =	ssyncset.done $0x0  }
0x481: {  	s13 =	rddreg [dreg:$0x10];
	[sflag:s11] =	ssyncadd.s32 $0xFFFFFF00  }
0x482: {  	[tilespmem:s26], [sflag:$0x7] =	stream.linear.gather [spmem:s13], $0x100, $0x38;
	[tilespmem:$0x19890] =	vst v63  }
0x483: {  	_ =	swait.ge [sflag:s11], $0x100  }
0x484: {  	[sflag:s11] =	ssyncset.done $0x0  }
0x485: {  	[sflag:s11] =	ssyncadd.s32 $0xFFFFFF00  }
0x486: {  	v6 =	vld [tilespmem:$0x18000]  }
0x487: {  	v7 =	vld [tilespmem:$0x18800]  }
0x488: {  	v8 =	vld [tilespmem:$0x18010]  }
0x489: {  	v9 =	vld [tilespmem:$0x18810]  }
0x48a: {  	v10 =	vld [tilespmem:$0x18020]  }
0x48b: {  	v11 =	vld [tilespmem:$0x18820]  }
0x48c: {  	v12 =	vld [tilespmem:$0x18030]  }
0x48d: {  	v13 =	vld [tilespmem:$0x18830]  }
0x48e: {  	v14 =	vld [tilespmem:$0x18040]  }
0x48f: {  	v15 =	vld [tilespmem:$0x18840]  }
0x490: {  	v16 =	vld [tilespmem:$0x18050]  }
0x491: {  	v17 =	vld [tilespmem:$0x18850]  }
0x492: {  	v18 =	vld [tilespmem:$0x18060]  }
0x493: {  	v19 =	vld [tilespmem:$0x18860]  }
0x494: {  	v20 =	vld [tilespmem:$0x18070]  }
0x495: {  	v21 =	vld [tilespmem:$0x18870]  }
0x496: {  	v22 =	vld [tilespmem:$0x18080]  }
0x497: {  	v23 =	vld [tilespmem:$0x18880]  }
0x498: {  	v24 =	vld [tilespmem:$0x18090]  }
0x499: {  	v25 =	vld [tilespmem:$0x18890]  }
0x49a: {  	v26 =	vld [tilespmem:$0x180A0]  }
0x49b: {  	v51 =	vld [tilespmem:$0x180D0];
	v6 =	vadd.s32 v6, v7  }
0x49c: {  	v52 =	vld [tilespmem:$0x188D0];
	[tilespmem:$0x18000] =	vst v6;
	v6 =	vadd.s32 v8, v9  }
0x49d: {  	v53 =	vld [tilespmem:$0x180E0];
	[tilespmem:$0x18010] =	vst v6;
	v6 =	vadd.s32 v10, v11  }
0x49e: {  	v7 =	vld [tilespmem:$0x188A0];
	[tilespmem:$0x18020] =	vst v6;
	v6 =	vadd.s32 v12, v13  }
0x49f: {  	v8 =	vld [tilespmem:$0x180B0];
	[tilespmem:$0x18030] =	vst v6;
	v6 =	vadd.s32 v14, v15  }
0x4a0: {  	v9 =	vld [tilespmem:$0x188B0];
	[tilespmem:$0x18040] =	vst v6;
	v6 =	vadd.s32 v16, v17  }
0x4a1: {  	v10 =	vld [tilespmem:$0x180C0];
	[tilespmem:$0x18050] =	vst v6;
	v6 =	vadd.s32 v18, v19  }
0x4a2: {  	v11 =	vld [tilespmem:$0x188C0];
	[tilespmem:$0x18060] =	vst v6;
	v6 =	vadd.s32 v20, v21  }
0x4a3: {  	v54 =	vld [tilespmem:$0x188E0];
	[tilespmem:$0x18070] =	vst v6;
	v6 =	vadd.s32 v22, v23  }
0x4a4: {  	v55 =	vld [tilespmem:$0x180F0];
	[tilespmem:$0x18080] =	vst v6;
	v6 =	vadd.s32 v24, v25  }
0x4a5: {  	[tilespmem:$0x18090] =	vst v6;
	v6 =	vadd.s32 v26, v7;
	v7 =	vld [tilespmem:$0x188F0]  }
0x4a6: {  	[tilespmem:$0x180A0] =	vst v6;
	v6 =	vadd.s32 v8, v9  }
0x4a7: {  	[tilespmem:$0x180B0] =	vst v6;
	v6 =	vadd.s32 v10, v11  }
0x4a8: {  	[tilespmem:$0x180C0] =	vst v6;
	v6 =	vadd.s32 v51, v52  }
0x4a9: {  	[tilespmem:$0x180D0] =	vst v6;
	v6 =	vadd.s32 v53, v54  }
0x4aa: {  	[tilespmem:$0x180E0] =	vst v6;
	v6 =	vadd.s32 v55, v7  }
0x4ab: {  	s14 =	rddreg [dreg:$0x11];
	[tilespmem:$0x180F0] =	vst v6  }
0x4ac: {  	[tilespmem:s26], [sflag:$0x7] =	stream.linear.gather [spmem:s14], $0x100, $0x38;
	[tilespmem:$0x19890] =	vst v63  }
0x4ad: {  	_ =	swait.ge [sflag:s11], $0x100  }
0x4ae: {  	[sflag:s11] =	ssyncset.done $0x0  }
0x4af: {  	[sflag:s11] =	ssyncadd.s32 $0xFFFFFF00  }
0x4b0: {  	v6 =	vld [tilespmem:$0x18000]  }
0x4b1: {  	v7 =	vld [tilespmem:$0x18800]  }
0x4b2: {  	v8 =	vld [tilespmem:$0x18010]  }
0x4b3: {  	v9 =	vld [tilespmem:$0x18810]  }
0x4b4: {  	v10 =	vld [tilespmem:$0x18020]  }
0x4b5: {  	v11 =	vld [tilespmem:$0x18820]  }
0x4b6: {  	v56 =	vld [tilespmem:$0x18030]  }
0x4b7: {  	v57 =	vld [tilespmem:$0x18830]  }
0x4b8: {  	v58 =	vld [tilespmem:$0x18040]  }
0x4b9: {  	v59 =	vld [tilespmem:$0x18840]  }
0x4ba: {  	v60 =	vld [tilespmem:$0x18050]  }
0x4bb: {  	v61 =	vld [tilespmem:$0x18850]  }
0x4bc: {  	v62 =	vld [tilespmem:$0x18060]  }
0x4bd: {  	v63 =	vld [tilespmem:$0x18860]  }
0x4be: {  	v28 =	vld [tilespmem:$0x18070]  }
0x4bf: {  	v29 =	vld [tilespmem:$0x18870]  }
0x4c0: {  	v30 =	vld [tilespmem:$0x18080]  }
0x4c1: {  	v31 =	vld [tilespmem:$0x18880]  }
0x4c2: {  	v32 =	vld [tilespmem:$0x18090]  }
0x4c3: {  	v33 =	vld [tilespmem:$0x18890]  }
0x4c4: {  	v34 =	vld [tilespmem:$0x180A0]  }
0x4c5: {  	v35 =	vld [tilespmem:$0x180D0];
	v6 =	vadd.s32 v6, v7  }
0x4c6: {  	v36 =	vld [tilespmem:$0x188D0];
	[tilespmem:$0x18000] =	vst v6;
	v6 =	vadd.s32 v8, v9  }
0x4c7: {  	v37 =	vld [tilespmem:$0x180E0];
	[tilespmem:$0x18010] =	vst v6;
	v6 =	vadd.s32 v10, v11  }
0x4c8: {  	v7 =	vld [tilespmem:$0x188A0];
	[tilespmem:$0x18020] =	vst v6;
	v6 =	vadd.s32 v56, v57  }
0x4c9: {  	v8 =	vld [tilespmem:$0x180B0];
	[tilespmem:$0x18030] =	vst v6;
	v6 =	vadd.s32 v58, v59  }
0x4ca: {  	v9 =	vld [tilespmem:$0x188B0];
	[tilespmem:$0x18040] =	vst v6;
	v6 =	vadd.s32 v60, v61  }
0x4cb: {  	v10 =	vld [tilespmem:$0x180C0];
	[tilespmem:$0x18050] =	vst v6;
	v6 =	vadd.s32 v62, v63  }
0x4cc: {  	v11 =	vld [tilespmem:$0x188C0];
	[tilespmem:$0x18060] =	vst v6;
	v6 =	vadd.s32 v28, v29  }
0x4cd: {  	v38 =	vld [tilespmem:$0x188E0];
	[tilespmem:$0x18070] =	vst v6;
	v6 =	vadd.s32 v30, v31  }
0x4ce: {  	v39 =	vld [tilespmem:$0x180F0];
	[tilespmem:$0x18080] =	vst v6;
	v6 =	vadd.s32 v32, v33  }
0x4cf: {  	[tilespmem:$0x18090] =	vst v6;
	v6 =	vadd.s32 v34, v7;
	v7 =	vld [tilespmem:$0x188F0]  }
0x4d0: {  	[tilespmem:$0x180A0] =	vst v6;
	v6 =	vadd.s32 v8, v9  }
0x4d1: {  	[tilespmem:$0x180B0] =	vst v6;
	v6 =	vadd.s32 v10, v11  }
0x4d2: {  	[tilespmem:$0x180C0] =	vst v6;
	v6 =	vadd.s32 v35, v36  }
0x4d3: {  	[tilespmem:$0x180D0] =	vst v6;
	v6 =	vadd.s32 v37, v38  }
0x4d4: {  	[tilespmem:$0x180E0] =	vst v6;
	v6 =	vadd.s32 v39, v7  }
0x4d5: {  	s16 =	rddreg [dreg:$0x12];
	[tilespmem:$0x180F0] =	vst v6  }
0x4d6: {  	[tilespmem:s26], [sflag:$0x7] =	stream.linear.gather [spmem:s16], $0x100, $0x38;
	[tilespmem:$0x19890] =	vst v63  }
0x4d7: {  	_ =	swait.ge [sflag:s11], $0x100  }
0x4d8: {  	[sflag:s11] =	ssyncset.done $0x0  }
0x4d9: {  	[sflag:s11] =	ssyncadd.s32 $0xFFFFFF00  }
0x4da: {  	v6 =	vld [tilespmem:$0x18000]  }
0x4db: {  	v7 =	vld [tilespmem:$0x18800]  }
0x4dc: {  	v8 =	vld [tilespmem:$0x18010]  }
0x4dd: {  	v9 =	vld [tilespmem:$0x18810]  }
0x4de: {  	v10 =	vld [tilespmem:$0x18020]  }
0x4df: {  	v11 =	vld [tilespmem:$0x18820]  }
0x4e0: {  	v40 =	vld [tilespmem:$0x18030]  }
0x4e1: {  	v41 =	vld [tilespmem:$0x18830]  }
0x4e2: {  	v42 =	vld [tilespmem:$0x18040]  }
0x4e3: {  	v43 =	vld [tilespmem:$0x18840]  }
0x4e4: {  	v44 =	vld [tilespmem:$0x18050]  }
0x4e5: {  	v45 =	vld [tilespmem:$0x18850]  }
0x4e6: {  	v46 =	vld [tilespmem:$0x18060]  }
0x4e7: {  	v47 =	vld [tilespmem:$0x18860]  }
0x4e8: {  	v48 =	vld [tilespmem:$0x18070]  }
0x4e9: {  	v49 =	vld [tilespmem:$0x18870]  }
0x4ea: {  	v50 =	vld [tilespmem:$0x18080]  }
0x4eb: {  	v51 =	vld [tilespmem:$0x18880]  }
0x4ec: {  	v52 =	vld [tilespmem:$0x18090]  }
0x4ed: {  	v53 =	vld [tilespmem:$0x18890]  }
0x4ee: {  	v54 =	vld [tilespmem:$0x180A0]  }
0x4ef: {  	v55 =	vld [tilespmem:$0x180C0];
	v6 =	vadd.s32 v6, v7  }
0x4f0: {  	v56 =	vld [tilespmem:$0x188C0];
	v8 =	vadd.s32 v8, v9;
	[tilespmem:$0x18000] =	vst v6  }
0x4f1: {  	v57 =	vld [tilespmem:$0x180D0];
	v10 =	vadd.s32 v10, v11;
	[tilespmem:$0x18010] =	vst v8  }
0x4f2: {  	v59 =	vld [tilespmem:$0x188D0];
	v12 =	vadd.s32 v40, v41;
	[tilespmem:$0x18020] =	vst v10  }
0x4f3: {  	v7 =	vld [tilespmem:$0x188A0];
	v58 =	vadd.s32 v46, v47;
	v6 =	vadd.s32 v6, v8;
	[tilespmem:$0x18030] =	vst v12  }
0x4f4: {  	v9 =	vld [tilespmem:$0x180B0];
	v62 =	vadd.s32 v52, v53;
	[tilespmem:$0x18060] =	vst v58;
	v6 =	vadd.s32 v6, v10  }
0x4f5: {  	v11 =	vld [tilespmem:$0x188B0];
	v8 =	vadd.s32 v42, v43;
	[tilespmem:$0x18090] =	vst v62;
	v6 =	vadd.s32 v6, v12  }
0x4f6: {  	v60 =	vld [tilespmem:$0x180E0];
	[tilespmem:$0x18040] =	vst v8;
	v10 =	vadd.s32 v44, v45;
	v6 =	vadd.s32 v6, v8  }
0x4f7: {  	v61 =	vld [tilespmem:$0x188E0];
	[tilespmem:$0x18050] =	vst v10;
	v8 =	vadd.s32 v48, v49;
	v6 =	vadd.s32 v6, v10  }
0x4f8: {  	v63 =	vld [tilespmem:$0x180F0];
	[tilespmem:$0x18070] =	vst v8;
	v10 =	vadd.s32 v50, v51;
	v6 =	vadd.s32 v6, v58  }
0x4f9: {  	v7 =	vadd.s32 v54, v7;
	[tilespmem:$0x18080] =	vst v10;
	v6 =	vadd.s32 v6, v8;
	v8 =	vld [tilespmem:$0x188F0]  }
0x4fa: {  	v9 =	vadd.s32 v9, v11;
	[tilespmem:$0x180A0] =	vst v7;
	v6 =	vadd.s32 v6, v10  }
0x4fb: {  	[tilespmem:$0x180B0] =	vst v9;
	v10 =	vadd.s32 v55, v56;
	v6 =	vadd.s32 v6, v62  }
0x4fc: {  	[tilespmem:$0x180C0] =	vst v10;
	v6 =	vadd.s32 v6, v7;
	v7 =	vadd.s32 v57, v59  }
0x4fd: {  	v6 =	vadd.s32 v6, v9;
	v9 =	vadd.s32 v60, v61;
	[tilespmem:$0x180D0] =	vst v7  }
0x4fe: {  	v6 =	vadd.s32 v6, v10;
	[tilespmem:$0x180E0] =	vst v9;
	v8 =	vadd.s32 v63, v8  }
0x4ff: {  	v6 =	vadd.s32 v6, v7;
	[tilespmem:$0x180F0] =	vst v8  }
0x500: {  	v6 =	vadd.s32 v6, v9;
	v7 =	vld [tilespmem:s18+$0x0]  }
0x501: {  	v6 =	vadd.s32 v6, v8  }
0x502: {  	(xrf0) =	vadd.scan.msk.s32 $0xffff, v6;
	_ =	sdelay $0x2  }
0x503: {  	(xrf0) =	vadd.scan.msk.s32 $0xffff, v7;
	_ =	sdelay $0x2  }
0x504: {  	v6, _, _ =	vpop (xrf0)  }
0x505: {  	(v2sf) =	vpush v6, $0xF;
	_ =	sdelay $0x1  }
0x506: {  	v7, _, _ =	vpop (xrf0)  }
0x507: {  	(v2sf) =	vpush v7, $0xF;
	_ =	sdelay $0x2  }
0x508: {  	s18 =	simm.s32 $0x18010  }
0x509: {  	v6 =	vld [tilespmem:s18+$0x0];
	_ =	sdelay $0x4  }
0x50a: {  	(xrf0) =	vadd.scan.msk.s32 $0xffff, v6;
	_ =	sdelay $0x1  }
0x50b: {  	s20 =	rddreg [dreg:$0x17]  }
0x50c: {  	s9 =	ssub.s32 s20, s15;
	s19 =	spop (v2sf)  }
0x50d: {  	s8 =	sadd.s32 s19, s9  }
0x50e: {  	v7 =	vadd.s32 s17, v7;
	v6 =	vmov s8  }
0x50f: {  	s21 =	simm.s32 $0x18020;
	v8, _, _ =	vpop (xrf0);
	vm0 =	vge.s32 v7, v6;
	s23 =	spop (v2sf)  }
0x510: {  	v9 =	vld [tilespmem:s21+$0x0];
	(v2sf) =	vpush v8, $0xF;
	v7 =	vsel vm0, $0x1, v0;
	v10 =	vnsel vm0, $0x80000010, v4;
	s31 =	sadd.s32 $0x0, s23  }
0x511: {  	v7 =	vor.u32 $0x80000000, v7;
	(xrf0) =	vmin.scan.msk.u32 $0xffff, v10;
	v8 =	vadd.s32 s31, v8  }
0x512: {  	(xrf0) =	vmax.scan.msk.u32 $0xffff, v7;
	vm15 =	vge.s32 v8, v6  }
0x513: {  	v7 =	vsel vm15, $0x1, v0  }
0x514: {  	v7 =	vor.u32 $0x80000000, v7  }
0x515: {  	(xrf0) =	vadd.scan.msk.s32 $0xffff, v9;
	v8 =	vnsel vm15, $0x80000010, v4  }
0x516: {  	(xrf0) =	vmin.scan.msk.u32 $0xffff, v8  }
0x517: {  	(xrf0) =	vmax.scan.msk.u32 $0xffff, v7;
	v7, _, _ =	vpop (xrf0)  }
0x518: {  	v9, _, _ =	vpop (xrf0);
	(v2sf) =	vpush v7, $0xF  }
0x519: {  	(v2sf) =	vpush v9, $0xF;
	_ =	sdelay $0x2  }
0x51a: {  	s16 =	simm.s32 $0x18030  }
0x51b: {  	v8 =	vld [tilespmem:s16+$0x0];
	v7, _, _ =	vpop (xrf0)  }
0x51c: {  	(v2sf) =	vpush v7, $0xF;
	v9, _, _ =	vpop (xrf0)  }
0x51d: {  	s20 =	spop (v2sf);
	(v2sf) =	vpush v9, $0xF  }
0x51e: {  	s13 =	simm.s32 $0x80000030;
	s14 =	simm.s32 $0x80000020  }
0x51f: {  	s15 =	simm.s32 $0x80000010;
	s9 =	simm.s32 $0x80000000  }
0x520: {  	s19 =	simm.s32 $0x80000040;
	s8 =	simm.s32 $0xFFFFFFFF;
	(xrf0) =	vadd.scan.msk.s32 $0xffff, v8;
	s18 =	sadd.s32 s31, s20;
	v8, _, _ =	vpop (xrf0)  }
.LBB2_49:
0x521: {  	s20 =	smov.u32 s17  }
0x522: {  	p0 =	sne.s32 s19, $0x800000F0;
	v7 =	vadd.s32 s18, v7;
	(v2sf) =	vpush v8, $0xF  }
0x523: {  	vm0 =	vge.s32 v7, v6  }
0x524: {  	v10 =	vsel vm0, $0x1, v0;
	v8 =	vnsel vm0, $0x80000010, v4  }
0x525: {  	s16 =	sadd.s32 $0x10, s16;
	v9 =	vor.u32 $0x80000000, v10;
	(xrf0) =	vmin.scan.msk.u32 $0xffff, v8;
	s21 =	spop (v2sf)  }
0x526: {  	p2 =	seq.s32 s20, $0x0;
	v8 =	vld [tilespmem:s16+$0x0];
	v7, _, _ =	vpop (xrf0);
	(xrf0) =	vmax.scan.msk.u32 $0xffff, v9;
	s23 =	spop (v2sf);
	s9 =	sadd.s32 s9, s21  }
0x527: {  	s21 =	smov.u32 s8;
	(v2sf) =	vpush v7, $0xF;
	s17 =	sxor.u32 $0x80000000, s23;
	p1 =	seq.s32 s23, $0x80000001  }
.Ltmp28:
0x528: {  	s21 =	smov.u32 @p1 s9;
	p1 =	sgt.s32 s20, s17;
	(pc) =	sbr.rel @p0 .LBB2_49-.Ltmp28, $4  }
0x529: {  	s9 =	smov.u32 s15;
	s8 =	smov.u32 @p2 s21;
	s17 =	smov.u32 @p1 s20  }
0x52a: {  	s15 =	smov.u32 s14;
	s14 =	smov.u32 s13;
	s13 =	smov.u32 s19  }
0x52b: {  	(xrf0) =	vadd.scan.msk.s32 $0xffff, v8;
	v9, _, _ =	vpop (xrf0);
	s20 =	spop (v2sf)  }
0x52c: {  	s19 =	sadd.s32 $0x10, s19;
	s18 =	sadd.s32 s18, s20;
	v8, _, _ =	vpop (xrf0);
	(v2sf) =	vpush v9, $0xF  }
0x52d: {  	_ =	sdelay $0x6  }
0x52e: {  	s16 =	spop (v2sf)  }
0x52f: {  	v7 =	vadd.s32 s18, v7;
	s19 =	spop (v2sf)  }
0x530: {  	vm0 =	vge.s32 v7, v6;
	s20 =	spop (v2sf)  }
0x531: {  	v7 =	vsel vm0, $0x1, v0;
	v9 =	vnsel vm0, $0x80000010, v4;
	v10, _, _ =	vpop (xrf0);
	s21 =	sadd.s32 s18, s20  }
0x532: {  	v7 =	vor.u32 $0x80000000, v7;
	(xrf0) =	vmin.scan.msk.u32 $0xffff, v9;
	v63 =	vadd.s32 s21, v10  }
0x533: {  	(xrf0) =	vmax.scan.msk.u32 $0xffff, v7;
	vm15 =	vge.s32 v63, v6  }
0x534: {  	v6 =	vsel vm15, $0x1, v0;
	v7 =	vnsel vm15, $0x80000010, v4  }
0x535: {  	v6 =	vor.u32 $0x80000000, v6;
	(xrf0) =	vmin.scan.msk.u32 $0xffff, v7  }
0x536: {  	(v2sf) =	vpush v8, $0xF;
	(xrf0) =	vmax.scan.msk.u32 $0xffff, v6;
	_ =	sdelay $0x1  }
0x537: {  	(v2sf) =	vpush v10, $0xF;
	v6, _, _ =	vpop (xrf0)  }
0x538: {  	v7, _, _ =	vpop (xrf0);
	(v2sf) =	vpush v6, $0xF  }
0x539: {  	(v2sf) =	vpush v7, $0xF  }
0x53a: {  	v6, _, _ =	vpop (xrf0)  }
0x53b: {  	v7, _, _ =	vpop (xrf0);
	(v2sf) =	vpush v6, $0xF  }
0x53c: {  	(v2sf) =	vpush v7, $0xF;
	_ =	sdelay $0x3  }
0x53d: {  	s9 =	sadd.s32 s9, s16  }
0x53e: {  	s16 =	smov.u32 s8;
	p0 =	seq.s32 s19, $0x80000001;
	s19 =	sxor.u32 $0x80000000, s19  }
0x53f: {  	p1 =	seq.s32 s17, $0x0;
	s16 =	smov.u32 @p0 s9;
	p0 =	sgt.s32 s17, s19  }
0x540: {  	s8 =	smov.u32 @p1 s16;
	s19 =	smov.u32 @p0 s17;
	s23 =	spop (v2sf)  }
0x541: {  	s16 =	smov.u32 s8;
	p1 =	seq.s32 s19, $0x0;
	s31 =	spop (v2sf)  }
0x542: {  	s15 =	sadd.s32 s15, s23;
	s9 =	sxor.u32 $0x80000000, s31;
	p0 =	seq.s32 s31, $0x80000001  }
0x543: {  	s16 =	smov.u32 @p0 s15;
	p0 =	sgt.s32 s19, s9;
	s18 =	spop (v2sf)  }
0x544: {  	s8 =	smov.u32 @p1 s16;
	s9 =	smov.u32 @p0 s19;
	s15 =	spop (v2sf)  }
0x545: {  	p1 =	seq.s32 s9, $0x0;
	s19 =	spop (v2sf);
	s14 =	sadd.s32 s14, s15  }
0x546: {  	s15 =	smov.u32 s8;
	s17 =	sxor.u32 $0x80000000, s19;
	p0 =	seq.s32 s19, $0x80000001  }
0x547: {  	s15 =	smov.u32 @p0 s14;
	s20 =	spop (v2sf);
	p0 =	sgt.s32 s9, s17  }
0x548: {  	s8 =	smov.u32 @p1 s15;
	s21 =	spop (v2sf);
	s17 =	smov.u32 @p0 s9  }
0x549: {  	s9 =	sadd.s32 s13, s20;
	p0 =	seq.s32 s21, $0x80000001;
	s13 =	smov.u32 s8  }
0x54a: {  	p1 =	seq.s32 s17, $0x0;
	s13 =	smov.u32 @p0 s9  }
0x54b: {  	s23 =	sshll.u32 s10, $0x8;
	s8 =	smov.u32 @p1 s13  }
0x54c: {  	s31 =	rddreg [dreg:$0x16];
	s8 =	sor.u32 s23, s8  }
0x54d: {  	p0 =	sgt.s32 s31, $0x0;
	s8 =	sxor.u32 $0x80000000, s8  }
0x54e: {  	s18 =	simm.s32 $0xE000;
	s21 =	simm.s32 $0x2000;
	s8 =	simm.s32 @!p0 $0xC0000000  }
0x54f: {  	s17 =	simm.s32 $0xC000;
	s9 =	simm.s32 $0x0;
	s23 =	simm.s32 $0x6000;
	v6 =	vmov s8  }
.LBB2_51:
0x550: {  	_ =	swait.ge [sflag:s28], $0x2000  }
0x551: {  	p0 =	seq.s32 s9, $0x0;
	[sflag:s28] =	ssyncset.done $0x0  }
0x552: {  	s8 =	simm.s32 @!p0 $0x3;
	[sflag:s28] =	ssyncadd.s32 $0xFFFFE000  }
0x553: {  	_ =	swait.ge @!p0 [sflag:s8], $0x2000  }
0x554: {  	[sflag:s8] =	ssyncset.done @!p0 $0x0  }
0x555: {  	s16 =	simm.s32 $0x8040;
	[sflag:s8] =	ssyncadd.s32 @!p0 $0xFFFFE000  }
0x556: {  	v9 =	vld [tilespmem:s16+$0x30]  }
0x557: {  	v11 =	vld [tilespmem:s16+$0xFFFFFFD0]  }
0x558: {  	v12 =	vld [tilespmem:s16+$0xFFFFFFE0]  }
0x559: {  	s31 =	sshrl.u32 s9, $0x2;
	v10 =	vld [tilespmem:s16+$0xFFFFFFF0]  }
0x55a: {  	s8 =	sadd.s32 s12, s31;
	v8 =	vld [tilespmem:s16+$0x0]  }
0x55b: {  	s14 =	sshll.u32 s9, $0xB;
	s8 =	sshll.u32 s8, $0x10;
	v7 =	vld [tilespmem:s16+$0x10];
	v13 =	vxor.u32 $0x80000000, v9  }
0x55c: {  	s10 =	sshll.u32 s9, $0x1;
	s15 =	simm.s32 $0x0;
	s13 =	sor.u32 s6, s8;
	v14 =	vxor.u32 $0x80000000, v11;
	v9 =	vld [tilespmem:s16+$0x20];
	vm1 =	vlt.s32 v13, v6  }
0x55d: {  	s8 =	sand.u32 $0x1800, s14;
	s14 =	simm.s32 $0xC040;
	v11 =	vld [tilespmem:s16+$0xFFFFFFC0];
	s16 =	simm.s32 $0x80C0;
	vm0 =	vlt.s32 v14, v6;
	v13 =	vxor.u32 $0x80000000, v12;
	v12 =	vsel vm1, $0x0, v5  }
.LBB2_52:
0x55e: {  	v14 =	vld [tilespmem:s16+$0x30];
	s15 =	sadd.s32 $0x8, s15;
	v15 =	vsel vm0, $0x0, v5;
	vm0 =	vlt.s32 v13, v6;
	v10 =	vxor.u32 $0x80000000, v10;
	[tilespmem:s14+$0x30] =	vst v12  }
0x55f: {  	v12 =	vld [tilespmem:s16+$0xFFFFFFD0];
	p1 =	slt.u32 s15, $0x1F8;
	[tilespmem:s14+$0xFFFFFFD0] =	vst v15;
	v13 =	vsel vm0, $0x0, v5;
	vm0 =	vlt.s32 v10, v6;
	v8 =	vxor.u32 $0x80000000, v8  }
0x560: {  	v15 =	vld [tilespmem:s16+$0xFFFFFFE0];
	[tilespmem:s14+$0xFFFFFFE0] =	vst v13;
	v13 =	vsel vm0, $0x0, v5;
	vm0 =	vlt.s32 v8, v6;
	v7 =	vxor.u32 $0x80000000, v7  }
.Ltmp29:
0x561: {  	v10 =	vld [tilespmem:s16+$0xFFFFFFF0];
	[tilespmem:s14+$0xFFFFFFF0] =	vst v13;
	v13 =	vsel vm0, $0x0, v5;
	vm0 =	vlt.s32 v7, v6;
	v7 =	vxor.u32 $0x80000000, v9;
	(pc) =	sbr.rel @p1 .LBB2_52-.Ltmp29, $4  }
0x562: {  	v8 =	vld [tilespmem:s16+$0x0];
	v9 =	vxor.u32 $0x80000000, v11;
	[tilespmem:s14+$0x0] =	vst v13;
	v11 =	vsel vm0, $0x0, v5;
	vm0 =	vlt.s32 v7, v6  }
0x563: {  	v7 =	vld [tilespmem:s16+$0x10];
	v13 =	vxor.u32 $0x80000000, v14;
	vm1 =	vlt.s32 v9, v6;
	[tilespmem:s14+$0x10] =	vst v11;
	v11 =	vsel vm0, $0x0, v5  }
0x564: {  	v12 =	vxor.u32 $0x80000000, v12;
	v9 =	vld [tilespmem:s16+$0x20];
	vm2 =	vlt.s32 v13, v6;
	v14 =	vsel vm1, $0x0, v5;
	[tilespmem:s14+$0x20] =	vst v11  }
0x565: {  	v11 =	vld [tilespmem:s16+$0xFFFFFFC0];
	vm0 =	vlt.s32 v12, v6;
	v13 =	vxor.u32 $0x80000000, v15;
	v12 =	vsel vm2, $0x0, v5;
	s16 =	sadd.s32 $0x80, s16;
	[tilespmem:s14+$0xFFFFFFC0] =	vst v14;
	s14 =	sadd.s32 $0x80, s14  }
0x566: {  	v14 =	vsel vm0, $0x0, v5;
	vm0 =	vlt.s32 v13, v6;
	v10 =	vxor.u32 $0x80000000, v10;
	[tilespmem:s14+$0x30] =	vst v12  }
0x567: {  	[tilespmem:s14+$0xFFFFFFD0] =	vst v14;
	v12 =	vsel vm0, $0x0, v5;
	vm0 =	vlt.s32 v10, v6;
	v8 =	vxor.u32 $0x80000000, v8  }
0x568: {  	[tilespmem:s14+$0xFFFFFFE0] =	vst v12;
	v10 =	vsel vm0, $0x0, v5;
	vm0 =	vlt.s32 v8, v6;
	v7 =	vxor.u32 $0x80000000, v7  }
0x569: {  	[tilespmem:s14+$0xFFFFFFF0] =	vst v10;
	v8 =	vsel vm0, $0x0, v5;
	vm0 =	vlt.s32 v7, v6;
	v7 =	vxor.u32 $0x80000000, v9  }
0x56a: {  	v9 =	vxor.u32 $0x80000000, v11;
	[tilespmem:s14+$0x0] =	vst v8;
	v8 =	vsel vm0, $0x0, v5;
	vm0 =	vlt.s32 v7, v6  }
0x56b: {  	vm1 =	vlt.s32 v9, v6;
	[tilespmem:s14+$0x10] =	vst v8;
	v7 =	vsel vm0, $0x0, v5  }
0x56c: {  	s15 =	sadd.s32 s7, s8;
	p1 =	seq.s32 s9, $0xF;
	v8 =	vsel vm1, $0x0, v5;
	[tilespmem:s14+$0x20] =	vst v7  }
0x56d: {  	s20 =	sadd.s32 s13, s15;
	[tilespmem:s14+$0xFFFFFFC0] =	vst v8;
	s14 =	sadd.s32 @!p1 $0x2, s10  }
0x56e: {  	[hbm4b:s20+s5] =	stream.linear.scatter [tilespmem:s17], [sflag:$0x3], $0x2000, $0x38;
	[tilespmem:$0x19890] =	vst v63  }
0x56f: {  	s15 =	sshrl.u32 @!p1 s14, $0x3;
	s14 =	sshll.u32 @!p1 s14, $0xA  }
0x570: {  	s15 =	sadd.s32 @!p1 s12, s15;
	s14 =	sand.u32 @!p1 $0x1800, s14  }
0x571: {  	s15 =	sshll.u32 @!p1 s15, $0x10;
	s14 =	sadd.s32 @!p1 s14, s22  }
0x572: {  	s16 =	simm.s32 @!p1 $0x8000;
	s14 =	sadd.s32 @!p1 s15, s14;
	s15 =	simm.s32 @!p1 $0x0  }
0x573: {  	[tilespmem:s16], [sflag:$0x1] =	stream.linear.gather @!p1 [hbm4b:s14+s15], $0x2000, $0x38;
	[tilespmem:$0x19890] =	vst v63  }
0x574: {  	_ =	swait.ge [sflag:s0], $0x2000  }
0x575: {  	[sflag:s0] =	ssyncset.done $0x0  }
0x576: {  	s14 =	simm.s32 @!p0 $0x4;
	[sflag:s0] =	ssyncadd.s32 $0xFFFFE000  }
0x577: {  	_ =	swait.ge @!p0 [sflag:s14], $0x2000  }
0x578: {  	[sflag:s14] =	ssyncset.done @!p0 $0x0  }
0x579: {  	s31 =	simm.s32 $0xA040;
	[sflag:s14] =	ssyncadd.s32 @!p0 $0xFFFFE000  }
0x57a: {  	v8 =	vld [tilespmem:s31+$0x30]  }
0x57b: {  	v10 =	vld [tilespmem:s31+$0xFFFFFFD0]  }
0x57c: {  	v12 =	vld [tilespmem:s31+$0xFFFFFFE0]  }
0x57d: {  	v11 =	vld [tilespmem:s31+$0xFFFFFFF0]  }
0x57e: {  	v9 =	vld [tilespmem:s31+$0x0]  }
0x57f: {  	v7 =	vld [tilespmem:s31+$0x10];
	v13 =	vxor.u32 $0x80000000, v8  }
0x580: {  	s8 =	sor.u32 $0x400, s8;
	v14 =	vxor.u32 $0x80000000, v10;
	v8 =	vld [tilespmem:s31+$0x20];
	vm1 =	vlt.s32 v13, v6  }
0x581: {  	s15 =	simm.s32 $0x0;
	s16 =	simm.s32 $0xA0C0;
	s14 =	simm.s32 $0xE040;
	v10 =	vld [tilespmem:s31+$0xFFFFFFC0];
	vm0 =	vlt.s32 v14, v6;
	v13 =	vxor.u32 $0x80000000, v12;
	v12 =	vsel vm1, $0x0, v5  }
.LBB2_54:
0x582: {  	v14 =	vld [tilespmem:s16+$0x30];
	s15 =	sadd.s32 $0x8, s15;
	v15 =	vsel vm0, $0x0, v5;
	vm0 =	vlt.s32 v13, v6;
	v11 =	vxor.u32 $0x80000000, v11;
	[tilespmem:s14+$0x30] =	vst v12  }
0x583: {  	v12 =	vld [tilespmem:s16+$0xFFFFFFD0];
	p0 =	slt.u32 s15, $0x1F8;
	[tilespmem:s14+$0xFFFFFFD0] =	vst v15;
	v13 =	vsel vm0, $0x0, v5;
	vm0 =	vlt.s32 v11, v6;
	v9 =	vxor.u32 $0x80000000, v9  }
0x584: {  	v15 =	vld [tilespmem:s16+$0xFFFFFFE0];
	[tilespmem:s14+$0xFFFFFFE0] =	vst v13;
	v13 =	vsel vm0, $0x0, v5;
	vm0 =	vlt.s32 v9, v6;
	v7 =	vxor.u32 $0x80000000, v7  }
.Ltmp30:
0x585: {  	v11 =	vld [tilespmem:s16+$0xFFFFFFF0];
	[tilespmem:s14+$0xFFFFFFF0] =	vst v13;
	v13 =	vsel vm0, $0x0, v5;
	vm0 =	vlt.s32 v7, v6;
	v7 =	vxor.u32 $0x80000000, v8;
	(pc) =	sbr.rel @p0 .LBB2_54-.Ltmp30, $4  }
0x586: {  	v9 =	vld [tilespmem:s16+$0x0];
	v8 =	vxor.u32 $0x80000000, v10;
	[tilespmem:s14+$0x0] =	vst v13;
	v10 =	vsel vm0, $0x0, v5;
	vm0 =	vlt.s32 v7, v6  }
0x587: {  	v7 =	vld [tilespmem:s16+$0x10];
	v13 =	vxor.u32 $0x80000000, v14;
	vm1 =	vlt.s32 v8, v6;
	[tilespmem:s14+$0x10] =	vst v10;
	v10 =	vsel vm0, $0x0, v5  }
0x588: {  	v12 =	vxor.u32 $0x80000000, v12;
	v8 =	vld [tilespmem:s16+$0x20];
	vm2 =	vlt.s32 v13, v6;
	v14 =	vsel vm1, $0x0, v5;
	[tilespmem:s14+$0x20] =	vst v10  }
0x589: {  	v10 =	vld [tilespmem:s16+$0xFFFFFFC0];
	vm0 =	vlt.s32 v12, v6;
	v13 =	vxor.u32 $0x80000000, v15;
	v12 =	vsel vm2, $0x0, v5;
	s16 =	sadd.s32 $0x80, s16;
	[tilespmem:s14+$0xFFFFFFC0] =	vst v14;
	s14 =	sadd.s32 $0x80, s14  }
0x58a: {  	v14 =	vsel vm0, $0x0, v5;
	vm11 =	vlt.s32 v13, v6;
	v11 =	vxor.u32 $0x80000000, v11;
	[tilespmem:s14+$0x30] =	vst v12  }
0x58b: {  	[tilespmem:s14+$0xFFFFFFD0] =	vst v14;
	v62 =	vsel vm11, $0x0, v5;
	vm12 =	vlt.s32 v11, v6;
	v9 =	vxor.u32 $0x80000000, v9  }
0x58c: {  	[tilespmem:s14+$0xFFFFFFE0] =	vst v62;
	v11 =	vsel vm12, $0x0, v5;
	vm13 =	vlt.s32 v9, v6;
	v7 =	vxor.u32 $0x80000000, v7  }
0x58d: {  	[tilespmem:s14+$0xFFFFFFF0] =	vst v11;
	v9 =	vsel vm13, $0x0, v5;
	vm14 =	vlt.s32 v7, v6;
	v7 =	vxor.u32 $0x80000000, v8  }
.Ltmp31:
0x58e: {  	v8 =	vxor.u32 $0x80000000, v10;
	[tilespmem:s14+$0x0] =	vst v9;
	v63 =	vsel vm14, $0x0, v5;
	vm15 =	vlt.s32 v7, v6;
	(pc) =	sbr.rel @p1 .LBB2_57-.Ltmp31, $4  }
0x58f: {  	vm1 =	vlt.s32 v8, v6;
	[tilespmem:s14+$0x10] =	vst v63;
	v7 =	vsel vm15, $0x0, v5  }
0x590: {  	s8 =	sadd.s32 s7, s8;
	v8 =	vsel vm1, $0x0, v5;
	[tilespmem:s14+$0x20] =	vst v7  }
0x591: {  	s8 =	sadd.s32 s13, s8;
	[tilespmem:s14+$0xFFFFFFC0] =	vst v8  }
0x592: {  	[hbm4b:s8+s5] =	stream.linear.scatter [tilespmem:s18], [sflag:$0x4], $0x2000, $0x38;
	[tilespmem:$0x19890] =	vst v63  }
0x593: {  	s8 =	sadd.s32 $0x3, s10  }
.Ltmp32:
0x594: {  	s10 =	sshrl.u32 s8, $0x3;
	s8 =	sshll.u32 s8, $0xA;
	(pc) =	sbr.rel .LBB2_51-.Ltmp32, $4  }
0x595: {  	s10 =	sadd.s32 s12, s10;
	s8 =	sand.u32 $0x1C00, s8  }
0x596: {  	s10 =	sshll.u32 s10, $0x10;
	s8 =	sadd.s32 s8, s22  }
0x597: {  	s9 =	sadd.s32 $0x1, s9;
	s8 =	sadd.s32 s10, s8  }
0x598: {  	[tilespmem:s24], [sflag:$0x2] =	stream.linear.gather [hbm4b:s8+s5], $0x2000, $0x38;
	[tilespmem:$0x19890] =	vst v63  }
.LBB2_58:
0x599: {  	_ =	sfence.sel $0x180000  }
0x59a: {  	[bflag:$0x0] =	sbarrier.arrive $0xFFFF  }
0x59b: {  	_ =	strace $0x90000047  }
0x59c: {  	s0 =	stileid.u32;
	[bflag:$0x2] =	sbarrier.arrive $0xFFFF  }
0x59d: {  	p0 =	sne.s32 s0, $0x0;
	s0 =	rddreg [dreg:$0x6]  }
0x59e: {  	s0 =	sadd.s32 @!p0 $0x100000, s0  }
0x59f: {  	[sflag:s0] =	ssyncadd.tile.s32 @!p0 $0x1;
	_ =	shalt  }
.Lfunc_end2:
_tile_overlayer_lowered:
.L_overlay_start_2:
0x5a0: {  	(tag) =	ssettag $0x2  }
0x5a1: {  	s0 =	rddreg [dreg:$0x0];
	s2 =	stileid.u32  }
0x5a2: {  	s1 =	rddreg [dreg:$0x1];
	p0 =	sne.s32 s2, $0x0  }
0x5a3: {  	s3 =	rddreg [dreg:$0x2];
	[bflag:$0x3] =	sbarrier.arrive $0xFFFF;
	s2 =	simm.s32 @!p0 $0x1C07  }
0x5a4: {  	[timem:s3], [sflag:s2] =	dma.local @!p0 [hbm:s0], s1  }
0x5a5: {  	s0 =	simm.s32 @!p0 $0x7  }
0x5a6: {  	_ =	swait.ge @!p0 [sflag:s0], s1  }
0x5a7: {  	s1 =	ssub.s32 @!p0 $0x0, s1;
	[sflag:s0] =	ssyncset.done @!p0 $0x0  }
0x5a8: {  	[sflag:s0] =	ssyncadd.s32 @!p0 s1  }
0x5a9: {  	[bflag:$0x3] =	sbarrier.arrive $0xFFFF  }
0x5aa: {  	_ =	shalt  }

</sc_bundles>
